<compile_context>
chip_gen: v7x
topology: tpu7x:2x2x1
jax: 0.10.2.dev20260603
libtpu: 0.0.44.dev20260713+nightly
codegen_flags: <defaults>
</compile_context>

<pallas_src>
import functools
import math

import jax
import jax.numpy as jnp
from jax import lax
from jax.experimental import pallas as pl
from jax.experimental.pallas import tpu as pltpu
from jax.experimental.pallas import tpu_sc as plsc

D_MODEL = 1024
SCALE = math.sqrt(D_MODEL)
LANES = 16
VECS_PER_ROW = D_MODEL // LANES
C = 32
NBUF = 3


@functools.lru_cache(maxsize=None)
def _build_sc_embed(rows_x, cols_x, num_cores, num_subcores):
    B = rows_x * cols_x
    NW = num_cores * num_subcores
    b_per_w = B // NW
    w_per_row = cols_x // b_per_w
    assert w_per_row * b_per_w == cols_x
    C0 = 8
    n_full = (b_per_w - C0) // C
    CT = b_per_w - C0 - (n_full - 1) * C - C
    assert CT == C - C0
    n_groups = n_full // NBUF
    assert n_groups * NBUF == n_full and n_groups >= 2

    def chunk_off(g):
        return 0 if g == 0 else C0 + (g - 1) * C
    mesh = plsc.VectorSubcoreMesh(core_axis_name="c", subcore_axis_name="s")

    @functools.partial(
        pl.kernel,
        mesh=mesh,
        out_type=jax.ShapeDtypeStruct((B, D_MODEL), jnp.float32),
        scratch_types=[
            pltpu.VMEM((b_per_w,), jnp.int32),
            *[pltpu.VMEM((C, D_MODEL), jnp.float32) for _ in range(NBUF)],
            *[pltpu.SemaphoreType.DMA for _ in range(2 * NBUF)],
        ],
    )
    def sc_embed(idx_hbm, table_hbm, out_hbm, idx_v, *bufs_and_sems):
        rows = bufs_and_sems[:NBUF]
        gsem = bufs_and_sems[NBUF : 2 * NBUF]
        ssem = bufs_and_sems[2 * NBUF : 3 * NBUF]

        wid = lax.axis_index("s") * num_cores + lax.axis_index("c")
        base = wid * b_per_w
        xr = wid // w_per_row
        xc = (wid % w_per_row) * b_per_w
        pltpu.sync_copy(idx_hbm.at[xr, pl.ds(xc, b_per_w)], idx_v)

        def issue_gather(off, L, k):
            off = pl.multiple_of(off, C0)
            return pltpu.async_copy(
                table_hbm.at[idx_v.at[pl.ds(off, L)]],
                rows[k].at[pl.ds(0, L)],
                gsem[k],
            )

        def issue_scatter(off, L, k):
            off = pl.multiple_of(base + off, C0)
            return pltpu.async_copy(
                rows[k].at[pl.ds(0, L)], out_hbm.at[pl.ds(off, L)], ssem[k]
            )

        def wait_gather(k, L=C):
            pltpu.make_async_copy(
                out_hbm.at[pl.ds(0, L)], rows[k].at[pl.ds(0, L)], gsem[k]
            ).wait()

        def wait_scatter(k, L=C):
            pltpu.make_async_copy(
                rows[k].at[pl.ds(0, L)], out_hbm.at[pl.ds(0, L)], ssem[k]
            ).wait()

        def scale_chunk(k, L=C):
            def row_body(r, cc, rv=rows[k]):
                for c in range(VECS_PER_ROW):
                    s = pl.ds(c * LANES, LANES)
                    rv[r, s] = rv[r, s] * SCALE
                return cc

            lax.fori_loop(0, L, row_body, 0)

        issue_gather(0, C0, 0)
        issue_gather(C0, C, 1)

        wait_gather(0, C0)
        scale_chunk(0, C0)
        issue_scatter(0, C0, 0)
        issue_gather(C0 + C, C, 2)

        def group(j, carry):
            for dg in range(1, NBUF + 1):
                g = j * NBUF + dg
                off = g * C - (C - C0)
                k = dg % NBUF
                kn = (k + 2) % NBUF
                wait_gather(k)
                scale_chunk(k)
                issue_scatter(off, C, k)
                if dg == 1:
                    @pl.when(j == 0)
                    def _():
                        wait_scatter(kn, C0)

                    @pl.when(j > 0)
                    def _():
                        wait_scatter(kn)

                    issue_gather(off + 2 * C, C, kn)
                elif dg == 2:
                    wait_scatter(kn)

                    @pl.when(j < n_groups - 1)
                    def _():
                        issue_gather(off + 2 * C, C, kn)

                    @pl.when(j == n_groups - 1)
                    def _():
                        issue_gather(chunk_off(n_full + 1), CT, kn)
                else:
                    wait_scatter(kn)

                    @pl.when(j < n_groups - 1)
                    def _():
                        issue_gather(off + 2 * C, C, kn)
            return carry

        lax.fori_loop(0, n_groups, group, 0)

        kt = (n_full + 1) % NBUF
        wait_gather(kt, CT)
        scale_chunk(kt, CT)
        issue_scatter(chunk_off(n_full + 1), CT, kt)
        wait_scatter(n_full % NBUF)
        wait_scatter(kt, CT)

    return sc_embed


def kernel(x, table):
    idx = x.astype(jnp.int32)
    out = _build_sc_embed(x.shape[0], x.shape[1], 2, 16)(idx, table)
    return out.reshape(x.shape[0], x.shape[1], D_MODEL)

# --- scband reference (transcript-rebuilt; emitter-appended) ---
"""Pipeline reference for scband-inputembddings-15745350107383 (READ-ONLY COPY).

The authoritative reference and input builder live on the scoring server;
editing this copy changes nothing except your own understanding.
"""

import jax, jax.numpy as jnp
import numpy as np
import math

D_MODEL = 1024
VOCAB = 100000

def setup_inputs(seed: int = 0) -> dict:
    key = jax.random.key(seed)
    k1, k2 = jax.random.split(key)
    x = jax.random.randint(k1, (4, 4096), 0, VOCAB, dtype=jnp.int64) if jax.config.jax_enable_x64 else jax.random.randint(k1, (4, 4096), 0, VOCAB, dtype=jnp.int32)
    # embedding table ~ nn.Embedding default init N(0,1)
    table = jax.random.normal(k2, (VOCAB, D_MODEL), dtype=jnp.float32)
    return {"x": x, "table": table}

def reference(x, table):
    emb = jnp.take(table, x, axis=0)
    return emb * math.sqrt(D_MODEL)

if __name__ == "__main__":
    import jax
    _d = setup_inputs()
    print(jax.jit(kernel)(*tuple(_d.values())))

</pallas_src>

<mosaic_0001>
#map = affine_map<(d0, d1) -> (0, 0)>
module attributes {stable_mosaic.version = 14 : i64} {
  func.func @sc_embed(%arg0: i32, %arg1: i32, %arg2: memref<4x4096xi32, #tpu.memory_space<hbm>>, %arg3: memref<100000x1024xf32, #tpu.memory_space<hbm>>, %arg4: memref<16384x1024xf32, #tpu.memory_space<hbm>>, %arg5: memref<512xi32, #tpu.memory_space<vmem>>, %arg6: memref<32x1024xf32, #tpu.memory_space<vmem>>, %arg7: memref<32x1024xf32, #tpu.memory_space<vmem>>, %arg8: memref<32x1024xf32, #tpu.memory_space<vmem>>, %arg9: memref<!tpu.dma_semaphore, #tpu.memory_space<semaphore_mem>>, %arg10: memref<!tpu.dma_semaphore, #tpu.memory_space<semaphore_mem>>, %arg11: memref<!tpu.dma_semaphore, #tpu.memory_space<semaphore_mem>>, %arg12: memref<!tpu.dma_semaphore, #tpu.memory_space<semaphore_mem>>, %arg13: memref<!tpu.dma_semaphore, #tpu.memory_space<semaphore_mem>>, %arg14: memref<!tpu.dma_semaphore, #tpu.memory_space<semaphore_mem>>) attributes {dimension_semantics = [#tpu.dimension_semantics<core_parallel>, #tpu.dimension_semantics<subcore_parallel>], iteration_bounds = array<i64: 2, 16>, scalar_prefetch = 0 : i64, scratch_operands = 10 : i64, tpu.core_type = #tpu.core_type<sc_vector_subcore>, window_params = [{transform_indices = #map}, {transform_indices = #map}, {transform_indices = #map}]} {
    %mul3A = arith.constant 2 : i32
    %mul3A_0 = arith.muli %arg1, %mul3A : i32
    %add3A = arith.addi %mul3A_0, %arg0 : i32
    %mul3A_1 = arith.constant 512 : i32
    %mul3A_2 = arith.muli %add3A, %mul3A_1 : i32
    %jit3A = arith.constant 8 : i32
    %div3A = arith.divsi %add3A, %jit3A : i32
    %sign3A = arith.constant 0 : i32
    %sign3A_3 = arith.cmpi sgt, %add3A, %sign3A : i32
    %sign3A_4 = arith.extui %sign3A_3 : i1 to i32
    %sign3A_5 = arith.constant 0 : i32
    %sign3A_6 = arith.cmpi slt, %add3A, %sign3A_5 : i32
    %sign3A_7 = arith.extui %sign3A_6 : i1 to i32
    %sign3A_8 = arith.subi %sign3A_4, %sign3A_7 : i32
    %sign3A_9 = arith.constant 0 : i32
    %sign3A_10 = arith.cmpi sgt, %jit3A, %sign3A_9 : i32
    %sign3A_11 = arith.extui %sign3A_10 : i1 to i32
    %sign3A_12 = arith.constant 0 : i32
    %sign3A_13 = arith.cmpi slt, %jit3A, %sign3A_12 : i32
    %sign3A_14 = arith.extui %sign3A_13 : i1 to i32
    %sign3A_15 = arith.subi %sign3A_11, %sign3A_14 : i32
    %ne3A = arith.cmpi ne, %sign3A_8, %sign3A_15 : i32
    %rem3A = arith.remsi %add3A, %jit3A : i32
    %ne3A_16 = arith.constant 0 : i32
    %ne3A_17 = arith.cmpi ne, %rem3A, %ne3A_16 : i32
    %and3A = arith.andi %ne3A, %ne3A_17 : i1
    %sub3A = arith.constant 1 : i32
    %sub3A_18 = arith.subi %div3A, %sub3A : i32
    %select_n3A = arith.select %and3A, %sub3A_18, %div3A : i32
    %jit3A_19 = arith.constant 8 : i32
    %eq3A = arith.constant 0 : i32
    %eq3A_20 = arith.cmpi eq, %jit3A_19, %eq3A : i32
    %jit3A_21 = arith.constant 1 : i32
    %select_n3A_22 = arith.select %eq3A_20, %jit3A_21, %jit3A_19 : i32
    %rem3A_23 = arith.remsi %add3A, %select_n3A_22 : i32
    %ne3A_24 = arith.constant 0 : i32
    %ne3A_25 = arith.cmpi ne, %rem3A_23, %ne3A_24 : i32
    %lt3A = arith.constant 0 : i32
    %lt3A_26 = arith.cmpi slt, %rem3A_23, %lt3A : i32
    %lt3A_27 = arith.constant 0 : i32
    %lt3A_28 = arith.cmpi slt, %select_n3A_22, %lt3A_27 : i32
    %ne3A_29 = arith.xori %lt3A_26, %lt3A_28 : i1
    %and3A_30 = arith.andi %ne3A_29, %ne3A_25 : i1
    %add3A_31 = arith.addi %rem3A_23, %select_n3A_22 : i32
    %select_n3A_32 = arith.select %and3A_30, %add3A_31, %rem3A_23 : i32
    %mul3A_33 = arith.constant 512 : i32
    %mul3A_34 = arith.muli %select_n3A_32, %mul3A_33 : i32
    "tpu.region"() ({
      %run_scoped3A = tpu.sem_alloc : memref<!tpu.dma_semaphore, #tpu.memory_space<semaphore_mem>>
      %dma_start3A_150 = tpu.memref_slice %arg2[%select_n3A, %mul3A_34] : memref<4x4096xi32, #tpu.memory_space<hbm>> -> memref<1x512xi32, #tpu.memory_space<hbm>>
      %dma_start3A_151 = tpu.memref_squeeze %dma_start3A_150 : memref<1x512xi32, #tpu.memory_space<hbm>> -> memref<512xi32, #tpu.memory_space<hbm>>
      %dma_start3A_152 = tpu.memref_slice %arg2[%select_n3A, %mul3A_34] : memref<4x4096xi32, #tpu.memory_space<hbm>> -> memref<1x512xi32, #tpu.memory_space<hbm>>
      %dma_start3A_153 = tpu.memref_squeeze %dma_start3A_152 : memref<1x512xi32, #tpu.memory_space<hbm>> -> memref<512xi32, #tpu.memory_space<hbm>>
      tpu.enqueue_dma source(%dma_start3A_153 : memref<512xi32, #tpu.memory_space<hbm>>) target(%arg5 : memref<512xi32, #tpu.memory_space<vmem>>) target_semaphore(%run_scoped3A : memref<!tpu.dma_semaphore, #tpu.memory_space<semaphore_mem>>)
      %dma_wait3A_154 = tpu.memref_slice %arg2[%select_n3A, %mul3A_34] : memref<4x4096xi32, #tpu.memory_space<hbm>> -> memref<1x512xi32, #tpu.memory_space<hbm>>
      %dma_wait3A_155 = tpu.memref_squeeze %dma_wait3A_154 : memref<1x512xi32, #tpu.memory_space<hbm>> -> memref<512xi32, #tpu.memory_space<hbm>>
      %dma_wait3A_156 = tpu.memref_slice %arg2[%select_n3A, %mul3A_34] : memref<4x4096xi32, #tpu.memory_space<hbm>> -> memref<1x512xi32, #tpu.memory_space<hbm>>
      %dma_wait3A_157 = tpu.memref_squeeze %dma_wait3A_156 : memref<1x512xi32, #tpu.memory_space<hbm>> -> memref<512xi32, #tpu.memory_space<hbm>>
      tpu.wait_dma2 semaphore(%run_scoped3A : memref<!tpu.dma_semaphore, #tpu.memory_space<semaphore_mem>>) src(%dma_wait3A_157 : memref<512xi32, #tpu.memory_space<hbm>>) dst(%arg5 : memref<512xi32, #tpu.memory_space<vmem>>)
      tpu.yield
    }) : () -> ()
    %multiple_of3A = arith.constant 0 : i32
    %multiple_of3A_35 = tpu.assume_multiple %multiple_of3A, 8 : i32
    %dma_start3A = arith.constant 0 : i32
    %dma_start3A_36 = arith.constant 0 : i32
    %dma_start3A_37 = tpu.memref_slice %arg6[%dma_start3A, %dma_start3A_36] : memref<32x1024xf32, #tpu.memory_space<vmem>> -> memref<8x1024xf32, #tpu.memory_space<vmem>>
    %dma_start3A_38 = tpu.memref_slice %arg5[%multiple_of3A_35] : memref<512xi32, #tpu.memory_space<vmem>> -> memref<8xi32, #tpu.memory_space<vmem>>
    %dma_start3A_39 = arith.constant 0 : i32
    %dma_start3A_40 = arith.constant 0 : i32
    %dma_start3A_41 = tpu.memref_slice %arg3[%dma_start3A_39, %dma_start3A_40] : memref<100000x1024xf32, #tpu.memory_space<hbm>> -> memref<100000x1024xf32, #tpu.memory_space<hbm>>
    tpu.enqueue_indirect_dma source(%dma_start3A_41 : memref<100000x1024xf32, #tpu.memory_space<hbm>>) target(%dma_start3A_37 : memref<8x1024xf32, #tpu.memory_space<vmem>>) offsets(%dma_start3A_38 : memref<8xi32, #tpu.memory_space<vmem>>) semaphore(%arg9 : memref<!tpu.dma_semaphore, #tpu.memory_space<semaphore_mem>>)
    %multiple_of3A_42 = arith.constant 8 : i32
    %multiple_of3A_43 = tpu.assume_multiple %multiple_of3A_42, 8 : i32
    %dma_start3A_44 = arith.constant 0 : i32
    %dma_start3A_45 = arith.constant 0 : i32
    %dma_start3A_46 = tpu.memref_slice %arg7[%dma_start3A_44, %dma_start3A_45] : memref<32x1024xf32, #tpu.memory_space<vmem>> -> memref<32x1024xf32, #tpu.memory_space<vmem>>
    %dma_start3A_47 = tpu.memref_slice %arg5[%multiple_of3A_43] : memref<512xi32, #tpu.memory_space<vmem>> -> memref<32xi32, #tpu.memory_space<vmem>>
    %dma_start3A_48 = arith.constant 0 : i32
    %dma_start3A_49 = arith.constant 0 : i32
    %dma_start3A_50 = tpu.memref_slice %arg3[%dma_start3A_48, %dma_start3A_49] : memref<100000x1024xf32, #tpu.memory_space<hbm>> -> memref<100000x1024xf32, #tpu.memory_space<hbm>>
    tpu.enqueue_indirect_dma source(%dma_start3A_50 : memref<100000x1024xf32, #tpu.memory_space<hbm>>) target(%dma_start3A_46 : memref<32x1024xf32, #tpu.memory_space<vmem>>) offsets(%dma_start3A_47 : memref<32xi32, #tpu.memory_space<vmem>>) semaphore(%arg10 : memref<!tpu.dma_semaphore, #tpu.memory_space<semaphore_mem>>)
    %dma_wait3A = arith.constant 0 : i32
    %dma_wait3A_51 = arith.constant 0 : i32
    %dma_wait3A_52 = tpu.memref_slice %arg6[%dma_wait3A, %dma_wait3A_51] : memref<32x1024xf32, #tpu.memory_space<vmem>> -> memref<8x1024xf32, #tpu.memory_space<vmem>>
    %dma_wait3A_53 = arith.constant 0 : i32
    %dma_wait3A_54 = arith.constant 0 : i32
    %dma_wait3A_55 = tpu.memref_slice %arg4[%dma_wait3A_53, %dma_wait3A_54] : memref<16384x1024xf32, #tpu.memory_space<hbm>> -> memref<8x1024xf32, #tpu.memory_space<hbm>>
    %dma_wait3A_56 = arith.constant 0 : i32
    %dma_wait3A_57 = arith.constant 0 : i32
    %dma_wait3A_58 = tpu.memref_slice %arg6[%dma_wait3A_56, %dma_wait3A_57] : memref<32x1024xf32, #tpu.memory_space<vmem>> -> memref<8x1024xf32, #tpu.memory_space<vmem>>
    %dma_wait3A_59 = arith.constant 0 : i32
    %dma_wait3A_60 = arith.constant 0 : i32
    %dma_wait3A_61 = tpu.memref_slice %arg4[%dma_wait3A_59, %dma_wait3A_60] : memref<16384x1024xf32, #tpu.memory_space<hbm>> -> memref<8x1024xf32, #tpu.memory_space<hbm>>
    tpu.wait_dma2 semaphore(%arg9 : memref<!tpu.dma_semaphore, #tpu.memory_space<semaphore_mem>>) src(%dma_wait3A_61 : memref<8x1024xf32, #tpu.memory_space<hbm>>) dst(%dma_wait3A_58 : memref<8x1024xf32, #tpu.memory_space<vmem>>)
    %scan3A = arith.constant 0 : i32
    %scan3A_62 = arith.constant 0 : i32
    %scan3A_63 = arith.constant 8 : i32
    %scan3A_64 = arith.addi %scan3A_62, %scan3A_63 : i32
    %scan3A_65 = arith.constant 1 : i32
    scf.for %scan3A_150 = %scan3A_62 to %scan3A_64 step %scan3A_65  : i32 {
      %get3A = arith.index_cast %scan3A_150 : i32 to index
      %get3A_151 = arith.constant 0 : index
      %get3A_152 = tpu.vector_load %arg6[%get3A, %get3A_151] {strides = array<i32>} : memref<32x1024xf32, #tpu.memory_space<vmem>>, vector<1x16xf32>,
      %get3A_153 = vector.shape_cast %get3A_152 : vector<1x16xf32> to vector<16xf32>
      %mul3A_154 = arith.constant 3.200000e+01 : f32
      %mul3A_155 = vector.broadcast %mul3A_154 : f32 to vector<16xf32>
      %mul3A_156 = arith.mulf %get3A_153, %mul3A_155 : vector<16xf32>
      %swap3A = arith.index_cast %scan3A_150 : i32 to index
      %swap3A_157 = arith.constant 0 : index
      %swap3A_158 = tpu.vector_load %arg6[%swap3A, %swap3A_157] {strides = array<i32>} : memref<32x1024xf32, #tpu.memory_space<vmem>>, vector<1x16xf32>,
      %swap3A_159 = vector.shape_cast %swap3A_158 : vector<1x16xf32> to vector<16xf32>
      %swap3A_160 = vector.shape_cast %mul3A_156 : vector<16xf32> to vector<1x16xf32>
      tpu.vector_store %arg6[%swap3A, %swap3A_157], %swap3A_160 {strides = array<i32>} : memref<32x1024xf32, #tpu.memory_space<vmem>>, vector<1x16xf32>,
      %get3A_161 = arith.index_cast %scan3A_150 : i32 to index
      %get3A_162 = arith.constant 16 : index
      %get3A_163 = tpu.vector_load %arg6[%get3A_161, %get3A_162] {strides = array<i32>} : memref<32x1024xf32, #tpu.memory_space<vmem>>, vector<1x16xf32>,
      %get3A_164 = vector.shape_cast %get3A_163 : vector<1x16xf32> to vector<16xf32>
      %mul3A_165 = arith.constant 3.200000e+01 : f32
      %mul3A_166 = vector.broadcast %mul3A_165 : f32 to vector<16xf32>
      %mul3A_167 = arith.mulf %get3A_164, %mul3A_166 : vector<16xf32>
      %swap3A_168 = arith.index_cast %scan3A_150 : i32 to index
      %swap3A_169 = arith.constant 16 : index
      %swap3A_170 = tpu.vector_load %arg6[%swap3A_168, %swap3A_169] {strides = array<i32>} : memref<32x1024xf32, #tpu.memory_space<vmem>>, vector<1x16xf32>,
      %swap3A_171 = vector.shape_cast %swap3A_170 : vector<1x16xf32> to vector<16xf32>
      %swap3A_172 = vector.shape_cast %mul3A_167 : vector<16xf32> to vector<1x16xf32>
      tpu.vector_store %arg6[%swap3A_168, %swap3A_169], %swap3A_172 {strides = array<i32>} : memref<32x1024xf32, #tpu.memory_space<vmem>>, vector<1x16xf32>,
      %get3A_173 = arith.index_cast %scan3A_150 : i32 to index
      %get3A_174 = arith.constant 32 : index
      %get3A_175 = tpu.vector_load %arg6[%get3A_173, %get3A_174] {strides = array<i32>} : memref<32x1024xf32, #tpu.memory_space<vmem>>, vector<1x16xf32>,
      %get3A_176 = vector.shape_cast %get3A_175 : vector<1x16xf32> to vector<16xf32>
      %mul3A_177 = arith.constant 3.200000e+01 : f32
      %mul3A_178 = vector.broadcast %mul3A_177 : f32 to vector<16xf32>
      %mul3A_179 = arith.mulf %get3A_176, %mul3A_178 : vector<16xf32>
      %swap3A_180 = arith.index_cast %scan3A_150 : i32 to index
      %swap3A_181 = arith.constant 32 : index
      %swap3A_182 = tpu.vector_load %arg6[%swap3A_180, %swap3A_181] {strides = array<i32>} : memref<32x1024xf32, #tpu.memory_space<vmem>>, vector<1x16xf32>,
      %swap3A_183 = vector.shape_cast %swap3A_182 : vector<1x16xf32> to vector<16xf32>
      %swap3A_184 = vector.shape_cast %mul3A_179 : vector<16xf32> to vector<1x16xf32>
      tpu.vector_store %arg6[%swap3A_180, %swap3A_181], %swap3A_184 {strides = array<i32>} : memref<32x1024xf32, #tpu.memory_space<vmem>>, vector<1x16xf32>,
      %get3A_185 = arith.index_cast %scan3A_150 : i32 to index
      %get3A_186 = arith.constant 48 : index
      %get3A_187 = tpu.vector_load %arg6[%get3A_185, %get3A_186] {strides = array<i32>} : memref<32x1024xf32, #tpu.memory_space<vmem>>, vector<1x16xf32>,
      %get3A_188 = vector.shape_cast %get3A_187 : vector<1x16xf32> to vector<16xf32>
      %mul3A_189 = arith.constant 3.200000e+01 : f32
      %mul3A_190 = vector.broadcast %mul3A_189 : f32 to vector<16xf32>
      %mul3A_191 = arith.mulf %get3A_188, %mul3A_190 : vector<16xf32>
      %swap3A_192 = arith.index_cast %scan3A_150 : i32 to index
      %swap3A_193 = arith.constant 48 : index
      %swap3A_194 = tpu.vector_load %arg6[%swap3A_192, %swap3A_193] {strides = array<i32>} : memref<32x1024xf32, #tpu.memory_space<vmem>>, vector<1x16xf32>,
      %swap3A_195 = vector.shape_cast %swap3A_194 : vector<1x16xf32> to vector<16xf32>
      %swap3A_196 = vector.shape_cast %mul3A_191 : vector<16xf32> to vector<1x16xf32>
      tpu.vector_store %arg6[%swap3A_192, %swap3A_193], %swap3A_196 {strides = array<i32>} : memref<32x1024xf32, #tpu.memory_space<vmem>>, vector<1x16xf32>,
      %get3A_197 = arith.index_cast %scan3A_150 : i32 to index
      %get3A_198 = arith.constant 64 : index
      %get3A_199 = tpu.vector_load %arg6[%get3A_197, %get3A_198] {strides = array<i32>} : memref<32x1024xf32, #tpu.memory_space<vmem>>, vector<1x16xf32>,
      %get3A_200 = vector.shape_cast %get3A_199 : vector<1x16xf32> to vector<16xf32>
      %mul3A_201 = arith.constant 3.200000e+01 : f32
      %mul3A_202 = vector.broadcast %mul3A_201 : f32 to vector<16xf32>
      %mul3A_203 = arith.mulf %get3A_200, %mul3A_202 : vector<16xf32>
      %swap3A_204 = arith.index_cast %scan3A_150 : i32 to index
      %swap3A_205 = arith.constant 64 : index
      %swap3A_206 = tpu.vector_load %arg6[%swap3A_204, %swap3A_205] {strides = array<i32>} : memref<32x1024xf32, #tpu.memory_space<vmem>>, vector<1x16xf32>,
      %swap3A_207 = vector.shape_cast %swap3A_206 : vector<1x16xf32> to vector<16xf32>
      %swap3A_208 = vector.shape_cast %mul3A_203 : vector<16xf32> to vector<1x16xf32>
      tpu.vector_store %arg6[%swap3A_204, %swap3A_205], %swap3A_208 {strides = array<i32>} : memref<32x1024xf32, #tpu.memory_space<vmem>>, vector<1x16xf32>,
      %get3A_209 = arith.index_cast %scan3A_150 : i32 to index
      %get3A_210 = arith.constant 80 : index
      %get3A_211 = tpu.vector_load %arg6[%get3A_209, %get3A_210] {strides = array<i32>} : memref<32x1024xf32, #tpu.memory_space<vmem>>, vector<1x16xf32>,
      %get3A_212 = vector.shape_cast %get3A_211 : vector<1x16xf32> to vector<16xf32>
      %mul3A_213 = arith.constant 3.200000e+01 : f32
      %mul3A_214 = vector.broadcast %mul3A_213 : f32 to vector<16xf32>
      %mul3A_215 = arith.mulf %get3A_212, %mul3A_214 : vector<16xf32>
      %swap3A_216 = arith.index_cast %scan3A_150 : i32 to index
      %swap3A_217 = arith.constant 80 : index
      %swap3A_218 = tpu.vector_load %arg6[%swap3A_216, %swap3A_217] {strides = array<i32>} : memref<32x1024xf32, #tpu.memory_space<vmem>>, vector<1x16xf32>,
      %swap3A_219 = vector.shape_cast %swap3A_218 : vector<1x16xf32> to vector<16xf32>
      %swap3A_220 = vector.shape_cast %mul3A_215 : vector<16xf32> to vector<1x16xf32>
      tpu.vector_store %arg6[%swap3A_216, %swap3A_217], %swap3A_220 {strides = array<i32>} : memref<32x1024xf32, #tpu.memory_space<vmem>>, vector<1x16xf32>,
      %get3A_221 = arith.index_cast %scan3A_150 : i32 to index
      %get3A_222 = arith.constant 96 : index
      %get3A_223 = tpu.vector_load %arg6[%get3A_221, %get3A_222] {strides = array<i32>} : memref<32x1024xf32, #tpu.memory_space<vmem>>, vector<1x16xf32>,
      %get3A_224 = vector.shape_cast %get3A_223 : vector<1x16xf32> to vector<16xf32>
      %mul3A_225 = arith.constant 3.200000e+01 : f32
      %mul3A_226 = vector.broadcast %mul3A_225 : f32 to vector<16xf32>
      %mul3A_227 = arith.mulf %get3A_224, %mul3A_226 : vector<16xf32>
      %swap3A_228 = arith.index_cast %scan3A_150 : i32 to index
      %swap3A_229 = arith.constant 96 : index
      %swap3A_230 = tpu.vector_load %arg6[%swap3A_228, %swap3A_229] {strides = array<i32>} : memref<32x1024xf32, #tpu.memory_space<vmem>>, vector<1x16xf32>,
      %swap3A_231 = vector.shape_cast %swap3A_230 : vector<1x16xf32> to vector<16xf32>
      %swap3A_232 = vector.shape_cast %mul3A_227 : vector<16xf32> to vector<1x16xf32>
      tpu.vector_store %arg6[%swap3A_228, %swap3A_229], %swap3A_232 {strides = array<i32>} : memref<32x1024xf32, #tpu.memory_space<vmem>>, vector<1x16xf32>,
      %get3A_233 = arith.index_cast %scan3A_150 : i32 to index
      %get3A_234 = arith.constant 112 : index
      %get3A_235 = tpu.vector_load %arg6[%get3A_233, %get3A_234] {strides = array<i32>} : memref<32x1024xf32, #tpu.memory_space<vmem>>, vector<1x16xf32>,
      %get3A_236 = vector.shape_cast %get3A_235 : vector<1x16xf32> to vector<16xf32>
      %mul3A_237 = arith.constant 3.200000e+01 : f32
      %mul3A_238 = vector.broadcast %mul3A_237 : f32 to vector<16xf32>
      %mul3A_239 = arith.mulf %get3A_236, %mul3A_238 : vector<16xf32>
      %swap3A_240 = arith.index_cast %scan3A_150 : i32 to index
      %swap3A_241 = arith.constant 112 : index
      %swap3A_242 = tpu.vector_load %arg6[%swap3A_240, %swap3A_241] {strides = array<i32>} : memref<32x1024xf32, #tpu.memory_space<vmem>>, vector<1x16xf32>,
      %swap3A_243 = vector.shape_cast %swap3A_242 : vector<1x16xf32> to vector<16xf32>
      %swap3A_244 = vector.shape_cast %mul3A_239 : vector<16xf32> to vector<1x16xf32>
      tpu.vector_store %arg6[%swap3A_240, %swap3A_241], %swap3A_244 {strides = array<i32>} : memref<32x1024xf32, #tpu.memory_space<vmem>>, vector<1x16xf32>,
      %get3A_245 = arith.index_cast %scan3A_150 : i32 to index
      %get3A_246 = arith.constant 128 : index
      %get3A_247 = tpu.vector_load %arg6[%get3A_245, %get3A_246] {strides = array<i32>} : memref<32x1024xf32, #tpu.memory_space<vmem>>, vector<1x16xf32>,
      %get3A_248 = vector.shape_cast %get3A_247 : vector<1x16xf32> to vector<16xf32>
      %mul3A_249 = arith.constant 3.200000e+01 : f32
      %mul3A_250 = vector.broadcast %mul3A_249 : f32 to vector<16xf32>
      %mul3A_251 = arith.mulf %get3A_248, %mul3A_250 : vector<16xf32>
      %swap3A_252 = arith.index_cast %scan3A_150 : i32 to index
      %swap3A_253 = arith.constant 128 : index
      %swap3A_254 = tpu.vector_load %arg6[%swap3A_252, %swap3A_253] {strides = array<i32>} : memref<32x1024xf32, #tpu.memory_space<vmem>>, vector<1x16xf32>,
      %swap3A_255 = vector.shape_cast %swap3A_254 : vector<1x16xf32> to vector<16xf32>
      %swap3A_256 = vector.shape_cast %mul3A_251 : vector<16xf32> to vector<1x16xf32>
      tpu.vector_store %arg6[%swap3A_252, %swap3A_253], %swap3A_256 {strides = array<i32>} : memref<32x1024xf32, #tpu.memory_space<vmem>>, vector<1x16xf32>,
      %get3A_257 = arith.index_cast %scan3A_150 : i32 to index
      %get3A_258 = arith.constant 144 : index
      %get3A_259 = tpu.vector_load %arg6[%get3A_257, %get3A_258] {strides = array<i32>} : memref<32x1024xf32, #tpu.memory_space<vmem>>, vector<1x16xf32>,
      %get3A_260 = vector.shape_cast %get3A_259 : vector<1x16xf32> to vector<16xf32>
      %mul3A_261 = arith.constant 3.200000e+01 : f32
      %mul3A_262 = vector.broadcast %mul3A_261 : f32 to vector<16xf32>
      %mul3A_263 = arith.mulf %get3A_260, %mul3A_262 : vector<16xf32>
      %swap3A_264 = arith.index_cast %scan3A_150 : i32 to index
      %swap3A_265 = arith.constant 144 : index
      %swap3A_266 = tpu.vector_load %arg6[%swap3A_264, %swap3A_265] {strides = array<i32>} : memref<32x1024xf32, #tpu.memory_space<vmem>>, vector<1x16xf32>,
      %swap3A_267 = vector.shape_cast %swap3A_266 : vector<1x16xf32> to vector<16xf32>
      %swap3A_268 = vector.shape_cast %mul3A_263 : vector<16xf32> to vector<1x16xf32>
      tpu.vector_store %arg6[%swap3A_264, %swap3A_265], %swap3A_268 {strides = array<i32>} : memref<32x1024xf32, #tpu.memory_space<vmem>>, vector<1x16xf32>,
      %get3A_269 = arith.index_cast %scan3A_150 : i32 to index
      %get3A_270 = arith.constant 160 : index
      %get3A_271 = tpu.vector_load %arg6[%get3A_269, %get3A_270] {strides = array<i32>} : memref<32x1024xf32, #tpu.memory_space<vmem>>, vector<1x16xf32>,
      %get3A_272 = vector.shape_cast %get3A_271 : vector<1x16xf32> to vector<16xf32>
      %mul3A_273 = arith.constant 3.200000e+01 : f32
      %mul3A_274 = vector.broadcast %mul3A_273 : f32 to vector<16xf32>
      %mul3A_275 = arith.mulf %get3A_272, %mul3A_274 : vector<16xf32>
      %swap3A_276 = arith.index_cast %scan3A_150 : i32 to index
      %swap3A_277 = arith.constant 160 : index
      %swap3A_278 = tpu.vector_load %arg6[%swap3A_276, %swap3A_277] {strides = array<i32>} : memref<32x1024xf32, #tpu.memory_space<vmem>>, vector<1x16xf32>,
      %swap3A_279 = vector.shape_cast %swap3A_278 : vector<1x16xf32> to vector<16xf32>
      %swap3A_280 = vector.shape_cast %mul3A_275 : vector<16xf32> to vector<1x16xf32>
      tpu.vector_store %arg6[%swap3A_276, %swap3A_277], %swap3A_280 {strides = array<i32>} : memref<32x1024xf32, #tpu.memory_space<vmem>>, vector<1x16xf32>,
      %get3A_281 = arith.index_cast %scan3A_150 : i32 to index
      %get3A_282 = arith.constant 176 : index
      %get3A_283 = tpu.vector_load %arg6[%get3A_281, %get3A_282] {strides = array<i32>} : memref<32x1024xf32, #tpu.memory_space<vmem>>, vector<1x16xf32>,
      %get3A_284 = vector.shape_cast %get3A_283 : vector<1x16xf32> to vector<16xf32>
      %mul3A_285 = arith.constant 3.200000e+01 : f32
      %mul3A_286 = vector.broadcast %mul3A_285 : f32 to vector<16xf32>
      %mul3A_287 = arith.mulf %get3A_284, %mul3A_286 : vector<16xf32>
      %swap3A_288 = arith.index_cast %scan3A_150 : i32 to index
      %swap3A_289 = arith.constant 176 : index
      %swap3A_290 = tpu.vector_load %arg6[%swap3A_288, %swap3A_289] {strides = array<i32>} : memref<32x1024xf32, #tpu.memory_space<vmem>>, vector<1x16xf32>,
      %swap3A_291 = vector.shape_cast %swap3A_290 : vector<1x16xf32> to vector<16xf32>
      %swap3A_292 = vector.shape_cast %mul3A_287 : vector<16xf32> to vector<1x16xf32>
      tpu.vector_store %arg6[%swap3A_288, %swap3A_289], %swap3A_292 {strides = array<i32>} : memref<32x1024xf32, #tpu.memory_space<vmem>>, vector<1x16xf32>,
      %get3A_293 = arith.index_cast %scan3A_150 : i32 to index
      %get3A_294 = arith.constant 192 : index
      %get3A_295 = tpu.vector_load %arg6[%get3A_293, %get3A_294] {strides = array<i32>} : memref<32x1024xf32, #tpu.memory_space<vmem>>, vector<1x16xf32>,
      %get3A_296 = vector.shape_cast %get3A_295 : vector<1x16xf32> to vector<16xf32>
      %mul3A_297 = arith.constant 3.200000e+01 : f32
      %mul3A_298 = vector.broadcast %mul3A_297 : f32 to vector<16xf32>
      %mul3A_299 = arith.mulf %get3A_296, %mul3A_298 : vector<16xf32>
      %swap3A_300 = arith.index_cast %scan3A_150 : i32 to index
      %swap3A_301 = arith.constant 192 : index
      %swap3A_302 = tpu.vector_load %arg6[%swap3A_300, %swap3A_301] {strides = array<i32>} : memref<32x1024xf32, #tpu.memory_space<vmem>>, vector<1x16xf32>,
      %swap3A_303 = vector.shape_cast %swap3A_302 : vector<1x16xf32> to vector<16xf32>
      %swap3A_304 = vector.shape_cast %mul3A_299 : vector<16xf32> to vector<1x16xf32>
      tpu.vector_store %arg6[%swap3A_300, %swap3A_301], %swap3A_304 {strides = array<i32>} : memref<32x1024xf32, #tpu.memory_space<vmem>>, vector<1x16xf32>,
      %get3A_305 = arith.index_cast %scan3A_150 : i32 to index
      %get3A_306 = arith.constant 208 : index
      %get3A_307 = tpu.vector_load %arg6[%get3A_305, %get3A_306] {strides = array<i32>} : memref<32x1024xf32, #tpu.memory_space<vmem>>, vector<1x16xf32>,
      %get3A_308 = vector.shape_cast %get3A_307 : vector<1x16xf32> to vector<16xf32>
      %mul3A_309 = arith.constant 3.200000e+01 : f32
      %mul3A_310 = vector.broadcast %mul3A_309 : f32 to vector<16xf32>
      %mul3A_311 = arith.mulf %get3A_308, %mul3A_310 : vector<16xf32>
      %swap3A_312 = arith.index_cast %scan3A_150 : i32 to index
      %swap3A_313 = arith.constant 208 : index
      %swap3A_314 = tpu.vector_load %arg6[%swap3A_312, %swap3A_313] {strides = array<i32>} : memref<32x1024xf32, #tpu.memory_space<vmem>>, vector<1x16xf32>,
      %swap3A_315 = vector.shape_cast %swap3A_314 : vector<1x16xf32> to vector<16xf32>
      %swap3A_316 = vector.shape_cast %mul3A_311 : vector<16xf32> to vector<1x16xf32>
      tpu.vector_store %arg6[%swap3A_312, %swap3A_313], %swap3A_316 {strides = array<i32>} : memref<32x1024xf32, #tpu.memory_space<vmem>>, vector<1x16xf32>,
      %get3A_317 = arith.index_cast %scan3A_150 : i32 to index
      %get3A_318 = arith.constant 224 : index
      %get3A_319 = tpu.vector_load %arg6[%get3A_317, %get3A_318] {strides = array<i32>} : memref<32x1024xf32, #tpu.memory_space<vmem>>, vector<1x16xf32>,
      %get3A_320 = vector.shape_cast %get3A_319 : vector<1x16xf32> to vector<16xf32>
      %mul3A_321 = arith.constant 3.200000e+01 : f32
      %mul3A_322 = vector.broadcast %mul3A_321 : f32 to vector<16xf32>
      %mul3A_323 = arith.mulf %get3A_320, %mul3A_322 : vector<16xf32>
      %swap3A_324 = arith.index_cast %scan3A_150 : i32 to index
      %swap3A_325 = arith.constant 224 : index
      %swap3A_326 = tpu.vector_load %arg6[%swap3A_324, %swap3A_325] {strides = array<i32>} : memref<32x1024xf32, #tpu.memory_space<vmem>>, vector<1x16xf32>,
      %swap3A_327 = vector.shape_cast %swap3A_326 : vector<1x16xf32> to vector<16xf32>
      %swap3A_328 = vector.shape_cast %mul3A_323 : vector<16xf32> to vector<1x16xf32>
      tpu.vector_store %arg6[%swap3A_324, %swap3A_325], %swap3A_328 {strides = array<i32>} : memref<32x1024xf32, #tpu.memory_space<vmem>>, vector<1x16xf32>,
      %get3A_329 = arith.index_cast %scan3A_150 : i32 to index
      %get3A_330 = arith.constant 240 : index
      %get3A_331 = tpu.vector_load %arg6[%get3A_329, %get3A_330] {strides = array<i32>} : memref<32x1024xf32, #tpu.memory_space<vmem>>, vector<1x16xf32>,
      %get3A_332 = vector.shape_cast %get3A_331 : vector<1x16xf32> to vector<16xf32>
      %mul3A_333 = arith.constant 3.200000e+01 : f32
      %mul3A_334 = vector.broadcast %mul3A_333 : f32 to vector<16xf32>
      %mul3A_335 = arith.mulf %get3A_332, %mul3A_334 : vector<16xf32>
      %swap3A_336 = arith.index_cast %scan3A_150 : i32 to index
      %swap3A_337 = arith.constant 240 : index
      %swap3A_338 = tpu.vector_load %arg6[%swap3A_336, %swap3A_337] {strides = array<i32>} : memref<32x1024xf32, #tpu.memory_space<vmem>>, vector<1x16xf32>,
      %swap3A_339 = vector.shape_cast %swap3A_338 : vector<1x16xf32> to vector<16xf32>
      %swap3A_340 = vector.shape_cast %mul3A_335 : vector<16xf32> to vector<1x16xf32>
      tpu.vector_store %arg6[%swap3A_336, %swap3A_337], %swap3A_340 {strides = array<i32>} : memref<32x1024xf32, #tpu.memory_space<vmem>>, vector<1x16xf32>,
      %get3A_341 = arith.index_cast %scan3A_150 : i32 to index
      %get3A_342 = arith.constant 256 : index
      %get3A_343 = tpu.vector_load %arg6[%get3A_341, %get3A_342] {strides = array<i32>} : memref<32x1024xf32, #tpu.memory_space<vmem>>, vector<1x16xf32>,
      %get3A_344 = vector.shape_cast %get3A_343 : vector<1x16xf32> to vector<16xf32>
      %mul3A_345 = arith.constant 3.200000e+01 : f32
      %mul3A_346 = vector.broadcast %mul3A_345 : f32 to vector<16xf32>
      %mul3A_347 = arith.mulf %get3A_344, %mul3A_346 : vector<16xf32>
      %swap3A_348 = arith.index_cast %scan3A_150 : i32 to index
      %swap3A_349 = arith.constant 256 : index
      %swap3A_350 = tpu.vector_load %arg6[%swap3A_348, %swap3A_349] {strides = array<i32>} : memref<32x1024xf32, #tpu.memory_space<vmem>>, vector<1x16xf32>,
      %swap3A_351 = vector.shape_cast %swap3A_350 : vector<1x16xf32> to vector<16xf32>
      %swap3A_352 = vector.shape_cast %mul3A_347 : vector<16xf32> to vector<1x16xf32>
      tpu.vector_store %arg6[%swap3A_348, %swap3A_349], %swap3A_352 {strides = array<i32>} : memref<32x1024xf32, #tpu.memory_space<vmem>>, vector<1x16xf32>,
      %get3A_353 = arith.index_cast %scan3A_150 : i32 to index
      %get3A_354 = arith.constant 272 : index
      %get3A_355 = tpu.vector_load %arg6[%get3A_353, %get3A_354] {strides = array<i32>} : memref<32x1024xf32, #tpu.memory_space<vmem>>, vector<1x16xf32>,
      %get3A_356 = vector.shape_cast %get3A_355 : vector<1x16xf32> to vector<16xf32>
      %mul3A_357 = arith.constant 3.200000e+01 : f32
      %mul3A_358 = vector.broadcast %mul3A_357 : f32 to vector<16xf32>
      %mul3A_359 = arith.mulf %get3A_356, %mul3A_358 : vector<16xf32>
      %swap3A_360 = arith.index_cast %scan3A_150 : i32 to index
      %swap3A_361 = arith.constant 272 : index
      %swap3A_362 = tpu.vector_load %arg6[%swap3A_360, %swap3A_361] {strides = array<i32>} : memref<32x1024xf32, #tpu.memory_space<vmem>>, vector<1x16xf32>,
      %swap3A_363 = vector.shape_cast %swap3A_362 : vector<1x16xf32> to vector<16xf32>
      %swap3A_364 = vector.shape_cast %mul3A_359 : vector<16xf32> to vector<1x16xf32>
      tpu.vector_store %arg6[%swap3A_360, %swap3A_361], %swap3A_364 {strides = array<i32>} : memref<32x1024xf32, #tpu.memory_space<vmem>>, vector<1x16xf32>,
      %get3A_365 = arith.index_cast %scan3A_150 : i32 to index
      %get3A_366 = arith.constant 288 : index
      %get3A_367 = tpu.vector_load %arg6[%get3A_365, %get3A_366] {strides = array<i32>} : memref<32x1024xf32, #tpu.memory_space<vmem>>, vector<1x16xf32>,
      %get3A_368 = vector.shape_cast %get3A_367 : vector<1x16xf32> to vector<16xf32>
      %mul3A_369 = arith.constant 3.200000e+01 : f32
      %mul3A_370 = vector.broadcast %mul3A_369 : f32 to vector<16xf32>
      %mul3A_371 = arith.mulf %get3A_368, %mul3A_370 : vector<16xf32>
      %swap3A_372 = arith.index_cast %scan3A_150 : i32 to index
      %swap3A_373 = arith.constant 288 : index
      %swap3A_374 = tpu.vector_load %arg6[%swap3A_372, %swap3A_373] {strides = array<i32>} : memref<32x1024xf32, #tpu.memory_space<vmem>>, vector<1x16xf32>,
      %swap3A_375 = vector.shape_cast %swap3A_374 : vector<1x16xf32> to vector<16xf32>
      %swap3A_376 = vector.shape_cast %mul3A_371 : vector<16xf32> to vector<1x16xf32>
      tpu.vector_store %arg6[%swap3A_372, %swap3A_373], %swap3A_376 {strides = array<i32>} : memref<32x1024xf32, #tpu.memory_space<vmem>>, vector<1x16xf32>,
      %get3A_377 = arith.index_cast %scan3A_150 : i32 to index
      %get3A_378 = arith.constant 304 : index
      %get3A_379 = tpu.vector_load %arg6[%get3A_377, %get3A_378] {strides = array<i32>} : memref<32x1024xf32, #tpu.memory_space<vmem>>, vector<1x16xf32>,
      %get3A_380 = vector.shape_cast %get3A_379 : vector<1x16xf32> to vector<16xf32>
      %mul3A_381 = arith.constant 3.200000e+01 : f32
      %mul3A_382 = vector.broadcast %mul3A_381 : f32 to vector<16xf32>
      %mul3A_383 = arith.mulf %get3A_380, %mul3A_382 : vector<16xf32>
      %swap3A_384 = arith.index_cast %scan3A_150 : i32 to index
      %swap3A_385 = arith.constant 304 : index
      %swap3A_386 = tpu.vector_load %arg6[%swap3A_384, %swap3A_385] {strides = array<i32>} : memref<32x1024xf32, #tpu.memory_space<vmem>>, vector<1x16xf32>,
      %swap3A_387 = vector.shape_cast %swap3A_386 : vector<1x16xf32> to vector<16xf32>
      %swap3A_388 = vector.shape_cast %mul3A_383 : vector<16xf32> to vector<1x16xf32>
      tpu.vector_store %arg6[%swap3A_384, %swap3A_385], %swap3A_388 {strides = array<i32>} : memref<32x1024xf32, #tpu.memory_space<vmem>>, vector<1x16xf32>,
      %get3A_389 = arith.index_cast %scan3A_150 : i32 to index
      %get3A_390 = arith.constant 320 : index
      %get3A_391 = tpu.vector_load %arg6[%get3A_389, %get3A_390] {strides = array<i32>} : memref<32x1024xf32, #tpu.memory_space<vmem>>, vector<1x16xf32>,
      %get3A_392 = vector.shape_cast %get3A_391 : vector<1x16xf32> to vector<16xf32>
      %mul3A_393 = arith.constant 3.200000e+01 : f32
      %mul3A_394 = vector.broadcast %mul3A_393 : f32 to vector<16xf32>
      %mul3A_395 = arith.mulf %get3A_392, %mul3A_394 : vector<16xf32>
      %swap3A_396 = arith.index_cast %scan3A_150 : i32 to index
      %swap3A_397 = arith.constant 320 : index
      %swap3A_398 = tpu.vector_load %arg6[%swap3A_396, %swap3A_397] {strides = array<i32>} : memref<32x1024xf32, #tpu.memory_space<vmem>>, vector<1x16xf32>,
      %swap3A_399 = vector.shape_cast %swap3A_398 : vector<1x16xf32> to vector<16xf32>
      %swap3A_400 = vector.shape_cast %mul3A_395 : vector<16xf32> to vector<1x16xf32>
      tpu.vector_store %arg6[%swap3A_396, %swap3A_397], %swap3A_400 {strides = array<i32>} : memref<32x1024xf32, #tpu.memory_space<vmem>>, vector<1x16xf32>,
      %get3A_401 = arith.index_cast %scan3A_150 : i32 to index
      %get3A_402 = arith.constant 336 : index
      %get3A_403 = tpu.vector_load %arg6[%get3A_401, %get3A_402] {strides = array<i32>} : memref<32x1024xf32, #tpu.memory_space<vmem>>, vector<1x16xf32>,
      %get3A_404 = vector.shape_cast %get3A_403 : vector<1x16xf32> to vector<16xf32>
      %mul3A_405 = arith.constant 3.200000e+01 : f32
      %mul3A_406 = vector.broadcast %mul3A_405 : f32 to vector<16xf32>
      %mul3A_407 = arith.mulf %get3A_404, %mul3A_406 : vector<16xf32>
      %swap3A_408 = arith.index_cast %scan3A_150 : i32 to index
      %swap3A_409 = arith.constant 336 : index
      %swap3A_410 = tpu.vector_load %arg6[%swap3A_408, %swap3A_409] {strides = array<i32>} : memref<32x1024xf32, #tpu.memory_space<vmem>>, vector<1x16xf32>,
      %swap3A_411 = vector.shape_cast %swap3A_410 : vector<1x16xf32> to vector<16xf32>
      %swap3A_412 = vector.shape_cast %mul3A_407 : vector<16xf32> to vector<1x16xf32>
      tpu.vector_store %arg6[%swap3A_408, %swap3A_409], %swap3A_412 {strides = array<i32>} : memref<32x1024xf32, #tpu.memory_space<vmem>>, vector<1x16xf32>,
      %get3A_413 = arith.index_cast %scan3A_150 : i32 to index
      %get3A_414 = arith.constant 352 : index
      %get3A_415 = tpu.vector_load %arg6[%get3A_413, %get3A_414] {strides = array<i32>} : memref<32x1024xf32, #tpu.memory_space<vmem>>, vector<1x16xf32>,
      %get3A_416 = vector.shape_cast %get3A_415 : vector<1x16xf32> to vector<16xf32>
      %mul3A_417 = arith.constant 3.200000e+01 : f32
      %mul3A_418 = vector.broadcast %mul3A_417 : f32 to vector<16xf32>
      %mul3A_419 = arith.mulf %get3A_416, %mul3A_418 : vector<16xf32>
      %swap3A_420 = arith.index_cast %scan3A_150 : i32 to index
      %swap3A_421 = arith.constant 352 : index
      %swap3A_422 = tpu.vector_load %arg6[%swap3A_420, %swap3A_421] {strides = array<i32>} : memref<32x1024xf32, #tpu.memory_space<vmem>>, vector<1x16xf32>,
      %swap3A_423 = vector.shape_cast %swap3A_422 : vector<1x16xf32> to vector<16xf32>
      %swap3A_424 = vector.shape_cast %mul3A_419 : vector<16xf32> to vector<1x16xf32>
      tpu.vector_store %arg6[%swap3A_420, %swap3A_421], %swap3A_424 {strides = array<i32>} : memref<32x1024xf32, #tpu.memory_space<vmem>>, vector<1x16xf32>,
      %get3A_425 = arith.index_cast %scan3A_150 : i32 to index
      %get3A_426 = arith.constant 368 : index
      %get3A_427 = tpu.vector_load %arg6[%get3A_425, %get3A_426] {strides = array<i32>} : memref<32x1024xf32, #tpu.memory_space<vmem>>, vector<1x16xf32>,
      %get3A_428 = vector.shape_cast %get3A_427 : vector<1x16xf32> to vector<16xf32>
      %mul3A_429 = arith.constant 3.200000e+01 : f32
      %mul3A_430 = vector.broadcast %mul3A_429 : f32 to vector<16xf32>
      %mul3A_431 = arith.mulf %get3A_428, %mul3A_430 : vector<16xf32>
      %swap3A_432 = arith.index_cast %scan3A_150 : i32 to index
      %swap3A_433 = arith.constant 368 : index
      %swap3A_434 = tpu.vector_load %arg6[%swap3A_432, %swap3A_433] {strides = array<i32>} : memref<32x1024xf32, #tpu.memory_space<vmem>>, vector<1x16xf32>,
      %swap3A_435 = vector.shape_cast %swap3A_434 : vector<1x16xf32> to vector<16xf32>
      %swap3A_436 = vector.shape_cast %mul3A_431 : vector<16xf32> to vector<1x16xf32>
      tpu.vector_store %arg6[%swap3A_432, %swap3A_433], %swap3A_436 {strides = array<i32>} : memref<32x1024xf32, #tpu.memory_space<vmem>>, vector<1x16xf32>,
      %get3A_437 = arith.index_cast %scan3A_150 : i32 to index
      %get3A_438 = arith.constant 384 : index
      %get3A_439 = tpu.vector_load %arg6[%get3A_437, %get3A_438] {strides = array<i32>} : memref<32x1024xf32, #tpu.memory_space<vmem>>, vector<1x16xf32>,
      %get3A_440 = vector.shape_cast %get3A_439 : vector<1x16xf32> to vector<16xf32>
      %mul3A_441 = arith.constant 3.200000e+01 : f32
      %mul3A_442 = vector.broadcast %mul3A_441 : f32 to vector<16xf32>
      %mul3A_443 = arith.mulf %get3A_440, %mul3A_442 : vector<16xf32>
      %swap3A_444 = arith.index_cast %scan3A_150 : i32 to index
      %swap3A_445 = arith.constant 384 : index
      %swap3A_446 = tpu.vector_load %arg6[%swap3A_444, %swap3A_445] {strides = array<i32>} : memref<32x1024xf32, #tpu.memory_space<vmem>>, vector<1x16xf32>,
      %swap3A_447 = vector.shape_cast %swap3A_446 : vector<1x16xf32> to vector<16xf32>
      %swap3A_448 = vector.shape_cast %mul3A_443 : vector<16xf32> to vector<1x16xf32>
      tpu.vector_store %arg6[%swap3A_444, %swap3A_445], %swap3A_448 {strides = array<i32>} : memref<32x1024xf32, #tpu.memory_space<vmem>>, vector<1x16xf32>,
      %get3A_449 = arith.index_cast %scan3A_150 : i32 to index
      %get3A_450 = arith.constant 400 : index
      %get3A_451 = tpu.vector_load %arg6[%get3A_449, %get3A_450] {strides = array<i32>} : memref<32x1024xf32, #tpu.memory_space<vmem>>, vector<1x16xf32>,
      %get3A_452 = vector.shape_cast %get3A_451 : vector<1x16xf32> to vector<16xf32>
      %mul3A_453 = arith.constant 3.200000e+01 : f32
      %mul3A_454 = vector.broadcast %mul3A_453 : f32 to vector<16xf32>
      %mul3A_455 = arith.mulf %get3A_452, %mul3A_454 : vector<16xf32>
      %swap3A_456 = arith.index_cast %scan3A_150 : i32 to index
      %swap3A_457 = arith.constant 400 : index
      %swap3A_458 = tpu.vector_load %arg6[%swap3A_456, %swap3A_457] {strides = array<i32>} : memref<32x1024xf32, #tpu.memory_space<vmem>>, vector<1x16xf32>,
      %swap3A_459 = vector.shape_cast %swap3A_458 : vector<1x16xf32> to vector<16xf32>
      %swap3A_460 = vector.shape_cast %mul3A_455 : vector<16xf32> to vector<1x16xf32>
      tpu.vector_store %arg6[%swap3A_456, %swap3A_457], %swap3A_460 {strides = array<i32>} : memref<32x1024xf32, #tpu.memory_space<vmem>>, vector<1x16xf32>,
      %get3A_461 = arith.index_cast %scan3A_150 : i32 to index
      %get3A_462 = arith.constant 416 : index
      %get3A_463 = tpu.vector_load %arg6[%get3A_461, %get3A_462] {strides = array<i32>} : memref<32x1024xf32, #tpu.memory_space<vmem>>, vector<1x16xf32>,
      %get3A_464 = vector.shape_cast %get3A_463 : vector<1x16xf32> to vector<16xf32>
      %mul3A_465 = arith.constant 3.200000e+01 : f32
      %mul3A_466 = vector.broadcast %mul3A_465 : f32 to vector<16xf32>
      %mul3A_467 = arith.mulf %get3A_464, %mul3A_466 : vector<16xf32>
      %swap3A_468 = arith.index_cast %scan3A_150 : i32 to index
      %swap3A_469 = arith.constant 416 : index
      %swap3A_470 = tpu.vector_load %arg6[%swap3A_468, %swap3A_469] {strides = array<i32>} : memref<32x1024xf32, #tpu.memory_space<vmem>>, vector<1x16xf32>,
      %swap3A_471 = vector.shape_cast %swap3A_470 : vector<1x16xf32> to vector<16xf32>
      %swap3A_472 = vector.shape_cast %mul3A_467 : vector<16xf32> to vector<1x16xf32>
      tpu.vector_store %arg6[%swap3A_468, %swap3A_469], %swap3A_472 {strides = array<i32>} : memref<32x1024xf32, #tpu.memory_space<vmem>>, vector<1x16xf32>,
      %get3A_473 = arith.index_cast %scan3A_150 : i32 to index
      %get3A_474 = arith.constant 432 : index
      %get3A_475 = tpu.vector_load %arg6[%get3A_473, %get3A_474] {strides = array<i32>} : memref<32x1024xf32, #tpu.memory_space<vmem>>, vector<1x16xf32>,
      %get3A_476 = vector.shape_cast %get3A_475 : vector<1x16xf32> to vector<16xf32>
      %mul3A_477 = arith.constant 3.200000e+01 : f32
      %mul3A_478 = vector.broadcast %mul3A_477 : f32 to vector<16xf32>
      %mul3A_479 = arith.mulf %get3A_476, %mul3A_478 : vector<16xf32>
      %swap3A_480 = arith.index_cast %scan3A_150 : i32 to index
      %swap3A_481 = arith.constant 432 : index
      %swap3A_482 = tpu.vector_load %arg6[%swap3A_480, %swap3A_481] {strides = array<i32>} : memref<32x1024xf32, #tpu.memory_space<vmem>>, vector<1x16xf32>,
      %swap3A_483 = vector.shape_cast %swap3A_482 : vector<1x16xf32> to vector<16xf32>
      %swap3A_484 = vector.shape_cast %mul3A_479 : vector<16xf32> to vector<1x16xf32>
      tpu.vector_store %arg6[%swap3A_480, %swap3A_481], %swap3A_484 {strides = array<i32>} : memref<32x1024xf32, #tpu.memory_space<vmem>>, vector<1x16xf32>,
      %get3A_485 = arith.index_cast %scan3A_150 : i32 to index
      %get3A_486 = arith.constant 448 : index
      %get3A_487 = tpu.vector_load %arg6[%get3A_485, %get3A_486] {strides = array<i32>} : memref<32x1024xf32, #tpu.memory_space<vmem>>, vector<1x16xf32>,
      %get3A_488 = vector.shape_cast %get3A_487 : vector<1x16xf32> to vector<16xf32>
      %mul3A_489 = arith.constant 3.200000e+01 : f32
      %mul3A_490 = vector.broadcast %mul3A_489 : f32 to vector<16xf32>
      %mul3A_491 = arith.mulf %get3A_488, %mul3A_490 : vector<16xf32>
      %swap3A_492 = arith.index_cast %scan3A_150 : i32 to index
      %swap3A_493 = arith.constant 448 : index
      %swap3A_494 = tpu.vector_load %arg6[%swap3A_492, %swap3A_493] {strides = array<i32>} : memref<32x1024xf32, #tpu.memory_space<vmem>>, vector<1x16xf32>,
      %swap3A_495 = vector.shape_cast %swap3A_494 : vector<1x16xf32> to vector<16xf32>
      %swap3A_496 = vector.shape_cast %mul3A_491 : vector<16xf32> to vector<1x16xf32>
      tpu.vector_store %arg6[%swap3A_492, %swap3A_493], %swap3A_496 {strides = array<i32>} : memref<32x1024xf32, #tpu.memory_space<vmem>>, vector<1x16xf32>,
      %get3A_497 = arith.index_cast %scan3A_150 : i32 to index
      %get3A_498 = arith.constant 464 : index
      %get3A_499 = tpu.vector_load %arg6[%get3A_497, %get3A_498] {strides = array<i32>} : memref<32x1024xf32, #tpu.memory_space<vmem>>, vector<1x16xf32>,
      %get3A_500 = vector.shape_cast %get3A_499 : vector<1x16xf32> to vector<16xf32>
      %mul3A_501 = arith.constant 3.200000e+01 : f32
      %mul3A_502 = vector.broadcast %mul3A_501 : f32 to vector<16xf32>
      %mul3A_503 = arith.mulf %get3A_500, %mul3A_502 : vector<16xf32>
      %swap3A_504 = arith.index_cast %scan3A_150 : i32 to index
      %swap3A_505 = arith.constant 464 : index
      %swap3A_506 = tpu.vector_load %arg6[%swap3A_504, %swap3A_505] {strides = array<i32>} : memref<32x1024xf32, #tpu.memory_space<vmem>>, vector<1x16xf32>,
      %swap3A_507 = vector.shape_cast %swap3A_506 : vector<1x16xf32> to vector<16xf32>
      %swap3A_508 = vector.shape_cast %mul3A_503 : vector<16xf32> to vector<1x16xf32>
      tpu.vector_store %arg6[%swap3A_504, %swap3A_505], %swap3A_508 {strides = array<i32>} : memref<32x1024xf32, #tpu.memory_space<vmem>>, vector<1x16xf32>,
      %get3A_509 = arith.index_cast %scan3A_150 : i32 to index
      %get3A_510 = arith.constant 480 : index
      %get3A_511 = tpu.vector_load %arg6[%get3A_509, %get3A_510] {strides = array<i32>} : memref<32x1024xf32, #tpu.memory_space<vmem>>, vector<1x16xf32>,
      %get3A_512 = vector.shape_cast %get3A_511 : vector<1x16xf32> to vector<16xf32>
      %mul3A_513 = arith.constant 3.200000e+01 : f32
      %mul3A_514 = vector.broadcast %mul3A_513 : f32 to vector<16xf32>
      %mul3A_515 = arith.mulf %get3A_512, %mul3A_514 : vector<16xf32>
      %swap3A_516 = arith.index_cast %scan3A_150 : i32 to index
      %swap3A_517 = arith.constant 480 : index
      %swap3A_518 = tpu.vector_load %arg6[%swap3A_516, %swap3A_517] {strides = array<i32>} : memref<32x1024xf32, #tpu.memory_space<vmem>>, vector<1x16xf32>,
      %swap3A_519 = vector.shape_cast %swap3A_518 : vector<1x16xf32> to vector<16xf32>
      %swap3A_520 = vector.shape_cast %mul3A_515 : vector<16xf32> to vector<1x16xf32>
      tpu.vector_store %arg6[%swap3A_516, %swap3A_517], %swap3A_520 {strides = array<i32>} : memref<32x1024xf32, #tpu.memory_space<vmem>>, vector<1x16xf32>,
      %get3A_521 = arith.index_cast %scan3A_150 : i32 to index
      %get3A_522 = arith.constant 496 : index
      %get3A_523 = tpu.vector_load %arg6[%get3A_521, %get3A_522] {strides = array<i32>} : memref<32x1024xf32, #tpu.memory_space<vmem>>, vector<1x16xf32>,
      %get3A_524 = vector.shape_cast %get3A_523 : vector<1x16xf32> to vector<16xf32>
      %mul3A_525 = arith.constant 3.200000e+01 : f32
      %mul3A_526 = vector.broadcast %mul3A_525 : f32 to vector<16xf32>
      %mul3A_527 = arith.mulf %get3A_524, %mul3A_526 : vector<16xf32>
      %swap3A_528 = arith.index_cast %scan3A_150 : i32 to index
      %swap3A_529 = arith.constant 496 : index
      %swap3A_530 = tpu.vector_load %arg6[%swap3A_528, %swap3A_529] {strides = array<i32>} : memref<32x1024xf32, #tpu.memory_space<vmem>>, vector<1x16xf32>,
      %swap3A_531 = vector.shape_cast %swap3A_530 : vector<1x16xf32> to vector<16xf32>
      %swap3A_532 = vector.shape_cast %mul3A_527 : vector<16xf32> to vector<1x16xf32>
      tpu.vector_store %arg6[%swap3A_528, %swap3A_529], %swap3A_532 {strides = array<i32>} : memref<32x1024xf32, #tpu.memory_space<vmem>>, vector<1x16xf32>,
      %get3A_533 = arith.index_cast %scan3A_150 : i32 to index
      %get3A_534 = arith.constant 512 : index
      %get3A_535 = tpu.vector_load %arg6[%get3A_533, %get3A_534] {strides = array<i32>} : memref<32x1024xf32, #tpu.memory_space<vmem>>, vector<1x16xf32>,
      %get3A_536 = vector.shape_cast %get3A_535 : vector<1x16xf32> to vector<16xf32>
      %mul3A_537 = arith.constant 3.200000e+01 : f32
      %mul3A_538 = vector.broadcast %mul3A_537 : f32 to vector<16xf32>
      %mul3A_539 = arith.mulf %get3A_536, %mul3A_538 : vector<16xf32>
      %swap3A_540 = arith.index_cast %scan3A_150 : i32 to index
      %swap3A_541 = arith.constant 512 : index
      %swap3A_542 = tpu.vector_load %arg6[%swap3A_540, %swap3A_541] {strides = array<i32>} : memref<32x1024xf32, #tpu.memory_space<vmem>>, vector<1x16xf32>,
      %swap3A_543 = vector.shape_cast %swap3A_542 : vector<1x16xf32> to vector<16xf32>
      %swap3A_544 = vector.shape_cast %mul3A_539 : vector<16xf32> to vector<1x16xf32>
      tpu.vector_store %arg6[%swap3A_540, %swap3A_541], %swap3A_544 {strides = array<i32>} : memref<32x1024xf32, #tpu.memory_space<vmem>>, vector<1x16xf32>,
      %get3A_545 = arith.index_cast %scan3A_150 : i32 to index
      %get3A_546 = arith.constant 528 : index
      %get3A_547 = tpu.vector_load %arg6[%get3A_545, %get3A_546] {strides = array<i32>} : memref<32x1024xf32, #tpu.memory_space<vmem>>, vector<1x16xf32>,
      %get3A_548 = vector.shape_cast %get3A_547 : vector<1x16xf32> to vector<16xf32>
      %mul3A_549 = arith.constant 3.200000e+01 : f32
      %mul3A_550 = vector.broadcast %mul3A_549 : f32 to vector<16xf32>
      %mul3A_551 = arith.mulf %get3A_548, %mul3A_550 : vector<16xf32>
      %swap3A_552 = arith.index_cast %scan3A_150 : i32 to index
      %swap3A_553 = arith.constant 528 : index
      %swap3A_554 = tpu.vector_load %arg6[%swap3A_552, %swap3A_553] {strides = array<i32>} : memref<32x1024xf32, #tpu.memory_space<vmem>>, vector<1x16xf32>,
      %swap3A_555 = vector.shape_cast %swap3A_554 : vector<1x16xf32> to vector<16xf32>
      %swap3A_556 = vector.shape_cast %mul3A_551 : vector<16xf32> to vector<1x16xf32>
      tpu.vector_store %arg6[%swap3A_552, %swap3A_553], %swap3A_556 {strides = array<i32>} : memref<32x1024xf32, #tpu.memory_space<vmem>>, vector<1x16xf32>,
      %get3A_557 = arith.index_cast %scan3A_150 : i32 to index
      %get3A_558 = arith.constant 544 : index
      %get3A_559 = tpu.vector_load %arg6[%get3A_557, %get3A_558] {strides = array<i32>} : memref<32x1024xf32, #tpu.memory_space<vmem>>, vector<1x16xf32>,
      %get3A_560 = vector.shape_cast %get3A_559 : vector<1x16xf32> to vector<16xf32>
      %mul3A_561 = arith.constant 3.200000e+01 : f32
      %mul3A_562 = vector.broadcast %mul3A_561 : f32 to vector<16xf32>
      %mul3A_563 = arith.mulf %get3A_560, %mul3A_562 : vector<16xf32>
      %swap3A_564 = arith.index_cast %scan3A_150 : i32 to index
      %swap3A_565 = arith.constant 544 : index
      %swap3A_566 = tpu.vector_load %arg6[%swap3A_564, %swap3A_565] {strides = array<i32>} : memref<32x1024xf32, #tpu.memory_space<vmem>>, vector<1x16xf32>,
      %swap3A_567 = vector.shape_cast %swap3A_566 : vector<1x16xf32> to vector<16xf32>
      %swap3A_568 = vector.shape_cast %mul3A_563 : vector<16xf32> to vector<1x16xf32>
      tpu.vector_store %arg6[%swap3A_564, %swap3A_565], %swap3A_568 {strides = array<i32>} : memref<32x1024xf32, #tpu.memory_space<vmem>>, vector<1x16xf32>,
      %get3A_569 = arith.index_cast %scan3A_150 : i32 to index
      %get3A_570 = arith.constant 560 : index
      %get3A_571 = tpu.vector_load %arg6[%get3A_569, %get3A_570] {strides = array<i32>} : memref<32x1024xf32, #tpu.memory_space<vmem>>, vector<1x16xf32>,
      %get3A_572 = vector.shape_cast %get3A_571 : vector<1x16xf32> to vector<16xf32>
      %mul3A_573 = arith.constant 3.200000e+01 : f32
      %mul3A_574 = vector.broadcast %mul3A_573 : f32 to vector<16xf32>
      %mul3A_575 = arith.mulf %get3A_572, %mul3A_574 : vector<16xf32>
      %swap3A_576 = arith.index_cast %scan3A_150 : i32 to index
      %swap3A_577 = arith.constant 560 : index
      %swap3A_578 = tpu.vector_load %arg6[%swap3A_576, %swap3A_577] {strides = array<i32>} : memref<32x1024xf32, #tpu.memory_space<vmem>>, vector<1x16xf32>,
      %swap3A_579 = vector.shape_cast %swap3A_578 : vector<1x16xf32> to vector<16xf32>
      %swap3A_580 = vector.shape_cast %mul3A_575 : vector<16xf32> to vector<1x16xf32>
      tpu.vector_store %arg6[%swap3A_576, %swap3A_577], %swap3A_580 {strides = array<i32>} : memref<32x1024xf32, #tpu.memory_space<vmem>>, vector<1x16xf32>,
      %get3A_581 = arith.index_cast %scan3A_150 : i32 to index
      %get3A_582 = arith.constant 576 : index
      %get3A_583 = tpu.vector_load %arg6[%get3A_581, %get3A_582] {strides = array<i32>} : memref<32x1024xf32, #tpu.memory_space<vmem>>, vector<1x16xf32>,
      %get3A_584 = vector.shape_cast %get3A_583 : vector<1x16xf32> to vector<16xf32>
      %mul3A_585 = arith.constant 3.200000e+01 : f32
      %mul3A_586 = vector.broadcast %mul3A_585 : f32 to vector<16xf32>
      %mul3A_587 = arith.mulf %get3A_584, %mul3A_586 : vector<16xf32>
      %swap3A_588 = arith.index_cast %scan3A_150 : i32 to index
      %swap3A_589 = arith.constant 576 : index
      %swap3A_590 = tpu.vector_load %arg6[%swap3A_588, %swap3A_589] {strides = array<i32>} : memref<32x1024xf32, #tpu.memory_space<vmem>>, vector<1x16xf32>,
      %swap3A_591 = vector.shape_cast %swap3A_590 : vector<1x16xf32> to vector<16xf32>
      %swap3A_592 = vector.shape_cast %mul3A_587 : vector<16xf32> to vector<1x16xf32>
      tpu.vector_store %arg6[%swap3A_588, %swap3A_589], %swap3A_592 {strides = array<i32>} : memref<32x1024xf32, #tpu.memory_space<vmem>>, vector<1x16xf32>,
      %get3A_593 = arith.index_cast %scan3A_150 : i32 to index
      %get3A_594 = arith.constant 592 : index
      %get3A_595 = tpu.vector_load %arg6[%get3A_593, %get3A_594] {strides = array<i32>} : memref<32x1024xf32, #tpu.memory_space<vmem>>, vector<1x16xf32>,
      %get3A_596 = vector.shape_cast %get3A_595 : vector<1x16xf32> to vector<16xf32>
      %mul3A_597 = arith.constant 3.200000e+01 : f32
      %mul3A_598 = vector.broadcast %mul3A_597 : f32 to vector<16xf32>
      %mul3A_599 = arith.mulf %get3A_596, %mul3A_598 : vector<16xf32>
      %swap3A_600 = arith.index_cast %scan3A_150 : i32 to index
      %swap3A_601 = arith.constant 592 : index
      %swap3A_602 = tpu.vector_load %arg6[%swap3A_600, %swap3A_601] {strides = array<i32>} : memref<32x1024xf32, #tpu.memory_space<vmem>>, vector<1x16xf32>,
      %swap3A_603 = vector.shape_cast %swap3A_602 : vector<1x16xf32> to vector<16xf32>
      %swap3A_604 = vector.shape_cast %mul3A_599 : vector<16xf32> to vector<1x16xf32>
      tpu.vector_store %arg6[%swap3A_600, %swap3A_601], %swap3A_604 {strides = array<i32>} : memref<32x1024xf32, #tpu.memory_space<vmem>>, vector<1x16xf32>,
      %get3A_605 = arith.index_cast %scan3A_150 : i32 to index
      %get3A_606 = arith.constant 608 : index
      %get3A_607 = tpu.vector_load %arg6[%get3A_605, %get3A_606] {strides = array<i32>} : memref<32x1024xf32, #tpu.memory_space<vmem>>, vector<1x16xf32>,
      %get3A_608 = vector.shape_cast %get3A_607 : vector<1x16xf32> to vector<16xf32>
      %mul3A_609 = arith.constant 3.200000e+01 : f32
      %mul3A_610 = vector.broadcast %mul3A_609 : f32 to vector<16xf32>
      %mul3A_611 = arith.mulf %get3A_608, %mul3A_610 : vector<16xf32>
      %swap3A_612 = arith.index_cast %scan3A_150 : i32 to index
      %swap3A_613 = arith.constant 608 : index
      %swap3A_614 = tpu.vector_load %arg6[%swap3A_612, %swap3A_613] {strides = array<i32>} : memref<32x1024xf32, #tpu.memory_space<vmem>>, vector<1x16xf32>,
      %swap3A_615 = vector.shape_cast %swap3A_614 : vector<1x16xf32> to vector<16xf32>
      %swap3A_616 = vector.shape_cast %mul3A_611 : vector<16xf32> to vector<1x16xf32>
      tpu.vector_store %arg6[%swap3A_612, %swap3A_613], %swap3A_616 {strides = array<i32>} : memref<32x1024xf32, #tpu.memory_space<vmem>>, vector<1x16xf32>,
      %get3A_617 = arith.index_cast %scan3A_150 : i32 to index
      %get3A_618 = arith.constant 624 : index
      %get3A_619 = tpu.vector_load %arg6[%get3A_617, %get3A_618] {strides = array<i32>} : memref<32x1024xf32, #tpu.memory_space<vmem>>, vector<1x16xf32>,
      %get3A_620 = vector.shape_cast %get3A_619 : vector<1x16xf32> to vector<16xf32>
      %mul3A_621 = arith.constant 3.200000e+01 : f32
      %mul3A_622 = vector.broadcast %mul3A_621 : f32 to vector<16xf32>
      %mul3A_623 = arith.mulf %get3A_620, %mul3A_622 : vector<16xf32>
      %swap3A_624 = arith.index_cast %scan3A_150 : i32 to index
      %swap3A_625 = arith.constant 624 : index
      %swap3A_626 = tpu.vector_load %arg6[%swap3A_624, %swap3A_625] {strides = array<i32>} : memref<32x1024xf32, #tpu.memory_space<vmem>>, vector<1x16xf32>,
      %swap3A_627 = vector.shape_cast %swap3A_626 : vector<1x16xf32> to vector<16xf32>
      %swap3A_628 = vector.shape_cast %mul3A_623 : vector<16xf32> to vector<1x16xf32>
      tpu.vector_store %arg6[%swap3A_624, %swap3A_625], %swap3A_628 {strides = array<i32>} : memref<32x1024xf32, #tpu.memory_space<vmem>>, vector<1x16xf32>,
      %get3A_629 = arith.index_cast %scan3A_150 : i32 to index
      %get3A_630 = arith.constant 640 : index
      %get3A_631 = tpu.vector_load %arg6[%get3A_629, %get3A_630] {strides = array<i32>} : memref<32x1024xf32, #tpu.memory_space<vmem>>, vector<1x16xf32>,
      %get3A_632 = vector.shape_cast %get3A_631 : vector<1x16xf32> to vector<16xf32>
      %mul3A_633 = arith.constant 3.200000e+01 : f32
      %mul3A_634 = vector.broadcast %mul3A_633 : f32 to vector<16xf32>
      %mul3A_635 = arith.mulf %get3A_632, %mul3A_634 : vector<16xf32>
      %swap3A_636 = arith.index_cast %scan3A_150 : i32 to index
      %swap3A_637 = arith.constant 640 : index
      %swap3A_638 = tpu.vector_load %arg6[%swap3A_636, %swap3A_637] {strides = array<i32>} : memref<32x1024xf32, #tpu.memory_space<vmem>>, vector<1x16xf32>,
      %swap3A_639 = vector.shape_cast %swap3A_638 : vector<1x16xf32> to vector<16xf32>
      %swap3A_640 = vector.shape_cast %mul3A_635 : vector<16xf32> to vector<1x16xf32>
      tpu.vector_store %arg6[%swap3A_636, %swap3A_637], %swap3A_640 {strides = array<i32>} : memref<32x1024xf32, #tpu.memory_space<vmem>>, vector<1x16xf32>,
      %get3A_641 = arith.index_cast %scan3A_150 : i32 to index
      %get3A_642 = arith.constant 656 : index
      %get3A_643 = tpu.vector_load %arg6[%get3A_641, %get3A_642] {strides = array<i32>} : memref<32x1024xf32, #tpu.memory_space<vmem>>, vector<1x16xf32>,
      %get3A_644 = vector.shape_cast %get3A_643 : vector<1x16xf32> to vector<16xf32>
      %mul3A_645 = arith.constant 3.200000e+01 : f32
      %mul3A_646 = vector.broadcast %mul3A_645 : f32 to vector<16xf32>
      %mul3A_647 = arith.mulf %get3A_644, %mul3A_646 : vector<16xf32>
      %swap3A_648 = arith.index_cast %scan3A_150 : i32 to index
      %swap3A_649 = arith.constant 656 : index
      %swap3A_650 = tpu.vector_load %arg6[%swap3A_648, %swap3A_649] {strides = array<i32>} : memref<32x1024xf32, #tpu.memory_space<vmem>>, vector<1x16xf32>,
      %swap3A_651 = vector.shape_cast %swap3A_650 : vector<1x16xf32> to vector<16xf32>
      %swap3A_652 = vector.shape_cast %mul3A_647 : vector<16xf32> to vector<1x16xf32>
      tpu.vector_store %arg6[%swap3A_648, %swap3A_649], %swap3A_652 {strides = array<i32>} : memref<32x1024xf32, #tpu.memory_space<vmem>>, vector<1x16xf32>,
      %get3A_653 = arith.index_cast %scan3A_150 : i32 to index
      %get3A_654 = arith.constant 672 : index
      %get3A_655 = tpu.vector_load %arg6[%get3A_653, %get3A_654] {strides = array<i32>} : memref<32x1024xf32, #tpu.memory_space<vmem>>, vector<1x16xf32>,
      %get3A_656 = vector.shape_cast %get3A_655 : vector<1x16xf32> to vector<16xf32>
      %mul3A_657 = arith.constant 3.200000e+01 : f32
      %mul3A_658 = vector.broadcast %mul3A_657 : f32 to vector<16xf32>
      %mul3A_659 = arith.mulf %get3A_656, %mul3A_658 : vector<16xf32>
      %swap3A_660 = arith.index_cast %scan3A_150 : i32 to index
      %swap3A_661 = arith.constant 672 : index
      %swap3A_662 = tpu.vector_load %arg6[%swap3A_660, %swap3A_661] {strides = array<i32>} : memref<32x1024xf32, #tpu.memory_space<vmem>>, vector<1x16xf32>,
      %swap3A_663 = vector.shape_cast %swap3A_662 : vector<1x16xf32> to vector<16xf32>
      %swap3A_664 = vector.shape_cast %mul3A_659 : vector<16xf32> to vector<1x16xf32>
      tpu.vector_store %arg6[%swap3A_660, %swap3A_661], %swap3A_664 {strides = array<i32>} : memref<32x1024xf32, #tpu.memory_space<vmem>>, vector<1x16xf32>,
      %get3A_665 = arith.index_cast %scan3A_150 : i32 to index
      %get3A_666 = arith.constant 688 : index
      %get3A_667 = tpu.vector_load %arg6[%get3A_665, %get3A_666] {strides = array<i32>} : memref<32x1024xf32, #tpu.memory_space<vmem>>, vector<1x16xf32>,
      %get3A_668 = vector.shape_cast %get3A_667 : vector<1x16xf32> to vector<16xf32>
      %mul3A_669 = arith.constant 3.200000e+01 : f32
      %mul3A_670 = vector.broadcast %mul3A_669 : f32 to vector<16xf32>
      %mul3A_671 = arith.mulf %get3A_668, %mul3A_670 : vector<16xf32>
      %swap3A_672 = arith.index_cast %scan3A_150 : i32 to index
      %swap3A_673 = arith.constant 688 : index
      %swap3A_674 = tpu.vector_load %arg6[%swap3A_672, %swap3A_673] {strides = array<i32>} : memref<32x1024xf32, #tpu.memory_space<vmem>>, vector<1x16xf32>,
      %swap3A_675 = vector.shape_cast %swap3A_674 : vector<1x16xf32> to vector<16xf32>
      %swap3A_676 = vector.shape_cast %mul3A_671 : vector<16xf32> to vector<1x16xf32>
      tpu.vector_store %arg6[%swap3A_672, %swap3A_673], %swap3A_676 {strides = array<i32>} : memref<32x1024xf32, #tpu.memory_space<vmem>>, vector<1x16xf32>,
      %get3A_677 = arith.index_cast %scan3A_150 : i32 to index
      %get3A_678 = arith.constant 704 : index
      %get3A_679 = tpu.vector_load %arg6[%get3A_677, %get3A_678] {strides = array<i32>} : memref<32x1024xf32, #tpu.memory_space<vmem>>, vector<1x16xf32>,
      %get3A_680 = vector.shape_cast %get3A_679 : vector<1x16xf32> to vector<16xf32>
      %mul3A_681 = arith.constant 3.200000e+01 : f32
      %mul3A_682 = vector.broadcast %mul3A_681 : f32 to vector<16xf32>
      %mul3A_683 = arith.mulf %get3A_680, %mul3A_682 : vector<16xf32>
      %swap3A_684 = arith.index_cast %scan3A_150 : i32 to index
      %swap3A_685 = arith.constant 704 : index
      %swap3A_686 = tpu.vector_load %arg6[%swap3A_684, %swap3A_685] {strides = array<i32>} : memref<32x1024xf32, #tpu.memory_space<vmem>>, vector<1x16xf32>,
      %swap3A_687 = vector.shape_cast %swap3A_686 : vector<1x16xf32> to vector<16xf32>
      %swap3A_688 = vector.shape_cast %mul3A_683 : vector<16xf32> to vector<1x16xf32>
      tpu.vector_store %arg6[%swap3A_684, %swap3A_685], %swap3A_688 {strides = array<i32>} : memref<32x1024xf32, #tpu.memory_space<vmem>>, vector<1x16xf32>,
      %get3A_689 = arith.index_cast %scan3A_150 : i32 to index
      %get3A_690 = arith.constant 720 : index
      %get3A_691 = tpu.vector_load %arg6[%get3A_689, %get3A_690] {strides = array<i32>} : memref<32x1024xf32, #tpu.memory_space<vmem>>, vector<1x16xf32>,
      %get3A_692 = vector.shape_cast %get3A_691 : vector<1x16xf32> to vector<16xf32>
      %mul3A_693 = arith.constant 3.200000e+01 : f32
      %mul3A_694 = vector.broadcast %mul3A_693 : f32 to vector<16xf32>
      %mul3A_695 = arith.mulf %get3A_692, %mul3A_694 : vector<16xf32>
      %swap3A_696 = arith.index_cast %scan3A_150 : i32 to index
      %swap3A_697 = arith.constant 720 : index
      %swap3A_698 = tpu.vector_load %arg6[%swap3A_696, %swap3A_697] {strides = array<i32>} : memref<32x1024xf32, #tpu.memory_space<vmem>>, vector<1x16xf32>,
      %swap3A_699 = vector.shape_cast %swap3A_698 : vector<1x16xf32> to vector<16xf32>
      %swap3A_700 = vector.shape_cast %mul3A_695 : vector<16xf32> to vector<1x16xf32>
      tpu.vector_store %arg6[%swap3A_696, %swap3A_697], %swap3A_700 {strides = array<i32>} : memref<32x1024xf32, #tpu.memory_space<vmem>>, vector<1x16xf32>,
      %get3A_701 = arith.index_cast %scan3A_150 : i32 to index
      %get3A_702 = arith.constant 736 : index
      %get3A_703 = tpu.vector_load %arg6[%get3A_701, %get3A_702] {strides = array<i32>} : memref<32x1024xf32, #tpu.memory_space<vmem>>, vector<1x16xf32>,
      %get3A_704 = vector.shape_cast %get3A_703 : vector<1x16xf32> to vector<16xf32>
      %mul3A_705 = arith.constant 3.200000e+01 : f32
      %mul3A_706 = vector.broadcast %mul3A_705 : f32 to vector<16xf32>
      %mul3A_707 = arith.mulf %get3A_704, %mul3A_706 : vector<16xf32>
      %swap3A_708 = arith.index_cast %scan3A_150 : i32 to index
      %swap3A_709 = arith.constant 736 : index
      %swap3A_710 = tpu.vector_load %arg6[%swap3A_708, %swap3A_709] {strides = array<i32>} : memref<32x1024xf32, #tpu.memory_space<vmem>>, vector<1x16xf32>,
      %swap3A_711 = vector.shape_cast %swap3A_710 : vector<1x16xf32> to vector<16xf32>
      %swap3A_712 = vector.shape_cast %mul3A_707 : vector<16xf32> to vector<1x16xf32>
      tpu.vector_store %arg6[%swap3A_708, %swap3A_709], %swap3A_712 {strides = array<i32>} : memref<32x1024xf32, #tpu.memory_space<vmem>>, vector<1x16xf32>,
      %get3A_713 = arith.index_cast %scan3A_150 : i32 to index
      %get3A_714 = arith.constant 752 : index
      %get3A_715 = tpu.vector_load %arg6[%get3A_713, %get3A_714] {strides = array<i32>} : memref<32x1024xf32, #tpu.memory_space<vmem>>, vector<1x16xf32>,
      %get3A_716 = vector.shape_cast %get3A_715 : vector<1x16xf32> to vector<16xf32>
      %mul3A_717 = arith.constant 3.200000e+01 : f32
      %mul3A_718 = vector.broadcast %mul3A_717 : f32 to vector<16xf32>
      %mul3A_719 = arith.mulf %get3A_716, %mul3A_718 : vector<16xf32>
      %swap3A_720 = arith.index_cast %scan3A_150 : i32 to index
      %swap3A_721 = arith.constant 752 : index
      %swap3A_722 = tpu.vector_load %arg6[%swap3A_720, %swap3A_721] {strides = array<i32>} : memref<32x1024xf32, #tpu.memory_space<vmem>>, vector<1x16xf32>,
      %swap3A_723 = vector.shape_cast %swap3A_722 : vector<1x16xf32> to vector<16xf32>
      %swap3A_724 = vector.shape_cast %mul3A_719 : vector<16xf32> to vector<1x16xf32>
      tpu.vector_store %arg6[%swap3A_720, %swap3A_721], %swap3A_724 {strides = array<i32>} : memref<32x1024xf32, #tpu.memory_space<vmem>>, vector<1x16xf32>,
      %get3A_725 = arith.index_cast %scan3A_150 : i32 to index
      %get3A_726 = arith.constant 768 : index
      %get3A_727 = tpu.vector_load %arg6[%get3A_725, %get3A_726] {strides = array<i32>} : memref<32x1024xf32, #tpu.memory_space<vmem>>, vector<1x16xf32>,
      %get3A_728 = vector.shape_cast %get3A_727 : vector<1x16xf32> to vector<16xf32>
      %mul3A_729 = arith.constant 3.200000e+01 : f32
      %mul3A_730 = vector.broadcast %mul3A_729 : f32 to vector<16xf32>
      %mul3A_731 = arith.mulf %get3A_728, %mul3A_730 : vector<16xf32>
      %swap3A_732 = arith.index_cast %scan3A_150 : i32 to index
      %swap3A_733 = arith.constant 768 : index
      %swap3A_734 = tpu.vector_load %arg6[%swap3A_732, %swap3A_733] {strides = array<i32>} : memref<32x1024xf32, #tpu.memory_space<vmem>>, vector<1x16xf32>,
      %swap3A_735 = vector.shape_cast %swap3A_734 : vector<1x16xf32> to vector<16xf32>
      %swap3A_736 = vector.shape_cast %mul3A_731 : vector<16xf32> to vector<1x16xf32>
      tpu.vector_store %arg6[%swap3A_732, %swap3A_733], %swap3A_736 {strides = array<i32>} : memref<32x1024xf32, #tpu.memory_space<vmem>>, vector<1x16xf32>,
      %get3A_737 = arith.index_cast %scan3A_150 : i32 to index
      %get3A_738 = arith.constant 784 : index
      %get3A_739 = tpu.vector_load %arg6[%get3A_737, %get3A_738] {strides = array<i32>} : memref<32x1024xf32, #tpu.memory_space<vmem>>, vector<1x16xf32>,
      %get3A_740 = vector.shape_cast %get3A_739 : vector<1x16xf32> to vector<16xf32>
      %mul3A_741 = arith.constant 3.200000e+01 : f32
      %mul3A_742 = vector.broadcast %mul3A_741 : f32 to vector<16xf32>
      %mul3A_743 = arith.mulf %get3A_740, %mul3A_742 : vector<16xf32>
      %swap3A_744 = arith.index_cast %scan3A_150 : i32 to index
      %swap3A_745 = arith.constant 784 : index
      %swap3A_746 = tpu.vector_load %arg6[%swap3A_744, %swap3A_745] {strides = array<i32>} : memref<32x1024xf32, #tpu.memory_space<vmem>>, vector<1x16xf32>,
      %swap3A_747 = vector.shape_cast %swap3A_746 : vector<1x16xf32> to vector<16xf32>
      %swap3A_748 = vector.shape_cast %mul3A_743 : vector<16xf32> to vector<1x16xf32>
      tpu.vector_store %arg6[%swap3A_744, %swap3A_745], %swap3A_748 {strides = array<i32>} : memref<32x1024xf32, #tpu.memory_space<vmem>>, vector<1x16xf32>,
      %get3A_749 = arith.index_cast %scan3A_150 : i32 to index
      %get3A_750 = arith.constant 800 : index
      %get3A_751 = tpu.vector_load %arg6[%get3A_749, %get3A_750] {strides = array<i32>} : memref<32x1024xf32, #tpu.memory_space<vmem>>, vector<1x16xf32>,
      %get3A_752 = vector.shape_cast %get3A_751 : vector<1x16xf32> to vector<16xf32>
      %mul3A_753 = arith.constant 3.200000e+01 : f32
      %mul3A_754 = vector.broadcast %mul3A_753 : f32 to vector<16xf32>
      %mul3A_755 = arith.mulf %get3A_752, %mul3A_754 : vector<16xf32>
      %swap3A_756 = arith.index_cast %scan3A_150 : i32 to index
      %swap3A_757 = arith.constant 800 : index
      %swap3A_758 = tpu.vector_load %arg6[%swap3A_756, %swap3A_757] {strides = array<i32>} : memref<32x1024xf32, #tpu.memory_space<vmem>>, vector<1x16xf32>,
      %swap3A_759 = vector.shape_cast %swap3A_758 : vector<1x16xf32> to vector<16xf32>
      %swap3A_760 = vector.shape_cast %mul3A_755 : vector<16xf32> to vector<1x16xf32>
      tpu.vector_store %arg6[%swap3A_756, %swap3A_757], %swap3A_760 {strides = array<i32>} : memref<32x1024xf32, #tpu.memory_space<vmem>>, vector<1x16xf32>,
      %get3A_761 = arith.index_cast %scan3A_150 : i32 to index
      %get3A_762 = arith.constant 816 : index
      %get3A_763 = tpu.vector_load %arg6[%get3A_761, %get3A_762] {strides = array<i32>} : memref<32x1024xf32, #tpu.memory_space<vmem>>, vector<1x16xf32>,
      %get3A_764 = vector.shape_cast %get3A_763 : vector<1x16xf32> to vector<16xf32>
      %mul3A_765 = arith.constant 3.200000e+01 : f32
      %mul3A_766 = vector.broadcast %mul3A_765 : f32 to vector<16xf32>
      %mul3A_767 = arith.mulf %get3A_764, %mul3A_766 : vector<16xf32>
      %swap3A_768 = arith.index_cast %scan3A_150 : i32 to index
      %swap3A_769 = arith.constant 816 : index
      %swap3A_770 = tpu.vector_load %arg6[%swap3A_768, %swap3A_769] {strides = array<i32>} : memref<32x1024xf32, #tpu.memory_space<vmem>>, vector<1x16xf32>,
      %swap3A_771 = vector.shape_cast %swap3A_770 : vector<1x16xf32> to vector<16xf32>
      %swap3A_772 = vector.shape_cast %mul3A_767 : vector<16xf32> to vector<1x16xf32>
      tpu.vector_store %arg6[%swap3A_768, %swap3A_769], %swap3A_772 {strides = array<i32>} : memref<32x1024xf32, #tpu.memory_space<vmem>>, vector<1x16xf32>,
      %get3A_773 = arith.index_cast %scan3A_150 : i32 to index
      %get3A_774 = arith.constant 832 : index
      %get3A_775 = tpu.vector_load %arg6[%get3A_773, %get3A_774] {strides = array<i32>} : memref<32x1024xf32, #tpu.memory_space<vmem>>, vector<1x16xf32>,
      %get3A_776 = vector.shape_cast %get3A_775 : vector<1x16xf32> to vector<16xf32>
      %mul3A_777 = arith.constant 3.200000e+01 : f32
      %mul3A_778 = vector.broadcast %mul3A_777 : f32 to vector<16xf32>
      %mul3A_779 = arith.mulf %get3A_776, %mul3A_778 : vector<16xf32>
      %swap3A_780 = arith.index_cast %scan3A_150 : i32 to index
      %swap3A_781 = arith.constant 832 : index
      %swap3A_782 = tpu.vector_load %arg6[%swap3A_780, %swap3A_781] {strides = array<i32>} : memref<32x1024xf32, #tpu.memory_space<vmem>>, vector<1x16xf32>,
      %swap3A_783 = vector.shape_cast %swap3A_782 : vector<1x16xf32> to vector<16xf32>
      %swap3A_784 = vector.shape_cast %mul3A_779 : vector<16xf32> to vector<1x16xf32>
      tpu.vector_store %arg6[%swap3A_780, %swap3A_781], %swap3A_784 {strides = array<i32>} : memref<32x1024xf32, #tpu.memory_space<vmem>>, vector<1x16xf32>,
      %get3A_785 = arith.index_cast %scan3A_150 : i32 to index
      %get3A_786 = arith.constant 848 : index
      %get3A_787 = tpu.vector_load %arg6[%get3A_785, %get3A_786] {strides = array<i32>} : memref<32x1024xf32, #tpu.memory_space<vmem>>, vector<1x16xf32>,
      %get3A_788 = vector.shape_cast %get3A_787 : vector<1x16xf32> to vector<16xf32>
      %mul3A_789 = arith.constant 3.200000e+01 : f32
      %mul3A_790 = vector.broadcast %mul3A_789 : f32 to vector<16xf32>
      %mul3A_791 = arith.mulf %get3A_788, %mul3A_790 : vector<16xf32>
      %swap3A_792 = arith.index_cast %scan3A_150 : i32 to index
      %swap3A_793 = arith.constant 848 : index
      %swap3A_794 = tpu.vector_load %arg6[%swap3A_792, %swap3A_793] {strides = array<i32>} : memref<32x1024xf32, #tpu.memory_space<vmem>>, vector<1x16xf32>,
      %swap3A_795 = vector.shape_cast %swap3A_794 : vector<1x16xf32> to vector<16xf32>
      %swap3A_796 = vector.shape_cast %mul3A_791 : vector<16xf32> to vector<1x16xf32>
      tpu.vector_store %arg6[%swap3A_792, %swap3A_793], %swap3A_796 {strides = array<i32>} : memref<32x1024xf32, #tpu.memory_space<vmem>>, vector<1x16xf32>,
      %get3A_797 = arith.index_cast %scan3A_150 : i32 to index
      %get3A_798 = arith.constant 864 : index
      %get3A_799 = tpu.vector_load %arg6[%get3A_797, %get3A_798] {strides = array<i32>} : memref<32x1024xf32, #tpu.memory_space<vmem>>, vector<1x16xf32>,
      %get3A_800 = vector.shape_cast %get3A_799 : vector<1x16xf32> to vector<16xf32>
      %mul3A_801 = arith.constant 3.200000e+01 : f32
      %mul3A_802 = vector.broadcast %mul3A_801 : f32 to vector<16xf32>
      %mul3A_803 = arith.mulf %get3A_800, %mul3A_802 : vector<16xf32>
      %swap3A_804 = arith.index_cast %scan3A_150 : i32 to index
      %swap3A_805 = arith.constant 864 : index
      %swap3A_806 = tpu.vector_load %arg6[%swap3A_804, %swap3A_805] {strides = array<i32>} : memref<32x1024xf32, #tpu.memory_space<vmem>>, vector<1x16xf32>,
      %swap3A_807 = vector.shape_cast %swap3A_806 : vector<1x16xf32> to vector<16xf32>
      %swap3A_808 = vector.shape_cast %mul3A_803 : vector<16xf32> to vector<1x16xf32>
      tpu.vector_store %arg6[%swap3A_804, %swap3A_805], %swap3A_808 {strides = array<i32>} : memref<32x1024xf32, #tpu.memory_space<vmem>>, vector<1x16xf32>,
      %get3A_809 = arith.index_cast %scan3A_150 : i32 to index
      %get3A_810 = arith.constant 880 : index
      %get3A_811 = tpu.vector_load %arg6[%get3A_809, %get3A_810] {strides = array<i32>} : memref<32x1024xf32, #tpu.memory_space<vmem>>, vector<1x16xf32>,
      %get3A_812 = vector.shape_cast %get3A_811 : vector<1x16xf32> to vector<16xf32>
      %mul3A_813 = arith.constant 3.200000e+01 : f32
      %mul3A_814 = vector.broadcast %mul3A_813 : f32 to vector<16xf32>
      %mul3A_815 = arith.mulf %get3A_812, %mul3A_814 : vector<16xf32>
      %swap3A_816 = arith.index_cast %scan3A_150 : i32 to index
      %swap3A_817 = arith.constant 880 : index
      %swap3A_818 = tpu.vector_load %arg6[%swap3A_816, %swap3A_817] {strides = array<i32>} : memref<32x1024xf32, #tpu.memory_space<vmem>>, vector<1x16xf32>,
      %swap3A_819 = vector.shape_cast %swap3A_818 : vector<1x16xf32> to vector<16xf32>
      %swap3A_820 = vector.shape_cast %mul3A_815 : vector<16xf32> to vector<1x16xf32>
      tpu.vector_store %arg6[%swap3A_816, %swap3A_817], %swap3A_820 {strides = array<i32>} : memref<32x1024xf32, #tpu.memory_space<vmem>>, vector<1x16xf32>,
      %get3A_821 = arith.index_cast %scan3A_150 : i32 to index
      %get3A_822 = arith.constant 896 : index
      %get3A_823 = tpu.vector_load %arg6[%get3A_821, %get3A_822] {strides = array<i32>} : memref<32x1024xf32, #tpu.memory_space<vmem>>, vector<1x16xf32>,
      %get3A_824 = vector.shape_cast %get3A_823 : vector<1x16xf32> to vector<16xf32>
      %mul3A_825 = arith.constant 3.200000e+01 : f32
      %mul3A_826 = vector.broadcast %mul3A_825 : f32 to vector<16xf32>
      %mul3A_827 = arith.mulf %get3A_824, %mul3A_826 : vector<16xf32>
      %swap3A_828 = arith.index_cast %scan3A_150 : i32 to index
      %swap3A_829 = arith.constant 896 : index
      %swap3A_830 = tpu.vector_load %arg6[%swap3A_828, %swap3A_829] {strides = array<i32>} : memref<32x1024xf32, #tpu.memory_space<vmem>>, vector<1x16xf32>,
      %swap3A_831 = vector.shape_cast %swap3A_830 : vector<1x16xf32> to vector<16xf32>
      %swap3A_832 = vector.shape_cast %mul3A_827 : vector<16xf32> to vector<1x16xf32>
      tpu.vector_store %arg6[%swap3A_828, %swap3A_829], %swap3A_832 {strides = array<i32>} : memref<32x1024xf32, #tpu.memory_space<vmem>>, vector<1x16xf32>,
      %get3A_833 = arith.index_cast %scan3A_150 : i32 to index
      %get3A_834 = arith.constant 912 : index
      %get3A_835 = tpu.vector_load %arg6[%get3A_833, %get3A_834] {strides = array<i32>} : memref<32x1024xf32, #tpu.memory_space<vmem>>, vector<1x16xf32>,
      %get3A_836 = vector.shape_cast %get3A_835 : vector<1x16xf32> to vector<16xf32>
      %mul3A_837 = arith.constant 3.200000e+01 : f32
      %mul3A_838 = vector.broadcast %mul3A_837 : f32 to vector<16xf32>
      %mul3A_839 = arith.mulf %get3A_836, %mul3A_838 : vector<16xf32>
      %swap3A_840 = arith.index_cast %scan3A_150 : i32 to index
      %swap3A_841 = arith.constant 912 : index
      %swap3A_842 = tpu.vector_load %arg6[%swap3A_840, %swap3A_841] {strides = array<i32>} : memref<32x1024xf32, #tpu.memory_space<vmem>>, vector<1x16xf32>,
      %swap3A_843 = vector.shape_cast %swap3A_842 : vector<1x16xf32> to vector<16xf32>
      %swap3A_844 = vector.shape_cast %mul3A_839 : vector<16xf32> to vector<1x16xf32>
      tpu.vector_store %arg6[%swap3A_840, %swap3A_841], %swap3A_844 {strides = array<i32>} : memref<32x1024xf32, #tpu.memory_space<vmem>>, vector<1x16xf32>,
      %get3A_845 = arith.index_cast %scan3A_150 : i32 to index
      %get3A_846 = arith.constant 928 : index
      %get3A_847 = tpu.vector_load %arg6[%get3A_845, %get3A_846] {strides = array<i32>} : memref<32x1024xf32, #tpu.memory_space<vmem>>, vector<1x16xf32>,
      %get3A_848 = vector.shape_cast %get3A_847 : vector<1x16xf32> to vector<16xf32>
      %mul3A_849 = arith.constant 3.200000e+01 : f32
      %mul3A_850 = vector.broadcast %mul3A_849 : f32 to vector<16xf32>
      %mul3A_851 = arith.mulf %get3A_848, %mul3A_850 : vector<16xf32>
      %swap3A_852 = arith.index_cast %scan3A_150 : i32 to index
      %swap3A_853 = arith.constant 928 : index
      %swap3A_854 = tpu.vector_load %arg6[%swap3A_852, %swap3A_853] {strides = array<i32>} : memref<32x1024xf32, #tpu.memory_space<vmem>>, vector<1x16xf32>,
      %swap3A_855 = vector.shape_cast %swap3A_854 : vector<1x16xf32> to vector<16xf32>
      %swap3A_856 = vector.shape_cast %mul3A_851 : vector<16xf32> to vector<1x16xf32>
      tpu.vector_store %arg6[%swap3A_852, %swap3A_853], %swap3A_856 {strides = array<i32>} : memref<32x1024xf32, #tpu.memory_space<vmem>>, vector<1x16xf32>,
      %get3A_857 = arith.index_cast %scan3A_150 : i32 to index
      %get3A_858 = arith.constant 944 : index
      %get3A_859 = tpu.vector_load %arg6[%get3A_857, %get3A_858] {strides = array<i32>} : memref<32x1024xf32, #tpu.memory_space<vmem>>, vector<1x16xf32>,
      %get3A_860 = vector.shape_cast %get3A_859 : vector<1x16xf32> to vector<16xf32>
      %mul3A_861 = arith.constant 3.200000e+01 : f32
      %mul3A_862 = vector.broadcast %mul3A_861 : f32 to vector<16xf32>
      %mul3A_863 = arith.mulf %get3A_860, %mul3A_862 : vector<16xf32>
      %swap3A_864 = arith.index_cast %scan3A_150 : i32 to index
      %swap3A_865 = arith.constant 944 : index
      %swap3A_866 = tpu.vector_load %arg6[%swap3A_864, %swap3A_865] {strides = array<i32>} : memref<32x1024xf32, #tpu.memory_space<vmem>>, vector<1x16xf32>,
      %swap3A_867 = vector.shape_cast %swap3A_866 : vector<1x16xf32> to vector<16xf32>
      %swap3A_868 = vector.shape_cast %mul3A_863 : vector<16xf32> to vector<1x16xf32>
      tpu.vector_store %arg6[%swap3A_864, %swap3A_865], %swap3A_868 {strides = array<i32>} : memref<32x1024xf32, #tpu.memory_space<vmem>>, vector<1x16xf32>,
      %get3A_869 = arith.index_cast %scan3A_150 : i32 to index
      %get3A_870 = arith.constant 960 : index
      %get3A_871 = tpu.vector_load %arg6[%get3A_869, %get3A_870] {strides = array<i32>} : memref<32x1024xf32, #tpu.memory_space<vmem>>, vector<1x16xf32>,
      %get3A_872 = vector.shape_cast %get3A_871 : vector<1x16xf32> to vector<16xf32>
      %mul3A_873 = arith.constant 3.200000e+01 : f32
      %mul3A_874 = vector.broadcast %mul3A_873 : f32 to vector<16xf32>
      %mul3A_875 = arith.mulf %get3A_872, %mul3A_874 : vector<16xf32>
      %swap3A_876 = arith.index_cast %scan3A_150 : i32 to index
      %swap3A_877 = arith.constant 960 : index
      %swap3A_878 = tpu.vector_load %arg6[%swap3A_876, %swap3A_877] {strides = array<i32>} : memref<32x1024xf32, #tpu.memory_space<vmem>>, vector<1x16xf32>,
      %swap3A_879 = vector.shape_cast %swap3A_878 : vector<1x16xf32> to vector<16xf32>
      %swap3A_880 = vector.shape_cast %mul3A_875 : vector<16xf32> to vector<1x16xf32>
      tpu.vector_store %arg6[%swap3A_876, %swap3A_877], %swap3A_880 {strides = array<i32>} : memref<32x1024xf32, #tpu.memory_space<vmem>>, vector<1x16xf32>,
      %get3A_881 = arith.index_cast %scan3A_150 : i32 to index
      %get3A_882 = arith.constant 976 : index
      %get3A_883 = tpu.vector_load %arg6[%get3A_881, %get3A_882] {strides = array<i32>} : memref<32x1024xf32, #tpu.memory_space<vmem>>, vector<1x16xf32>,
      %get3A_884 = vector.shape_cast %get3A_883 : vector<1x16xf32> to vector<16xf32>
      %mul3A_885 = arith.constant 3.200000e+01 : f32
      %mul3A_886 = vector.broadcast %mul3A_885 : f32 to vector<16xf32>
      %mul3A_887 = arith.mulf %get3A_884, %mul3A_886 : vector<16xf32>
      %swap3A_888 = arith.index_cast %scan3A_150 : i32 to index
      %swap3A_889 = arith.constant 976 : index
      %swap3A_890 = tpu.vector_load %arg6[%swap3A_888, %swap3A_889] {strides = array<i32>} : memref<32x1024xf32, #tpu.memory_space<vmem>>, vector<1x16xf32>,
      %swap3A_891 = vector.shape_cast %swap3A_890 : vector<1x16xf32> to vector<16xf32>
      %swap3A_892 = vector.shape_cast %mul3A_887 : vector<16xf32> to vector<1x16xf32>
      tpu.vector_store %arg6[%swap3A_888, %swap3A_889], %swap3A_892 {strides = array<i32>} : memref<32x1024xf32, #tpu.memory_space<vmem>>, vector<1x16xf32>,
      %get3A_893 = arith.index_cast %scan3A_150 : i32 to index
      %get3A_894 = arith.constant 992 : index
      %get3A_895 = tpu.vector_load %arg6[%get3A_893, %get3A_894] {strides = array<i32>} : memref<32x1024xf32, #tpu.memory_space<vmem>>, vector<1x16xf32>,
      %get3A_896 = vector.shape_cast %get3A_895 : vector<1x16xf32> to vector<16xf32>
      %mul3A_897 = arith.constant 3.200000e+01 : f32
      %mul3A_898 = vector.broadcast %mul3A_897 : f32 to vector<16xf32>
      %mul3A_899 = arith.mulf %get3A_896, %mul3A_898 : vector<16xf32>
      %swap3A_900 = arith.index_cast %scan3A_150 : i32 to index
      %swap3A_901 = arith.constant 992 : index
      %swap3A_902 = tpu.vector_load %arg6[%swap3A_900, %swap3A_901] {strides = array<i32>} : memref<32x1024xf32, #tpu.memory_space<vmem>>, vector<1x16xf32>,
      %swap3A_903 = vector.shape_cast %swap3A_902 : vector<1x16xf32> to vector<16xf32>
      %swap3A_904 = vector.shape_cast %mul3A_899 : vector<16xf32> to vector<1x16xf32>
      tpu.vector_store %arg6[%swap3A_900, %swap3A_901], %swap3A_904 {strides = array<i32>} : memref<32x1024xf32, #tpu.memory_space<vmem>>, vector<1x16xf32>,
      %get3A_905 = arith.index_cast %scan3A_150 : i32 to index
      %get3A_906 = arith.constant 1008 : index
      %get3A_907 = tpu.vector_load %arg6[%get3A_905, %get3A_906] {strides = array<i32>} : memref<32x1024xf32, #tpu.memory_space<vmem>>, vector<1x16xf32>,
      %get3A_908 = vector.shape_cast %get3A_907 : vector<1x16xf32> to vector<16xf32>
      %mul3A_909 = arith.constant 3.200000e+01 : f32
      %mul3A_910 = vector.broadcast %mul3A_909 : f32 to vector<16xf32>
      %mul3A_911 = arith.mulf %get3A_908, %mul3A_910 : vector<16xf32>
      %swap3A_912 = arith.index_cast %scan3A_150 : i32 to index
      %swap3A_913 = arith.constant 1008 : index
      %swap3A_914 = tpu.vector_load %arg6[%swap3A_912, %swap3A_913] {strides = array<i32>} : memref<32x1024xf32, #tpu.memory_space<vmem>>, vector<1x16xf32>,
      %swap3A_915 = vector.shape_cast %swap3A_914 : vector<1x16xf32> to vector<16xf32>
      %swap3A_916 = vector.shape_cast %mul3A_911 : vector<16xf32> to vector<1x16xf32>
      tpu.vector_store %arg6[%swap3A_912, %swap3A_913], %swap3A_916 {strides = array<i32>} : memref<32x1024xf32, #tpu.memory_space<vmem>>, vector<1x16xf32>,
    }
    %scan3A_66 = arith.constant 8 : i32
    %add3A_67 = arith.constant 0 : i32
    %add3A_68 = arith.addi %mul3A_2, %add3A_67 : i32
    %multiple_of3A_69 = tpu.assume_multiple %add3A_68, 8 : i32
    %dma_start3A_70 = arith.constant 0 : i32
    %dma_start3A_71 = arith.constant 0 : i32
    %dma_start3A_72 = tpu.memref_slice %arg6[%dma_start3A_70, %dma_start3A_71] : memref<32x1024xf32, #tpu.memory_space<vmem>> -> memref<8x1024xf32, #tpu.memory_space<vmem>>
    %dma_start3A_73 = arith.constant 0 : i32
    %dma_start3A_74 = tpu.memref_slice %arg4[%multiple_of3A_69, %dma_start3A_73] : memref<16384x1024xf32, #tpu.memory_space<hbm>> -> memref<8x1024xf32, #tpu.memory_space<hbm>>
    %dma_start3A_75 = arith.constant 0 : i32
    %dma_start3A_76 = tpu.memref_slice %arg4[%multiple_of3A_69, %dma_start3A_75] : memref<16384x1024xf32, #tpu.memory_space<hbm>> -> memref<8x1024xf32, #tpu.memory_space<hbm>>
    %dma_start3A_77 = arith.constant 0 : i32
    %dma_start3A_78 = arith.constant 0 : i32
    %dma_start3A_79 = tpu.memref_slice %arg6[%dma_start3A_77, %dma_start3A_78] : memref<32x1024xf32, #tpu.memory_space<vmem>> -> memref<8x1024xf32, #tpu.memory_space<vmem>>
    tpu.enqueue_dma source(%dma_start3A_79 : memref<8x1024xf32, #tpu.memory_space<vmem>>) target(%dma_start3A_76 : memref<8x1024xf32, #tpu.memory_space<hbm>>) target_semaphore(%arg12 : memref<!tpu.dma_semaphore, #tpu.memory_space<semaphore_mem>>)
    %multiple_of3A_80 = arith.constant 40 : i32
    %multiple_of3A_81 = tpu.assume_multiple %multiple_of3A_80, 8 : i32
    %dma_start3A_82 = arith.constant 0 : i32
    %dma_start3A_83 = arith.constant 0 : i32
    %dma_start3A_84 = tpu.memref_slice %arg8[%dma_start3A_82, %dma_start3A_83] : memref<32x1024xf32, #tpu.memory_space<vmem>> -> memref<32x1024xf32, #tpu.memory_space<vmem>>
    %dma_start3A_85 = tpu.memref_slice %arg5[%multiple_of3A_81] : memref<512xi32, #tpu.memory_space<vmem>> -> memref<32xi32, #tpu.memory_space<vmem>>
    %dma_start3A_86 = arith.constant 0 : i32
    %dma_start3A_87 = arith.constant 0 : i32
    %dma_start3A_88 = tpu.memref_slice %arg3[%dma_start3A_86, %dma_start3A_87] : memref<100000x1024xf32, #tpu.memory_space<hbm>> -> memref<100000x1024xf32, #tpu.memory_space<hbm>>
    tpu.enqueue_indirect_dma source(%dma_start3A_88 : memref<100000x1024xf32, #tpu.memory_space<hbm>>) target(%dma_start3A_84 : memref<32x1024xf32, #tpu.memory_space<vmem>>) offsets(%dma_start3A_85 : memref<32xi32, #tpu.memory_space<vmem>>) semaphore(%arg11 : memref<!tpu.dma_semaphore, #tpu.memory_space<semaphore_mem>>)
    %scan3A_89 = arith.constant 0 : i32
    %scan3A_90 = arith.constant 0 : i32
    %scan3A_91 = arith.constant 5 : i32
    %scan3A_92 = arith.addi %scan3A_90, %scan3A_91 : i32
    %scan3A_93 = arith.constant 1 : i32
    scf.for %scan3A_150 = %scan3A_90 to %scan3A_92 step %scan3A_93  : i32 {
      %mul3A_151 = arith.constant 3 : i32
      %mul3A_152 = arith.muli %scan3A_150, %mul3A_151 : i32
      %add3A_153 = arith.constant 1 : i32
      %add3A_154 = arith.addi %mul3A_152, %add3A_153 : i32
      %mul3A_155 = arith.constant 32 : i32
      %mul3A_156 = arith.muli %add3A_154, %mul3A_155 : i32
      %sub3A_157 = arith.constant 24 : i32
      %sub3A_158 = arith.subi %mul3A_156, %sub3A_157 : i32
      %dma_wait3A_159 = arith.constant 0 : i32
      %dma_wait3A_160 = arith.constant 0 : i32
      %dma_wait3A_161 = tpu.memref_slice %arg7[%dma_wait3A_159, %dma_wait3A_160] : memref<32x1024xf32, #tpu.memory_space<vmem>> -> memref<32x1024xf32, #tpu.memory_space<vmem>>
      %dma_wait3A_162 = arith.constant 0 : i32
      %dma_wait3A_163 = arith.constant 0 : i32
      %dma_wait3A_164 = tpu.memref_slice %arg4[%dma_wait3A_162, %dma_wait3A_163] : memref<16384x1024xf32, #tpu.memory_space<hbm>> -> memref<32x1024xf32, #tpu.memory_space<hbm>>
      %dma_wait3A_165 = arith.constant 0 : i32
      %dma_wait3A_166 = arith.constant 0 : i32
      %dma_wait3A_167 = tpu.memref_slice %arg7[%dma_wait3A_165, %dma_wait3A_166] : memref<32x1024xf32, #tpu.memory_space<vmem>> -> memref<32x1024xf32, #tpu.memory_space<vmem>>
      %dma_wait3A_168 = arith.constant 0 : i32
      %dma_wait3A_169 = arith.constant 0 : i32
      %dma_wait3A_170 = tpu.memref_slice %arg4[%dma_wait3A_168, %dma_wait3A_169] : memref<16384x1024xf32, #tpu.memory_space<hbm>> -> memref<32x1024xf32, #tpu.memory_space<hbm>>
      tpu.wait_dma2 semaphore(%arg10 : memref<!tpu.dma_semaphore, #tpu.memory_space<semaphore_mem>>) src(%dma_wait3A_170 : memref<32x1024xf32, #tpu.memory_space<hbm>>) dst(%dma_wait3A_167 : memref<32x1024xf32, #tpu.memory_space<vmem>>)
      %scan3A_171 = arith.constant 0 : i32
      %scan3A_172 = arith.constant 0 : i32
      %scan3A_173 = arith.constant 32 : i32
      %scan3A_174 = arith.addi %scan3A_172, %scan3A_173 : i32
      %scan3A_175 = arith.constant 1 : i32
      scf.for %scan3A_321 = %scan3A_172 to %scan3A_174 step %scan3A_175  : i32 {
        %get3A = arith.index_cast %scan3A_321 : i32 to index
        %get3A_322 = arith.constant 0 : index
        %get3A_323 = tpu.vector_load %arg7[%get3A, %get3A_322] {strides = array<i32>} : memref<32x1024xf32, #tpu.memory_space<vmem>>, vector<1x16xf32>,
        %get3A_324 = vector.shape_cast %get3A_323 : vector<1x16xf32> to vector<16xf32>
        %mul3A_325 = arith.constant 3.200000e+01 : f32
        %mul3A_326 = vector.broadcast %mul3A_325 : f32 to vector<16xf32>
        %mul3A_327 = arith.mulf %get3A_324, %mul3A_326 : vector<16xf32>
        %swap3A = arith.index_cast %scan3A_321 : i32 to index
        %swap3A_328 = arith.constant 0 : index
        %swap3A_329 = tpu.vector_load %arg7[%swap3A, %swap3A_328] {strides = array<i32>} : memref<32x1024xf32, #tpu.memory_space<vmem>>, vector<1x16xf32>,
        %swap3A_330 = vector.shape_cast %swap3A_329 : vector<1x16xf32> to vector<16xf32>
        %swap3A_331 = vector.shape_cast %mul3A_327 : vector<16xf32> to vector<1x16xf32>
        tpu.vector_store %arg7[%swap3A, %swap3A_328], %swap3A_331 {strides = array<i32>} : memref<32x1024xf32, #tpu.memory_space<vmem>>, vector<1x16xf32>,
        %get3A_332 = arith.index_cast %scan3A_321 : i32 to index
        %get3A_333 = arith.constant 16 : index
        %get3A_334 = tpu.vector_load %arg7[%get3A_332, %get3A_333] {strides = array<i32>} : memref<32x1024xf32, #tpu.memory_space<vmem>>, vector<1x16xf32>,
        %get3A_335 = vector.shape_cast %get3A_334 : vector<1x16xf32> to vector<16xf32>
        %mul3A_336 = arith.constant 3.200000e+01 : f32
        %mul3A_337 = vector.broadcast %mul3A_336 : f32 to vector<16xf32>
        %mul3A_338 = arith.mulf %get3A_335, %mul3A_337 : vector<16xf32>
        %swap3A_339 = arith.index_cast %scan3A_321 : i32 to index
        %swap3A_340 = arith.constant 16 : index
        %swap3A_341 = tpu.vector_load %arg7[%swap3A_339, %swap3A_340] {strides = array<i32>} : memref<32x1024xf32, #tpu.memory_space<vmem>>, vector<1x16xf32>,
        %swap3A_342 = vector.shape_cast %swap3A_341 : vector<1x16xf32> to vector<16xf32>
        %swap3A_343 = vector.shape_cast %mul3A_338 : vector<16xf32> to vector<1x16xf32>
        tpu.vector_store %arg7[%swap3A_339, %swap3A_340], %swap3A_343 {strides = array<i32>} : memref<32x1024xf32, #tpu.memory_space<vmem>>, vector<1x16xf32>,
        %get3A_344 = arith.index_cast %scan3A_321 : i32 to index
        %get3A_345 = arith.constant 32 : index
        %get3A_346 = tpu.vector_load %arg7[%get3A_344, %get3A_345] {strides = array<i32>} : memref<32x1024xf32, #tpu.memory_space<vmem>>, vector<1x16xf32>,
        %get3A_347 = vector.shape_cast %get3A_346 : vector<1x16xf32> to vector<16xf32>
        %mul3A_348 = arith.constant 3.200000e+01 : f32
        %mul3A_349 = vector.broadcast %mul3A_348 : f32 to vector<16xf32>
        %mul3A_350 = arith.mulf %get3A_347, %mul3A_349 : vector<16xf32>
        %swap3A_351 = arith.index_cast %scan3A_321 : i32 to index
        %swap3A_352 = arith.constant 32 : index
        %swap3A_353 = tpu.vector_load %arg7[%swap3A_351, %swap3A_352] {strides = array<i32>} : memref<32x1024xf32, #tpu.memory_space<vmem>>, vector<1x16xf32>,
        %swap3A_354 = vector.shape_cast %swap3A_353 : vector<1x16xf32> to vector<16xf32>
        %swap3A_355 = vector.shape_cast %mul3A_350 : vector<16xf32> to vector<1x16xf32>
        tpu.vector_store %arg7[%swap3A_351, %swap3A_352], %swap3A_355 {strides = array<i32>} : memref<32x1024xf32, #tpu.memory_space<vmem>>, vector<1x16xf32>,
        %get3A_356 = arith.index_cast %scan3A_321 : i32 to index
        %get3A_357 = arith.constant 48 : index
        %get3A_358 = tpu.vector_load %arg7[%get3A_356, %get3A_357] {strides = array<i32>} : memref<32x1024xf32, #tpu.memory_space<vmem>>, vector<1x16xf32>,
        %get3A_359 = vector.shape_cast %get3A_358 : vector<1x16xf32> to vector<16xf32>
        %mul3A_360 = arith.constant 3.200000e+01 : f32
        %mul3A_361 = vector.broadcast %mul3A_360 : f32 to vector<16xf32>
        %mul3A_362 = arith.mulf %get3A_359, %mul3A_361 : vector<16xf32>
        %swap3A_363 = arith.index_cast %scan3A_321 : i32 to index
        %swap3A_364 = arith.constant 48 : index
        %swap3A_365 = tpu.vector_load %arg7[%swap3A_363, %swap3A_364] {strides = array<i32>} : memref<32x1024xf32, #tpu.memory_space<vmem>>, vector<1x16xf32>,
        %swap3A_366 = vector.shape_cast %swap3A_365 : vector<1x16xf32> to vector<16xf32>
        %swap3A_367 = vector.shape_cast %mul3A_362 : vector<16xf32> to vector<1x16xf32>
        tpu.vector_store %arg7[%swap3A_363, %swap3A_364], %swap3A_367 {strides = array<i32>} : memref<32x1024xf32, #tpu.memory_space<vmem>>, vector<1x16xf32>,
        %get3A_368 = arith.index_cast %scan3A_321 : i32 to index
        %get3A_369 = arith.constant 64 : index
        %get3A_370 = tpu.vector_load %arg7[%get3A_368, %get3A_369] {strides = array<i32>} : memref<32x1024xf32, #tpu.memory_space<vmem>>, vector<1x16xf32>,
        %get3A_371 = vector.shape_cast %get3A_370 : vector<1x16xf32> to vector<16xf32>
        %mul3A_372 = arith.constant 3.200000e+01 : f32
        %mul3A_373 = vector.broadcast %mul3A_372 : f32 to vector<16xf32>
        %mul3A_374 = arith.mulf %get3A_371, %mul3A_373 : vector<16xf32>
        %swap3A_375 = arith.index_cast %scan3A_321 : i32 to index
        %swap3A_376 = arith.constant 64 : index
        %swap3A_377 = tpu.vector_load %arg7[%swap3A_375, %swap3A_376] {strides = array<i32>} : memref<32x1024xf32, #tpu.memory_space<vmem>>, vector<1x16xf32>,
        %swap3A_378 = vector.shape_cast %swap3A_377 : vector<1x16xf32> to vector<16xf32>
        %swap3A_379 = vector.shape_cast %mul3A_374 : vector<16xf32> to vector<1x16xf32>
        tpu.vector_store %arg7[%swap3A_375, %swap3A_376], %swap3A_379 {strides = array<i32>} : memref<32x1024xf32, #tpu.memory_space<vmem>>, vector<1x16xf32>,
        %get3A_380 = arith.index_cast %scan3A_321 : i32 to index
        %get3A_381 = arith.constant 80 : index
        %get3A_382 = tpu.vector_load %arg7[%get3A_380, %get3A_381] {strides = array<i32>} : memref<32x1024xf32, #tpu.memory_space<vmem>>, vector<1x16xf32>,
        %get3A_383 = vector.shape_cast %get3A_382 : vector<1x16xf32> to vector<16xf32>
        %mul3A_384 = arith.constant 3.200000e+01 : f32
        %mul3A_385 = vector.broadcast %mul3A_384 : f32 to vector<16xf32>
        %mul3A_386 = arith.mulf %get3A_383, %mul3A_385 : vector<16xf32>
        %swap3A_387 = arith.index_cast %scan3A_321 : i32 to index
        %swap3A_388 = arith.constant 80 : index
        %swap3A_389 = tpu.vector_load %arg7[%swap3A_387, %swap3A_388] {strides = array<i32>} : memref<32x1024xf32, #tpu.memory_space<vmem>>, vector<1x16xf32>,
        %swap3A_390 = vector.shape_cast %swap3A_389 : vector<1x16xf32> to vector<16xf32>
        %swap3A_391 = vector.shape_cast %mul3A_386 : vector<16xf32> to vector<1x16xf32>
        tpu.vector_store %arg7[%swap3A_387, %swap3A_388], %swap3A_391 {strides = array<i32>} : memref<32x1024xf32, #tpu.memory_space<vmem>>, vector<1x16xf32>,
        %get3A_392 = arith.index_cast %scan3A_321 : i32 to index
        %get3A_393 = arith.constant 96 : index
        %get3A_394 = tpu.vector_load %arg7[%get3A_392, %get3A_393] {strides = array<i32>} : memref<32x1024xf32, #tpu.memory_space<vmem>>, vector<1x16xf32>,
        %get3A_395 = vector.shape_cast %get3A_394 : vector<1x16xf32> to vector<16xf32>
        %mul3A_396 = arith.constant 3.200000e+01 : f32
        %mul3A_397 = vector.broadcast %mul3A_396 : f32 to vector<16xf32>
        %mul3A_398 = arith.mulf %get3A_395, %mul3A_397 : vector<16xf32>
        %swap3A_399 = arith.index_cast %scan3A_321 : i32 to index
        %swap3A_400 = arith.constant 96 : index
        %swap3A_401 = tpu.vector_load %arg7[%swap3A_399, %swap3A_400] {strides = array<i32>} : memref<32x1024xf32, #tpu.memory_space<vmem>>, vector<1x16xf32>,
        %swap3A_402 = vector.shape_cast %swap3A_401 : vector<1x16xf32> to vector<16xf32>
        %swap3A_403 = vector.shape_cast %mul3A_398 : vector<16xf32> to vector<1x16xf32>
        tpu.vector_store %arg7[%swap3A_399, %swap3A_400], %swap3A_403 {strides = array<i32>} : memref<32x1024xf32, #tpu.memory_space<vmem>>, vector<1x16xf32>,
        %get3A_404 = arith.index_cast %scan3A_321 : i32 to index
        %get3A_405 = arith.constant 112 : index
        %get3A_406 = tpu.vector_load %arg7[%get3A_404, %get3A_405] {strides = array<i32>} : memref<32x1024xf32, #tpu.memory_space<vmem>>, vector<1x16xf32>,
        %get3A_407 = vector.shape_cast %get3A_406 : vector<1x16xf32> to vector<16xf32>
        %mul3A_408 = arith.constant 3.200000e+01 : f32
        %mul3A_409 = vector.broadcast %mul3A_408 : f32 to vector<16xf32>
        %mul3A_410 = arith.mulf %get3A_407, %mul3A_409 : vector<16xf32>
        %swap3A_411 = arith.index_cast %scan3A_321 : i32 to index
        %swap3A_412 = arith.constant 112 : index
        %swap3A_413 = tpu.vector_load %arg7[%swap3A_411, %swap3A_412] {strides = array<i32>} : memref<32x1024xf32, #tpu.memory_space<vmem>>, vector<1x16xf32>,
        %swap3A_414 = vector.shape_cast %swap3A_413 : vector<1x16xf32> to vector<16xf32>
        %swap3A_415 = vector.shape_cast %mul3A_410 : vector<16xf32> to vector<1x16xf32>
        tpu.vector_store %arg7[%swap3A_411, %swap3A_412], %swap3A_415 {strides = array<i32>} : memref<32x1024xf32, #tpu.memory_space<vmem>>, vector<1x16xf32>,
        %get3A_416 = arith.index_cast %scan3A_321 : i32 to index
        %get3A_417 = arith.constant 128 : index
        %get3A_418 = tpu.vector_load %arg7[%get3A_416, %get3A_417] {strides = array<i32>} : memref<32x1024xf32, #tpu.memory_space<vmem>>, vector<1x16xf32>,
        %get3A_419 = vector.shape_cast %get3A_418 : vector<1x16xf32> to vector<16xf32>
        %mul3A_420 = arith.constant 3.200000e+01 : f32
        %mul3A_421 = vector.broadcast %mul3A_420 : f32 to vector<16xf32>
        %mul3A_422 = arith.mulf %get3A_419, %mul3A_421 : vector<16xf32>
        %swap3A_423 = arith.index_cast %scan3A_321 : i32 to index
        %swap3A_424 = arith.constant 128 : index
        %swap3A_425 = tpu.vector_load %arg7[%swap3A_423, %swap3A_424] {strides = array<i32>} : memref<32x1024xf32, #tpu.memory_space<vmem>>, vector<1x16xf32>,
        %swap3A_426 = vector.shape_cast %swap3A_425 : vector<1x16xf32> to vector<16xf32>
        %swap3A_427 = vector.shape_cast %mul3A_422 : vector<16xf32> to vector<1x16xf32>
        tpu.vector_store %arg7[%swap3A_423, %swap3A_424], %swap3A_427 {strides = array<i32>} : memref<32x1024xf32, #tpu.memory_space<vmem>>, vector<1x16xf32>,
        %get3A_428 = arith.index_cast %scan3A_321 : i32 to index
        %get3A_429 = arith.constant 144 : index
        %get3A_430 = tpu.vector_load %arg7[%get3A_428, %get3A_429] {strides = array<i32>} : memref<32x1024xf32, #tpu.memory_space<vmem>>, vector<1x16xf32>,
        %get3A_431 = vector.shape_cast %get3A_430 : vector<1x16xf32> to vector<16xf32>
        %mul3A_432 = arith.constant 3.200000e+01 : f32
        %mul3A_433 = vector.broadcast %mul3A_432 : f32 to vector<16xf32>
        %mul3A_434 = arith.mulf %get3A_431, %mul3A_433 : vector<16xf32>
        %swap3A_435 = arith.index_cast %scan3A_321 : i32 to index
        %swap3A_436 = arith.constant 144 : index
        %swap3A_437 = tpu.vector_load %arg7[%swap3A_435, %swap3A_436] {strides = array<i32>} : memref<32x1024xf32, #tpu.memory_space<vmem>>, vector<1x16xf32>,
        %swap3A_438 = vector.shape_cast %swap3A_437 : vector<1x16xf32> to vector<16xf32>
        %swap3A_439 = vector.shape_cast %mul3A_434 : vector<16xf32> to vector<1x16xf32>
        tpu.vector_store %arg7[%swap3A_435, %swap3A_436], %swap3A_439 {strides = array<i32>} : memref<32x1024xf32, #tpu.memory_space<vmem>>, vector<1x16xf32>,
        %get3A_440 = arith.index_cast %scan3A_321 : i32 to index
        %get3A_441 = arith.constant 160 : index
        %get3A_442 = tpu.vector_load %arg7[%get3A_440, %get3A_441] {strides = array<i32>} : memref<32x1024xf32, #tpu.memory_space<vmem>>, vector<1x16xf32>,
        %get3A_443 = vector.shape_cast %get3A_442 : vector<1x16xf32> to vector<16xf32>
        %mul3A_444 = arith.constant 3.200000e+01 : f32
        %mul3A_445 = vector.broadcast %mul3A_444 : f32 to vector<16xf32>
        %mul3A_446 = arith.mulf %get3A_443, %mul3A_445 : vector<16xf32>
        %swap3A_447 = arith.index_cast %scan3A_321 : i32 to index
        %swap3A_448 = arith.constant 160 : index
        %swap3A_449 = tpu.vector_load %arg7[%swap3A_447, %swap3A_448] {strides = array<i32>} : memref<32x1024xf32, #tpu.memory_space<vmem>>, vector<1x16xf32>,
        %swap3A_450 = vector.shape_cast %swap3A_449 : vector<1x16xf32> to vector<16xf32>
        %swap3A_451 = vector.shape_cast %mul3A_446 : vector<16xf32> to vector<1x16xf32>
        tpu.vector_store %arg7[%swap3A_447, %swap3A_448], %swap3A_451 {strides = array<i32>} : memref<32x1024xf32, #tpu.memory_space<vmem>>, vector<1x16xf32>,
        %get3A_452 = arith.index_cast %scan3A_321 : i32 to index
        %get3A_453 = arith.constant 176 : index
        %get3A_454 = tpu.vector_load %arg7[%get3A_452, %get3A_453] {strides = array<i32>} : memref<32x1024xf32, #tpu.memory_space<vmem>>, vector<1x16xf32>,
        %get3A_455 = vector.shape_cast %get3A_454 : vector<1x16xf32> to vector<16xf32>
        %mul3A_456 = arith.constant 3.200000e+01 : f32
        %mul3A_457 = vector.broadcast %mul3A_456 : f32 to vector<16xf32>
        %mul3A_458 = arith.mulf %get3A_455, %mul3A_457 : vector<16xf32>
        %swap3A_459 = arith.index_cast %scan3A_321 : i32 to index
        %swap3A_460 = arith.constant 176 : index
        %swap3A_461 = tpu.vector_load %arg7[%swap3A_459, %swap3A_460] {strides = array<i32>} : memref<32x1024xf32, #tpu.memory_space<vmem>>, vector<1x16xf32>,
        %swap3A_462 = vector.shape_cast %swap3A_461 : vector<1x16xf32> to vector<16xf32>
        %swap3A_463 = vector.shape_cast %mul3A_458 : vector<16xf32> to vector<1x16xf32>
        tpu.vector_store %arg7[%swap3A_459, %swap3A_460], %swap3A_463 {strides = array<i32>} : memref<32x1024xf32, #tpu.memory_space<vmem>>, vector<1x16xf32>,
        %get3A_464 = arith.index_cast %scan3A_321 : i32 to index
        %get3A_465 = arith.constant 192 : index
        %get3A_466 = tpu.vector_load %arg7[%get3A_464, %get3A_465] {strides = array<i32>} : memref<32x1024xf32, #tpu.memory_space<vmem>>, vector<1x16xf32>,
        %get3A_467 = vector.shape_cast %get3A_466 : vector<1x16xf32> to vector<16xf32>
        %mul3A_468 = arith.constant 3.200000e+01 : f32
        %mul3A_469 = vector.broadcast %mul3A_468 : f32 to vector<16xf32>
        %mul3A_470 = arith.mulf %get3A_467, %mul3A_469 : vector<16xf32>
        %swap3A_471 = arith.index_cast %scan3A_321 : i32 to index
        %swap3A_472 = arith.constant 192 : index
        %swap3A_473 = tpu.vector_load %arg7[%swap3A_471, %swap3A_472] {strides = array<i32>} : memref<32x1024xf32, #tpu.memory_space<vmem>>, vector<1x16xf32>,
        %swap3A_474 = vector.shape_cast %swap3A_473 : vector<1x16xf32> to vector<16xf32>
        %swap3A_475 = vector.shape_cast %mul3A_470 : vector<16xf32> to vector<1x16xf32>
        tpu.vector_store %arg7[%swap3A_471, %swap3A_472], %swap3A_475 {strides = array<i32>} : memref<32x1024xf32, #tpu.memory_space<vmem>>, vector<1x16xf32>,
        %get3A_476 = arith.index_cast %scan3A_321 : i32 to index
        %get3A_477 = arith.constant 208 : index
        %get3A_478 = tpu.vector_load %arg7[%get3A_476, %get3A_477] {strides = array<i32>} : memref<32x1024xf32, #tpu.memory_space<vmem>>, vector<1x16xf32>,
        %get3A_479 = vector.shape_cast %get3A_478 : vector<1x16xf32> to vector<16xf32>
        %mul3A_480 = arith.constant 3.200000e+01 : f32
        %mul3A_481 = vector.broadcast %mul3A_480 : f32 to vector<16xf32>
        %mul3A_482 = arith.mulf %get3A_479, %mul3A_481 : vector<16xf32>
        %swap3A_483 = arith.index_cast %scan3A_321 : i32 to index
        %swap3A_484 = arith.constant 208 : index
        %swap3A_485 = tpu.vector_load %arg7[%swap3A_483, %swap3A_484] {strides = array<i32>} : memref<32x1024xf32, #tpu.memory_space<vmem>>, vector<1x16xf32>,
        %swap3A_486 = vector.shape_cast %swap3A_485 : vector<1x16xf32> to vector<16xf32>
        %swap3A_487 = vector.shape_cast %mul3A_482 : vector<16xf32> to vector<1x16xf32>
        tpu.vector_store %arg7[%swap3A_483, %swap3A_484], %swap3A_487 {strides = array<i32>} : memref<32x1024xf32, #tpu.memory_space<vmem>>, vector<1x16xf32>,
        %get3A_488 = arith.index_cast %scan3A_321 : i32 to index
        %get3A_489 = arith.constant 224 : index
        %get3A_490 = tpu.vector_load %arg7[%get3A_488, %get3A_489] {strides = array<i32>} : memref<32x1024xf32, #tpu.memory_space<vmem>>, vector<1x16xf32>,
        %get3A_491 = vector.shape_cast %get3A_490 : vector<1x16xf32> to vector<16xf32>
        %mul3A_492 = arith.constant 3.200000e+01 : f32
        %mul3A_493 = vector.broadcast %mul3A_492 : f32 to vector<16xf32>
        %mul3A_494 = arith.mulf %get3A_491, %mul3A_493 : vector<16xf32>
        %swap3A_495 = arith.index_cast %scan3A_321 : i32 to index
        %swap3A_496 = arith.constant 224 : index
        %swap3A_497 = tpu.vector_load %arg7[%swap3A_495, %swap3A_496] {strides = array<i32>} : memref<32x1024xf32, #tpu.memory_space<vmem>>, vector<1x16xf32>,
        %swap3A_498 = vector.shape_cast %swap3A_497 : vector<1x16xf32> to vector<16xf32>
        %swap3A_499 = vector.shape_cast %mul3A_494 : vector<16xf32> to vector<1x16xf32>
        tpu.vector_store %arg7[%swap3A_495, %swap3A_496], %swap3A_499 {strides = array<i32>} : memref<32x1024xf32, #tpu.memory_space<vmem>>, vector<1x16xf32>,
        %get3A_500 = arith.index_cast %scan3A_321 : i32 to index
        %get3A_501 = arith.constant 240 : index
        %get3A_502 = tpu.vector_load %arg7[%get3A_500, %get3A_501] {strides = array<i32>} : memref<32x1024xf32, #tpu.memory_space<vmem>>, vector<1x16xf32>,
        %get3A_503 = vector.shape_cast %get3A_502 : vector<1x16xf32> to vector<16xf32>
        %mul3A_504 = arith.constant 3.200000e+01 : f32
        %mul3A_505 = vector.broadcast %mul3A_504 : f32 to vector<16xf32>
        %mul3A_506 = arith.mulf %get3A_503, %mul3A_505 : vector<16xf32>
        %swap3A_507 = arith.index_cast %scan3A_321 : i32 to index
        %swap3A_508 = arith.constant 240 : index
        %swap3A_509 = tpu.vector_load %arg7[%swap3A_507, %swap3A_508] {strides = array<i32>} : memref<32x1024xf32, #tpu.memory_space<vmem>>, vector<1x16xf32>,
        %swap3A_510 = vector.shape_cast %swap3A_509 : vector<1x16xf32> to vector<16xf32>
        %swap3A_511 = vector.shape_cast %mul3A_506 : vector<16xf32> to vector<1x16xf32>
        tpu.vector_store %arg7[%swap3A_507, %swap3A_508], %swap3A_511 {strides = array<i32>} : memref<32x1024xf32, #tpu.memory_space<vmem>>, vector<1x16xf32>,
        %get3A_512 = arith.index_cast %scan3A_321 : i32 to index
        %get3A_513 = arith.constant 256 : index
        %get3A_514 = tpu.vector_load %arg7[%get3A_512, %get3A_513] {strides = array<i32>} : memref<32x1024xf32, #tpu.memory_space<vmem>>, vector<1x16xf32>,
        %get3A_515 = vector.shape_cast %get3A_514 : vector<1x16xf32> to vector<16xf32>
        %mul3A_516 = arith.constant 3.200000e+01 : f32
        %mul3A_517 = vector.broadcast %mul3A_516 : f32 to vector<16xf32>
        %mul3A_518 = arith.mulf %get3A_515, %mul3A_517 : vector<16xf32>
        %swap3A_519 = arith.index_cast %scan3A_321 : i32 to index
        %swap3A_520 = arith.constant 256 : index
        %swap3A_521 = tpu.vector_load %arg7[%swap3A_519, %swap3A_520] {strides = array<i32>} : memref<32x1024xf32, #tpu.memory_space<vmem>>, vector<1x16xf32>,
        %swap3A_522 = vector.shape_cast %swap3A_521 : vector<1x16xf32> to vector<16xf32>
        %swap3A_523 = vector.shape_cast %mul3A_518 : vector<16xf32> to vector<1x16xf32>
        tpu.vector_store %arg7[%swap3A_519, %swap3A_520], %swap3A_523 {strides = array<i32>} : memref<32x1024xf32, #tpu.memory_space<vmem>>, vector<1x16xf32>,
        %get3A_524 = arith.index_cast %scan3A_321 : i32 to index
        %get3A_525 = arith.constant 272 : index
        %get3A_526 = tpu.vector_load %arg7[%get3A_524, %get3A_525] {strides = array<i32>} : memref<32x1024xf32, #tpu.memory_space<vmem>>, vector<1x16xf32>,
        %get3A_527 = vector.shape_cast %get3A_526 : vector<1x16xf32> to vector<16xf32>
        %mul3A_528 = arith.constant 3.200000e+01 : f32
        %mul3A_529 = vector.broadcast %mul3A_528 : f32 to vector<16xf32>
        %mul3A_530 = arith.mulf %get3A_527, %mul3A_529 : vector<16xf32>
        %swap3A_531 = arith.index_cast %scan3A_321 : i32 to index
        %swap3A_532 = arith.constant 272 : index
        %swap3A_533 = tpu.vector_load %arg7[%swap3A_531, %swap3A_532] {strides = array<i32>} : memref<32x1024xf32, #tpu.memory_space<vmem>>, vector<1x16xf32>,
        %swap3A_534 = vector.shape_cast %swap3A_533 : vector<1x16xf32> to vector<16xf32>
        %swap3A_535 = vector.shape_cast %mul3A_530 : vector<16xf32> to vector<1x16xf32>
        tpu.vector_store %arg7[%swap3A_531, %swap3A_532], %swap3A_535 {strides = array<i32>} : memref<32x1024xf32, #tpu.memory_space<vmem>>, vector<1x16xf32>,
        %get3A_536 = arith.index_cast %scan3A_321 : i32 to index
        %get3A_537 = arith.constant 288 : index
        %get3A_538 = tpu.vector_load %arg7[%get3A_536, %get3A_537] {strides = array<i32>} : memref<32x1024xf32, #tpu.memory_space<vmem>>, vector<1x16xf32>,
        %get3A_539 = vector.shape_cast %get3A_538 : vector<1x16xf32> to vector<16xf32>
        %mul3A_540 = arith.constant 3.200000e+01 : f32
        %mul3A_541 = vector.broadcast %mul3A_540 : f32 to vector<16xf32>
        %mul3A_542 = arith.mulf %get3A_539, %mul3A_541 : vector<16xf32>
        %swap3A_543 = arith.index_cast %scan3A_321 : i32 to index
        %swap3A_544 = arith.constant 288 : index
        %swap3A_545 = tpu.vector_load %arg7[%swap3A_543, %swap3A_544] {strides = array<i32>} : memref<32x1024xf32, #tpu.memory_space<vmem>>, vector<1x16xf32>,
        %swap3A_546 = vector.shape_cast %swap3A_545 : vector<1x16xf32> to vector<16xf32>
        %swap3A_547 = vector.shape_cast %mul3A_542 : vector<16xf32> to vector<1x16xf32>
        tpu.vector_store %arg7[%swap3A_543, %swap3A_544], %swap3A_547 {strides = array<i32>} : memref<32x1024xf32, #tpu.memory_space<vmem>>, vector<1x16xf32>,
        %get3A_548 = arith.index_cast %scan3A_321 : i32 to index
        %get3A_549 = arith.constant 304 : index
        %get3A_550 = tpu.vector_load %arg7[%get3A_548, %get3A_549] {strides = array<i32>} : memref<32x1024xf32, #tpu.memory_space<vmem>>, vector<1x16xf32>,
        %get3A_551 = vector.shape_cast %get3A_550 : vector<1x16xf32> to vector<16xf32>
        %mul3A_552 = arith.constant 3.200000e+01 : f32
        %mul3A_553 = vector.broadcast %mul3A_552 : f32 to vector<16xf32>
        %mul3A_554 = arith.mulf %get3A_551, %mul3A_553 : vector<16xf32>
        %swap3A_555 = arith.index_cast %scan3A_321 : i32 to index
        %swap3A_556 = arith.constant 304 : index
        %swap3A_557 = tpu.vector_load %arg7[%swap3A_555, %swap3A_556] {strides = array<i32>} : memref<32x1024xf32, #tpu.memory_space<vmem>>, vector<1x16xf32>,
        %swap3A_558 = vector.shape_cast %swap3A_557 : vector<1x16xf32> to vector<16xf32>
        %swap3A_559 = vector.shape_cast %mul3A_554 : vector<16xf32> to vector<1x16xf32>
        tpu.vector_store %arg7[%swap3A_555, %swap3A_556], %swap3A_559 {strides = array<i32>} : memref<32x1024xf32, #tpu.memory_space<vmem>>, vector<1x16xf32>,
        %get3A_560 = arith.index_cast %scan3A_321 : i32 to index
        %get3A_561 = arith.constant 320 : index
        %get3A_562 = tpu.vector_load %arg7[%get3A_560, %get3A_561] {strides = array<i32>} : memref<32x1024xf32, #tpu.memory_space<vmem>>, vector<1x16xf32>,
        %get3A_563 = vector.shape_cast %get3A_562 : vector<1x16xf32> to vector<16xf32>
        %mul3A_564 = arith.constant 3.200000e+01 : f32
        %mul3A_565 = vector.broadcast %mul3A_564 : f32 to vector<16xf32>
        %mul3A_566 = arith.mulf %get3A_563, %mul3A_565 : vector<16xf32>
        %swap3A_567 = arith.index_cast %scan3A_321 : i32 to index
        %swap3A_568 = arith.constant 320 : index
        %swap3A_569 = tpu.vector_load %arg7[%swap3A_567, %swap3A_568] {strides = array<i32>} : memref<32x1024xf32, #tpu.memory_space<vmem>>, vector<1x16xf32>,
        %swap3A_570 = vector.shape_cast %swap3A_569 : vector<1x16xf32> to vector<16xf32>
        %swap3A_571 = vector.shape_cast %mul3A_566 : vector<16xf32> to vector<1x16xf32>
        tpu.vector_store %arg7[%swap3A_567, %swap3A_568], %swap3A_571 {strides = array<i32>} : memref<32x1024xf32, #tpu.memory_space<vmem>>, vector<1x16xf32>,
        %get3A_572 = arith.index_cast %scan3A_321 : i32 to index
        %get3A_573 = arith.constant 336 : index
        %get3A_574 = tpu.vector_load %arg7[%get3A_572, %get3A_573] {strides = array<i32>} : memref<32x1024xf32, #tpu.memory_space<vmem>>, vector<1x16xf32>,
        %get3A_575 = vector.shape_cast %get3A_574 : vector<1x16xf32> to vector<16xf32>
        %mul3A_576 = arith.constant 3.200000e+01 : f32
        %mul3A_577 = vector.broadcast %mul3A_576 : f32 to vector<16xf32>
        %mul3A_578 = arith.mulf %get3A_575, %mul3A_577 : vector<16xf32>
        %swap3A_579 = arith.index_cast %scan3A_321 : i32 to index
        %swap3A_580 = arith.constant 336 : index
        %swap3A_581 = tpu.vector_load %arg7[%swap3A_579, %swap3A_580] {strides = array<i32>} : memref<32x1024xf32, #tpu.memory_space<vmem>>, vector<1x16xf32>,
        %swap3A_582 = vector.shape_cast %swap3A_581 : vector<1x16xf32> to vector<16xf32>
        %swap3A_583 = vector.shape_cast %mul3A_578 : vector<16xf32> to vector<1x16xf32>
        tpu.vector_store %arg7[%swap3A_579, %swap3A_580], %swap3A_583 {strides = array<i32>} : memref<32x1024xf32, #tpu.memory_space<vmem>>, vector<1x16xf32>,
        %get3A_584 = arith.index_cast %scan3A_321 : i32 to index
        %get3A_585 = arith.constant 352 : index
        %get3A_586 = tpu.vector_load %arg7[%get3A_584, %get3A_585] {strides = array<i32>} : memref<32x1024xf32, #tpu.memory_space<vmem>>, vector<1x16xf32>,
        %get3A_587 = vector.shape_cast %get3A_586 : vector<1x16xf32> to vector<16xf32>
        %mul3A_588 = arith.constant 3.200000e+01 : f32
        %mul3A_589 = vector.broadcast %mul3A_588 : f32 to vector<16xf32>
        %mul3A_590 = arith.mulf %get3A_587, %mul3A_589 : vector<16xf32>
        %swap3A_591 = arith.index_cast %scan3A_321 : i32 to index
        %swap3A_592 = arith.constant 352 : index
        %swap3A_593 = tpu.vector_load %arg7[%swap3A_591, %swap3A_592] {strides = array<i32>} : memref<32x1024xf32, #tpu.memory_space<vmem>>, vector<1x16xf32>,
        %swap3A_594 = vector.shape_cast %swap3A_593 : vector<1x16xf32> to vector<16xf32>
        %swap3A_595 = vector.shape_cast %mul3A_590 : vector<16xf32> to vector<1x16xf32>
        tpu.vector_store %arg7[%swap3A_591, %swap3A_592], %swap3A_595 {strides = array<i32>} : memref<32x1024xf32, #tpu.memory_space<vmem>>, vector<1x16xf32>,
        %get3A_596 = arith.index_cast %scan3A_321 : i32 to index
        %get3A_597 = arith.constant 368 : index
        %get3A_598 = tpu.vector_load %arg7[%get3A_596, %get3A_597] {strides = array<i32>} : memref<32x1024xf32, #tpu.memory_space<vmem>>, vector<1x16xf32>,
        %get3A_599 = vector.shape_cast %get3A_598 : vector<1x16xf32> to vector<16xf32>
        %mul3A_600 = arith.constant 3.200000e+01 : f32
        %mul3A_601 = vector.broadcast %mul3A_600 : f32 to vector<16xf32>
        %mul3A_602 = arith.mulf %get3A_599, %mul3A_601 : vector<16xf32>
        %swap3A_603 = arith.index_cast %scan3A_321 : i32 to index
        %swap3A_604 = arith.constant 368 : index
        %swap3A_605 = tpu.vector_load %arg7[%swap3A_603, %swap3A_604] {strides = array<i32>} : memref<32x1024xf32, #tpu.memory_space<vmem>>, vector<1x16xf32>,
        %swap3A_606 = vector.shape_cast %swap3A_605 : vector<1x16xf32> to vector<16xf32>
        %swap3A_607 = vector.shape_cast %mul3A_602 : vector<16xf32> to vector<1x16xf32>
        tpu.vector_store %arg7[%swap3A_603, %swap3A_604], %swap3A_607 {strides = array<i32>} : memref<32x1024xf32, #tpu.memory_space<vmem>>, vector<1x16xf32>,
        %get3A_608 = arith.index_cast %scan3A_321 : i32 to index
        %get3A_609 = arith.constant 384 : index
        %get3A_610 = tpu.vector_load %arg7[%get3A_608, %get3A_609] {strides = array<i32>} : memref<32x1024xf32, #tpu.memory_space<vmem>>, vector<1x16xf32>,
        %get3A_611 = vector.shape_cast %get3A_610 : vector<1x16xf32> to vector<16xf32>
        %mul3A_612 = arith.constant 3.200000e+01 : f32
        %mul3A_613 = vector.broadcast %mul3A_612 : f32 to vector<16xf32>
        %mul3A_614 = arith.mulf %get3A_611, %mul3A_613 : vector<16xf32>
        %swap3A_615 = arith.index_cast %scan3A_321 : i32 to index
        %swap3A_616 = arith.constant 384 : index
        %swap3A_617 = tpu.vector_load %arg7[%swap3A_615, %swap3A_616] {strides = array<i32>} : memref<32x1024xf32, #tpu.memory_space<vmem>>, vector<1x16xf32>,
        %swap3A_618 = vector.shape_cast %swap3A_617 : vector<1x16xf32> to vector<16xf32>
        %swap3A_619 = vector.shape_cast %mul3A_614 : vector<16xf32> to vector<1x16xf32>
        tpu.vector_store %arg7[%swap3A_615, %swap3A_616], %swap3A_619 {strides = array<i32>} : memref<32x1024xf32, #tpu.memory_space<vmem>>, vector<1x16xf32>,
        %get3A_620 = arith.index_cast %scan3A_321 : i32 to index
        %get3A_621 = arith.constant 400 : index
        %get3A_622 = tpu.vector_load %arg7[%get3A_620, %get3A_621] {strides = array<i32>} : memref<32x1024xf32, #tpu.memory_space<vmem>>, vector<1x16xf32>,
        %get3A_623 = vector.shape_cast %get3A_622 : vector<1x16xf32> to vector<16xf32>
        %mul3A_624 = arith.constant 3.200000e+01 : f32
        %mul3A_625 = vector.broadcast %mul3A_624 : f32 to vector<16xf32>
        %mul3A_626 = arith.mulf %get3A_623, %mul3A_625 : vector<16xf32>
        %swap3A_627 = arith.index_cast %scan3A_321 : i32 to index
        %swap3A_628 = arith.constant 400 : index
        %swap3A_629 = tpu.vector_load %arg7[%swap3A_627, %swap3A_628] {strides = array<i32>} : memref<32x1024xf32, #tpu.memory_space<vmem>>, vector<1x16xf32>,
        %swap3A_630 = vector.shape_cast %swap3A_629 : vector<1x16xf32> to vector<16xf32>
        %swap3A_631 = vector.shape_cast %mul3A_626 : vector<16xf32> to vector<1x16xf32>
        tpu.vector_store %arg7[%swap3A_627, %swap3A_628], %swap3A_631 {strides = array<i32>} : memref<32x1024xf32, #tpu.memory_space<vmem>>, vector<1x16xf32>,
        %get3A_632 = arith.index_cast %scan3A_321 : i32 to index
        %get3A_633 = arith.constant 416 : index
        %get3A_634 = tpu.vector_load %arg7[%get3A_632, %get3A_633] {strides = array<i32>} : memref<32x1024xf32, #tpu.memory_space<vmem>>, vector<1x16xf32>,
        %get3A_635 = vector.shape_cast %get3A_634 : vector<1x16xf32> to vector<16xf32>
        %mul3A_636 = arith.constant 3.200000e+01 : f32
        %mul3A_637 = vector.broadcast %mul3A_636 : f32 to vector<16xf32>
        %mul3A_638 = arith.mulf %get3A_635, %mul3A_637 : vector<16xf32>
        %swap3A_639 = arith.index_cast %scan3A_321 : i32 to index
        %swap3A_640 = arith.constant 416 : index
        %swap3A_641 = tpu.vector_load %arg7[%swap3A_639, %swap3A_640] {strides = array<i32>} : memref<32x1024xf32, #tpu.memory_space<vmem>>, vector<1x16xf32>,
        %swap3A_642 = vector.shape_cast %swap3A_641 : vector<1x16xf32> to vector<16xf32>
        %swap3A_643 = vector.shape_cast %mul3A_638 : vector<16xf32> to vector<1x16xf32>
        tpu.vector_store %arg7[%swap3A_639, %swap3A_640], %swap3A_643 {strides = array<i32>} : memref<32x1024xf32, #tpu.memory_space<vmem>>, vector<1x16xf32>,
        %get3A_644 = arith.index_cast %scan3A_321 : i32 to index
        %get3A_645 = arith.constant 432 : index
        %get3A_646 = tpu.vector_load %arg7[%get3A_644, %get3A_645] {strides = array<i32>} : memref<32x1024xf32, #tpu.memory_space<vmem>>, vector<1x16xf32>,
        %get3A_647 = vector.shape_cast %get3A_646 : vector<1x16xf32> to vector<16xf32>
        %mul3A_648 = arith.constant 3.200000e+01 : f32
        %mul3A_649 = vector.broadcast %mul3A_648 : f32 to vector<16xf32>
        %mul3A_650 = arith.mulf %get3A_647, %mul3A_649 : vector<16xf32>
        %swap3A_651 = arith.index_cast %scan3A_321 : i32 to index
        %swap3A_652 = arith.constant 432 : index
        %swap3A_653 = tpu.vector_load %arg7[%swap3A_651, %swap3A_652] {strides = array<i32>} : memref<32x1024xf32, #tpu.memory_space<vmem>>, vector<1x16xf32>,
        %swap3A_654 = vector.shape_cast %swap3A_653 : vector<1x16xf32> to vector<16xf32>
        %swap3A_655 = vector.shape_cast %mul3A_650 : vector<16xf32> to vector<1x16xf32>
        tpu.vector_store %arg7[%swap3A_651, %swap3A_652], %swap3A_655 {strides = array<i32>} : memref<32x1024xf32, #tpu.memory_space<vmem>>, vector<1x16xf32>,
        %get3A_656 = arith.index_cast %scan3A_321 : i32 to index
        %get3A_657 = arith.constant 448 : index
        %get3A_658 = tpu.vector_load %arg7[%get3A_656, %get3A_657] {strides = array<i32>} : memref<32x1024xf32, #tpu.memory_space<vmem>>, vector<1x16xf32>,
        %get3A_659 = vector.shape_cast %get3A_658 : vector<1x16xf32> to vector<16xf32>
        %mul3A_660 = arith.constant 3.200000e+01 : f32
        %mul3A_661 = vector.broadcast %mul3A_660 : f32 to vector<16xf32>
        %mul3A_662 = arith.mulf %get3A_659, %mul3A_661 : vector<16xf32>
        %swap3A_663 = arith.index_cast %scan3A_321 : i32 to index
        %swap3A_664 = arith.constant 448 : index
        %swap3A_665 = tpu.vector_load %arg7[%swap3A_663, %swap3A_664] {strides = array<i32>} : memref<32x1024xf32, #tpu.memory_space<vmem>>, vector<1x16xf32>,
        %swap3A_666 = vector.shape_cast %swap3A_665 : vector<1x16xf32> to vector<16xf32>
        %swap3A_667 = vector.shape_cast %mul3A_662 : vector<16xf32> to vector<1x16xf32>
        tpu.vector_store %arg7[%swap3A_663, %swap3A_664], %swap3A_667 {strides = array<i32>} : memref<32x1024xf32, #tpu.memory_space<vmem>>, vector<1x16xf32>,
        %get3A_668 = arith.index_cast %scan3A_321 : i32 to index
        %get3A_669 = arith.constant 464 : index
        %get3A_670 = tpu.vector_load %arg7[%get3A_668, %get3A_669] {strides = array<i32>} : memref<32x1024xf32, #tpu.memory_space<vmem>>, vector<1x16xf32>,
        %get3A_671 = vector.shape_cast %get3A_670 : vector<1x16xf32> to vector<16xf32>
        %mul3A_672 = arith.constant 3.200000e+01 : f32
        %mul3A_673 = vector.broadcast %mul3A_672 : f32 to vector<16xf32>
        %mul3A_674 = arith.mulf %get3A_671, %mul3A_673 : vector<16xf32>
        %swap3A_675 = arith.index_cast %scan3A_321 : i32 to index
        %swap3A_676 = arith.constant 464 : index
        %swap3A_677 = tpu.vector_load %arg7[%swap3A_675, %swap3A_676] {strides = array<i32>} : memref<32x1024xf32, #tpu.memory_space<vmem>>, vector<1x16xf32>,
        %swap3A_678 = vector.shape_cast %swap3A_677 : vector<1x16xf32> to vector<16xf32>
        %swap3A_679 = vector.shape_cast %mul3A_674 : vector<16xf32> to vector<1x16xf32>
        tpu.vector_store %arg7[%swap3A_675, %swap3A_676], %swap3A_679 {strides = array<i32>} : memref<32x1024xf32, #tpu.memory_space<vmem>>, vector<1x16xf32>,
        %get3A_680 = arith.index_cast %scan3A_321 : i32 to index
        %get3A_681 = arith.constant 480 : index
        %get3A_682 = tpu.vector_load %arg7[%get3A_680, %get3A_681] {strides = array<i32>} : memref<32x1024xf32, #tpu.memory_space<vmem>>, vector<1x16xf32>,
        %get3A_683 = vector.shape_cast %get3A_682 : vector<1x16xf32> to vector<16xf32>
        %mul3A_684 = arith.constant 3.200000e+01 : f32
        %mul3A_685 = vector.broadcast %mul3A_684 : f32 to vector<16xf32>
        %mul3A_686 = arith.mulf %get3A_683, %mul3A_685 : vector<16xf32>
        %swap3A_687 = arith.index_cast %scan3A_321 : i32 to index
        %swap3A_688 = arith.constant 480 : index
        %swap3A_689 = tpu.vector_load %arg7[%swap3A_687, %swap3A_688] {strides = array<i32>} : memref<32x1024xf32, #tpu.memory_space<vmem>>, vector<1x16xf32>,
        %swap3A_690 = vector.shape_cast %swap3A_689 : vector<1x16xf32> to vector<16xf32>
        %swap3A_691 = vector.shape_cast %mul3A_686 : vector<16xf32> to vector<1x16xf32>
        tpu.vector_store %arg7[%swap3A_687, %swap3A_688], %swap3A_691 {strides = array<i32>} : memref<32x1024xf32, #tpu.memory_space<vmem>>, vector<1x16xf32>,
        %get3A_692 = arith.index_cast %scan3A_321 : i32 to index
        %get3A_693 = arith.constant 496 : index
        %get3A_694 = tpu.vector_load %arg7[%get3A_692, %get3A_693] {strides = array<i32>} : memref<32x1024xf32, #tpu.memory_space<vmem>>, vector<1x16xf32>,
        %get3A_695 = vector.shape_cast %get3A_694 : vector<1x16xf32> to vector<16xf32>
        %mul3A_696 = arith.constant 3.200000e+01 : f32
        %mul3A_697 = vector.broadcast %mul3A_696 : f32 to vector<16xf32>
        %mul3A_698 = arith.mulf %get3A_695, %mul3A_697 : vector<16xf32>
        %swap3A_699 = arith.index_cast %scan3A_321 : i32 to index
        %swap3A_700 = arith.constant 496 : index
        %swap3A_701 = tpu.vector_load %arg7[%swap3A_699, %swap3A_700] {strides = array<i32>} : memref<32x1024xf32, #tpu.memory_space<vmem>>, vector<1x16xf32>,
        %swap3A_702 = vector.shape_cast %swap3A_701 : vector<1x16xf32> to vector<16xf32>
        %swap3A_703 = vector.shape_cast %mul3A_698 : vector<16xf32> to vector<1x16xf32>
        tpu.vector_store %arg7[%swap3A_699, %swap3A_700], %swap3A_703 {strides = array<i32>} : memref<32x1024xf32, #tpu.memory_space<vmem>>, vector<1x16xf32>,
        %get3A_704 = arith.index_cast %scan3A_321 : i32 to index
        %get3A_705 = arith.constant 512 : index
        %get3A_706 = tpu.vector_load %arg7[%get3A_704, %get3A_705] {strides = array<i32>} : memref<32x1024xf32, #tpu.memory_space<vmem>>, vector<1x16xf32>,
        %get3A_707 = vector.shape_cast %get3A_706 : vector<1x16xf32> to vector<16xf32>
        %mul3A_708 = arith.constant 3.200000e+01 : f32
        %mul3A_709 = vector.broadcast %mul3A_708 : f32 to vector<16xf32>
        %mul3A_710 = arith.mulf %get3A_707, %mul3A_709 : vector<16xf32>
        %swap3A_711 = arith.index_cast %scan3A_321 : i32 to index
        %swap3A_712 = arith.constant 512 : index
        %swap3A_713 = tpu.vector_load %arg7[%swap3A_711, %swap3A_712] {strides = array<i32>} : memref<32x1024xf32, #tpu.memory_space<vmem>>, vector<1x16xf32>,
        %swap3A_714 = vector.shape_cast %swap3A_713 : vector<1x16xf32> to vector<16xf32>
        %swap3A_715 = vector.shape_cast %mul3A_710 : vector<16xf32> to vector<1x16xf32>
        tpu.vector_store %arg7[%swap3A_711, %swap3A_712], %swap3A_715 {strides = array<i32>} : memref<32x1024xf32, #tpu.memory_space<vmem>>, vector<1x16xf32>,
        %get3A_716 = arith.index_cast %scan3A_321 : i32 to index
        %get3A_717 = arith.constant 528 : index
        %get3A_718 = tpu.vector_load %arg7[%get3A_716, %get3A_717] {strides = array<i32>} : memref<32x1024xf32, #tpu.memory_space<vmem>>, vector<1x16xf32>,
        %get3A_719 = vector.shape_cast %get3A_718 : vector<1x16xf32> to vector<16xf32>
        %mul3A_720 = arith.constant 3.200000e+01 : f32
        %mul3A_721 = vector.broadcast %mul3A_720 : f32 to vector<16xf32>
        %mul3A_722 = arith.mulf %get3A_719, %mul3A_721 : vector<16xf32>
        %swap3A_723 = arith.index_cast %scan3A_321 : i32 to index
        %swap3A_724 = arith.constant 528 : index
        %swap3A_725 = tpu.vector_load %arg7[%swap3A_723, %swap3A_724] {strides = array<i32>} : memref<32x1024xf32, #tpu.memory_space<vmem>>, vector<1x16xf32>,
        %swap3A_726 = vector.shape_cast %swap3A_725 : vector<1x16xf32> to vector<16xf32>
        %swap3A_727 = vector.shape_cast %mul3A_722 : vector<16xf32> to vector<1x16xf32>
        tpu.vector_store %arg7[%swap3A_723, %swap3A_724], %swap3A_727 {strides = array<i32>} : memref<32x1024xf32, #tpu.memory_space<vmem>>, vector<1x16xf32>,
        %get3A_728 = arith.index_cast %scan3A_321 : i32 to index
        %get3A_729 = arith.constant 544 : index
        %get3A_730 = tpu.vector_load %arg7[%get3A_728, %get3A_729] {strides = array<i32>} : memref<32x1024xf32, #tpu.memory_space<vmem>>, vector<1x16xf32>,
        %get3A_731 = vector.shape_cast %get3A_730 : vector<1x16xf32> to vector<16xf32>
        %mul3A_732 = arith.constant 3.200000e+01 : f32
        %mul3A_733 = vector.broadcast %mul3A_732 : f32 to vector<16xf32>
        %mul3A_734 = arith.mulf %get3A_731, %mul3A_733 : vector<16xf32>
        %swap3A_735 = arith.index_cast %scan3A_321 : i32 to index
        %swap3A_736 = arith.constant 544 : index
        %swap3A_737 = tpu.vector_load %arg7[%swap3A_735, %swap3A_736] {strides = array<i32>} : memref<32x1024xf32, #tpu.memory_space<vmem>>, vector<1x16xf32>,
        %swap3A_738 = vector.shape_cast %swap3A_737 : vector<1x16xf32> to vector<16xf32>
        %swap3A_739 = vector.shape_cast %mul3A_734 : vector<16xf32> to vector<1x16xf32>
        tpu.vector_store %arg7[%swap3A_735, %swap3A_736], %swap3A_739 {strides = array<i32>} : memref<32x1024xf32, #tpu.memory_space<vmem>>, vector<1x16xf32>,
        %get3A_740 = arith.index_cast %scan3A_321 : i32 to index
        %get3A_741 = arith.constant 560 : index
        %get3A_742 = tpu.vector_load %arg7[%get3A_740, %get3A_741] {strides = array<i32>} : memref<32x1024xf32, #tpu.memory_space<vmem>>, vector<1x16xf32>,
        %get3A_743 = vector.shape_cast %get3A_742 : vector<1x16xf32> to vector<16xf32>
        %mul3A_744 = arith.constant 3.200000e+01 : f32
        %mul3A_745 = vector.broadcast %mul3A_744 : f32 to vector<16xf32>
        %mul3A_746 = arith.mulf %get3A_743, %mul3A_745 : vector<16xf32>
        %swap3A_747 = arith.index_cast %scan3A_321 : i32 to index
        %swap3A_748 = arith.constant 560 : index
        %swap3A_749 = tpu.vector_load %arg7[%swap3A_747, %swap3A_748] {strides = array<i32>} : memref<32x1024xf32, #tpu.memory_space<vmem>>, vector<1x16xf32>,
        %swap3A_750 = vector.shape_cast %swap3A_749 : vector<1x16xf32> to vector<16xf32>
        %swap3A_751 = vector.shape_cast %mul3A_746 : vector<16xf32> to vector<1x16xf32>
        tpu.vector_store %arg7[%swap3A_747, %swap3A_748], %swap3A_751 {strides = array<i32>} : memref<32x1024xf32, #tpu.memory_space<vmem>>, vector<1x16xf32>,
        %get3A_752 = arith.index_cast %scan3A_321 : i32 to index
        %get3A_753 = arith.constant 576 : index
        %get3A_754 = tpu.vector_load %arg7[%get3A_752, %get3A_753] {strides = array<i32>} : memref<32x1024xf32, #tpu.memory_space<vmem>>, vector<1x16xf32>,
        %get3A_755 = vector.shape_cast %get3A_754 : vector<1x16xf32> to vector<16xf32>
        %mul3A_756 = arith.constant 3.200000e+01 : f32
        %mul3A_757 = vector.broadcast %mul3A_756 : f32 to vector<16xf32>
        %mul3A_758 = arith.mulf %get3A_755, %mul3A_757 : vector<16xf32>
        %swap3A_759 = arith.index_cast %scan3A_321 : i32 to index
        %swap3A_760 = arith.constant 576 : index
        %swap3A_761 = tpu.vector_load %arg7[%swap3A_759, %swap3A_760] {strides = array<i32>} : memref<32x1024xf32, #tpu.memory_space<vmem>>, vector<1x16xf32>,
        %swap3A_762 = vector.shape_cast %swap3A_761 : vector<1x16xf32> to vector<16xf32>
        %swap3A_763 = vector.shape_cast %mul3A_758 : vector<16xf32> to vector<1x16xf32>
        tpu.vector_store %arg7[%swap3A_759, %swap3A_760], %swap3A_763 {strides = array<i32>} : memref<32x1024xf32, #tpu.memory_space<vmem>>, vector<1x16xf32>,
        %get3A_764 = arith.index_cast %scan3A_321 : i32 to index
        %get3A_765 = arith.constant 592 : index
        %get3A_766 = tpu.vector_load %arg7[%get3A_764, %get3A_765] {strides = array<i32>} : memref<32x1024xf32, #tpu.memory_space<vmem>>, vector<1x16xf32>,
        %get3A_767 = vector.shape_cast %get3A_766 : vector<1x16xf32> to vector<16xf32>
        %mul3A_768 = arith.constant 3.200000e+01 : f32
        %mul3A_769 = vector.broadcast %mul3A_768 : f32 to vector<16xf32>
        %mul3A_770 = arith.mulf %get3A_767, %mul3A_769 : vector<16xf32>
        %swap3A_771 = arith.index_cast %scan3A_321 : i32 to index
        %swap3A_772 = arith.constant 592 : index
        %swap3A_773 = tpu.vector_load %arg7[%swap3A_771, %swap3A_772] {strides = array<i32>} : memref<32x1024xf32, #tpu.memory_space<vmem>>, vector<1x16xf32>,
        %swap3A_774 = vector.shape_cast %swap3A_773 : vector<1x16xf32> to vector<16xf32>
        %swap3A_775 = vector.shape_cast %mul3A_770 : vector<16xf32> to vector<1x16xf32>
        tpu.vector_store %arg7[%swap3A_771, %swap3A_772], %swap3A_775 {strides = array<i32>} : memref<32x1024xf32, #tpu.memory_space<vmem>>, vector<1x16xf32>,
        %get3A_776 = arith.index_cast %scan3A_321 : i32 to index
        %get3A_777 = arith.constant 608 : index
        %get3A_778 = tpu.vector_load %arg7[%get3A_776, %get3A_777] {strides = array<i32>} : memref<32x1024xf32, #tpu.memory_space<vmem>>, vector<1x16xf32>,
        %get3A_779 = vector.shape_cast %get3A_778 : vector<1x16xf32> to vector<16xf32>
        %mul3A_780 = arith.constant 3.200000e+01 : f32
        %mul3A_781 = vector.broadcast %mul3A_780 : f32 to vector<16xf32>
        %mul3A_782 = arith.mulf %get3A_779, %mul3A_781 : vector<16xf32>
        %swap3A_783 = arith.index_cast %scan3A_321 : i32 to index
        %swap3A_784 = arith.constant 608 : index
        %swap3A_785 = tpu.vector_load %arg7[%swap3A_783, %swap3A_784] {strides = array<i32>} : memref<32x1024xf32, #tpu.memory_space<vmem>>, vector<1x16xf32>,
        %swap3A_786 = vector.shape_cast %swap3A_785 : vector<1x16xf32> to vector<16xf32>
        %swap3A_787 = vector.shape_cast %mul3A_782 : vector<16xf32> to vector<1x16xf32>
        tpu.vector_store %arg7[%swap3A_783, %swap3A_784], %swap3A_787 {strides = array<i32>} : memref<32x1024xf32, #tpu.memory_space<vmem>>, vector<1x16xf32>,
        %get3A_788 = arith.index_cast %scan3A_321 : i32 to index
        %get3A_789 = arith.constant 624 : index
        %get3A_790 = tpu.vector_load %arg7[%get3A_788, %get3A_789] {strides = array<i32>} : memref<32x1024xf32, #tpu.memory_space<vmem>>, vector<1x16xf32>,
        %get3A_791 = vector.shape_cast %get3A_790 : vector<1x16xf32> to vector<16xf32>
        %mul3A_792 = arith.constant 3.200000e+01 : f32
        %mul3A_793 = vector.broadcast %mul3A_792 : f32 to vector<16xf32>
        %mul3A_794 = arith.mulf %get3A_791, %mul3A_793 : vector<16xf32>
        %swap3A_795 = arith.index_cast %scan3A_321 : i32 to index
        %swap3A_796 = arith.constant 624 : index
        %swap3A_797 = tpu.vector_load %arg7[%swap3A_795, %swap3A_796] {strides = array<i32>} : memref<32x1024xf32, #tpu.memory_space<vmem>>, vector<1x16xf32>,
        %swap3A_798 = vector.shape_cast %swap3A_797 : vector<1x16xf32> to vector<16xf32>
        %swap3A_799 = vector.shape_cast %mul3A_794 : vector<16xf32> to vector<1x16xf32>
        tpu.vector_store %arg7[%swap3A_795, %swap3A_796], %swap3A_799 {strides = array<i32>} : memref<32x1024xf32, #tpu.memory_space<vmem>>, vector<1x16xf32>,
        %get3A_800 = arith.index_cast %scan3A_321 : i32 to index
        %get3A_801 = arith.constant 640 : index
        %get3A_802 = tpu.vector_load %arg7[%get3A_800, %get3A_801] {strides = array<i32>} : memref<32x1024xf32, #tpu.memory_space<vmem>>, vector<1x16xf32>,
        %get3A_803 = vector.shape_cast %get3A_802 : vector<1x16xf32> to vector<16xf32>
        %mul3A_804 = arith.constant 3.200000e+01 : f32
        %mul3A_805 = vector.broadcast %mul3A_804 : f32 to vector<16xf32>
        %mul3A_806 = arith.mulf %get3A_803, %mul3A_805 : vector<16xf32>
        %swap3A_807 = arith.index_cast %scan3A_321 : i32 to index
        %swap3A_808 = arith.constant 640 : index
        %swap3A_809 = tpu.vector_load %arg7[%swap3A_807, %swap3A_808] {strides = array<i32>} : memref<32x1024xf32, #tpu.memory_space<vmem>>, vector<1x16xf32>,
        %swap3A_810 = vector.shape_cast %swap3A_809 : vector<1x16xf32> to vector<16xf32>
        %swap3A_811 = vector.shape_cast %mul3A_806 : vector<16xf32> to vector<1x16xf32>
        tpu.vector_store %arg7[%swap3A_807, %swap3A_808], %swap3A_811 {strides = array<i32>} : memref<32x1024xf32, #tpu.memory_space<vmem>>, vector<1x16xf32>,
        %get3A_812 = arith.index_cast %scan3A_321 : i32 to index
        %get3A_813 = arith.constant 656 : index
        %get3A_814 = tpu.vector_load %arg7[%get3A_812, %get3A_813] {strides = array<i32>} : memref<32x1024xf32, #tpu.memory_space<vmem>>, vector<1x16xf32>,
        %get3A_815 = vector.shape_cast %get3A_814 : vector<1x16xf32> to vector<16xf32>
        %mul3A_816 = arith.constant 3.200000e+01 : f32
        %mul3A_817 = vector.broadcast %mul3A_816 : f32 to vector<16xf32>
        %mul3A_818 = arith.mulf %get3A_815, %mul3A_817 : vector<16xf32>
        %swap3A_819 = arith.index_cast %scan3A_321 : i32 to index
        %swap3A_820 = arith.constant 656 : index
        %swap3A_821 = tpu.vector_load %arg7[%swap3A_819, %swap3A_820] {strides = array<i32>} : memref<32x1024xf32, #tpu.memory_space<vmem>>, vector<1x16xf32>,
        %swap3A_822 = vector.shape_cast %swap3A_821 : vector<1x16xf32> to vector<16xf32>
        %swap3A_823 = vector.shape_cast %mul3A_818 : vector<16xf32> to vector<1x16xf32>
        tpu.vector_store %arg7[%swap3A_819, %swap3A_820], %swap3A_823 {strides = array<i32>} : memref<32x1024xf32, #tpu.memory_space<vmem>>, vector<1x16xf32>,
        %get3A_824 = arith.index_cast %scan3A_321 : i32 to index
        %get3A_825 = arith.constant 672 : index
        %get3A_826 = tpu.vector_load %arg7[%get3A_824, %get3A_825] {strides = array<i32>} : memref<32x1024xf32, #tpu.memory_space<vmem>>, vector<1x16xf32>,
        %get3A_827 = vector.shape_cast %get3A_826 : vector<1x16xf32> to vector<16xf32>
        %mul3A_828 = arith.constant 3.200000e+01 : f32
        %mul3A_829 = vector.broadcast %mul3A_828 : f32 to vector<16xf32>
        %mul3A_830 = arith.mulf %get3A_827, %mul3A_829 : vector<16xf32>
        %swap3A_831 = arith.index_cast %scan3A_321 : i32 to index
        %swap3A_832 = arith.constant 672 : index
        %swap3A_833 = tpu.vector_load %arg7[%swap3A_831, %swap3A_832] {strides = array<i32>} : memref<32x1024xf32, #tpu.memory_space<vmem>>, vector<1x16xf32>,
        %swap3A_834 = vector.shape_cast %swap3A_833 : vector<1x16xf32> to vector<16xf32>
        %swap3A_835 = vector.shape_cast %mul3A_830 : vector<16xf32> to vector<1x16xf32>
        tpu.vector_store %arg7[%swap3A_831, %swap3A_832], %swap3A_835 {strides = array<i32>} : memref<32x1024xf32, #tpu.memory_space<vmem>>, vector<1x16xf32>,
        %get3A_836 = arith.index_cast %scan3A_321 : i32 to index
        %get3A_837 = arith.constant 688 : index
        %get3A_838 = tpu.vector_load %arg7[%get3A_836, %get3A_837] {strides = array<i32>} : memref<32x1024xf32, #tpu.memory_space<vmem>>, vector<1x16xf32>,
        %get3A_839 = vector.shape_cast %get3A_838 : vector<1x16xf32> to vector<16xf32>
        %mul3A_840 = arith.constant 3.200000e+01 : f32
        %mul3A_841 = vector.broadcast %mul3A_840 : f32 to vector<16xf32>
        %mul3A_842 = arith.mulf %get3A_839, %mul3A_841 : vector<16xf32>
        %swap3A_843 = arith.index_cast %scan3A_321 : i32 to index
        %swap3A_844 = arith.constant 688 : index
        %swap3A_845 = tpu.vector_load %arg7[%swap3A_843, %swap3A_844] {strides = array<i32>} : memref<32x1024xf32, #tpu.memory_space<vmem>>, vector<1x16xf32>,
        %swap3A_846 = vector.shape_cast %swap3A_845 : vector<1x16xf32> to vector<16xf32>
        %swap3A_847 = vector.shape_cast %mul3A_842 : vector<16xf32> to vector<1x16xf32>
        tpu.vector_store %arg7[%swap3A_843, %swap3A_844], %swap3A_847 {strides = array<i32>} : memref<32x1024xf32, #tpu.memory_space<vmem>>, vector<1x16xf32>,
        %get3A_848 = arith.index_cast %scan3A_321 : i32 to index
        %get3A_849 = arith.constant 704 : index
        %get3A_850 = tpu.vector_load %arg7[%get3A_848, %get3A_849] {strides = array<i32>} : memref<32x1024xf32, #tpu.memory_space<vmem>>, vector<1x16xf32>,
        %get3A_851 = vector.shape_cast %get3A_850 : vector<1x16xf32> to vector<16xf32>
        %mul3A_852 = arith.constant 3.200000e+01 : f32
        %mul3A_853 = vector.broadcast %mul3A_852 : f32 to vector<16xf32>
        %mul3A_854 = arith.mulf %get3A_851, %mul3A_853 : vector<16xf32>
        %swap3A_855 = arith.index_cast %scan3A_321 : i32 to index
        %swap3A_856 = arith.constant 704 : index
        %swap3A_857 = tpu.vector_load %arg7[%swap3A_855, %swap3A_856] {strides = array<i32>} : memref<32x1024xf32, #tpu.memory_space<vmem>>, vector<1x16xf32>,
        %swap3A_858 = vector.shape_cast %swap3A_857 : vector<1x16xf32> to vector<16xf32>
        %swap3A_859 = vector.shape_cast %mul3A_854 : vector<16xf32> to vector<1x16xf32>
        tpu.vector_store %arg7[%swap3A_855, %swap3A_856], %swap3A_859 {strides = array<i32>} : memref<32x1024xf32, #tpu.memory_space<vmem>>, vector<1x16xf32>,
        %get3A_860 = arith.index_cast %scan3A_321 : i32 to index
        %get3A_861 = arith.constant 720 : index
        %get3A_862 = tpu.vector_load %arg7[%get3A_860, %get3A_861] {strides = array<i32>} : memref<32x1024xf32, #tpu.memory_space<vmem>>, vector<1x16xf32>,
        %get3A_863 = vector.shape_cast %get3A_862 : vector<1x16xf32> to vector<16xf32>
        %mul3A_864 = arith.constant 3.200000e+01 : f32
        %mul3A_865 = vector.broadcast %mul3A_864 : f32 to vector<16xf32>
        %mul3A_866 = arith.mulf %get3A_863, %mul3A_865 : vector<16xf32>
        %swap3A_867 = arith.index_cast %scan3A_321 : i32 to index
        %swap3A_868 = arith.constant 720 : index
        %swap3A_869 = tpu.vector_load %arg7[%swap3A_867, %swap3A_868] {strides = array<i32>} : memref<32x1024xf32, #tpu.memory_space<vmem>>, vector<1x16xf32>,
        %swap3A_870 = vector.shape_cast %swap3A_869 : vector<1x16xf32> to vector<16xf32>
        %swap3A_871 = vector.shape_cast %mul3A_866 : vector<16xf32> to vector<1x16xf32>
        tpu.vector_store %arg7[%swap3A_867, %swap3A_868], %swap3A_871 {strides = array<i32>} : memref<32x1024xf32, #tpu.memory_space<vmem>>, vector<1x16xf32>,
        %get3A_872 = arith.index_cast %scan3A_321 : i32 to index
        %get3A_873 = arith.constant 736 : index
        %get3A_874 = tpu.vector_load %arg7[%get3A_872, %get3A_873] {strides = array<i32>} : memref<32x1024xf32, #tpu.memory_space<vmem>>, vector<1x16xf32>,
        %get3A_875 = vector.shape_cast %get3A_874 : vector<1x16xf32> to vector<16xf32>
        %mul3A_876 = arith.constant 3.200000e+01 : f32
        %mul3A_877 = vector.broadcast %mul3A_876 : f32 to vector<16xf32>
        %mul3A_878 = arith.mulf %get3A_875, %mul3A_877 : vector<16xf32>
        %swap3A_879 = arith.index_cast %scan3A_321 : i32 to index
        %swap3A_880 = arith.constant 736 : index
        %swap3A_881 = tpu.vector_load %arg7[%swap3A_879, %swap3A_880] {strides = array<i32>} : memref<32x1024xf32, #tpu.memory_space<vmem>>, vector<1x16xf32>,
        %swap3A_882 = vector.shape_cast %swap3A_881 : vector<1x16xf32> to vector<16xf32>
        %swap3A_883 = vector.shape_cast %mul3A_878 : vector<16xf32> to vector<1x16xf32>
        tpu.vector_store %arg7[%swap3A_879, %swap3A_880], %swap3A_883 {strides = array<i32>} : memref<32x1024xf32, #tpu.memory_space<vmem>>, vector<1x16xf32>,
        %get3A_884 = arith.index_cast %scan3A_321 : i32 to index
        %get3A_885 = arith.constant 752 : index
        %get3A_886 = tpu.vector_load %arg7[%get3A_884, %get3A_885] {strides = array<i32>} : memref<32x1024xf32, #tpu.memory_space<vmem>>, vector<1x16xf32>,
        %get3A_887 = vector.shape_cast %get3A_886 : vector<1x16xf32> to vector<16xf32>
        %mul3A_888 = arith.constant 3.200000e+01 : f32
        %mul3A_889 = vector.broadcast %mul3A_888 : f32 to vector<16xf32>
        %mul3A_890 = arith.mulf %get3A_887, %mul3A_889 : vector<16xf32>
        %swap3A_891 = arith.index_cast %scan3A_321 : i32 to index
        %swap3A_892 = arith.constant 752 : index
        %swap3A_893 = tpu.vector_load %arg7[%swap3A_891, %swap3A_892] {strides = array<i32>} : memref<32x1024xf32, #tpu.memory_space<vmem>>, vector<1x16xf32>,
        %swap3A_894 = vector.shape_cast %swap3A_893 : vector<1x16xf32> to vector<16xf32>
        %swap3A_895 = vector.shape_cast %mul3A_890 : vector<16xf32> to vector<1x16xf32>
        tpu.vector_store %arg7[%swap3A_891, %swap3A_892], %swap3A_895 {strides = array<i32>} : memref<32x1024xf32, #tpu.memory_space<vmem>>, vector<1x16xf32>,
        %get3A_896 = arith.index_cast %scan3A_321 : i32 to index
        %get3A_897 = arith.constant 768 : index
        %get3A_898 = tpu.vector_load %arg7[%get3A_896, %get3A_897] {strides = array<i32>} : memref<32x1024xf32, #tpu.memory_space<vmem>>, vector<1x16xf32>,
        %get3A_899 = vector.shape_cast %get3A_898 : vector<1x16xf32> to vector<16xf32>
        %mul3A_900 = arith.constant 3.200000e+01 : f32
        %mul3A_901 = vector.broadcast %mul3A_900 : f32 to vector<16xf32>
        %mul3A_902 = arith.mulf %get3A_899, %mul3A_901 : vector<16xf32>
        %swap3A_903 = arith.index_cast %scan3A_321 : i32 to index
        %swap3A_904 = arith.constant 768 : index
        %swap3A_905 = tpu.vector_load %arg7[%swap3A_903, %swap3A_904] {strides = array<i32>} : memref<32x1024xf32, #tpu.memory_space<vmem>>, vector<1x16xf32>,
        %swap3A_906 = vector.shape_cast %swap3A_905 : vector<1x16xf32> to vector<16xf32>
        %swap3A_907 = vector.shape_cast %mul3A_902 : vector<16xf32> to vector<1x16xf32>
        tpu.vector_store %arg7[%swap3A_903, %swap3A_904], %swap3A_907 {strides = array<i32>} : memref<32x1024xf32, #tpu.memory_space<vmem>>, vector<1x16xf32>,
        %get3A_908 = arith.index_cast %scan3A_321 : i32 to index
        %get3A_909 = arith.constant 784 : index
        %get3A_910 = tpu.vector_load %arg7[%get3A_908, %get3A_909] {strides = array<i32>} : memref<32x1024xf32, #tpu.memory_space<vmem>>, vector<1x16xf32>,
        %get3A_911 = vector.shape_cast %get3A_910 : vector<1x16xf32> to vector<16xf32>
        %mul3A_912 = arith.constant 3.200000e+01 : f32
        %mul3A_913 = vector.broadcast %mul3A_912 : f32 to vector<16xf32>
        %mul3A_914 = arith.mulf %get3A_911, %mul3A_913 : vector<16xf32>
        %swap3A_915 = arith.index_cast %scan3A_321 : i32 to index
        %swap3A_916 = arith.constant 784 : index
        %swap3A_917 = tpu.vector_load %arg7[%swap3A_915, %swap3A_916] {strides = array<i32>} : memref<32x1024xf32, #tpu.memory_space<vmem>>, vector<1x16xf32>,
        %swap3A_918 = vector.shape_cast %swap3A_917 : vector<1x16xf32> to vector<16xf32>
        %swap3A_919 = vector.shape_cast %mul3A_914 : vector<16xf32> to vector<1x16xf32>
        tpu.vector_store %arg7[%swap3A_915, %swap3A_916], %swap3A_919 {strides = array<i32>} : memref<32x1024xf32, #tpu.memory_space<vmem>>, vector<1x16xf32>,
        %get3A_920 = arith.index_cast %scan3A_321 : i32 to index
        %get3A_921 = arith.constant 800 : index
        %get3A_922 = tpu.vector_load %arg7[%get3A_920, %get3A_921] {strides = array<i32>} : memref<32x1024xf32, #tpu.memory_space<vmem>>, vector<1x16xf32>,
        %get3A_923 = vector.shape_cast %get3A_922 : vector<1x16xf32> to vector<16xf32>
        %mul3A_924 = arith.constant 3.200000e+01 : f32
        %mul3A_925 = vector.broadcast %mul3A_924 : f32 to vector<16xf32>
        %mul3A_926 = arith.mulf %get3A_923, %mul3A_925 : vector<16xf32>
        %swap3A_927 = arith.index_cast %scan3A_321 : i32 to index
        %swap3A_928 = arith.constant 800 : index
        %swap3A_929 = tpu.vector_load %arg7[%swap3A_927, %swap3A_928] {strides = array<i32>} : memref<32x1024xf32, #tpu.memory_space<vmem>>, vector<1x16xf32>,
        %swap3A_930 = vector.shape_cast %swap3A_929 : vector<1x16xf32> to vector<16xf32>
        %swap3A_931 = vector.shape_cast %mul3A_926 : vector<16xf32> to vector<1x16xf32>
        tpu.vector_store %arg7[%swap3A_927, %swap3A_928], %swap3A_931 {strides = array<i32>} : memref<32x1024xf32, #tpu.memory_space<vmem>>, vector<1x16xf32>,
        %get3A_932 = arith.index_cast %scan3A_321 : i32 to index
        %get3A_933 = arith.constant 816 : index
        %get3A_934 = tpu.vector_load %arg7[%get3A_932, %get3A_933] {strides = array<i32>} : memref<32x1024xf32, #tpu.memory_space<vmem>>, vector<1x16xf32>,
        %get3A_935 = vector.shape_cast %get3A_934 : vector<1x16xf32> to vector<16xf32>
        %mul3A_936 = arith.constant 3.200000e+01 : f32
        %mul3A_937 = vector.broadcast %mul3A_936 : f32 to vector<16xf32>
        %mul3A_938 = arith.mulf %get3A_935, %mul3A_937 : vector<16xf32>
        %swap3A_939 = arith.index_cast %scan3A_321 : i32 to index
        %swap3A_940 = arith.constant 816 : index
        %swap3A_941 = tpu.vector_load %arg7[%swap3A_939, %swap3A_940] {strides = array<i32>} : memref<32x1024xf32, #tpu.memory_space<vmem>>, vector<1x16xf32>,
        %swap3A_942 = vector.shape_cast %swap3A_941 : vector<1x16xf32> to vector<16xf32>
        %swap3A_943 = vector.shape_cast %mul3A_938 : vector<16xf32> to vector<1x16xf32>
        tpu.vector_store %arg7[%swap3A_939, %swap3A_940], %swap3A_943 {strides = array<i32>} : memref<32x1024xf32, #tpu.memory_space<vmem>>, vector<1x16xf32>,
        %get3A_944 = arith.index_cast %scan3A_321 : i32 to index
        %get3A_945 = arith.constant 832 : index
        %get3A_946 = tpu.vector_load %arg7[%get3A_944, %get3A_945] {strides = array<i32>} : memref<32x1024xf32, #tpu.memory_space<vmem>>, vector<1x16xf32>,
        %get3A_947 = vector.shape_cast %get3A_946 : vector<1x16xf32> to vector<16xf32>
        %mul3A_948 = arith.constant 3.200000e+01 : f32
        %mul3A_949 = vector.broadcast %mul3A_948 : f32 to vector<16xf32>
        %mul3A_950 = arith.mulf %get3A_947, %mul3A_949 : vector<16xf32>
        %swap3A_951 = arith.index_cast %scan3A_321 : i32 to index
        %swap3A_952 = arith.constant 832 : index
        %swap3A_953 = tpu.vector_load %arg7[%swap3A_951, %swap3A_952] {strides = array<i32>} : memref<32x1024xf32, #tpu.memory_space<vmem>>, vector<1x16xf32>,
        %swap3A_954 = vector.shape_cast %swap3A_953 : vector<1x16xf32> to vector<16xf32>
        %swap3A_955 = vector.shape_cast %mul3A_950 : vector<16xf32> to vector<1x16xf32>
        tpu.vector_store %arg7[%swap3A_951, %swap3A_952], %swap3A_955 {strides = array<i32>} : memref<32x1024xf32, #tpu.memory_space<vmem>>, vector<1x16xf32>,
        %get3A_956 = arith.index_cast %scan3A_321 : i32 to index
        %get3A_957 = arith.constant 848 : index
        %get3A_958 = tpu.vector_load %arg7[%get3A_956, %get3A_957] {strides = array<i32>} : memref<32x1024xf32, #tpu.memory_space<vmem>>, vector<1x16xf32>,
        %get3A_959 = vector.shape_cast %get3A_958 : vector<1x16xf32> to vector<16xf32>
        %mul3A_960 = arith.constant 3.200000e+01 : f32
        %mul3A_961 = vector.broadcast %mul3A_960 : f32 to vector<16xf32>
        %mul3A_962 = arith.mulf %get3A_959, %mul3A_961 : vector<16xf32>
        %swap3A_963 = arith.index_cast %scan3A_321 : i32 to index
        %swap3A_964 = arith.constant 848 : index
        %swap3A_965 = tpu.vector_load %arg7[%swap3A_963, %swap3A_964] {strides = array<i32>} : memref<32x1024xf32, #tpu.memory_space<vmem>>, vector<1x16xf32>,
        %swap3A_966 = vector.shape_cast %swap3A_965 : vector<1x16xf32> to vector<16xf32>
        %swap3A_967 = vector.shape_cast %mul3A_962 : vector<16xf32> to vector<1x16xf32>
        tpu.vector_store %arg7[%swap3A_963, %swap3A_964], %swap3A_967 {strides = array<i32>} : memref<32x1024xf32, #tpu.memory_space<vmem>>, vector<1x16xf32>,
        %get3A_968 = arith.index_cast %scan3A_321 : i32 to index
        %get3A_969 = arith.constant 864 : index
        %get3A_970 = tpu.vector_load %arg7[%get3A_968, %get3A_969] {strides = array<i32>} : memref<32x1024xf32, #tpu.memory_space<vmem>>, vector<1x16xf32>,
        %get3A_971 = vector.shape_cast %get3A_970 : vector<1x16xf32> to vector<16xf32>
        %mul3A_972 = arith.constant 3.200000e+01 : f32
        %mul3A_973 = vector.broadcast %mul3A_972 : f32 to vector<16xf32>
        %mul3A_974 = arith.mulf %get3A_971, %mul3A_973 : vector<16xf32>
        %swap3A_975 = arith.index_cast %scan3A_321 : i32 to index
        %swap3A_976 = arith.constant 864 : index
        %swap3A_977 = tpu.vector_load %arg7[%swap3A_975, %swap3A_976] {strides = array<i32>} : memref<32x1024xf32, #tpu.memory_space<vmem>>, vector<1x16xf32>,
        %swap3A_978 = vector.shape_cast %swap3A_977 : vector<1x16xf32> to vector<16xf32>
        %swap3A_979 = vector.shape_cast %mul3A_974 : vector<16xf32> to vector<1x16xf32>
        tpu.vector_store %arg7[%swap3A_975, %swap3A_976], %swap3A_979 {strides = array<i32>} : memref<32x1024xf32, #tpu.memory_space<vmem>>, vector<1x16xf32>,
        %get3A_980 = arith.index_cast %scan3A_321 : i32 to index
        %get3A_981 = arith.constant 880 : index
        %get3A_982 = tpu.vector_load %arg7[%get3A_980, %get3A_981] {strides = array<i32>} : memref<32x1024xf32, #tpu.memory_space<vmem>>, vector<1x16xf32>,
        %get3A_983 = vector.shape_cast %get3A_982 : vector<1x16xf32> to vector<16xf32>
        %mul3A_984 = arith.constant 3.200000e+01 : f32
        %mul3A_985 = vector.broadcast %mul3A_984 : f32 to vector<16xf32>
        %mul3A_986 = arith.mulf %get3A_983, %mul3A_985 : vector<16xf32>
        %swap3A_987 = arith.index_cast %scan3A_321 : i32 to index
        %swap3A_988 = arith.constant 880 : index
        %swap3A_989 = tpu.vector_load %arg7[%swap3A_987, %swap3A_988] {strides = array<i32>} : memref<32x1024xf32, #tpu.memory_space<vmem>>, vector<1x16xf32>,
        %swap3A_990 = vector.shape_cast %swap3A_989 : vector<1x16xf32> to vector<16xf32>
        %swap3A_991 = vector.shape_cast %mul3A_986 : vector<16xf32> to vector<1x16xf32>
        tpu.vector_store %arg7[%swap3A_987, %swap3A_988], %swap3A_991 {strides = array<i32>} : memref<32x1024xf32, #tpu.memory_space<vmem>>, vector<1x16xf32>,
        %get3A_992 = arith.index_cast %scan3A_321 : i32 to index
        %get3A_993 = arith.constant 896 : index
        %get3A_994 = tpu.vector_load %arg7[%get3A_992, %get3A_993] {strides = array<i32>} : memref<32x1024xf32, #tpu.memory_space<vmem>>, vector<1x16xf32>,
        %get3A_995 = vector.shape_cast %get3A_994 : vector<1x16xf32> to vector<16xf32>
        %mul3A_996 = arith.constant 3.200000e+01 : f32
        %mul3A_997 = vector.broadcast %mul3A_996 : f32 to vector<16xf32>
        %mul3A_998 = arith.mulf %get3A_995, %mul3A_997 : vector<16xf32>
        %swap3A_999 = arith.index_cast %scan3A_321 : i32 to index
        %swap3A_1000 = arith.constant 896 : index
        %swap3A_1001 = tpu.vector_load %arg7[%swap3A_999, %swap3A_1000] {strides = array<i32>} : memref<32x1024xf32, #tpu.memory_space<vmem>>, vector<1x16xf32>,
        %swap3A_1002 = vector.shape_cast %swap3A_1001 : vector<1x16xf32> to vector<16xf32>
        %swap3A_1003 = vector.shape_cast %mul3A_998 : vector<16xf32> to vector<1x16xf32>
        tpu.vector_store %arg7[%swap3A_999, %swap3A_1000], %swap3A_1003 {strides = array<i32>} : memref<32x1024xf32, #tpu.memory_space<vmem>>, vector<1x16xf32>,
        %get3A_1004 = arith.index_cast %scan3A_321 : i32 to index
        %get3A_1005 = arith.constant 912 : index
        %get3A_1006 = tpu.vector_load %arg7[%get3A_1004, %get3A_1005] {strides = array<i32>} : memref<32x1024xf32, #tpu.memory_space<vmem>>, vector<1x16xf32>,
        %get3A_1007 = vector.shape_cast %get3A_1006 : vector<1x16xf32> to vector<16xf32>
        %mul3A_1008 = arith.constant 3.200000e+01 : f32
        %mul3A_1009 = vector.broadcast %mul3A_1008 : f32 to vector<16xf32>
        %mul3A_1010 = arith.mulf %get3A_1007, %mul3A_1009 : vector<16xf32>
        %swap3A_1011 = arith.index_cast %scan3A_321 : i32 to index
        %swap3A_1012 = arith.constant 912 : index
        %swap3A_1013 = tpu.vector_load %arg7[%swap3A_1011, %swap3A_1012] {strides = array<i32>} : memref<32x1024xf32, #tpu.memory_space<vmem>>, vector<1x16xf32>,
        %swap3A_1014 = vector.shape_cast %swap3A_1013 : vector<1x16xf32> to vector<16xf32>
        %swap3A_1015 = vector.shape_cast %mul3A_1010 : vector<16xf32> to vector<1x16xf32>
        tpu.vector_store %arg7[%swap3A_1011, %swap3A_1012], %swap3A_1015 {strides = array<i32>} : memref<32x1024xf32, #tpu.memory_space<vmem>>, vector<1x16xf32>,
        %get3A_1016 = arith.index_cast %scan3A_321 : i32 to index
        %get3A_1017 = arith.constant 928 : index
        %get3A_1018 = tpu.vector_load %arg7[%get3A_1016, %get3A_1017] {strides = array<i32>} : memref<32x1024xf32, #tpu.memory_space<vmem>>, vector<1x16xf32>,
        %get3A_1019 = vector.shape_cast %get3A_1018 : vector<1x16xf32> to vector<16xf32>
        %mul3A_1020 = arith.constant 3.200000e+01 : f32
        %mul3A_1021 = vector.broadcast %mul3A_1020 : f32 to vector<16xf32>
        %mul3A_1022 = arith.mulf %get3A_1019, %mul3A_1021 : vector<16xf32>
        %swap3A_1023 = arith.index_cast %scan3A_321 : i32 to index
        %swap3A_1024 = arith.constant 928 : index
        %swap3A_1025 = tpu.vector_load %arg7[%swap3A_1023, %swap3A_1024] {strides = array<i32>} : memref<32x1024xf32, #tpu.memory_space<vmem>>, vector<1x16xf32>,
        %swap3A_1026 = vector.shape_cast %swap3A_1025 : vector<1x16xf32> to vector<16xf32>
        %swap3A_1027 = vector.shape_cast %mul3A_1022 : vector<16xf32> to vector<1x16xf32>
        tpu.vector_store %arg7[%swap3A_1023, %swap3A_1024], %swap3A_1027 {strides = array<i32>} : memref<32x1024xf32, #tpu.memory_space<vmem>>, vector<1x16xf32>,
        %get3A_1028 = arith.index_cast %scan3A_321 : i32 to index
        %get3A_1029 = arith.constant 944 : index
        %get3A_1030 = tpu.vector_load %arg7[%get3A_1028, %get3A_1029] {strides = array<i32>} : memref<32x1024xf32, #tpu.memory_space<vmem>>, vector<1x16xf32>,
        %get3A_1031 = vector.shape_cast %get3A_1030 : vector<1x16xf32> to vector<16xf32>
        %mul3A_1032 = arith.constant 3.200000e+01 : f32
        %mul3A_1033 = vector.broadcast %mul3A_1032 : f32 to vector<16xf32>
        %mul3A_1034 = arith.mulf %get3A_1031, %mul3A_1033 : vector<16xf32>
        %swap3A_1035 = arith.index_cast %scan3A_321 : i32 to index
        %swap3A_1036 = arith.constant 944 : index
        %swap3A_1037 = tpu.vector_load %arg7[%swap3A_1035, %swap3A_1036] {strides = array<i32>} : memref<32x1024xf32, #tpu.memory_space<vmem>>, vector<1x16xf32>,
        %swap3A_1038 = vector.shape_cast %swap3A_1037 : vector<1x16xf32> to vector<16xf32>
        %swap3A_1039 = vector.shape_cast %mul3A_1034 : vector<16xf32> to vector<1x16xf32>
        tpu.vector_store %arg7[%swap3A_1035, %swap3A_1036], %swap3A_1039 {strides = array<i32>} : memref<32x1024xf32, #tpu.memory_space<vmem>>, vector<1x16xf32>,
        %get3A_1040 = arith.index_cast %scan3A_321 : i32 to index
        %get3A_1041 = arith.constant 960 : index
        %get3A_1042 = tpu.vector_load %arg7[%get3A_1040, %get3A_1041] {strides = array<i32>} : memref<32x1024xf32, #tpu.memory_space<vmem>>, vector<1x16xf32>,
        %get3A_1043 = vector.shape_cast %get3A_1042 : vector<1x16xf32> to vector<16xf32>
        %mul3A_1044 = arith.constant 3.200000e+01 : f32
        %mul3A_1045 = vector.broadcast %mul3A_1044 : f32 to vector<16xf32>
        %mul3A_1046 = arith.mulf %get3A_1043, %mul3A_1045 : vector<16xf32>
        %swap3A_1047 = arith.index_cast %scan3A_321 : i32 to index
        %swap3A_1048 = arith.constant 960 : index
        %swap3A_1049 = tpu.vector_load %arg7[%swap3A_1047, %swap3A_1048] {strides = array<i32>} : memref<32x1024xf32, #tpu.memory_space<vmem>>, vector<1x16xf32>,
        %swap3A_1050 = vector.shape_cast %swap3A_1049 : vector<1x16xf32> to vector<16xf32>
        %swap3A_1051 = vector.shape_cast %mul3A_1046 : vector<16xf32> to vector<1x16xf32>
        tpu.vector_store %arg7[%swap3A_1047, %swap3A_1048], %swap3A_1051 {strides = array<i32>} : memref<32x1024xf32, #tpu.memory_space<vmem>>, vector<1x16xf32>,
        %get3A_1052 = arith.index_cast %scan3A_321 : i32 to index
        %get3A_1053 = arith.constant 976 : index
        %get3A_1054 = tpu.vector_load %arg7[%get3A_1052, %get3A_1053] {strides = array<i32>} : memref<32x1024xf32, #tpu.memory_space<vmem>>, vector<1x16xf32>,
        %get3A_1055 = vector.shape_cast %get3A_1054 : vector<1x16xf32> to vector<16xf32>
        %mul3A_1056 = arith.constant 3.200000e+01 : f32
        %mul3A_1057 = vector.broadcast %mul3A_1056 : f32 to vector<16xf32>
        %mul3A_1058 = arith.mulf %get3A_1055, %mul3A_1057 : vector<16xf32>
        %swap3A_1059 = arith.index_cast %scan3A_321 : i32 to index
        %swap3A_1060 = arith.constant 976 : index
        %swap3A_1061 = tpu.vector_load %arg7[%swap3A_1059, %swap3A_1060] {strides = array<i32>} : memref<32x1024xf32, #tpu.memory_space<vmem>>, vector<1x16xf32>,
        %swap3A_1062 = vector.shape_cast %swap3A_1061 : vector<1x16xf32> to vector<16xf32>
        %swap3A_1063 = vector.shape_cast %mul3A_1058 : vector<16xf32> to vector<1x16xf32>
        tpu.vector_store %arg7[%swap3A_1059, %swap3A_1060], %swap3A_1063 {strides = array<i32>} : memref<32x1024xf32, #tpu.memory_space<vmem>>, vector<1x16xf32>,
        %get3A_1064 = arith.index_cast %scan3A_321 : i32 to index
        %get3A_1065 = arith.constant 992 : index
        %get3A_1066 = tpu.vector_load %arg7[%get3A_1064, %get3A_1065] {strides = array<i32>} : memref<32x1024xf32, #tpu.memory_space<vmem>>, vector<1x16xf32>,
        %get3A_1067 = vector.shape_cast %get3A_1066 : vector<1x16xf32> to vector<16xf32>
        %mul3A_1068 = arith.constant 3.200000e+01 : f32
        %mul3A_1069 = vector.broadcast %mul3A_1068 : f32 to vector<16xf32>
        %mul3A_1070 = arith.mulf %get3A_1067, %mul3A_1069 : vector<16xf32>
        %swap3A_1071 = arith.index_cast %scan3A_321 : i32 to index
        %swap3A_1072 = arith.constant 992 : index
        %swap3A_1073 = tpu.vector_load %arg7[%swap3A_1071, %swap3A_1072] {strides = array<i32>} : memref<32x1024xf32, #tpu.memory_space<vmem>>, vector<1x16xf32>,
        %swap3A_1074 = vector.shape_cast %swap3A_1073 : vector<1x16xf32> to vector<16xf32>
        %swap3A_1075 = vector.shape_cast %mul3A_1070 : vector<16xf32> to vector<1x16xf32>
        tpu.vector_store %arg7[%swap3A_1071, %swap3A_1072], %swap3A_1075 {strides = array<i32>} : memref<32x1024xf32, #tpu.memory_space<vmem>>, vector<1x16xf32>,
        %get3A_1076 = arith.index_cast %scan3A_321 : i32 to index
        %get3A_1077 = arith.constant 1008 : index
        %get3A_1078 = tpu.vector_load %arg7[%get3A_1076, %get3A_1077] {strides = array<i32>} : memref<32x1024xf32, #tpu.memory_space<vmem>>, vector<1x16xf32>,
        %get3A_1079 = vector.shape_cast %get3A_1078 : vector<1x16xf32> to vector<16xf32>
        %mul3A_1080 = arith.constant 3.200000e+01 : f32
        %mul3A_1081 = vector.broadcast %mul3A_1080 : f32 to vector<16xf32>
        %mul3A_1082 = arith.mulf %get3A_1079, %mul3A_1081 : vector<16xf32>
        %swap3A_1083 = arith.index_cast %scan3A_321 : i32 to index
        %swap3A_1084 = arith.constant 1008 : index
        %swap3A_1085 = tpu.vector_load %arg7[%swap3A_1083, %swap3A_1084] {strides = array<i32>} : memref<32x1024xf32, #tpu.memory_space<vmem>>, vector<1x16xf32>,
        %swap3A_1086 = vector.shape_cast %swap3A_1085 : vector<1x16xf32> to vector<16xf32>
        %swap3A_1087 = vector.shape_cast %mul3A_1082 : vector<16xf32> to vector<1x16xf32>
        tpu.vector_store %arg7[%swap3A_1083, %swap3A_1084], %swap3A_1087 {strides = array<i32>} : memref<32x1024xf32, #tpu.memory_space<vmem>>, vector<1x16xf32>,
      }
      %scan3A_176 = arith.constant 32 : i32
      %add3A_177 = arith.addi %mul3A_2, %sub3A_158 : i32
      %multiple_of3A_178 = tpu.assume_multiple %add3A_177, 8 : i32
      %dma_start3A_179 = arith.constant 0 : i32
      %dma_start3A_180 = arith.constant 0 : i32
      %dma_start3A_181 = tpu.memref_slice %arg7[%dma_start3A_179, %dma_start3A_180] : memref<32x1024xf32, #tpu.memory_space<vmem>> -> memref<32x1024xf32, #tpu.memory_space<vmem>>
      %dma_start3A_182 = arith.constant 0 : i32
      %dma_start3A_183 = tpu.memref_slice %arg4[%multiple_of3A_178, %dma_start3A_182] : memref<16384x1024xf32, #tpu.memory_space<hbm>> -> memref<32x1024xf32, #tpu.memory_space<hbm>>
      %dma_start3A_184 = arith.constant 0 : i32
      %dma_start3A_185 = tpu.memref_slice %arg4[%multiple_of3A_178, %dma_start3A_184] : memref<16384x1024xf32, #tpu.memory_space<hbm>> -> memref<32x1024xf32, #tpu.memory_space<hbm>>
      %dma_start3A_186 = arith.constant 0 : i32
      %dma_start3A_187 = arith.constant 0 : i32
      %dma_start3A_188 = tpu.memref_slice %arg7[%dma_start3A_186, %dma_start3A_187] : memref<32x1024xf32, #tpu.memory_space<vmem>> -> memref<32x1024xf32, #tpu.memory_space<vmem>>
      tpu.enqueue_dma source(%dma_start3A_188 : memref<32x1024xf32, #tpu.memory_space<vmem>>) target(%dma_start3A_185 : memref<32x1024xf32, #tpu.memory_space<hbm>>) target_semaphore(%arg13 : memref<!tpu.dma_semaphore, #tpu.memory_space<semaphore_mem>>)
      %eq3A_189 = arith.constant 0 : i32
      %eq3A_190 = arith.cmpi eq, %scan3A_150, %eq3A_189 : i32
      %convert_element_type3A = arith.extui %eq3A_190 : i1 to i32
      %cond3A = arith.constant 0 : i32
      %cond3A_191 = arith.cmpi ne, %convert_element_type3A, %cond3A : i32
      scf.if %cond3A_191 {
        %dma_wait3A_321 = arith.constant 0 : i32
        %dma_wait3A_322 = arith.constant 0 : i32
        %dma_wait3A_323 = tpu.memref_slice %arg6[%dma_wait3A_321, %dma_wait3A_322] : memref<32x1024xf32, #tpu.memory_space<vmem>> -> memref<8x1024xf32, #tpu.memory_space<vmem>>
        %dma_wait3A_324 = arith.constant 0 : i32
        %dma_wait3A_325 = arith.constant 0 : i32
        %dma_wait3A_326 = tpu.memref_slice %arg4[%dma_wait3A_324, %dma_wait3A_325] : memref<16384x1024xf32, #tpu.memory_space<hbm>> -> memref<8x1024xf32, #tpu.memory_space<hbm>>
        %dma_wait3A_327 = arith.constant 0 : i32
        %dma_wait3A_328 = arith.constant 0 : i32
        %dma_wait3A_329 = tpu.memref_slice %arg4[%dma_wait3A_327, %dma_wait3A_328] : memref<16384x1024xf32, #tpu.memory_space<hbm>> -> memref<8x1024xf32, #tpu.memory_space<hbm>>
        %dma_wait3A_330 = arith.constant 0 : i32
        %dma_wait3A_331 = arith.constant 0 : i32
        %dma_wait3A_332 = tpu.memref_slice %arg6[%dma_wait3A_330, %dma_wait3A_331] : memref<32x1024xf32, #tpu.memory_space<vmem>> -> memref<8x1024xf32, #tpu.memory_space<vmem>>
        tpu.wait_dma2 semaphore(%arg12 : memref<!tpu.dma_semaphore, #tpu.memory_space<semaphore_mem>>) src(%dma_wait3A_332 : memref<8x1024xf32, #tpu.memory_space<vmem>>) dst(%dma_wait3A_329 : memref<8x1024xf32, #tpu.memory_space<hbm>>)
      } else {
      }
      %gt3A = arith.constant 0 : i32
      %gt3A_192 = arith.cmpi sgt, %scan3A_150, %gt3A : i32
      %convert_element_type3A_193 = arith.extui %gt3A_192 : i1 to i32
      %cond3A_194 = arith.constant 0 : i32
      %cond3A_195 = arith.cmpi ne, %convert_element_type3A_193, %cond3A_194 : i32
      scf.if %cond3A_195 {
        %dma_wait3A_321 = arith.constant 0 : i32
        %dma_wait3A_322 = arith.constant 0 : i32
        %dma_wait3A_323 = tpu.memref_slice %arg6[%dma_wait3A_321, %dma_wait3A_322] : memref<32x1024xf32, #tpu.memory_space<vmem>> -> memref<32x1024xf32, #tpu.memory_space<vmem>>
        %dma_wait3A_324 = arith.constant 0 : i32
        %dma_wait3A_325 = arith.constant 0 : i32
        %dma_wait3A_326 = tpu.memref_slice %arg4[%dma_wait3A_324, %dma_wait3A_325] : memref<16384x1024xf32, #tpu.memory_space<hbm>> -> memref<32x1024xf32, #tpu.memory_space<hbm>>
        %dma_wait3A_327 = arith.constant 0 : i32
        %dma_wait3A_328 = arith.constant 0 : i32
        %dma_wait3A_329 = tpu.memref_slice %arg4[%dma_wait3A_327, %dma_wait3A_328] : memref<16384x1024xf32, #tpu.memory_space<hbm>> -> memref<32x1024xf32, #tpu.memory_space<hbm>>
        %dma_wait3A_330 = arith.constant 0 : i32
        %dma_wait3A_331 = arith.constant 0 : i32
        %dma_wait3A_332 = tpu.memref_slice %arg6[%dma_wait3A_330, %dma_wait3A_331] : memref<32x1024xf32, #tpu.memory_space<vmem>> -> memref<32x1024xf32, #tpu.memory_space<vmem>>
        tpu.wait_dma2 semaphore(%arg12 : memref<!tpu.dma_semaphore, #tpu.memory_space<semaphore_mem>>) src(%dma_wait3A_332 : memref<32x1024xf32, #tpu.memory_space<vmem>>) dst(%dma_wait3A_329 : memref<32x1024xf32, #tpu.memory_space<hbm>>)
      } else {
      }
      %add3A_196 = arith.constant 64 : i32
      %add3A_197 = arith.addi %sub3A_158, %add3A_196 : i32
      %multiple_of3A_198 = tpu.assume_multiple %add3A_197, 8 : i32
      %dma_start3A_199 = arith.constant 0 : i32
      %dma_start3A_200 = arith.constant 0 : i32
      %dma_start3A_201 = tpu.memref_slice %arg6[%dma_start3A_199, %dma_start3A_200] : memref<32x1024xf32, #tpu.memory_space<vmem>> -> memref<32x1024xf32, #tpu.memory_space<vmem>>
      %dma_start3A_202 = tpu.memref_slice %arg5[%multiple_of3A_198] : memref<512xi32, #tpu.memory_space<vmem>> -> memref<32xi32, #tpu.memory_space<vmem>>
      %dma_start3A_203 = arith.constant 0 : i32
      %dma_start3A_204 = arith.constant 0 : i32
      %dma_start3A_205 = tpu.memref_slice %arg3[%dma_start3A_203, %dma_start3A_204] : memref<100000x1024xf32, #tpu.memory_space<hbm>> -> memref<100000x1024xf32, #tpu.memory_space<hbm>>
      tpu.enqueue_indirect_dma source(%dma_start3A_205 : memref<100000x1024xf32, #tpu.memory_space<hbm>>) target(%dma_start3A_201 : memref<32x1024xf32, #tpu.memory_space<vmem>>) offsets(%dma_start3A_202 : memref<32xi32, #tpu.memory_space<vmem>>) semaphore(%arg9 : memref<!tpu.dma_semaphore, #tpu.memory_space<semaphore_mem>>)
      %mul3A_206 = arith.constant 3 : i32
      %mul3A_207 = arith.muli %scan3A_150, %mul3A_206 : i32
      %add3A_208 = arith.constant 2 : i32
      %add3A_209 = arith.addi %mul3A_207, %add3A_208 : i32
      %mul3A_210 = arith.constant 32 : i32
      %mul3A_211 = arith.muli %add3A_209, %mul3A_210 : i32
      %sub3A_212 = arith.constant 24 : i32
      %sub3A_213 = arith.subi %mul3A_211, %sub3A_212 : i32
      %dma_wait3A_214 = arith.constant 0 : i32
      %dma_wait3A_215 = arith.constant 0 : i32
      %dma_wait3A_216 = tpu.memref_slice %arg8[%dma_wait3A_214, %dma_wait3A_215] : memref<32x1024xf32, #tpu.memory_space<vmem>> -> memref<32x1024xf32, #tpu.memory_space<vmem>>
      %dma_wait3A_217 = arith.constant 0 : i32
      %dma_wait3A_218 = arith.constant 0 : i32
      %dma_wait3A_219 = tpu.memref_slice %arg4[%dma_wait3A_217, %dma_wait3A_218] : memref<16384x1024xf32, #tpu.memory_space<hbm>> -> memref<32x1024xf32, #tpu.memory_space<hbm>>
      %dma_wait3A_220 = arith.constant 0 : i32
      %dma_wait3A_221 = arith.constant 0 : i32
      %dma_wait3A_222 = tpu.memref_slice %arg8[%dma_wait3A_220, %dma_wait3A_221] : memref<32x1024xf32, #tpu.memory_space<vmem>> -> memref<32x1024xf32, #tpu.memory_space<vmem>>
      %dma_wait3A_223 = arith.constant 0 : i32
      %dma_wait3A_224 = arith.constant 0 : i32
      %dma_wait3A_225 = tpu.memref_slice %arg4[%dma_wait3A_223, %dma_wait3A_224] : memref<16384x1024xf32, #tpu.memory_space<hbm>> -> memref<32x1024xf32, #tpu.memory_space<hbm>>
      tpu.wait_dma2 semaphore(%arg11 : memref<!tpu.dma_semaphore, #tpu.memory_space<semaphore_mem>>) src(%dma_wait3A_225 : memref<32x1024xf32, #tpu.memory_space<hbm>>) dst(%dma_wait3A_222 : memref<32x1024xf32, #tpu.memory_space<vmem>>)
      %scan3A_226 = arith.constant 0 : i32
      %scan3A_227 = arith.constant 0 : i32
      %scan3A_228 = arith.constant 32 : i32
      %scan3A_229 = arith.addi %scan3A_227, %scan3A_228 : i32
      %scan3A_230 = arith.constant 1 : i32
      scf.for %scan3A_321 = %scan3A_227 to %scan3A_229 step %scan3A_230  : i32 {
        %get3A = arith.index_cast %scan3A_321 : i32 to index
        %get3A_322 = arith.constant 0 : index
        %get3A_323 = tpu.vector_load %arg8[%get3A, %get3A_322] {strides = array<i32>} : memref<32x1024xf32, #tpu.memory_space<vmem>>, vector<1x16xf32>,
        %get3A_324 = vector.shape_cast %get3A_323 : vector<1x16xf32> to vector<16xf32>
        %mul3A_325 = arith.constant 3.200000e+01 : f32
        %mul3A_326 = vector.broadcast %mul3A_325 : f32 to vector<16xf32>
        %mul3A_327 = arith.mulf %get3A_324, %mul3A_326 : vector<16xf32>
        %swap3A = arith.index_cast %scan3A_321 : i32 to index
        %swap3A_328 = arith.constant 0 : index
        %swap3A_329 = tpu.vector_load %arg8[%swap3A, %swap3A_328] {strides = array<i32>} : memref<32x1024xf32, #tpu.memory_space<vmem>>, vector<1x16xf32>,
        %swap3A_330 = vector.shape_cast %swap3A_329 : vector<1x16xf32> to vector<16xf32>
        %swap3A_331 = vector.shape_cast %mul3A_327 : vector<16xf32> to vector<1x16xf32>
        tpu.vector_store %arg8[%swap3A, %swap3A_328], %swap3A_331 {strides = array<i32>} : memref<32x1024xf32, #tpu.memory_space<vmem>>, vector<1x16xf32>,
        %get3A_332 = arith.index_cast %scan3A_321 : i32 to index
        %get3A_333 = arith.constant 16 : index
        %get3A_334 = tpu.vector_load %arg8[%get3A_332, %get3A_333] {strides = array<i32>} : memref<32x1024xf32, #tpu.memory_space<vmem>>, vector<1x16xf32>,
        %get3A_335 = vector.shape_cast %get3A_334 : vector<1x16xf32> to vector<16xf32>
        %mul3A_336 = arith.constant 3.200000e+01 : f32
        %mul3A_337 = vector.broadcast %mul3A_336 : f32 to vector<16xf32>
        %mul3A_338 = arith.mulf %get3A_335, %mul3A_337 : vector<16xf32>
        %swap3A_339 = arith.index_cast %scan3A_321 : i32 to index
        %swap3A_340 = arith.constant 16 : index
        %swap3A_341 = tpu.vector_load %arg8[%swap3A_339, %swap3A_340] {strides = array<i32>} : memref<32x1024xf32, #tpu.memory_space<vmem>>, vector<1x16xf32>,
        %swap3A_342 = vector.shape_cast %swap3A_341 : vector<1x16xf32> to vector<16xf32>
        %swap3A_343 = vector.shape_cast %mul3A_338 : vector<16xf32> to vector<1x16xf32>
        tpu.vector_store %arg8[%swap3A_339, %swap3A_340], %swap3A_343 {strides = array<i32>} : memref<32x1024xf32, #tpu.memory_space<vmem>>, vector<1x16xf32>,
        %get3A_344 = arith.index_cast %scan3A_321 : i32 to index
        %get3A_345 = arith.constant 32 : index
        %get3A_346 = tpu.vector_load %arg8[%get3A_344, %get3A_345] {strides = array<i32>} : memref<32x1024xf32, #tpu.memory_space<vmem>>, vector<1x16xf32>,
        %get3A_347 = vector.shape_cast %get3A_346 : vector<1x16xf32> to vector<16xf32>
        %mul3A_348 = arith.constant 3.200000e+01 : f32
        %mul3A_349 = vector.broadcast %mul3A_348 : f32 to vector<16xf32>
        %mul3A_350 = arith.mulf %get3A_347, %mul3A_349 : vector<16xf32>
        %swap3A_351 = arith.index_cast %scan3A_321 : i32 to index
        %swap3A_352 = arith.constant 32 : index
        %swap3A_353 = tpu.vector_load %arg8[%swap3A_351, %swap3A_352] {strides = array<i32>} : memref<32x1024xf32, #tpu.memory_space<vmem>>, vector<1x16xf32>,
        %swap3A_354 = vector.shape_cast %swap3A_353 : vector<1x16xf32> to vector<16xf32>
        %swap3A_355 = vector.shape_cast %mul3A_350 : vector<16xf32> to vector<1x16xf32>
        tpu.vector_store %arg8[%swap3A_351, %swap3A_352], %swap3A_355 {strides = array<i32>} : memref<32x1024xf32, #tpu.memory_space<vmem>>, vector<1x16xf32>,
        %get3A_356 = arith.index_cast %scan3A_321 : i32 to index
        %get3A_357 = arith.constant 48 : index
        %get3A_358 = tpu.vector_load %arg8[%get3A_356, %get3A_357] {strides = array<i32>} : memref<32x1024xf32, #tpu.memory_space<vmem>>, vector<1x16xf32>,
        %get3A_359 = vector.shape_cast %get3A_358 : vector<1x16xf32> to vector<16xf32>
        %mul3A_360 = arith.constant 3.200000e+01 : f32
        %mul3A_361 = vector.broadcast %mul3A_360 : f32 to vector<16xf32>
        %mul3A_362 = arith.mulf %get3A_359, %mul3A_361 : vector<16xf32>
        %swap3A_363 = arith.index_cast %scan3A_321 : i32 to index
        %swap3A_364 = arith.constant 48 : index
        %swap3A_365 = tpu.vector_load %arg8[%swap3A_363, %swap3A_364] {strides = array<i32>} : memref<32x1024xf32, #tpu.memory_space<vmem>>, vector<1x16xf32>,
        %swap3A_366 = vector.shape_cast %swap3A_365 : vector<1x16xf32> to vector<16xf32>
        %swap3A_367 = vector.shape_cast %mul3A_362 : vector<16xf32> to vector<1x16xf32>
        tpu.vector_store %arg8[%swap3A_363, %swap3A_364], %swap3A_367 {strides = array<i32>} : memref<32x1024xf32, #tpu.memory_space<vmem>>, vector<1x16xf32>,
        %get3A_368 = arith.index_cast %scan3A_321 : i32 to index
        %get3A_369 = arith.constant 64 : index
        %get3A_370 = tpu.vector_load %arg8[%get3A_368, %get3A_369] {strides = array<i32>} : memref<32x1024xf32, #tpu.memory_space<vmem>>, vector<1x16xf32>,
        %get3A_371 = vector.shape_cast %get3A_370 : vector<1x16xf32> to vector<16xf32>
        %mul3A_372 = arith.constant 3.200000e+01 : f32
        %mul3A_373 = vector.broadcast %mul3A_372 : f32 to vector<16xf32>
        %mul3A_374 = arith.mulf %get3A_371, %mul3A_373 : vector<16xf32>
        %swap3A_375 = arith.index_cast %scan3A_321 : i32 to index
        %swap3A_376 = arith.constant 64 : index
        %swap3A_377 = tpu.vector_load %arg8[%swap3A_375, %swap3A_376] {strides = array<i32>} : memref<32x1024xf32, #tpu.memory_space<vmem>>, vector<1x16xf32>,
        %swap3A_378 = vector.shape_cast %swap3A_377 : vector<1x16xf32> to vector<16xf32>
        %swap3A_379 = vector.shape_cast %mul3A_374 : vector<16xf32> to vector<1x16xf32>
        tpu.vector_store %arg8[%swap3A_375, %swap3A_376], %swap3A_379 {strides = array<i32>} : memref<32x1024xf32, #tpu.memory_space<vmem>>, vector<1x16xf32>,
        %get3A_380 = arith.index_cast %scan3A_321 : i32 to index
        %get3A_381 = arith.constant 80 : index
        %get3A_382 = tpu.vector_load %arg8[%get3A_380, %get3A_381] {strides = array<i32>} : memref<32x1024xf32, #tpu.memory_space<vmem>>, vector<1x16xf32>,
        %get3A_383 = vector.shape_cast %get3A_382 : vector<1x16xf32> to vector<16xf32>
        %mul3A_384 = arith.constant 3.200000e+01 : f32
        %mul3A_385 = vector.broadcast %mul3A_384 : f32 to vector<16xf32>
        %mul3A_386 = arith.mulf %get3A_383, %mul3A_385 : vector<16xf32>
        %swap3A_387 = arith.index_cast %scan3A_321 : i32 to index
        %swap3A_388 = arith.constant 80 : index
        %swap3A_389 = tpu.vector_load %arg8[%swap3A_387, %swap3A_388] {strides = array<i32>} : memref<32x1024xf32, #tpu.memory_space<vmem>>, vector<1x16xf32>,
        %swap3A_390 = vector.shape_cast %swap3A_389 : vector<1x16xf32> to vector<16xf32>
        %swap3A_391 = vector.shape_cast %mul3A_386 : vector<16xf32> to vector<1x16xf32>
        tpu.vector_store %arg8[%swap3A_387, %swap3A_388], %swap3A_391 {strides = array<i32>} : memref<32x1024xf32, #tpu.memory_space<vmem>>, vector<1x16xf32>,
        %get3A_392 = arith.index_cast %scan3A_321 : i32 to index
        %get3A_393 = arith.constant 96 : index
        %get3A_394 = tpu.vector_load %arg8[%get3A_392, %get3A_393] {strides = array<i32>} : memref<32x1024xf32, #tpu.memory_space<vmem>>, vector<1x16xf32>,
        %get3A_395 = vector.shape_cast %get3A_394 : vector<1x16xf32> to vector<16xf32>
        %mul3A_396 = arith.constant 3.200000e+01 : f32
        %mul3A_397 = vector.broadcast %mul3A_396 : f32 to vector<16xf32>
        %mul3A_398 = arith.mulf %get3A_395, %mul3A_397 : vector<16xf32>
        %swap3A_399 = arith.index_cast %scan3A_321 : i32 to index
        %swap3A_400 = arith.constant 96 : index
        %swap3A_401 = tpu.vector_load %arg8[%swap3A_399, %swap3A_400] {strides = array<i32>} : memref<32x1024xf32, #tpu.memory_space<vmem>>, vector<1x16xf32>,
        %swap3A_402 = vector.shape_cast %swap3A_401 : vector<1x16xf32> to vector<16xf32>
        %swap3A_403 = vector.shape_cast %mul3A_398 : vector<16xf32> to vector<1x16xf32>
        tpu.vector_store %arg8[%swap3A_399, %swap3A_400], %swap3A_403 {strides = array<i32>} : memref<32x1024xf32, #tpu.memory_space<vmem>>, vector<1x16xf32>,
        %get3A_404 = arith.index_cast %scan3A_321 : i32 to index
        %get3A_405 = arith.constant 112 : index
        %get3A_406 = tpu.vector_load %arg8[%get3A_404, %get3A_405] {strides = array<i32>} : memref<32x1024xf32, #tpu.memory_space<vmem>>, vector<1x16xf32>,
        %get3A_407 = vector.shape_cast %get3A_406 : vector<1x16xf32> to vector<16xf32>
        %mul3A_408 = arith.constant 3.200000e+01 : f32
        %mul3A_409 = vector.broadcast %mul3A_408 : f32 to vector<16xf32>
        %mul3A_410 = arith.mulf %get3A_407, %mul3A_409 : vector<16xf32>
        %swap3A_411 = arith.index_cast %scan3A_321 : i32 to index
        %swap3A_412 = arith.constant 112 : index
        %swap3A_413 = tpu.vector_load %arg8[%swap3A_411, %swap3A_412] {strides = array<i32>} : memref<32x1024xf32, #tpu.memory_space<vmem>>, vector<1x16xf32>,
        %swap3A_414 = vector.shape_cast %swap3A_413 : vector<1x16xf32> to vector<16xf32>
        %swap3A_415 = vector.shape_cast %mul3A_410 : vector<16xf32> to vector<1x16xf32>
        tpu.vector_store %arg8[%swap3A_411, %swap3A_412], %swap3A_415 {strides = array<i32>} : memref<32x1024xf32, #tpu.memory_space<vmem>>, vector<1x16xf32>,
        %get3A_416 = arith.index_cast %scan3A_321 : i32 to index
        %get3A_417 = arith.constant 128 : index
        %get3A_418 = tpu.vector_load %arg8[%get3A_416, %get3A_417] {strides = array<i32>} : memref<32x1024xf32, #tpu.memory_space<vmem>>, vector<1x16xf32>,
        %get3A_419 = vector.shape_cast %get3A_418 : vector<1x16xf32> to vector<16xf32>
        %mul3A_420 = arith.constant 3.200000e+01 : f32
        %mul3A_421 = vector.broadcast %mul3A_420 : f32 to vector<16xf32>
        %mul3A_422 = arith.mulf %get3A_419, %mul3A_421 : vector<16xf32>
        %swap3A_423 = arith.index_cast %scan3A_321 : i32 to index
        %swap3A_424 = arith.constant 128 : index
        %swap3A_425 = tpu.vector_load %arg8[%swap3A_423, %swap3A_424] {strides = array<i32>} : memref<32x1024xf32, #tpu.memory_space<vmem>>, vector<1x16xf32>,
        %swap3A_426 = vector.shape_cast %swap3A_425 : vector<1x16xf32> to vector<16xf32>
        %swap3A_427 = vector.shape_cast %mul3A_422 : vector<16xf32> to vector<1x16xf32>
        tpu.vector_store %arg8[%swap3A_423, %swap3A_424], %swap3A_427 {strides = array<i32>} : memref<32x1024xf32, #tpu.memory_space<vmem>>, vector<1x16xf32>,
        %get3A_428 = arith.index_cast %scan3A_321 : i32 to index
        %get3A_429 = arith.constant 144 : index
        %get3A_430 = tpu.vector_load %arg8[%get3A_428, %get3A_429] {strides = array<i32>} : memref<32x1024xf32, #tpu.memory_space<vmem>>, vector<1x16xf32>,
        %get3A_431 = vector.shape_cast %get3A_430 : vector<1x16xf32> to vector<16xf32>
        %mul3A_432 = arith.constant 3.200000e+01 : f32
        %mul3A_433 = vector.broadcast %mul3A_432 : f32 to vector<16xf32>
        %mul3A_434 = arith.mulf %get3A_431, %mul3A_433 : vector<16xf32>
        %swap3A_435 = arith.index_cast %scan3A_321 : i32 to index
        %swap3A_436 = arith.constant 144 : index
        %swap3A_437 = tpu.vector_load %arg8[%swap3A_435, %swap3A_436] {strides = array<i32>} : memref<32x1024xf32, #tpu.memory_space<vmem>>, vector<1x16xf32>,
        %swap3A_438 = vector.shape_cast %swap3A_437 : vector<1x16xf32> to vector<16xf32>
        %swap3A_439 = vector.shape_cast %mul3A_434 : vector<16xf32> to vector<1x16xf32>
        tpu.vector_store %arg8[%swap3A_435, %swap3A_436], %swap3A_439 {strides = array<i32>} : memref<32x1024xf32, #tpu.memory_space<vmem>>, vector<1x16xf32>,
        %get3A_440 = arith.index_cast %scan3A_321 : i32 to index
        %get3A_441 = arith.constant 160 : index
        %get3A_442 = tpu.vector_load %arg8[%get3A_440, %get3A_441] {strides = array<i32>} : memref<32x1024xf32, #tpu.memory_space<vmem>>, vector<1x16xf32>,
        %get3A_443 = vector.shape_cast %get3A_442 : vector<1x16xf32> to vector<16xf32>
        %mul3A_444 = arith.constant 3.200000e+01 : f32
        %mul3A_445 = vector.broadcast %mul3A_444 : f32 to vector<16xf32>
        %mul3A_446 = arith.mulf %get3A_443, %mul3A_445 : vector<16xf32>
        %swap3A_447 = arith.index_cast %scan3A_321 : i32 to index
        %swap3A_448 = arith.constant 160 : index
        %swap3A_449 = tpu.vector_load %arg8[%swap3A_447, %swap3A_448] {strides = array<i32>} : memref<32x1024xf32, #tpu.memory_space<vmem>>, vector<1x16xf32>,
        %swap3A_450 = vector.shape_cast %swap3A_449 : vector<1x16xf32> to vector<16xf32>
        %swap3A_451 = vector.shape_cast %mul3A_446 : vector<16xf32> to vector<1x16xf32>
        tpu.vector_store %arg8[%swap3A_447, %swap3A_448], %swap3A_451 {strides = array<i32>} : memref<32x1024xf32, #tpu.memory_space<vmem>>, vector<1x16xf32>,
        %get3A_452 = arith.index_cast %scan3A_321 : i32 to index
        %get3A_453 = arith.constant 176 : index
        %get3A_454 = tpu.vector_load %arg8[%get3A_452, %get3A_453] {strides = array<i32>} : memref<32x1024xf32, #tpu.memory_space<vmem>>, vector<1x16xf32>,
        %get3A_455 = vector.shape_cast %get3A_454 : vector<1x16xf32> to vector<16xf32>
        %mul3A_456 = arith.constant 3.200000e+01 : f32
        %mul3A_457 = vector.broadcast %mul3A_456 : f32 to vector<16xf32>
        %mul3A_458 = arith.mulf %get3A_455, %mul3A_457 : vector<16xf32>
        %swap3A_459 = arith.index_cast %scan3A_321 : i32 to index
        %swap3A_460 = arith.constant 176 : index
        %swap3A_461 = tpu.vector_load %arg8[%swap3A_459, %swap3A_460] {strides = array<i32>} : memref<32x1024xf32, #tpu.memory_space<vmem>>, vector<1x16xf32>,
        %swap3A_462 = vector.shape_cast %swap3A_461 : vector<1x16xf32> to vector<16xf32>
        %swap3A_463 = vector.shape_cast %mul3A_458 : vector<16xf32> to vector<1x16xf32>
        tpu.vector_store %arg8[%swap3A_459, %swap3A_460], %swap3A_463 {strides = array<i32>} : memref<32x1024xf32, #tpu.memory_space<vmem>>, vector<1x16xf32>,
        %get3A_464 = arith.index_cast %scan3A_321 : i32 to index
        %get3A_465 = arith.constant 192 : index
        %get3A_466 = tpu.vector_load %arg8[%get3A_464, %get3A_465] {strides = array<i32>} : memref<32x1024xf32, #tpu.memory_space<vmem>>, vector<1x16xf32>,
        %get3A_467 = vector.shape_cast %get3A_466 : vector<1x16xf32> to vector<16xf32>
        %mul3A_468 = arith.constant 3.200000e+01 : f32
        %mul3A_469 = vector.broadcast %mul3A_468 : f32 to vector<16xf32>
        %mul3A_470 = arith.mulf %get3A_467, %mul3A_469 : vector<16xf32>
        %swap3A_471 = arith.index_cast %scan3A_321 : i32 to index
        %swap3A_472 = arith.constant 192 : index
        %swap3A_473 = tpu.vector_load %arg8[%swap3A_471, %swap3A_472] {strides = array<i32>} : memref<32x1024xf32, #tpu.memory_space<vmem>>, vector<1x16xf32>,
        %swap3A_474 = vector.shape_cast %swap3A_473 : vector<1x16xf32> to vector<16xf32>
        %swap3A_475 = vector.shape_cast %mul3A_470 : vector<16xf32> to vector<1x16xf32>
        tpu.vector_store %arg8[%swap3A_471, %swap3A_472], %swap3A_475 {strides = array<i32>} : memref<32x1024xf32, #tpu.memory_space<vmem>>, vector<1x16xf32>,
        %get3A_476 = arith.index_cast %scan3A_321 : i32 to index
        %get3A_477 = arith.constant 208 : index
        %get3A_478 = tpu.vector_load %arg8[%get3A_476, %get3A_477] {strides = array<i32>} : memref<32x1024xf32, #tpu.memory_space<vmem>>, vector<1x16xf32>,
        %get3A_479 = vector.shape_cast %get3A_478 : vector<1x16xf32> to vector<16xf32>
        %mul3A_480 = arith.constant 3.200000e+01 : f32
        %mul3A_481 = vector.broadcast %mul3A_480 : f32 to vector<16xf32>
        %mul3A_482 = arith.mulf %get3A_479, %mul3A_481 : vector<16xf32>
        %swap3A_483 = arith.index_cast %scan3A_321 : i32 to index
        %swap3A_484 = arith.constant 208 : index
        %swap3A_485 = tpu.vector_load %arg8[%swap3A_483, %swap3A_484] {strides = array<i32>} : memref<32x1024xf32, #tpu.memory_space<vmem>>, vector<1x16xf32>,
        %swap3A_486 = vector.shape_cast %swap3A_485 : vector<1x16xf32> to vector<16xf32>
        %swap3A_487 = vector.shape_cast %mul3A_482 : vector<16xf32> to vector<1x16xf32>
        tpu.vector_store %arg8[%swap3A_483, %swap3A_484], %swap3A_487 {strides = array<i32>} : memref<32x1024xf32, #tpu.memory_space<vmem>>, vector<1x16xf32>,
        %get3A_488 = arith.index_cast %scan3A_321 : i32 to index
        %get3A_489 = arith.constant 224 : index
        %get3A_490 = tpu.vector_load %arg8[%get3A_488, %get3A_489] {strides = array<i32>} : memref<32x1024xf32, #tpu.memory_space<vmem>>, vector<1x16xf32>,
        %get3A_491 = vector.shape_cast %get3A_490 : vector<1x16xf32> to vector<16xf32>
        %mul3A_492 = arith.constant 3.200000e+01 : f32
        %mul3A_493 = vector.broadcast %mul3A_492 : f32 to vector<16xf32>
        %mul3A_494 = arith.mulf %get3A_491, %mul3A_493 : vector<16xf32>
        %swap3A_495 = arith.index_cast %scan3A_321 : i32 to index
        %swap3A_496 = arith.constant 224 : index
        %swap3A_497 = tpu.vector_load %arg8[%swap3A_495, %swap3A_496] {strides = array<i32>} : memref<32x1024xf32, #tpu.memory_space<vmem>>, vector<1x16xf32>,
        %swap3A_498 = vector.shape_cast %swap3A_497 : vector<1x16xf32> to vector<16xf32>
        %swap3A_499 = vector.shape_cast %mul3A_494 : vector<16xf32> to vector<1x16xf32>
        tpu.vector_store %arg8[%swap3A_495, %swap3A_496], %swap3A_499 {strides = array<i32>} : memref<32x1024xf32, #tpu.memory_space<vmem>>, vector<1x16xf32>,
        %get3A_500 = arith.index_cast %scan3A_321 : i32 to index
        %get3A_501 = arith.constant 240 : index
        %get3A_502 = tpu.vector_load %arg8[%get3A_500, %get3A_501] {strides = array<i32>} : memref<32x1024xf32, #tpu.memory_space<vmem>>, vector<1x16xf32>,
        %get3A_503 = vector.shape_cast %get3A_502 : vector<1x16xf32> to vector<16xf32>
        %mul3A_504 = arith.constant 3.200000e+01 : f32
        %mul3A_505 = vector.broadcast %mul3A_504 : f32 to vector<16xf32>
        %mul3A_506 = arith.mulf %get3A_503, %mul3A_505 : vector<16xf32>
        %swap3A_507 = arith.index_cast %scan3A_321 : i32 to index
        %swap3A_508 = arith.constant 240 : index
        %swap3A_509 = tpu.vector_load %arg8[%swap3A_507, %swap3A_508] {strides = array<i32>} : memref<32x1024xf32, #tpu.memory_space<vmem>>, vector<1x16xf32>,
        %swap3A_510 = vector.shape_cast %swap3A_509 : vector<1x16xf32> to vector<16xf32>
        %swap3A_511 = vector.shape_cast %mul3A_506 : vector<16xf32> to vector<1x16xf32>
        tpu.vector_store %arg8[%swap3A_507, %swap3A_508], %swap3A_511 {strides = array<i32>} : memref<32x1024xf32, #tpu.memory_space<vmem>>, vector<1x16xf32>,
        %get3A_512 = arith.index_cast %scan3A_321 : i32 to index
        %get3A_513 = arith.constant 256 : index
        %get3A_514 = tpu.vector_load %arg8[%get3A_512, %get3A_513] {strides = array<i32>} : memref<32x1024xf32, #tpu.memory_space<vmem>>, vector<1x16xf32>,
        %get3A_515 = vector.shape_cast %get3A_514 : vector<1x16xf32> to vector<16xf32>
        %mul3A_516 = arith.constant 3.200000e+01 : f32
        %mul3A_517 = vector.broadcast %mul3A_516 : f32 to vector<16xf32>
        %mul3A_518 = arith.mulf %get3A_515, %mul3A_517 : vector<16xf32>
        %swap3A_519 = arith.index_cast %scan3A_321 : i32 to index
        %swap3A_520 = arith.constant 256 : index
        %swap3A_521 = tpu.vector_load %arg8[%swap3A_519, %swap3A_520] {strides = array<i32>} : memref<32x1024xf32, #tpu.memory_space<vmem>>, vector<1x16xf32>,
        %swap3A_522 = vector.shape_cast %swap3A_521 : vector<1x16xf32> to vector<16xf32>
        %swap3A_523 = vector.shape_cast %mul3A_518 : vector<16xf32> to vector<1x16xf32>
        tpu.vector_store %arg8[%swap3A_519, %swap3A_520], %swap3A_523 {strides = array<i32>} : memref<32x1024xf32, #tpu.memory_space<vmem>>, vector<1x16xf32>,
        %get3A_524 = arith.index_cast %scan3A_321 : i32 to index
        %get3A_525 = arith.constant 272 : index
        %get3A_526 = tpu.vector_load %arg8[%get3A_524, %get3A_525] {strides = array<i32>} : memref<32x1024xf32, #tpu.memory_space<vmem>>, vector<1x16xf32>,
        %get3A_527 = vector.shape_cast %get3A_526 : vector<1x16xf32> to vector<16xf32>
        %mul3A_528 = arith.constant 3.200000e+01 : f32
        %mul3A_529 = vector.broadcast %mul3A_528 : f32 to vector<16xf32>
        %mul3A_530 = arith.mulf %get3A_527, %mul3A_529 : vector<16xf32>
        %swap3A_531 = arith.index_cast %scan3A_321 : i32 to index
        %swap3A_532 = arith.constant 272 : index
        %swap3A_533 = tpu.vector_load %arg8[%swap3A_531, %swap3A_532] {strides = array<i32>} : memref<32x1024xf32, #tpu.memory_space<vmem>>, vector<1x16xf32>,
        %swap3A_534 = vector.shape_cast %swap3A_533 : vector<1x16xf32> to vector<16xf32>
        %swap3A_535 = vector.shape_cast %mul3A_530 : vector<16xf32> to vector<1x16xf32>
        tpu.vector_store %arg8[%swap3A_531, %swap3A_532], %swap3A_535 {strides = array<i32>} : memref<32x1024xf32, #tpu.memory_space<vmem>>, vector<1x16xf32>,
        %get3A_536 = arith.index_cast %scan3A_321 : i32 to index
        %get3A_537 = arith.constant 288 : index
        %get3A_538 = tpu.vector_load %arg8[%get3A_536, %get3A_537] {strides = array<i32>} : memref<32x1024xf32, #tpu.memory_space<vmem>>, vector<1x16xf32>,
        %get3A_539 = vector.shape_cast %get3A_538 : vector<1x16xf32> to vector<16xf32>
        %mul3A_540 = arith.constant 3.200000e+01 : f32
        %mul3A_541 = vector.broadcast %mul3A_540 : f32 to vector<16xf32>
        %mul3A_542 = arith.mulf %get3A_539, %mul3A_541 : vector<16xf32>
        %swap3A_543 = arith.index_cast %scan3A_321 : i32 to index
        %swap3A_544 = arith.constant 288 : index
        %swap3A_545 = tpu.vector_load %arg8[%swap3A_543, %swap3A_544] {strides = array<i32>} : memref<32x1024xf32, #tpu.memory_space<vmem>>, vector<1x16xf32>,
        %swap3A_546 = vector.shape_cast %swap3A_545 : vector<1x16xf32> to vector<16xf32>
        %swap3A_547 = vector.shape_cast %mul3A_542 : vector<16xf32> to vector<1x16xf32>
        tpu.vector_store %arg8[%swap3A_543, %swap3A_544], %swap3A_547 {strides = array<i32>} : memref<32x1024xf32, #tpu.memory_space<vmem>>, vector<1x16xf32>,
        %get3A_548 = arith.index_cast %scan3A_321 : i32 to index
        %get3A_549 = arith.constant 304 : index
        %get3A_550 = tpu.vector_load %arg8[%get3A_548, %get3A_549] {strides = array<i32>} : memref<32x1024xf32, #tpu.memory_space<vmem>>, vector<1x16xf32>,
        %get3A_551 = vector.shape_cast %get3A_550 : vector<1x16xf32> to vector<16xf32>
        %mul3A_552 = arith.constant 3.200000e+01 : f32
        %mul3A_553 = vector.broadcast %mul3A_552 : f32 to vector<16xf32>
        %mul3A_554 = arith.mulf %get3A_551, %mul3A_553 : vector<16xf32>
        %swap3A_555 = arith.index_cast %scan3A_321 : i32 to index
        %swap3A_556 = arith.constant 304 : index
        %swap3A_557 = tpu.vector_load %arg8[%swap3A_555, %swap3A_556] {strides = array<i32>} : memref<32x1024xf32, #tpu.memory_space<vmem>>, vector<1x16xf32>,
        %swap3A_558 = vector.shape_cast %swap3A_557 : vector<1x16xf32> to vector<16xf32>
        %swap3A_559 = vector.shape_cast %mul3A_554 : vector<16xf32> to vector<1x16xf32>
        tpu.vector_store %arg8[%swap3A_555, %swap3A_556], %swap3A_559 {strides = array<i32>} : memref<32x1024xf32, #tpu.memory_space<vmem>>, vector<1x16xf32>,
        %get3A_560 = arith.index_cast %scan3A_321 : i32 to index
        %get3A_561 = arith.constant 320 : index
        %get3A_562 = tpu.vector_load %arg8[%get3A_560, %get3A_561] {strides = array<i32>} : memref<32x1024xf32, #tpu.memory_space<vmem>>, vector<1x16xf32>,
        %get3A_563 = vector.shape_cast %get3A_562 : vector<1x16xf32> to vector<16xf32>
        %mul3A_564 = arith.constant 3.200000e+01 : f32
        %mul3A_565 = vector.broadcast %mul3A_564 : f32 to vector<16xf32>
        %mul3A_566 = arith.mulf %get3A_563, %mul3A_565 : vector<16xf32>
        %swap3A_567 = arith.index_cast %scan3A_321 : i32 to index
        %swap3A_568 = arith.constant 320 : index
        %swap3A_569 = tpu.vector_load %arg8[%swap3A_567, %swap3A_568] {strides = array<i32>} : memref<32x1024xf32, #tpu.memory_space<vmem>>, vector<1x16xf32>,
        %swap3A_570 = vector.shape_cast %swap3A_569 : vector<1x16xf32> to vector<16xf32>
        %swap3A_571 = vector.shape_cast %mul3A_566 : vector<16xf32> to vector<1x16xf32>
        tpu.vector_store %arg8[%swap3A_567, %swap3A_568], %swap3A_571 {strides = array<i32>} : memref<32x1024xf32, #tpu.memory_space<vmem>>, vector<1x16xf32>,
        %get3A_572 = arith.index_cast %scan3A_321 : i32 to index
        %get3A_573 = arith.constant 336 : index
        %get3A_574 = tpu.vector_load %arg8[%get3A_572, %get3A_573] {strides = array<i32>} : memref<32x1024xf32, #tpu.memory_space<vmem>>, vector<1x16xf32>,
        %get3A_575 = vector.shape_cast %get3A_574 : vector<1x16xf32> to vector<16xf32>
        %mul3A_576 = arith.constant 3.200000e+01 : f32
        %mul3A_577 = vector.broadcast %mul3A_576 : f32 to vector<16xf32>
        %mul3A_578 = arith.mulf %get3A_575, %mul3A_577 : vector<16xf32>
        %swap3A_579 = arith.index_cast %scan3A_321 : i32 to index
        %swap3A_580 = arith.constant 336 : index
        %swap3A_581 = tpu.vector_load %arg8[%swap3A_579, %swap3A_580] {strides = array<i32>} : memref<32x1024xf32, #tpu.memory_space<vmem>>, vector<1x16xf32>,
        %swap3A_582 = vector.shape_cast %swap3A_581 : vector<1x16xf32> to vector<16xf32>
        %swap3A_583 = vector.shape_cast %mul3A_578 : vector<16xf32> to vector<1x16xf32>
        tpu.vector_store %arg8[%swap3A_579, %swap3A_580], %swap3A_583 {strides = array<i32>} : memref<32x1024xf32, #tpu.memory_space<vmem>>, vector<1x16xf32>,
        %get3A_584 = arith.index_cast %scan3A_321 : i32 to index
        %get3A_585 = arith.constant 352 : index
        %get3A_586 = tpu.vector_load %arg8[%get3A_584, %get3A_585] {strides = array<i32>} : memref<32x1024xf32, #tpu.memory_space<vmem>>, vector<1x16xf32>,
        %get3A_587 = vector.shape_cast %get3A_586 : vector<1x16xf32> to vector<16xf32>
        %mul3A_588 = arith.constant 3.200000e+01 : f32
        %mul3A_589 = vector.broadcast %mul3A_588 : f32 to vector<16xf32>
        %mul3A_590 = arith.mulf %get3A_587, %mul3A_589 : vector<16xf32>
        %swap3A_591 = arith.index_cast %scan3A_321 : i32 to index
        %swap3A_592 = arith.constant 352 : index
        %swap3A_593 = tpu.vector_load %arg8[%swap3A_591, %swap3A_592] {strides = array<i32>} : memref<32x1024xf32, #tpu.memory_space<vmem>>, vector<1x16xf32>,
        %swap3A_594 = vector.shape_cast %swap3A_593 : vector<1x16xf32> to vector<16xf32>
        %swap3A_595 = vector.shape_cast %mul3A_590 : vector<16xf32> to vector<1x16xf32>
        tpu.vector_store %arg8[%swap3A_591, %swap3A_592], %swap3A_595 {strides = array<i32>} : memref<32x1024xf32, #tpu.memory_space<vmem>>, vector<1x16xf32>,
        %get3A_596 = arith.index_cast %scan3A_321 : i32 to index
        %get3A_597 = arith.constant 368 : index
        %get3A_598 = tpu.vector_load %arg8[%get3A_596, %get3A_597] {strides = array<i32>} : memref<32x1024xf32, #tpu.memory_space<vmem>>, vector<1x16xf32>,
        %get3A_599 = vector.shape_cast %get3A_598 : vector<1x16xf32> to vector<16xf32>
        %mul3A_600 = arith.constant 3.200000e+01 : f32
        %mul3A_601 = vector.broadcast %mul3A_600 : f32 to vector<16xf32>
        %mul3A_602 = arith.mulf %get3A_599, %mul3A_601 : vector<16xf32>
        %swap3A_603 = arith.index_cast %scan3A_321 : i32 to index
        %swap3A_604 = arith.constant 368 : index
        %swap3A_605 = tpu.vector_load %arg8[%swap3A_603, %swap3A_604] {strides = array<i32>} : memref<32x1024xf32, #tpu.memory_space<vmem>>, vector<1x16xf32>,
        %swap3A_606 = vector.shape_cast %swap3A_605 : vector<1x16xf32> to vector<16xf32>
        %swap3A_607 = vector.shape_cast %mul3A_602 : vector<16xf32> to vector<1x16xf32>
        tpu.vector_store %arg8[%swap3A_603, %swap3A_604], %swap3A_607 {strides = array<i32>} : memref<32x1024xf32, #tpu.memory_space<vmem>>, vector<1x16xf32>,
        %get3A_608 = arith.index_cast %scan3A_321 : i32 to index
        %get3A_609 = arith.constant 384 : index
        %get3A_610 = tpu.vector_load %arg8[%get3A_608, %get3A_609] {strides = array<i32>} : memref<32x1024xf32, #tpu.memory_space<vmem>>, vector<1x16xf32>,
        %get3A_611 = vector.shape_cast %get3A_610 : vector<1x16xf32> to vector<16xf32>
        %mul3A_612 = arith.constant 3.200000e+01 : f32
        %mul3A_613 = vector.broadcast %mul3A_612 : f32 to vector<16xf32>
        %mul3A_614 = arith.mulf %get3A_611, %mul3A_613 : vector<16xf32>
        %swap3A_615 = arith.index_cast %scan3A_321 : i32 to index
        %swap3A_616 = arith.constant 384 : index
        %swap3A_617 = tpu.vector_load %arg8[%swap3A_615, %swap3A_616] {strides = array<i32>} : memref<32x1024xf32, #tpu.memory_space<vmem>>, vector<1x16xf32>,
        %swap3A_618 = vector.shape_cast %swap3A_617 : vector<1x16xf32> to vector<16xf32>
        %swap3A_619 = vector.shape_cast %mul3A_614 : vector<16xf32> to vector<1x16xf32>
        tpu.vector_store %arg8[%swap3A_615, %swap3A_616], %swap3A_619 {strides = array<i32>} : memref<32x1024xf32, #tpu.memory_space<vmem>>, vector<1x16xf32>,
        %get3A_620 = arith.index_cast %scan3A_321 : i32 to index
        %get3A_621 = arith.constant 400 : index
        %get3A_622 = tpu.vector_load %arg8[%get3A_620, %get3A_621] {strides = array<i32>} : memref<32x1024xf32, #tpu.memory_space<vmem>>, vector<1x16xf32>,
        %get3A_623 = vector.shape_cast %get3A_622 : vector<1x16xf32> to vector<16xf32>
        %mul3A_624 = arith.constant 3.200000e+01 : f32
        %mul3A_625 = vector.broadcast %mul3A_624 : f32 to vector<16xf32>
        %mul3A_626 = arith.mulf %get3A_623, %mul3A_625 : vector<16xf32>
        %swap3A_627 = arith.index_cast %scan3A_321 : i32 to index
        %swap3A_628 = arith.constant 400 : index
        %swap3A_629 = tpu.vector_load %arg8[%swap3A_627, %swap3A_628] {strides = array<i32>} : memref<32x1024xf32, #tpu.memory_space<vmem>>, vector<1x16xf32>,
        %swap3A_630 = vector.shape_cast %swap3A_629 : vector<1x16xf32> to vector<16xf32>
        %swap3A_631 = vector.shape_cast %mul3A_626 : vector<16xf32> to vector<1x16xf32>
        tpu.vector_store %arg8[%swap3A_627, %swap3A_628], %swap3A_631 {strides = array<i32>} : memref<32x1024xf32, #tpu.memory_space<vmem>>, vector<1x16xf32>,
        %get3A_632 = arith.index_cast %scan3A_321 : i32 to index
        %get3A_633 = arith.constant 416 : index
        %get3A_634 = tpu.vector_load %arg8[%get3A_632, %get3A_633] {strides = array<i32>} : memref<32x1024xf32, #tpu.memory_space<vmem>>, vector<1x16xf32>,
        %get3A_635 = vector.shape_cast %get3A_634 : vector<1x16xf32> to vector<16xf32>
        %mul3A_636 = arith.constant 3.200000e+01 : f32
        %mul3A_637 = vector.broadcast %mul3A_636 : f32 to vector<16xf32>
        %mul3A_638 = arith.mulf %get3A_635, %mul3A_637 : vector<16xf32>
        %swap3A_639 = arith.index_cast %scan3A_321 : i32 to index
        %swap3A_640 = arith.constant 416 : index
        %swap3A_641 = tpu.vector_load %arg8[%swap3A_639, %swap3A_640] {strides = array<i32>} : memref<32x1024xf32, #tpu.memory_space<vmem>>, vector<1x16xf32>,
        %swap3A_642 = vector.shape_cast %swap3A_641 : vector<1x16xf32> to vector<16xf32>
        %swap3A_643 = vector.shape_cast %mul3A_638 : vector<16xf32> to vector<1x16xf32>
        tpu.vector_store %arg8[%swap3A_639, %swap3A_640], %swap3A_643 {strides = array<i32>} : memref<32x1024xf32, #tpu.memory_space<vmem>>, vector<1x16xf32>,
        %get3A_644 = arith.index_cast %scan3A_321 : i32 to index
        %get3A_645 = arith.constant 432 : index
        %get3A_646 = tpu.vector_load %arg8[%get3A_644, %get3A_645] {strides = array<i32>} : memref<32x1024xf32, #tpu.memory_space<vmem>>, vector<1x16xf32>,
        %get3A_647 = vector.shape_cast %get3A_646 : vector<1x16xf32> to vector<16xf32>
        %mul3A_648 = arith.constant 3.200000e+01 : f32
        %mul3A_649 = vector.broadcast %mul3A_648 : f32 to vector<16xf32>
        %mul3A_650 = arith.mulf %get3A_647, %mul3A_649 : vector<16xf32>
        %swap3A_651 = arith.index_cast %scan3A_321 : i32 to index
        %swap3A_652 = arith.constant 432 : index
        %swap3A_653 = tpu.vector_load %arg8[%swap3A_651, %swap3A_652] {strides = array<i32>} : memref<32x1024xf32, #tpu.memory_space<vmem>>, vector<1x16xf32>,
        %swap3A_654 = vector.shape_cast %swap3A_653 : vector<1x16xf32> to vector<16xf32>
        %swap3A_655 = vector.shape_cast %mul3A_650 : vector<16xf32> to vector<1x16xf32>
        tpu.vector_store %arg8[%swap3A_651, %swap3A_652], %swap3A_655 {strides = array<i32>} : memref<32x1024xf32, #tpu.memory_space<vmem>>, vector<1x16xf32>,
        %get3A_656 = arith.index_cast %scan3A_321 : i32 to index
        %get3A_657 = arith.constant 448 : index
        %get3A_658 = tpu.vector_load %arg8[%get3A_656, %get3A_657] {strides = array<i32>} : memref<32x1024xf32, #tpu.memory_space<vmem>>, vector<1x16xf32>,
        %get3A_659 = vector.shape_cast %get3A_658 : vector<1x16xf32> to vector<16xf32>
        %mul3A_660 = arith.constant 3.200000e+01 : f32
        %mul3A_661 = vector.broadcast %mul3A_660 : f32 to vector<16xf32>
        %mul3A_662 = arith.mulf %get3A_659, %mul3A_661 : vector<16xf32>
        %swap3A_663 = arith.index_cast %scan3A_321 : i32 to index
        %swap3A_664 = arith.constant 448 : index
        %swap3A_665 = tpu.vector_load %arg8[%swap3A_663, %swap3A_664] {strides = array<i32>} : memref<32x1024xf32, #tpu.memory_space<vmem>>, vector<1x16xf32>,
        %swap3A_666 = vector.shape_cast %swap3A_665 : vector<1x16xf32> to vector<16xf32>
        %swap3A_667 = vector.shape_cast %mul3A_662 : vector<16xf32> to vector<1x16xf32>
        tpu.vector_store %arg8[%swap3A_663, %swap3A_664], %swap3A_667 {strides = array<i32>} : memref<32x1024xf32, #tpu.memory_space<vmem>>, vector<1x16xf32>,
        %get3A_668 = arith.index_cast %scan3A_321 : i32 to index
        %get3A_669 = arith.constant 464 : index
        %get3A_670 = tpu.vector_load %arg8[%get3A_668, %get3A_669] {strides = array<i32>} : memref<32x1024xf32, #tpu.memory_space<vmem>>, vector<1x16xf32>,
        %get3A_671 = vector.shape_cast %get3A_670 : vector<1x16xf32> to vector<16xf32>
        %mul3A_672 = arith.constant 3.200000e+01 : f32
        %mul3A_673 = vector.broadcast %mul3A_672 : f32 to vector<16xf32>
        %mul3A_674 = arith.mulf %get3A_671, %mul3A_673 : vector<16xf32>
        %swap3A_675 = arith.index_cast %scan3A_321 : i32 to index
        %swap3A_676 = arith.constant 464 : index
        %swap3A_677 = tpu.vector_load %arg8[%swap3A_675, %swap3A_676] {strides = array<i32>} : memref<32x1024xf32, #tpu.memory_space<vmem>>, vector<1x16xf32>,
        %swap3A_678 = vector.shape_cast %swap3A_677 : vector<1x16xf32> to vector<16xf32>
        %swap3A_679 = vector.shape_cast %mul3A_674 : vector<16xf32> to vector<1x16xf32>
        tpu.vector_store %arg8[%swap3A_675, %swap3A_676], %swap3A_679 {strides = array<i32>} : memref<32x1024xf32, #tpu.memory_space<vmem>>, vector<1x16xf32>,
        %get3A_680 = arith.index_cast %scan3A_321 : i32 to index
        %get3A_681 = arith.constant 480 : index
        %get3A_682 = tpu.vector_load %arg8[%get3A_680, %get3A_681] {strides = array<i32>} : memref<32x1024xf32, #tpu.memory_space<vmem>>, vector<1x16xf32>,
        %get3A_683 = vector.shape_cast %get3A_682 : vector<1x16xf32> to vector<16xf32>
        %mul3A_684 = arith.constant 3.200000e+01 : f32
        %mul3A_685 = vector.broadcast %mul3A_684 : f32 to vector<16xf32>
        %mul3A_686 = arith.mulf %get3A_683, %mul3A_685 : vector<16xf32>
        %swap3A_687 = arith.index_cast %scan3A_321 : i32 to index
        %swap3A_688 = arith.constant 480 : index
        %swap3A_689 = tpu.vector_load %arg8[%swap3A_687, %swap3A_688] {strides = array<i32>} : memref<32x1024xf32, #tpu.memory_space<vmem>>, vector<1x16xf32>,
        %swap3A_690 = vector.shape_cast %swap3A_689 : vector<1x16xf32> to vector<16xf32>
        %swap3A_691 = vector.shape_cast %mul3A_686 : vector<16xf32> to vector<1x16xf32>
        tpu.vector_store %arg8[%swap3A_687, %swap3A_688], %swap3A_691 {strides = array<i32>} : memref<32x1024xf32, #tpu.memory_space<vmem>>, vector<1x16xf32>,
        %get3A_692 = arith.index_cast %scan3A_321 : i32 to index
        %get3A_693 = arith.constant 496 : index
        %get3A_694 = tpu.vector_load %arg8[%get3A_692, %get3A_693] {strides = array<i32>} : memref<32x1024xf32, #tpu.memory_space<vmem>>, vector<1x16xf32>,
        %get3A_695 = vector.shape_cast %get3A_694 : vector<1x16xf32> to vector<16xf32>
        %mul3A_696 = arith.constant 3.200000e+01 : f32
        %mul3A_697 = vector.broadcast %mul3A_696 : f32 to vector<16xf32>
        %mul3A_698 = arith.mulf %get3A_695, %mul3A_697 : vector<16xf32>
        %swap3A_699 = arith.index_cast %scan3A_321 : i32 to index
        %swap3A_700 = arith.constant 496 : index
        %swap3A_701 = tpu.vector_load %arg8[%swap3A_699, %swap3A_700] {strides = array<i32>} : memref<32x1024xf32, #tpu.memory_space<vmem>>, vector<1x16xf32>,
        %swap3A_702 = vector.shape_cast %swap3A_701 : vector<1x16xf32> to vector<16xf32>
        %swap3A_703 = vector.shape_cast %mul3A_698 : vector<16xf32> to vector<1x16xf32>
        tpu.vector_store %arg8[%swap3A_699, %swap3A_700], %swap3A_703 {strides = array<i32>} : memref<32x1024xf32, #tpu.memory_space<vmem>>, vector<1x16xf32>,
        %get3A_704 = arith.index_cast %scan3A_321 : i32 to index
        %get3A_705 = arith.constant 512 : index
        %get3A_706 = tpu.vector_load %arg8[%get3A_704, %get3A_705] {strides = array<i32>} : memref<32x1024xf32, #tpu.memory_space<vmem>>, vector<1x16xf32>,
        %get3A_707 = vector.shape_cast %get3A_706 : vector<1x16xf32> to vector<16xf32>
        %mul3A_708 = arith.constant 3.200000e+01 : f32
        %mul3A_709 = vector.broadcast %mul3A_708 : f32 to vector<16xf32>
        %mul3A_710 = arith.mulf %get3A_707, %mul3A_709 : vector<16xf32>
        %swap3A_711 = arith.index_cast %scan3A_321 : i32 to index
        %swap3A_712 = arith.constant 512 : index
        %swap3A_713 = tpu.vector_load %arg8[%swap3A_711, %swap3A_712] {strides = array<i32>} : memref<32x1024xf32, #tpu.memory_space<vmem>>, vector<1x16xf32>,
        %swap3A_714 = vector.shape_cast %swap3A_713 : vector<1x16xf32> to vector<16xf32>
        %swap3A_715 = vector.shape_cast %mul3A_710 : vector<16xf32> to vector<1x16xf32>
        tpu.vector_store %arg8[%swap3A_711, %swap3A_712], %swap3A_715 {strides = array<i32>} : memref<32x1024xf32, #tpu.memory_space<vmem>>, vector<1x16xf32>,
        %get3A_716 = arith.index_cast %scan3A_321 : i32 to index
        %get3A_717 = arith.constant 528 : index
        %get3A_718 = tpu.vector_load %arg8[%get3A_716, %get3A_717] {strides = array<i32>} : memref<32x1024xf32, #tpu.memory_space<vmem>>, vector<1x16xf32>,
        %get3A_719 = vector.shape_cast %get3A_718 : vector<1x16xf32> to vector<16xf32>
        %mul3A_720 = arith.constant 3.200000e+01 : f32
        %mul3A_721 = vector.broadcast %mul3A_720 : f32 to vector<16xf32>
        %mul3A_722 = arith.mulf %get3A_719, %mul3A_721 : vector<16xf32>
        %swap3A_723 = arith.index_cast %scan3A_321 : i32 to index
        %swap3A_724 = arith.constant 528 : index
        %swap3A_725 = tpu.vector_load %arg8[%swap3A_723, %swap3A_724] {strides = array<i32>} : memref<32x1024xf32, #tpu.memory_space<vmem>>, vector<1x16xf32>,
        %swap3A_726 = vector.shape_cast %swap3A_725 : vector<1x16xf32> to vector<16xf32>
        %swap3A_727 = vector.shape_cast %mul3A_722 : vector<16xf32> to vector<1x16xf32>
        tpu.vector_store %arg8[%swap3A_723, %swap3A_724], %swap3A_727 {strides = array<i32>} : memref<32x1024xf32, #tpu.memory_space<vmem>>, vector<1x16xf32>,
        %get3A_728 = arith.index_cast %scan3A_321 : i32 to index
        %get3A_729 = arith.constant 544 : index
        %get3A_730 = tpu.vector_load %arg8[%get3A_728, %get3A_729] {strides = array<i32>} : memref<32x1024xf32, #tpu.memory_space<vmem>>, vector<1x16xf32>,
        %get3A_731 = vector.shape_cast %get3A_730 : vector<1x16xf32> to vector<16xf32>
        %mul3A_732 = arith.constant 3.200000e+01 : f32
        %mul3A_733 = vector.broadcast %mul3A_732 : f32 to vector<16xf32>
        %mul3A_734 = arith.mulf %get3A_731, %mul3A_733 : vector<16xf32>
        %swap3A_735 = arith.index_cast %scan3A_321 : i32 to index
        %swap3A_736 = arith.constant 544 : index
        %swap3A_737 = tpu.vector_load %arg8[%swap3A_735, %swap3A_736] {strides = array<i32>} : memref<32x1024xf32, #tpu.memory_space<vmem>>, vector<1x16xf32>,
        %swap3A_738 = vector.shape_cast %swap3A_737 : vector<1x16xf32> to vector<16xf32>
        %swap3A_739 = vector.shape_cast %mul3A_734 : vector<16xf32> to vector<1x16xf32>
        tpu.vector_store %arg8[%swap3A_735, %swap3A_736], %swap3A_739 {strides = array<i32>} : memref<32x1024xf32, #tpu.memory_space<vmem>>, vector<1x16xf32>,
        %get3A_740 = arith.index_cast %scan3A_321 : i32 to index
        %get3A_741 = arith.constant 560 : index
        %get3A_742 = tpu.vector_load %arg8[%get3A_740, %get3A_741] {strides = array<i32>} : memref<32x1024xf32, #tpu.memory_space<vmem>>, vector<1x16xf32>,
        %get3A_743 = vector.shape_cast %get3A_742 : vector<1x16xf32> to vector<16xf32>
        %mul3A_744 = arith.constant 3.200000e+01 : f32
        %mul3A_745 = vector.broadcast %mul3A_744 : f32 to vector<16xf32>
        %mul3A_746 = arith.mulf %get3A_743, %mul3A_745 : vector<16xf32>
        %swap3A_747 = arith.index_cast %scan3A_321 : i32 to index
        %swap3A_748 = arith.constant 560 : index
        %swap3A_749 = tpu.vector_load %arg8[%swap3A_747, %swap3A_748] {strides = array<i32>} : memref<32x1024xf32, #tpu.memory_space<vmem>>, vector<1x16xf32>,
        %swap3A_750 = vector.shape_cast %swap3A_749 : vector<1x16xf32> to vector<16xf32>
        %swap3A_751 = vector.shape_cast %mul3A_746 : vector<16xf32> to vector<1x16xf32>
        tpu.vector_store %arg8[%swap3A_747, %swap3A_748], %swap3A_751 {strides = array<i32>} : memref<32x1024xf32, #tpu.memory_space<vmem>>, vector<1x16xf32>,
        %get3A_752 = arith.index_cast %scan3A_321 : i32 to index
        %get3A_753 = arith.constant 576 : index
        %get3A_754 = tpu.vector_load %arg8[%get3A_752, %get3A_753] {strides = array<i32>} : memref<32x1024xf32, #tpu.memory_space<vmem>>, vector<1x16xf32>,
        %get3A_755 = vector.shape_cast %get3A_754 : vector<1x16xf32> to vector<16xf32>
        %mul3A_756 = arith.constant 3.200000e+01 : f32
        %mul3A_757 = vector.broadcast %mul3A_756 : f32 to vector<16xf32>
        %mul3A_758 = arith.mulf %get3A_755, %mul3A_757 : vector<16xf32>
        %swap3A_759 = arith.index_cast %scan3A_321 : i32 to index
        %swap3A_760 = arith.constant 576 : index
        %swap3A_761 = tpu.vector_load %arg8[%swap3A_759, %swap3A_760] {strides = array<i32>} : memref<32x1024xf32, #tpu.memory_space<vmem>>, vector<1x16xf32>,
        %swap3A_762 = vector.shape_cast %swap3A_761 : vector<1x16xf32> to vector<16xf32>
        %swap3A_763 = vector.shape_cast %mul3A_758 : vector<16xf32> to vector<1x16xf32>
        tpu.vector_store %arg8[%swap3A_759, %swap3A_760], %swap3A_763 {strides = array<i32>} : memref<32x1024xf32, #tpu.memory_space<vmem>>, vector<1x16xf32>,
        %get3A_764 = arith.index_cast %scan3A_321 : i32 to index
        %get3A_765 = arith.constant 592 : index
        %get3A_766 = tpu.vector_load %arg8[%get3A_764, %get3A_765] {strides = array<i32>} : memref<32x1024xf32, #tpu.memory_space<vmem>>, vector<1x16xf32>,
        %get3A_767 = vector.shape_cast %get3A_766 : vector<1x16xf32> to vector<16xf32>
        %mul3A_768 = arith.constant 3.200000e+01 : f32
        %mul3A_769 = vector.broadcast %mul3A_768 : f32 to vector<16xf32>
        %mul3A_770 = arith.mulf %get3A_767, %mul3A_769 : vector<16xf32>
        %swap3A_771 = arith.index_cast %scan3A_321 : i32 to index
        %swap3A_772 = arith.constant 592 : index
        %swap3A_773 = tpu.vector_load %arg8[%swap3A_771, %swap3A_772] {strides = array<i32>} : memref<32x1024xf32, #tpu.memory_space<vmem>>, vector<1x16xf32>,
        %swap3A_774 = vector.shape_cast %swap3A_773 : vector<1x16xf32> to vector<16xf32>
        %swap3A_775 = vector.shape_cast %mul3A_770 : vector<16xf32> to vector<1x16xf32>
        tpu.vector_store %arg8[%swap3A_771, %swap3A_772], %swap3A_775 {strides = array<i32>} : memref<32x1024xf32, #tpu.memory_space<vmem>>, vector<1x16xf32>,
        %get3A_776 = arith.index_cast %scan3A_321 : i32 to index
        %get3A_777 = arith.constant 608 : index
        %get3A_778 = tpu.vector_load %arg8[%get3A_776, %get3A_777] {strides = array<i32>} : memref<32x1024xf32, #tpu.memory_space<vmem>>, vector<1x16xf32>,
        %get3A_779 = vector.shape_cast %get3A_778 : vector<1x16xf32> to vector<16xf32>
        %mul3A_780 = arith.constant 3.200000e+01 : f32
        %mul3A_781 = vector.broadcast %mul3A_780 : f32 to vector<16xf32>
        %mul3A_782 = arith.mulf %get3A_779, %mul3A_781 : vector<16xf32>
        %swap3A_783 = arith.index_cast %scan3A_321 : i32 to index
        %swap3A_784 = arith.constant 608 : index
        %swap3A_785 = tpu.vector_load %arg8[%swap3A_783, %swap3A_784] {strides = array<i32>} : memref<32x1024xf32, #tpu.memory_space<vmem>>, vector<1x16xf32>,
        %swap3A_786 = vector.shape_cast %swap3A_785 : vector<1x16xf32> to vector<16xf32>
        %swap3A_787 = vector.shape_cast %mul3A_782 : vector<16xf32> to vector<1x16xf32>
        tpu.vector_store %arg8[%swap3A_783, %swap3A_784], %swap3A_787 {strides = array<i32>} : memref<32x1024xf32, #tpu.memory_space<vmem>>, vector<1x16xf32>,
        %get3A_788 = arith.index_cast %scan3A_321 : i32 to index
        %get3A_789 = arith.constant 624 : index
        %get3A_790 = tpu.vector_load %arg8[%get3A_788, %get3A_789] {strides = array<i32>} : memref<32x1024xf32, #tpu.memory_space<vmem>>, vector<1x16xf32>,
        %get3A_791 = vector.shape_cast %get3A_790 : vector<1x16xf32> to vector<16xf32>
        %mul3A_792 = arith.constant 3.200000e+01 : f32
        %mul3A_793 = vector.broadcast %mul3A_792 : f32 to vector<16xf32>
        %mul3A_794 = arith.mulf %get3A_791, %mul3A_793 : vector<16xf32>
        %swap3A_795 = arith.index_cast %scan3A_321 : i32 to index
        %swap3A_796 = arith.constant 624 : index
        %swap3A_797 = tpu.vector_load %arg8[%swap3A_795, %swap3A_796] {strides = array<i32>} : memref<32x1024xf32, #tpu.memory_space<vmem>>, vector<1x16xf32>,
        %swap3A_798 = vector.shape_cast %swap3A_797 : vector<1x16xf32> to vector<16xf32>
        %swap3A_799 = vector.shape_cast %mul3A_794 : vector<16xf32> to vector<1x16xf32>
        tpu.vector_store %arg8[%swap3A_795, %swap3A_796], %swap3A_799 {strides = array<i32>} : memref<32x1024xf32, #tpu.memory_space<vmem>>, vector<1x16xf32>,
        %get3A_800 = arith.index_cast %scan3A_321 : i32 to index
        %get3A_801 = arith.constant 640 : index
        %get3A_802 = tpu.vector_load %arg8[%get3A_800, %get3A_801] {strides = array<i32>} : memref<32x1024xf32, #tpu.memory_space<vmem>>, vector<1x16xf32>,
        %get3A_803 = vector.shape_cast %get3A_802 : vector<1x16xf32> to vector<16xf32>
        %mul3A_804 = arith.constant 3.200000e+01 : f32
        %mul3A_805 = vector.broadcast %mul3A_804 : f32 to vector<16xf32>
        %mul3A_806 = arith.mulf %get3A_803, %mul3A_805 : vector<16xf32>
        %swap3A_807 = arith.index_cast %scan3A_321 : i32 to index
        %swap3A_808 = arith.constant 640 : index
        %swap3A_809 = tpu.vector_load %arg8[%swap3A_807, %swap3A_808] {strides = array<i32>} : memref<32x1024xf32, #tpu.memory_space<vmem>>, vector<1x16xf32>,
        %swap3A_810 = vector.shape_cast %swap3A_809 : vector<1x16xf32> to vector<16xf32>
        %swap3A_811 = vector.shape_cast %mul3A_806 : vector<16xf32> to vector<1x16xf32>
        tpu.vector_store %arg8[%swap3A_807, %swap3A_808], %swap3A_811 {strides = array<i32>} : memref<32x1024xf32, #tpu.memory_space<vmem>>, vector<1x16xf32>,
        %get3A_812 = arith.index_cast %scan3A_321 : i32 to index
        %get3A_813 = arith.constant 656 : index
        %get3A_814 = tpu.vector_load %arg8[%get3A_812, %get3A_813] {strides = array<i32>} : memref<32x1024xf32, #tpu.memory_space<vmem>>, vector<1x16xf32>,
        %get3A_815 = vector.shape_cast %get3A_814 : vector<1x16xf32> to vector<16xf32>
        %mul3A_816 = arith.constant 3.200000e+01 : f32
        %mul3A_817 = vector.broadcast %mul3A_816 : f32 to vector<16xf32>
        %mul3A_818 = arith.mulf %get3A_815, %mul3A_817 : vector<16xf32>
        %swap3A_819 = arith.index_cast %scan3A_321 : i32 to index
        %swap3A_820 = arith.constant 656 : index
        %swap3A_821 = tpu.vector_load %arg8[%swap3A_819, %swap3A_820] {strides = array<i32>} : memref<32x1024xf32, #tpu.memory_space<vmem>>, vector<1x16xf32>,
        %swap3A_822 = vector.shape_cast %swap3A_821 : vector<1x16xf32> to vector<16xf32>
        %swap3A_823 = vector.shape_cast %mul3A_818 : vector<16xf32> to vector<1x16xf32>
        tpu.vector_store %arg8[%swap3A_819, %swap3A_820], %swap3A_823 {strides = array<i32>} : memref<32x1024xf32, #tpu.memory_space<vmem>>, vector<1x16xf32>,
        %get3A_824 = arith.index_cast %scan3A_321 : i32 to index
        %get3A_825 = arith.constant 672 : index
        %get3A_826 = tpu.vector_load %arg8[%get3A_824, %get3A_825] {strides = array<i32>} : memref<32x1024xf32, #tpu.memory_space<vmem>>, vector<1x16xf32>,
        %get3A_827 = vector.shape_cast %get3A_826 : vector<1x16xf32> to vector<16xf32>
        %mul3A_828 = arith.constant 3.200000e+01 : f32
        %mul3A_829 = vector.broadcast %mul3A_828 : f32 to vector<16xf32>
        %mul3A_830 = arith.mulf %get3A_827, %mul3A_829 : vector<16xf32>
        %swap3A_831 = arith.index_cast %scan3A_321 : i32 to index
        %swap3A_832 = arith.constant 672 : index
        %swap3A_833 = tpu.vector_load %arg8[%swap3A_831, %swap3A_832] {strides = array<i32>} : memref<32x1024xf32, #tpu.memory_space<vmem>>, vector<1x16xf32>,
        %swap3A_834 = vector.shape_cast %swap3A_833 : vector<1x16xf32> to vector<16xf32>
        %swap3A_835 = vector.shape_cast %mul3A_830 : vector<16xf32> to vector<1x16xf32>
        tpu.vector_store %arg8[%swap3A_831, %swap3A_832], %swap3A_835 {strides = array<i32>} : memref<32x1024xf32, #tpu.memory_space<vmem>>, vector<1x16xf32>,
        %get3A_836 = arith.index_cast %scan3A_321 : i32 to index
        %get3A_837 = arith.constant 688 : index
        %get3A_838 = tpu.vector_load %arg8[%get3A_836, %get3A_837] {strides = array<i32>} : memref<32x1024xf32, #tpu.memory_space<vmem>>, vector<1x16xf32>,
        %get3A_839 = vector.shape_cast %get3A_838 : vector<1x16xf32> to vector<16xf32>
        %mul3A_840 = arith.constant 3.200000e+01 : f32
        %mul3A_841 = vector.broadcast %mul3A_840 : f32 to vector<16xf32>
        %mul3A_842 = arith.mulf %get3A_839, %mul3A_841 : vector<16xf32>
        %swap3A_843 = arith.index_cast %scan3A_321 : i32 to index
        %swap3A_844 = arith.constant 688 : index
        %swap3A_845 = tpu.vector_load %arg8[%swap3A_843, %swap3A_844] {strides = array<i32>} : memref<32x1024xf32, #tpu.memory_space<vmem>>, vector<1x16xf32>,
        %swap3A_846 = vector.shape_cast %swap3A_845 : vector<1x16xf32> to vector<16xf32>
        %swap3A_847 = vector.shape_cast %mul3A_842 : vector<16xf32> to vector<1x16xf32>
        tpu.vector_store %arg8[%swap3A_843, %swap3A_844], %swap3A_847 {strides = array<i32>} : memref<32x1024xf32, #tpu.memory_space<vmem>>, vector<1x16xf32>,
        %get3A_848 = arith.index_cast %scan3A_321 : i32 to index
        %get3A_849 = arith.constant 704 : index
        %get3A_850 = tpu.vector_load %arg8[%get3A_848, %get3A_849] {strides = array<i32>} : memref<32x1024xf32, #tpu.memory_space<vmem>>, vector<1x16xf32>,
        %get3A_851 = vector.shape_cast %get3A_850 : vector<1x16xf32> to vector<16xf32>
        %mul3A_852 = arith.constant 3.200000e+01 : f32
        %mul3A_853 = vector.broadcast %mul3A_852 : f32 to vector<16xf32>
        %mul3A_854 = arith.mulf %get3A_851, %mul3A_853 : vector<16xf32>
        %swap3A_855 = arith.index_cast %scan3A_321 : i32 to index
        %swap3A_856 = arith.constant 704 : index
        %swap3A_857 = tpu.vector_load %arg8[%swap3A_855, %swap3A_856] {strides = array<i32>} : memref<32x1024xf32, #tpu.memory_space<vmem>>, vector<1x16xf32>,
        %swap3A_858 = vector.shape_cast %swap3A_857 : vector<1x16xf32> to vector<16xf32>
        %swap3A_859 = vector.shape_cast %mul3A_854 : vector<16xf32> to vector<1x16xf32>
        tpu.vector_store %arg8[%swap3A_855, %swap3A_856], %swap3A_859 {strides = array<i32>} : memref<32x1024xf32, #tpu.memory_space<vmem>>, vector<1x16xf32>,
        %get3A_860 = arith.index_cast %scan3A_321 : i32 to index
        %get3A_861 = arith.constant 720 : index
        %get3A_862 = tpu.vector_load %arg8[%get3A_860, %get3A_861] {strides = array<i32>} : memref<32x1024xf32, #tpu.memory_space<vmem>>, vector<1x16xf32>,
        %get3A_863 = vector.shape_cast %get3A_862 : vector<1x16xf32> to vector<16xf32>
        %mul3A_864 = arith.constant 3.200000e+01 : f32
        %mul3A_865 = vector.broadcast %mul3A_864 : f32 to vector<16xf32>
        %mul3A_866 = arith.mulf %get3A_863, %mul3A_865 : vector<16xf32>
        %swap3A_867 = arith.index_cast %scan3A_321 : i32 to index
        %swap3A_868 = arith.constant 720 : index
        %swap3A_869 = tpu.vector_load %arg8[%swap3A_867, %swap3A_868] {strides = array<i32>} : memref<32x1024xf32, #tpu.memory_space<vmem>>, vector<1x16xf32>,
        %swap3A_870 = vector.shape_cast %swap3A_869 : vector<1x16xf32> to vector<16xf32>
        %swap3A_871 = vector.shape_cast %mul3A_866 : vector<16xf32> to vector<1x16xf32>
        tpu.vector_store %arg8[%swap3A_867, %swap3A_868], %swap3A_871 {strides = array<i32>} : memref<32x1024xf32, #tpu.memory_space<vmem>>, vector<1x16xf32>,
        %get3A_872 = arith.index_cast %scan3A_321 : i32 to index
        %get3A_873 = arith.constant 736 : index
        %get3A_874 = tpu.vector_load %arg8[%get3A_872, %get3A_873] {strides = array<i32>} : memref<32x1024xf32, #tpu.memory_space<vmem>>, vector<1x16xf32>,
        %get3A_875 = vector.shape_cast %get3A_874 : vector<1x16xf32> to vector<16xf32>
        %mul3A_876 = arith.constant 3.200000e+01 : f32
        %mul3A_877 = vector.broadcast %mul3A_876 : f32 to vector<16xf32>
        %mul3A_878 = arith.mulf %get3A_875, %mul3A_877 : vector<16xf32>
        %swap3A_879 = arith.index_cast %scan3A_321 : i32 to index
        %swap3A_880 = arith.constant 736 : index
        %swap3A_881 = tpu.vector_load %arg8[%swap3A_879, %swap3A_880] {strides = array<i32>} : memref<32x1024xf32, #tpu.memory_space<vmem>>, vector<1x16xf32>,
        %swap3A_882 = vector.shape_cast %swap3A_881 : vector<1x16xf32> to vector<16xf32>
        %swap3A_883 = vector.shape_cast %mul3A_878 : vector<16xf32> to vector<1x16xf32>
        tpu.vector_store %arg8[%swap3A_879, %swap3A_880], %swap3A_883 {strides = array<i32>} : memref<32x1024xf32, #tpu.memory_space<vmem>>, vector<1x16xf32>,
        %get3A_884 = arith.index_cast %scan3A_321 : i32 to index
        %get3A_885 = arith.constant 752 : index
        %get3A_886 = tpu.vector_load %arg8[%get3A_884, %get3A_885] {strides = array<i32>} : memref<32x1024xf32, #tpu.memory_space<vmem>>, vector<1x16xf32>,
        %get3A_887 = vector.shape_cast %get3A_886 : vector<1x16xf32> to vector<16xf32>
        %mul3A_888 = arith.constant 3.200000e+01 : f32
        %mul3A_889 = vector.broadcast %mul3A_888 : f32 to vector<16xf32>
        %mul3A_890 = arith.mulf %get3A_887, %mul3A_889 : vector<16xf32>
        %swap3A_891 = arith.index_cast %scan3A_321 : i32 to index
        %swap3A_892 = arith.constant 752 : index
        %swap3A_893 = tpu.vector_load %arg8[%swap3A_891, %swap3A_892] {strides = array<i32>} : memref<32x1024xf32, #tpu.memory_space<vmem>>, vector<1x16xf32>,
        %swap3A_894 = vector.shape_cast %swap3A_893 : vector<1x16xf32> to vector<16xf32>
        %swap3A_895 = vector.shape_cast %mul3A_890 : vector<16xf32> to vector<1x16xf32>
        tpu.vector_store %arg8[%swap3A_891, %swap3A_892], %swap3A_895 {strides = array<i32>} : memref<32x1024xf32, #tpu.memory_space<vmem>>, vector<1x16xf32>,
        %get3A_896 = arith.index_cast %scan3A_321 : i32 to index
        %get3A_897 = arith.constant 768 : index
        %get3A_898 = tpu.vector_load %arg8[%get3A_896, %get3A_897] {strides = array<i32>} : memref<32x1024xf32, #tpu.memory_space<vmem>>, vector<1x16xf32>,
        %get3A_899 = vector.shape_cast %get3A_898 : vector<1x16xf32> to vector<16xf32>
        %mul3A_900 = arith.constant 3.200000e+01 : f32
        %mul3A_901 = vector.broadcast %mul3A_900 : f32 to vector<16xf32>
        %mul3A_902 = arith.mulf %get3A_899, %mul3A_901 : vector<16xf32>
        %swap3A_903 = arith.index_cast %scan3A_321 : i32 to index
        %swap3A_904 = arith.constant 768 : index
        %swap3A_905 = tpu.vector_load %arg8[%swap3A_903, %swap3A_904] {strides = array<i32>} : memref<32x1024xf32, #tpu.memory_space<vmem>>, vector<1x16xf32>,
        %swap3A_906 = vector.shape_cast %swap3A_905 : vector<1x16xf32> to vector<16xf32>
        %swap3A_907 = vector.shape_cast %mul3A_902 : vector<16xf32> to vector<1x16xf32>
        tpu.vector_store %arg8[%swap3A_903, %swap3A_904], %swap3A_907 {strides = array<i32>} : memref<32x1024xf32, #tpu.memory_space<vmem>>, vector<1x16xf32>,
        %get3A_908 = arith.index_cast %scan3A_321 : i32 to index
        %get3A_909 = arith.constant 784 : index
        %get3A_910 = tpu.vector_load %arg8[%get3A_908, %get3A_909] {strides = array<i32>} : memref<32x1024xf32, #tpu.memory_space<vmem>>, vector<1x16xf32>,
        %get3A_911 = vector.shape_cast %get3A_910 : vector<1x16xf32> to vector<16xf32>
        %mul3A_912 = arith.constant 3.200000e+01 : f32
        %mul3A_913 = vector.broadcast %mul3A_912 : f32 to vector<16xf32>
        %mul3A_914 = arith.mulf %get3A_911, %mul3A_913 : vector<16xf32>
        %swap3A_915 = arith.index_cast %scan3A_321 : i32 to index
        %swap3A_916 = arith.constant 784 : index
        %swap3A_917 = tpu.vector_load %arg8[%swap3A_915, %swap3A_916] {strides = array<i32>} : memref<32x1024xf32, #tpu.memory_space<vmem>>, vector<1x16xf32>,
        %swap3A_918 = vector.shape_cast %swap3A_917 : vector<1x16xf32> to vector<16xf32>
        %swap3A_919 = vector.shape_cast %mul3A_914 : vector<16xf32> to vector<1x16xf32>
        tpu.vector_store %arg8[%swap3A_915, %swap3A_916], %swap3A_919 {strides = array<i32>} : memref<32x1024xf32, #tpu.memory_space<vmem>>, vector<1x16xf32>,
        %get3A_920 = arith.index_cast %scan3A_321 : i32 to index
        %get3A_921 = arith.constant 800 : index
        %get3A_922 = tpu.vector_load %arg8[%get3A_920, %get3A_921] {strides = array<i32>} : memref<32x1024xf32, #tpu.memory_space<vmem>>, vector<1x16xf32>,
        %get3A_923 = vector.shape_cast %get3A_922 : vector<1x16xf32> to vector<16xf32>
        %mul3A_924 = arith.constant 3.200000e+01 : f32
        %mul3A_925 = vector.broadcast %mul3A_924 : f32 to vector<16xf32>
        %mul3A_926 = arith.mulf %get3A_923, %mul3A_925 : vector<16xf32>
        %swap3A_927 = arith.index_cast %scan3A_321 : i32 to index
        %swap3A_928 = arith.constant 800 : index
        %swap3A_929 = tpu.vector_load %arg8[%swap3A_927, %swap3A_928] {strides = array<i32>} : memref<32x1024xf32, #tpu.memory_space<vmem>>, vector<1x16xf32>,
        %swap3A_930 = vector.shape_cast %swap3A_929 : vector<1x16xf32> to vector<16xf32>
        %swap3A_931 = vector.shape_cast %mul3A_926 : vector<16xf32> to vector<1x16xf32>
        tpu.vector_store %arg8[%swap3A_927, %swap3A_928], %swap3A_931 {strides = array<i32>} : memref<32x1024xf32, #tpu.memory_space<vmem>>, vector<1x16xf32>,
        %get3A_932 = arith.index_cast %scan3A_321 : i32 to index
        %get3A_933 = arith.constant 816 : index
        %get3A_934 = tpu.vector_load %arg8[%get3A_932, %get3A_933] {strides = array<i32>} : memref<32x1024xf32, #tpu.memory_space<vmem>>, vector<1x16xf32>,
        %get3A_935 = vector.shape_cast %get3A_934 : vector<1x16xf32> to vector<16xf32>
        %mul3A_936 = arith.constant 3.200000e+01 : f32
        %mul3A_937 = vector.broadcast %mul3A_936 : f32 to vector<16xf32>
        %mul3A_938 = arith.mulf %get3A_935, %mul3A_937 : vector<16xf32>
        %swap3A_939 = arith.index_cast %scan3A_321 : i32 to index
        %swap3A_940 = arith.constant 816 : index
        %swap3A_941 = tpu.vector_load %arg8[%swap3A_939, %swap3A_940] {strides = array<i32>} : memref<32x1024xf32, #tpu.memory_space<vmem>>, vector<1x16xf32>,
        %swap3A_942 = vector.shape_cast %swap3A_941 : vector<1x16xf32> to vector<16xf32>
        %swap3A_943 = vector.shape_cast %mul3A_938 : vector<16xf32> to vector<1x16xf32>
        tpu.vector_store %arg8[%swap3A_939, %swap3A_940], %swap3A_943 {strides = array<i32>} : memref<32x1024xf32, #tpu.memory_space<vmem>>, vector<1x16xf32>,
        %get3A_944 = arith.index_cast %scan3A_321 : i32 to index
        %get3A_945 = arith.constant 832 : index
        %get3A_946 = tpu.vector_load %arg8[%get3A_944, %get3A_945] {strides = array<i32>} : memref<32x1024xf32, #tpu.memory_space<vmem>>, vector<1x16xf32>,
        %get3A_947 = vector.shape_cast %get3A_946 : vector<1x16xf32> to vector<16xf32>
        %mul3A_948 = arith.constant 3.200000e+01 : f32
        %mul3A_949 = vector.broadcast %mul3A_948 : f32 to vector<16xf32>
        %mul3A_950 = arith.mulf %get3A_947, %mul3A_949 : vector<16xf32>
        %swap3A_951 = arith.index_cast %scan3A_321 : i32 to index
        %swap3A_952 = arith.constant 832 : index
        %swap3A_953 = tpu.vector_load %arg8[%swap3A_951, %swap3A_952] {strides = array<i32>} : memref<32x1024xf32, #tpu.memory_space<vmem>>, vector<1x16xf32>,
        %swap3A_954 = vector.shape_cast %swap3A_953 : vector<1x16xf32> to vector<16xf32>
        %swap3A_955 = vector.shape_cast %mul3A_950 : vector<16xf32> to vector<1x16xf32>
        tpu.vector_store %arg8[%swap3A_951, %swap3A_952], %swap3A_955 {strides = array<i32>} : memref<32x1024xf32, #tpu.memory_space<vmem>>, vector<1x16xf32>,
        %get3A_956 = arith.index_cast %scan3A_321 : i32 to index
        %get3A_957 = arith.constant 848 : index
        %get3A_958 = tpu.vector_load %arg8[%get3A_956, %get3A_957] {strides = array<i32>} : memref<32x1024xf32, #tpu.memory_space<vmem>>, vector<1x16xf32>,
        %get3A_959 = vector.shape_cast %get3A_958 : vector<1x16xf32> to vector<16xf32>
        %mul3A_960 = arith.constant 3.200000e+01 : f32
        %mul3A_961 = vector.broadcast %mul3A_960 : f32 to vector<16xf32>
        %mul3A_962 = arith.mulf %get3A_959, %mul3A_961 : vector<16xf32>
        %swap3A_963 = arith.index_cast %scan3A_321 : i32 to index
        %swap3A_964 = arith.constant 848 : index
        %swap3A_965 = tpu.vector_load %arg8[%swap3A_963, %swap3A_964] {strides = array<i32>} : memref<32x1024xf32, #tpu.memory_space<vmem>>, vector<1x16xf32>,
        %swap3A_966 = vector.shape_cast %swap3A_965 : vector<1x16xf32> to vector<16xf32>
        %swap3A_967 = vector.shape_cast %mul3A_962 : vector<16xf32> to vector<1x16xf32>
        tpu.vector_store %arg8[%swap3A_963, %swap3A_964], %swap3A_967 {strides = array<i32>} : memref<32x1024xf32, #tpu.memory_space<vmem>>, vector<1x16xf32>,
        %get3A_968 = arith.index_cast %scan3A_321 : i32 to index
        %get3A_969 = arith.constant 864 : index
        %get3A_970 = tpu.vector_load %arg8[%get3A_968, %get3A_969] {strides = array<i32>} : memref<32x1024xf32, #tpu.memory_space<vmem>>, vector<1x16xf32>,
        %get3A_971 = vector.shape_cast %get3A_970 : vector<1x16xf32> to vector<16xf32>
        %mul3A_972 = arith.constant 3.200000e+01 : f32
        %mul3A_973 = vector.broadcast %mul3A_972 : f32 to vector<16xf32>
        %mul3A_974 = arith.mulf %get3A_971, %mul3A_973 : vector<16xf32>
        %swap3A_975 = arith.index_cast %scan3A_321 : i32 to index
        %swap3A_976 = arith.constant 864 : index
        %swap3A_977 = tpu.vector_load %arg8[%swap3A_975, %swap3A_976] {strides = array<i32>} : memref<32x1024xf32, #tpu.memory_space<vmem>>, vector<1x16xf32>,
        %swap3A_978 = vector.shape_cast %swap3A_977 : vector<1x16xf32> to vector<16xf32>
        %swap3A_979 = vector.shape_cast %mul3A_974 : vector<16xf32> to vector<1x16xf32>
        tpu.vector_store %arg8[%swap3A_975, %swap3A_976], %swap3A_979 {strides = array<i32>} : memref<32x1024xf32, #tpu.memory_space<vmem>>, vector<1x16xf32>,
        %get3A_980 = arith.index_cast %scan3A_321 : i32 to index
        %get3A_981 = arith.constant 880 : index
        %get3A_982 = tpu.vector_load %arg8[%get3A_980, %get3A_981] {strides = array<i32>} : memref<32x1024xf32, #tpu.memory_space<vmem>>, vector<1x16xf32>,
        %get3A_983 = vector.shape_cast %get3A_982 : vector<1x16xf32> to vector<16xf32>
        %mul3A_984 = arith.constant 3.200000e+01 : f32
        %mul3A_985 = vector.broadcast %mul3A_984 : f32 to vector<16xf32>
        %mul3A_986 = arith.mulf %get3A_983, %mul3A_985 : vector<16xf32>
        %swap3A_987 = arith.index_cast %scan3A_321 : i32 to index
        %swap3A_988 = arith.constant 880 : index
        %swap3A_989 = tpu.vector_load %arg8[%swap3A_987, %swap3A_988] {strides = array<i32>} : memref<32x1024xf32, #tpu.memory_space<vmem>>, vector<1x16xf32>,
        %swap3A_990 = vector.shape_cast %swap3A_989 : vector<1x16xf32> to vector<16xf32>
        %swap3A_991 = vector.shape_cast %mul3A_986 : vector<16xf32> to vector<1x16xf32>
        tpu.vector_store %arg8[%swap3A_987, %swap3A_988], %swap3A_991 {strides = array<i32>} : memref<32x1024xf32, #tpu.memory_space<vmem>>, vector<1x16xf32>,
        %get3A_992 = arith.index_cast %scan3A_321 : i32 to index
        %get3A_993 = arith.constant 896 : index
        %get3A_994 = tpu.vector_load %arg8[%get3A_992, %get3A_993] {strides = array<i32>} : memref<32x1024xf32, #tpu.memory_space<vmem>>, vector<1x16xf32>,
        %get3A_995 = vector.shape_cast %get3A_994 : vector<1x16xf32> to vector<16xf32>
        %mul3A_996 = arith.constant 3.200000e+01 : f32
        %mul3A_997 = vector.broadcast %mul3A_996 : f32 to vector<16xf32>
        %mul3A_998 = arith.mulf %get3A_995, %mul3A_997 : vector<16xf32>
        %swap3A_999 = arith.index_cast %scan3A_321 : i32 to index
        %swap3A_1000 = arith.constant 896 : index
        %swap3A_1001 = tpu.vector_load %arg8[%swap3A_999, %swap3A_1000] {strides = array<i32>} : memref<32x1024xf32, #tpu.memory_space<vmem>>, vector<1x16xf32>,
        %swap3A_1002 = vector.shape_cast %swap3A_1001 : vector<1x16xf32> to vector<16xf32>
        %swap3A_1003 = vector.shape_cast %mul3A_998 : vector<16xf32> to vector<1x16xf32>
        tpu.vector_store %arg8[%swap3A_999, %swap3A_1000], %swap3A_1003 {strides = array<i32>} : memref<32x1024xf32, #tpu.memory_space<vmem>>, vector<1x16xf32>,
        %get3A_1004 = arith.index_cast %scan3A_321 : i32 to index
        %get3A_1005 = arith.constant 912 : index
        %get3A_1006 = tpu.vector_load %arg8[%get3A_1004, %get3A_1005] {strides = array<i32>} : memref<32x1024xf32, #tpu.memory_space<vmem>>, vector<1x16xf32>,
        %get3A_1007 = vector.shape_cast %get3A_1006 : vector<1x16xf32> to vector<16xf32>
        %mul3A_1008 = arith.constant 3.200000e+01 : f32
        %mul3A_1009 = vector.broadcast %mul3A_1008 : f32 to vector<16xf32>
        %mul3A_1010 = arith.mulf %get3A_1007, %mul3A_1009 : vector<16xf32>
        %swap3A_1011 = arith.index_cast %scan3A_321 : i32 to index
        %swap3A_1012 = arith.constant 912 : index
        %swap3A_1013 = tpu.vector_load %arg8[%swap3A_1011, %swap3A_1012] {strides = array<i32>} : memref<32x1024xf32, #tpu.memory_space<vmem>>, vector<1x16xf32>,
        %swap3A_1014 = vector.shape_cast %swap3A_1013 : vector<1x16xf32> to vector<16xf32>
        %swap3A_1015 = vector.shape_cast %mul3A_1010 : vector<16xf32> to vector<1x16xf32>
        tpu.vector_store %arg8[%swap3A_1011, %swap3A_1012], %swap3A_1015 {strides = array<i32>} : memref<32x1024xf32, #tpu.memory_space<vmem>>, vector<1x16xf32>,
        %get3A_1016 = arith.index_cast %scan3A_321 : i32 to index
        %get3A_1017 = arith.constant 928 : index
        %get3A_1018 = tpu.vector_load %arg8[%get3A_1016, %get3A_1017] {strides = array<i32>} : memref<32x1024xf32, #tpu.memory_space<vmem>>, vector<1x16xf32>,
        %get3A_1019 = vector.shape_cast %get3A_1018 : vector<1x16xf32> to vector<16xf32>
        %mul3A_1020 = arith.constant 3.200000e+01 : f32
        %mul3A_1021 = vector.broadcast %mul3A_1020 : f32 to vector<16xf32>
        %mul3A_1022 = arith.mulf %get3A_1019, %mul3A_1021 : vector<16xf32>
        %swap3A_1023 = arith.index_cast %scan3A_321 : i32 to index
        %swap3A_1024 = arith.constant 928 : index
        %swap3A_1025 = tpu.vector_load %arg8[%swap3A_1023, %swap3A_1024] {strides = array<i32>} : memref<32x1024xf32, #tpu.memory_space<vmem>>, vector<1x16xf32>,
        %swap3A_1026 = vector.shape_cast %swap3A_1025 : vector<1x16xf32> to vector<16xf32>
        %swap3A_1027 = vector.shape_cast %mul3A_1022 : vector<16xf32> to vector<1x16xf32>
        tpu.vector_store %arg8[%swap3A_1023, %swap3A_1024], %swap3A_1027 {strides = array<i32>} : memref<32x1024xf32, #tpu.memory_space<vmem>>, vector<1x16xf32>,
        %get3A_1028 = arith.index_cast %scan3A_321 : i32 to index
        %get3A_1029 = arith.constant 944 : index
        %get3A_1030 = tpu.vector_load %arg8[%get3A_1028, %get3A_1029] {strides = array<i32>} : memref<32x1024xf32, #tpu.memory_space<vmem>>, vector<1x16xf32>,
        %get3A_1031 = vector.shape_cast %get3A_1030 : vector<1x16xf32> to vector<16xf32>
        %mul3A_1032 = arith.constant 3.200000e+01 : f32
        %mul3A_1033 = vector.broadcast %mul3A_1032 : f32 to vector<16xf32>
        %mul3A_1034 = arith.mulf %get3A_1031, %mul3A_1033 : vector<16xf32>
        %swap3A_1035 = arith.index_cast %scan3A_321 : i32 to index
        %swap3A_1036 = arith.constant 944 : index
        %swap3A_1037 = tpu.vector_load %arg8[%swap3A_1035, %swap3A_1036] {strides = array<i32>} : memref<32x1024xf32, #tpu.memory_space<vmem>>, vector<1x16xf32>,
        %swap3A_1038 = vector.shape_cast %swap3A_1037 : vector<1x16xf32> to vector<16xf32>
        %swap3A_1039 = vector.shape_cast %mul3A_1034 : vector<16xf32> to vector<1x16xf32>
        tpu.vector_store %arg8[%swap3A_1035, %swap3A_1036], %swap3A_1039 {strides = array<i32>} : memref<32x1024xf32, #tpu.memory_space<vmem>>, vector<1x16xf32>,
        %get3A_1040 = arith.index_cast %scan3A_321 : i32 to index
        %get3A_1041 = arith.constant 960 : index
        %get3A_1042 = tpu.vector_load %arg8[%get3A_1040, %get3A_1041] {strides = array<i32>} : memref<32x1024xf32, #tpu.memory_space<vmem>>, vector<1x16xf32>,
        %get3A_1043 = vector.shape_cast %get3A_1042 : vector<1x16xf32> to vector<16xf32>
        %mul3A_1044 = arith.constant 3.200000e+01 : f32
        %mul3A_1045 = vector.broadcast %mul3A_1044 : f32 to vector<16xf32>
        %mul3A_1046 = arith.mulf %get3A_1043, %mul3A_1045 : vector<16xf32>
        %swap3A_1047 = arith.index_cast %scan3A_321 : i32 to index
        %swap3A_1048 = arith.constant 960 : index
        %swap3A_1049 = tpu.vector_load %arg8[%swap3A_1047, %swap3A_1048] {strides = array<i32>} : memref<32x1024xf32, #tpu.memory_space<vmem>>, vector<1x16xf32>,
        %swap3A_1050 = vector.shape_cast %swap3A_1049 : vector<1x16xf32> to vector<16xf32>
        %swap3A_1051 = vector.shape_cast %mul3A_1046 : vector<16xf32> to vector<1x16xf32>
        tpu.vector_store %arg8[%swap3A_1047, %swap3A_1048], %swap3A_1051 {strides = array<i32>} : memref<32x1024xf32, #tpu.memory_space<vmem>>, vector<1x16xf32>,
        %get3A_1052 = arith.index_cast %scan3A_321 : i32 to index
        %get3A_1053 = arith.constant 976 : index
        %get3A_1054 = tpu.vector_load %arg8[%get3A_1052, %get3A_1053] {strides = array<i32>} : memref<32x1024xf32, #tpu.memory_space<vmem>>, vector<1x16xf32>,
        %get3A_1055 = vector.shape_cast %get3A_1054 : vector<1x16xf32> to vector<16xf32>
        %mul3A_1056 = arith.constant 3.200000e+01 : f32
        %mul3A_1057 = vector.broadcast %mul3A_1056 : f32 to vector<16xf32>
        %mul3A_1058 = arith.mulf %get3A_1055, %mul3A_1057 : vector<16xf32>
        %swap3A_1059 = arith.index_cast %scan3A_321 : i32 to index
        %swap3A_1060 = arith.constant 976 : index
        %swap3A_1061 = tpu.vector_load %arg8[%swap3A_1059, %swap3A_1060] {strides = array<i32>} : memref<32x1024xf32, #tpu.memory_space<vmem>>, vector<1x16xf32>,
        %swap3A_1062 = vector.shape_cast %swap3A_1061 : vector<1x16xf32> to vector<16xf32>
        %swap3A_1063 = vector.shape_cast %mul3A_1058 : vector<16xf32> to vector<1x16xf32>
        tpu.vector_store %arg8[%swap3A_1059, %swap3A_1060], %swap3A_1063 {strides = array<i32>} : memref<32x1024xf32, #tpu.memory_space<vmem>>, vector<1x16xf32>,
        %get3A_1064 = arith.index_cast %scan3A_321 : i32 to index
        %get3A_1065 = arith.constant 992 : index
        %get3A_1066 = tpu.vector_load %arg8[%get3A_1064, %get3A_1065] {strides = array<i32>} : memref<32x1024xf32, #tpu.memory_space<vmem>>, vector<1x16xf32>,
        %get3A_1067 = vector.shape_cast %get3A_1066 : vector<1x16xf32> to vector<16xf32>
        %mul3A_1068 = arith.constant 3.200000e+01 : f32
        %mul3A_1069 = vector.broadcast %mul3A_1068 : f32 to vector<16xf32>
        %mul3A_1070 = arith.mulf %get3A_1067, %mul3A_1069 : vector<16xf32>
        %swap3A_1071 = arith.index_cast %scan3A_321 : i32 to index
        %swap3A_1072 = arith.constant 992 : index
        %swap3A_1073 = tpu.vector_load %arg8[%swap3A_1071, %swap3A_1072] {strides = array<i32>} : memref<32x1024xf32, #tpu.memory_space<vmem>>, vector<1x16xf32>,
        %swap3A_1074 = vector.shape_cast %swap3A_1073 : vector<1x16xf32> to vector<16xf32>
        %swap3A_1075 = vector.shape_cast %mul3A_1070 : vector<16xf32> to vector<1x16xf32>
        tpu.vector_store %arg8[%swap3A_1071, %swap3A_1072], %swap3A_1075 {strides = array<i32>} : memref<32x1024xf32, #tpu.memory_space<vmem>>, vector<1x16xf32>,
        %get3A_1076 = arith.index_cast %scan3A_321 : i32 to index
        %get3A_1077 = arith.constant 1008 : index
        %get3A_1078 = tpu.vector_load %arg8[%get3A_1076, %get3A_1077] {strides = array<i32>} : memref<32x1024xf32, #tpu.memory_space<vmem>>, vector<1x16xf32>,
        %get3A_1079 = vector.shape_cast %get3A_1078 : vector<1x16xf32> to vector<16xf32>
        %mul3A_1080 = arith.constant 3.200000e+01 : f32
        %mul3A_1081 = vector.broadcast %mul3A_1080 : f32 to vector<16xf32>
        %mul3A_1082 = arith.mulf %get3A_1079, %mul3A_1081 : vector<16xf32>
        %swap3A_1083 = arith.index_cast %scan3A_321 : i32 to index
        %swap3A_1084 = arith.constant 1008 : index
        %swap3A_1085 = tpu.vector_load %arg8[%swap3A_1083, %swap3A_1084] {strides = array<i32>} : memref<32x1024xf32, #tpu.memory_space<vmem>>, vector<1x16xf32>,
        %swap3A_1086 = vector.shape_cast %swap3A_1085 : vector<1x16xf32> to vector<16xf32>
        %swap3A_1087 = vector.shape_cast %mul3A_1082 : vector<16xf32> to vector<1x16xf32>
        tpu.vector_store %arg8[%swap3A_1083, %swap3A_1084], %swap3A_1087 {strides = array<i32>} : memref<32x1024xf32, #tpu.memory_space<vmem>>, vector<1x16xf32>,
      }
      %scan3A_231 = arith.constant 32 : i32
      %add3A_232 = arith.addi %mul3A_2, %sub3A_213 : i32
      %multiple_of3A_233 = tpu.assume_multiple %add3A_232, 8 : i32
      %dma_start3A_234 = arith.constant 0 : i32
      %dma_start3A_235 = arith.constant 0 : i32
      %dma_start3A_236 = tpu.memref_slice %arg8[%dma_start3A_234, %dma_start3A_235] : memref<32x1024xf32, #tpu.memory_space<vmem>> -> memref<32x1024xf32, #tpu.memory_space<vmem>>
      %dma_start3A_237 = arith.constant 0 : i32
      %dma_start3A_238 = tpu.memref_slice %arg4[%multiple_of3A_233, %dma_start3A_237] : memref<16384x1024xf32, #tpu.memory_space<hbm>> -> memref<32x1024xf32, #tpu.memory_space<hbm>>
      %dma_start3A_239 = arith.constant 0 : i32
      %dma_start3A_240 = tpu.memref_slice %arg4[%multiple_of3A_233, %dma_start3A_239] : memref<16384x1024xf32, #tpu.memory_space<hbm>> -> memref<32x1024xf32, #tpu.memory_space<hbm>>
      %dma_start3A_241 = arith.constant 0 : i32
      %dma_start3A_242 = arith.constant 0 : i32
      %dma_start3A_243 = tpu.memref_slice %arg8[%dma_start3A_241, %dma_start3A_242] : memref<32x1024xf32, #tpu.memory_space<vmem>> -> memref<32x1024xf32, #tpu.memory_space<vmem>>
      tpu.enqueue_dma source(%dma_start3A_243 : memref<32x1024xf32, #tpu.memory_space<vmem>>) target(%dma_start3A_240 : memref<32x1024xf32, #tpu.memory_space<hbm>>) target_semaphore(%arg14 : memref<!tpu.dma_semaphore, #tpu.memory_space<semaphore_mem>>)
      %dma_wait3A_244 = arith.constant 0 : i32
      %dma_wait3A_245 = arith.constant 0 : i32
      %dma_wait3A_246 = tpu.memref_slice %arg7[%dma_wait3A_244, %dma_wait3A_245] : memref<32x1024xf32, #tpu.memory_space<vmem>> -> memref<32x1024xf32, #tpu.memory_space<vmem>>
      %dma_wait3A_247 = arith.constant 0 : i32
      %dma_wait3A_248 = arith.constant 0 : i32
      %dma_wait3A_249 = tpu.memref_slice %arg4[%dma_wait3A_247, %dma_wait3A_248] : memref<16384x1024xf32, #tpu.memory_space<hbm>> -> memref<32x1024xf32, #tpu.memory_space<hbm>>
      %dma_wait3A_250 = arith.constant 0 : i32
      %dma_wait3A_251 = arith.constant 0 : i32
      %dma_wait3A_252 = tpu.memref_slice %arg4[%dma_wait3A_250, %dma_wait3A_251] : memref<16384x1024xf32, #tpu.memory_space<hbm>> -> memref<32x1024xf32, #tpu.memory_space<hbm>>
      %dma_wait3A_253 = arith.constant 0 : i32
      %dma_wait3A_254 = arith.constant 0 : i32
      %dma_wait3A_255 = tpu.memref_slice %arg7[%dma_wait3A_253, %dma_wait3A_254] : memref<32x1024xf32, #tpu.memory_space<vmem>> -> memref<32x1024xf32, #tpu.memory_space<vmem>>
      tpu.wait_dma2 semaphore(%arg13 : memref<!tpu.dma_semaphore, #tpu.memory_space<semaphore_mem>>) src(%dma_wait3A_255 : memref<32x1024xf32, #tpu.memory_space<vmem>>) dst(%dma_wait3A_252 : memref<32x1024xf32, #tpu.memory_space<hbm>>)
      %lt3A_256 = arith.constant 4 : i32
      %lt3A_257 = arith.cmpi slt, %scan3A_150, %lt3A_256 : i32
      %convert_element_type3A_258 = arith.extui %lt3A_257 : i1 to i32
      %cond3A_259 = arith.constant 0 : i32
      %cond3A_260 = arith.cmpi ne, %convert_element_type3A_258, %cond3A_259 : i32
      scf.if %cond3A_260 {
        %add3A_321 = arith.constant 64 : i32
        %add3A_322 = arith.addi %sub3A_213, %add3A_321 : i32
        %multiple_of3A_323 = tpu.assume_multiple %add3A_322, 8 : i32
        %dma_start3A_324 = arith.constant 0 : i32
        %dma_start3A_325 = arith.constant 0 : i32
        %dma_start3A_326 = tpu.memref_slice %arg7[%dma_start3A_324, %dma_start3A_325] : memref<32x1024xf32, #tpu.memory_space<vmem>> -> memref<32x1024xf32, #tpu.memory_space<vmem>>
        %dma_start3A_327 = tpu.memref_slice %arg5[%multiple_of3A_323] : memref<512xi32, #tpu.memory_space<vmem>> -> memref<32xi32, #tpu.memory_space<vmem>>
        %dma_start3A_328 = arith.constant 0 : i32
        %dma_start3A_329 = arith.constant 0 : i32
        %dma_start3A_330 = tpu.memref_slice %arg3[%dma_start3A_328, %dma_start3A_329] : memref<100000x1024xf32, #tpu.memory_space<hbm>> -> memref<100000x1024xf32, #tpu.memory_space<hbm>>
        tpu.enqueue_indirect_dma source(%dma_start3A_330 : memref<100000x1024xf32, #tpu.memory_space<hbm>>) target(%dma_start3A_326 : memref<32x1024xf32, #tpu.memory_space<vmem>>) offsets(%dma_start3A_327 : memref<32xi32, #tpu.memory_space<vmem>>) semaphore(%arg10 : memref<!tpu.dma_semaphore, #tpu.memory_space<semaphore_mem>>)
      } else {
      }
      %eq3A_261 = arith.constant 4 : i32
      %eq3A_262 = arith.cmpi eq, %scan3A_150, %eq3A_261 : i32
      %convert_element_type3A_263 = arith.extui %eq3A_262 : i1 to i32
      %cond3A_264 = arith.constant 0 : i32
      %cond3A_265 = arith.cmpi ne, %convert_element_type3A_263, %cond3A_264 : i32
      scf.if %cond3A_265 {
        %multiple_of3A_321 = arith.constant 488 : i32
        %multiple_of3A_322 = tpu.assume_multiple %multiple_of3A_321, 8 : i32
        %dma_start3A_323 = arith.constant 0 : i32
        %dma_start3A_324 = arith.constant 0 : i32
        %dma_start3A_325 = tpu.memref_slice %arg7[%dma_start3A_323, %dma_start3A_324] : memref<32x1024xf32, #tpu.memory_space<vmem>> -> memref<24x1024xf32, #tpu.memory_space<vmem>>
        %dma_start3A_326 = tpu.memref_slice %arg5[%multiple_of3A_322] : memref<512xi32, #tpu.memory_space<vmem>> -> memref<24xi32, #tpu.memory_space<vmem>>
        %dma_start3A_327 = arith.constant 0 : i32
        %dma_start3A_328 = arith.constant 0 : i32
        %dma_start3A_329 = tpu.memref_slice %arg3[%dma_start3A_327, %dma_start3A_328] : memref<100000x1024xf32, #tpu.memory_space<hbm>> -> memref<100000x1024xf32, #tpu.memory_space<hbm>>
        tpu.enqueue_indirect_dma source(%dma_start3A_329 : memref<100000x1024xf32, #tpu.memory_space<hbm>>) target(%dma_start3A_325 : memref<24x1024xf32, #tpu.memory_space<vmem>>) offsets(%dma_start3A_326 : memref<24xi32, #tpu.memory_space<vmem>>) semaphore(%arg10 : memref<!tpu.dma_semaphore, #tpu.memory_space<semaphore_mem>>)
      } else {
      }
      %mul3A_266 = arith.constant 3 : i32
      %mul3A_267 = arith.muli %scan3A_150, %mul3A_266 : i32
      %add3A_268 = arith.constant 3 : i32
      %add3A_269 = arith.addi %mul3A_267, %add3A_268 : i32
      %mul3A_270 = arith.constant 32 : i32
      %mul3A_271 = arith.muli %add3A_269, %mul3A_270 : i32
      %sub3A_272 = arith.constant 24 : i32
      %sub3A_273 = arith.subi %mul3A_271, %sub3A_272 : i32
      %dma_wait3A_274 = arith.constant 0 : i32
      %dma_wait3A_275 = arith.constant 0 : i32
      %dma_wait3A_276 = tpu.memref_slice %arg6[%dma_wait3A_274, %dma_wait3A_275] : memref<32x1024xf32, #tpu.memory_space<vmem>> -> memref<32x1024xf32, #tpu.memory_space<vmem>>
      %dma_wait3A_277 = arith.constant 0 : i32
      %dma_wait3A_278 = arith.constant 0 : i32
      %dma_wait3A_279 = tpu.memref_slice %arg4[%dma_wait3A_277, %dma_wait3A_278] : memref<16384x1024xf32, #tpu.memory_space<hbm>> -> memref<32x1024xf32, #tpu.memory_space<hbm>>
      %dma_wait3A_280 = arith.constant 0 : i32
      %dma_wait3A_281 = arith.constant 0 : i32
      %dma_wait3A_282 = tpu.memref_slice %arg6[%dma_wait3A_280, %dma_wait3A_281] : memref<32x1024xf32, #tpu.memory_space<vmem>> -> memref<32x1024xf32, #tpu.memory_space<vmem>>
      %dma_wait3A_283 = arith.constant 0 : i32
      %dma_wait3A_284 = arith.constant 0 : i32
      %dma_wait3A_285 = tpu.memref_slice %arg4[%dma_wait3A_283, %dma_wait3A_284] : memref<16384x1024xf32, #tpu.memory_space<hbm>> -> memref<32x1024xf32, #tpu.memory_space<hbm>>
      tpu.wait_dma2 semaphore(%arg9 : memref<!tpu.dma_semaphore, #tpu.memory_space<semaphore_mem>>) src(%dma_wait3A_285 : memref<32x1024xf32, #tpu.memory_space<hbm>>) dst(%dma_wait3A_282 : memref<32x1024xf32, #tpu.memory_space<vmem>>)
      %scan3A_286 = arith.constant 0 : i32
      %scan3A_287 = arith.constant 0 : i32
      %scan3A_288 = arith.constant 32 : i32
      %scan3A_289 = arith.addi %scan3A_287, %scan3A_288 : i32
      %scan3A_290 = arith.constant 1 : i32
      scf.for %scan3A_321 = %scan3A_287 to %scan3A_289 step %scan3A_290  : i32 {
        %get3A = arith.index_cast %scan3A_321 : i32 to index
        %get3A_322 = arith.constant 0 : index
        %get3A_323 = tpu.vector_load %arg6[%get3A, %get3A_322] {strides = array<i32>} : memref<32x1024xf32, #tpu.memory_space<vmem>>, vector<1x16xf32>,
        %get3A_324 = vector.shape_cast %get3A_323 : vector<1x16xf32> to vector<16xf32>
        %mul3A_325 = arith.constant 3.200000e+01 : f32
        %mul3A_326 = vector.broadcast %mul3A_325 : f32 to vector<16xf32>
        %mul3A_327 = arith.mulf %get3A_324, %mul3A_326 : vector<16xf32>
        %swap3A = arith.index_cast %scan3A_321 : i32 to index
        %swap3A_328 = arith.constant 0 : index
        %swap3A_329 = tpu.vector_load %arg6[%swap3A, %swap3A_328] {strides = array<i32>} : memref<32x1024xf32, #tpu.memory_space<vmem>>, vector<1x16xf32>,
        %swap3A_330 = vector.shape_cast %swap3A_329 : vector<1x16xf32> to vector<16xf32>
        %swap3A_331 = vector.shape_cast %mul3A_327 : vector<16xf32> to vector<1x16xf32>
        tpu.vector_store %arg6[%swap3A, %swap3A_328], %swap3A_331 {strides = array<i32>} : memref<32x1024xf32, #tpu.memory_space<vmem>>, vector<1x16xf32>,
        %get3A_332 = arith.index_cast %scan3A_321 : i32 to index
        %get3A_333 = arith.constant 16 : index
        %get3A_334 = tpu.vector_load %arg6[%get3A_332, %get3A_333] {strides = array<i32>} : memref<32x1024xf32, #tpu.memory_space<vmem>>, vector<1x16xf32>,
        %get3A_335 = vector.shape_cast %get3A_334 : vector<1x16xf32> to vector<16xf32>
        %mul3A_336 = arith.constant 3.200000e+01 : f32
        %mul3A_337 = vector.broadcast %mul3A_336 : f32 to vector<16xf32>
        %mul3A_338 = arith.mulf %get3A_335, %mul3A_337 : vector<16xf32>
        %swap3A_339 = arith.index_cast %scan3A_321 : i32 to index
        %swap3A_340 = arith.constant 16 : index
        %swap3A_341 = tpu.vector_load %arg6[%swap3A_339, %swap3A_340] {strides = array<i32>} : memref<32x1024xf32, #tpu.memory_space<vmem>>, vector<1x16xf32>,
        %swap3A_342 = vector.shape_cast %swap3A_341 : vector<1x16xf32> to vector<16xf32>
        %swap3A_343 = vector.shape_cast %mul3A_338 : vector<16xf32> to vector<1x16xf32>
        tpu.vector_store %arg6[%swap3A_339, %swap3A_340], %swap3A_343 {strides = array<i32>} : memref<32x1024xf32, #tpu.memory_space<vmem>>, vector<1x16xf32>,
        %get3A_344 = arith.index_cast %scan3A_321 : i32 to index
        %get3A_345 = arith.constant 32 : index
        %get3A_346 = tpu.vector_load %arg6[%get3A_344, %get3A_345] {strides = array<i32>} : memref<32x1024xf32, #tpu.memory_space<vmem>>, vector<1x16xf32>,
        %get3A_347 = vector.shape_cast %get3A_346 : vector<1x16xf32> to vector<16xf32>
        %mul3A_348 = arith.constant 3.200000e+01 : f32
        %mul3A_349 = vector.broadcast %mul3A_348 : f32 to vector<16xf32>
        %mul3A_350 = arith.mulf %get3A_347, %mul3A_349 : vector<16xf32>
        %swap3A_351 = arith.index_cast %scan3A_321 : i32 to index
        %swap3A_352 = arith.constant 32 : index
        %swap3A_353 = tpu.vector_load %arg6[%swap3A_351, %swap3A_352] {strides = array<i32>} : memref<32x1024xf32, #tpu.memory_space<vmem>>, vector<1x16xf32>,
        %swap3A_354 = vector.shape_cast %swap3A_353 : vector<1x16xf32> to vector<16xf32>
        %swap3A_355 = vector.shape_cast %mul3A_350 : vector<16xf32> to vector<1x16xf32>
        tpu.vector_store %arg6[%swap3A_351, %swap3A_352], %swap3A_355 {strides = array<i32>} : memref<32x1024xf32, #tpu.memory_space<vmem>>, vector<1x16xf32>,
        %get3A_356 = arith.index_cast %scan3A_321 : i32 to index
        %get3A_357 = arith.constant 48 : index
        %get3A_358 = tpu.vector_load %arg6[%get3A_356, %get3A_357] {strides = array<i32>} : memref<32x1024xf32, #tpu.memory_space<vmem>>, vector<1x16xf32>,
        %get3A_359 = vector.shape_cast %get3A_358 : vector<1x16xf32> to vector<16xf32>
        %mul3A_360 = arith.constant 3.200000e+01 : f32
        %mul3A_361 = vector.broadcast %mul3A_360 : f32 to vector<16xf32>
        %mul3A_362 = arith.mulf %get3A_359, %mul3A_361 : vector<16xf32>
        %swap3A_363 = arith.index_cast %scan3A_321 : i32 to index
        %swap3A_364 = arith.constant 48 : index
        %swap3A_365 = tpu.vector_load %arg6[%swap3A_363, %swap3A_364] {strides = array<i32>} : memref<32x1024xf32, #tpu.memory_space<vmem>>, vector<1x16xf32>,
        %swap3A_366 = vector.shape_cast %swap3A_365 : vector<1x16xf32> to vector<16xf32>
        %swap3A_367 = vector.shape_cast %mul3A_362 : vector<16xf32> to vector<1x16xf32>
        tpu.vector_store %arg6[%swap3A_363, %swap3A_364], %swap3A_367 {strides = array<i32>} : memref<32x1024xf32, #tpu.memory_space<vmem>>, vector<1x16xf32>,
        %get3A_368 = arith.index_cast %scan3A_321 : i32 to index
        %get3A_369 = arith.constant 64 : index
        %get3A_370 = tpu.vector_load %arg6[%get3A_368, %get3A_369] {strides = array<i32>} : memref<32x1024xf32, #tpu.memory_space<vmem>>, vector<1x16xf32>,
        %get3A_371 = vector.shape_cast %get3A_370 : vector<1x16xf32> to vector<16xf32>
        %mul3A_372 = arith.constant 3.200000e+01 : f32
        %mul3A_373 = vector.broadcast %mul3A_372 : f32 to vector<16xf32>
        %mul3A_374 = arith.mulf %get3A_371, %mul3A_373 : vector<16xf32>
        %swap3A_375 = arith.index_cast %scan3A_321 : i32 to index
        %swap3A_376 = arith.constant 64 : index
        %swap3A_377 = tpu.vector_load %arg6[%swap3A_375, %swap3A_376] {strides = array<i32>} : memref<32x1024xf32, #tpu.memory_space<vmem>>, vector<1x16xf32>,
        %swap3A_378 = vector.shape_cast %swap3A_377 : vector<1x16xf32> to vector<16xf32>
        %swap3A_379 = vector.shape_cast %mul3A_374 : vector<16xf32> to vector<1x16xf32>
        tpu.vector_store %arg6[%swap3A_375, %swap3A_376], %swap3A_379 {strides = array<i32>} : memref<32x1024xf32, #tpu.memory_space<vmem>>, vector<1x16xf32>,
        %get3A_380 = arith.index_cast %scan3A_321 : i32 to index
        %get3A_381 = arith.constant 80 : index
        %get3A_382 = tpu.vector_load %arg6[%get3A_380, %get3A_381] {strides = array<i32>} : memref<32x1024xf32, #tpu.memory_space<vmem>>, vector<1x16xf32>,
        %get3A_383 = vector.shape_cast %get3A_382 : vector<1x16xf32> to vector<16xf32>
        %mul3A_384 = arith.constant 3.200000e+01 : f32
        %mul3A_385 = vector.broadcast %mul3A_384 : f32 to vector<16xf32>
        %mul3A_386 = arith.mulf %get3A_383, %mul3A_385 : vector<16xf32>
        %swap3A_387 = arith.index_cast %scan3A_321 : i32 to index
        %swap3A_388 = arith.constant 80 : index
        %swap3A_389 = tpu.vector_load %arg6[%swap3A_387, %swap3A_388] {strides = array<i32>} : memref<32x1024xf32, #tpu.memory_space<vmem>>, vector<1x16xf32>,
        %swap3A_390 = vector.shape_cast %swap3A_389 : vector<1x16xf32> to vector<16xf32>
        %swap3A_391 = vector.shape_cast %mul3A_386 : vector<16xf32> to vector<1x16xf32>
        tpu.vector_store %arg6[%swap3A_387, %swap3A_388], %swap3A_391 {strides = array<i32>} : memref<32x1024xf32, #tpu.memory_space<vmem>>, vector<1x16xf32>,
        %get3A_392 = arith.index_cast %scan3A_321 : i32 to index
        %get3A_393 = arith.constant 96 : index
        %get3A_394 = tpu.vector_load %arg6[%get3A_392, %get3A_393] {strides = array<i32>} : memref<32x1024xf32, #tpu.memory_space<vmem>>, vector<1x16xf32>,
        %get3A_395 = vector.shape_cast %get3A_394 : vector<1x16xf32> to vector<16xf32>
        %mul3A_396 = arith.constant 3.200000e+01 : f32
        %mul3A_397 = vector.broadcast %mul3A_396 : f32 to vector<16xf32>
        %mul3A_398 = arith.mulf %get3A_395, %mul3A_397 : vector<16xf32>
        %swap3A_399 = arith.index_cast %scan3A_321 : i32 to index
        %swap3A_400 = arith.constant 96 : index
        %swap3A_401 = tpu.vector_load %arg6[%swap3A_399, %swap3A_400] {strides = array<i32>} : memref<32x1024xf32, #tpu.memory_space<vmem>>, vector<1x16xf32>,
        %swap3A_402 = vector.shape_cast %swap3A_401 : vector<1x16xf32> to vector<16xf32>
        %swap3A_403 = vector.shape_cast %mul3A_398 : vector<16xf32> to vector<1x16xf32>
        tpu.vector_store %arg6[%swap3A_399, %swap3A_400], %swap3A_403 {strides = array<i32>} : memref<32x1024xf32, #tpu.memory_space<vmem>>, vector<1x16xf32>,
        %get3A_404 = arith.index_cast %scan3A_321 : i32 to index
        %get3A_405 = arith.constant 112 : index
        %get3A_406 = tpu.vector_load %arg6[%get3A_404, %get3A_405] {strides = array<i32>} : memref<32x1024xf32, #tpu.memory_space<vmem>>, vector<1x16xf32>,
        %get3A_407 = vector.shape_cast %get3A_406 : vector<1x16xf32> to vector<16xf32>
        %mul3A_408 = arith.constant 3.200000e+01 : f32
        %mul3A_409 = vector.broadcast %mul3A_408 : f32 to vector<16xf32>
        %mul3A_410 = arith.mulf %get3A_407, %mul3A_409 : vector<16xf32>
        %swap3A_411 = arith.index_cast %scan3A_321 : i32 to index
        %swap3A_412 = arith.constant 112 : index
        %swap3A_413 = tpu.vector_load %arg6[%swap3A_411, %swap3A_412] {strides = array<i32>} : memref<32x1024xf32, #tpu.memory_space<vmem>>, vector<1x16xf32>,
        %swap3A_414 = vector.shape_cast %swap3A_413 : vector<1x16xf32> to vector<16xf32>
        %swap3A_415 = vector.shape_cast %mul3A_410 : vector<16xf32> to vector<1x16xf32>
        tpu.vector_store %arg6[%swap3A_411, %swap3A_412], %swap3A_415 {strides = array<i32>} : memref<32x1024xf32, #tpu.memory_space<vmem>>, vector<1x16xf32>,
        %get3A_416 = arith.index_cast %scan3A_321 : i32 to index
        %get3A_417 = arith.constant 128 : index
        %get3A_418 = tpu.vector_load %arg6[%get3A_416, %get3A_417] {strides = array<i32>} : memref<32x1024xf32, #tpu.memory_space<vmem>>, vector<1x16xf32>,
        %get3A_419 = vector.shape_cast %get3A_418 : vector<1x16xf32> to vector<16xf32>
        %mul3A_420 = arith.constant 3.200000e+01 : f32
        %mul3A_421 = vector.broadcast %mul3A_420 : f32 to vector<16xf32>
        %mul3A_422 = arith.mulf %get3A_419, %mul3A_421 : vector<16xf32>
        %swap3A_423 = arith.index_cast %scan3A_321 : i32 to index
        %swap3A_424 = arith.constant 128 : index
        %swap3A_425 = tpu.vector_load %arg6[%swap3A_423, %swap3A_424] {strides = array<i32>} : memref<32x1024xf32, #tpu.memory_space<vmem>>, vector<1x16xf32>,
        %swap3A_426 = vector.shape_cast %swap3A_425 : vector<1x16xf32> to vector<16xf32>
        %swap3A_427 = vector.shape_cast %mul3A_422 : vector<16xf32> to vector<1x16xf32>
        tpu.vector_store %arg6[%swap3A_423, %swap3A_424], %swap3A_427 {strides = array<i32>} : memref<32x1024xf32, #tpu.memory_space<vmem>>, vector<1x16xf32>,
        %get3A_428 = arith.index_cast %scan3A_321 : i32 to index
        %get3A_429 = arith.constant 144 : index
        %get3A_430 = tpu.vector_load %arg6[%get3A_428, %get3A_429] {strides = array<i32>} : memref<32x1024xf32, #tpu.memory_space<vmem>>, vector<1x16xf32>,
        %get3A_431 = vector.shape_cast %get3A_430 : vector<1x16xf32> to vector<16xf32>
        %mul3A_432 = arith.constant 3.200000e+01 : f32
        %mul3A_433 = vector.broadcast %mul3A_432 : f32 to vector<16xf32>
        %mul3A_434 = arith.mulf %get3A_431, %mul3A_433 : vector<16xf32>
        %swap3A_435 = arith.index_cast %scan3A_321 : i32 to index
        %swap3A_436 = arith.constant 144 : index
        %swap3A_437 = tpu.vector_load %arg6[%swap3A_435, %swap3A_436] {strides = array<i32>} : memref<32x1024xf32, #tpu.memory_space<vmem>>, vector<1x16xf32>,
        %swap3A_438 = vector.shape_cast %swap3A_437 : vector<1x16xf32> to vector<16xf32>
        %swap3A_439 = vector.shape_cast %mul3A_434 : vector<16xf32> to vector<1x16xf32>
        tpu.vector_store %arg6[%swap3A_435, %swap3A_436], %swap3A_439 {strides = array<i32>} : memref<32x1024xf32, #tpu.memory_space<vmem>>, vector<1x16xf32>,
        %get3A_440 = arith.index_cast %scan3A_321 : i32 to index
        %get3A_441 = arith.constant 160 : index
        %get3A_442 = tpu.vector_load %arg6[%get3A_440, %get3A_441] {strides = array<i32>} : memref<32x1024xf32, #tpu.memory_space<vmem>>, vector<1x16xf32>,
        %get3A_443 = vector.shape_cast %get3A_442 : vector<1x16xf32> to vector<16xf32>
        %mul3A_444 = arith.constant 3.200000e+01 : f32
        %mul3A_445 = vector.broadcast %mul3A_444 : f32 to vector<16xf32>
        %mul3A_446 = arith.mulf %get3A_443, %mul3A_445 : vector<16xf32>
        %swap3A_447 = arith.index_cast %scan3A_321 : i32 to index
        %swap3A_448 = arith.constant 160 : index
        %swap3A_449 = tpu.vector_load %arg6[%swap3A_447, %swap3A_448] {strides = array<i32>} : memref<32x1024xf32, #tpu.memory_space<vmem>>, vector<1x16xf32>,
        %swap3A_450 = vector.shape_cast %swap3A_449 : vector<1x16xf32> to vector<16xf32>
        %swap3A_451 = vector.shape_cast %mul3A_446 : vector<16xf32> to vector<1x16xf32>
        tpu.vector_store %arg6[%swap3A_447, %swap3A_448], %swap3A_451 {strides = array<i32>} : memref<32x1024xf32, #tpu.memory_space<vmem>>, vector<1x16xf32>,
        %get3A_452 = arith.index_cast %scan3A_321 : i32 to index
        %get3A_453 = arith.constant 176 : index
        %get3A_454 = tpu.vector_load %arg6[%get3A_452, %get3A_453] {strides = array<i32>} : memref<32x1024xf32, #tpu.memory_space<vmem>>, vector<1x16xf32>,
        %get3A_455 = vector.shape_cast %get3A_454 : vector<1x16xf32> to vector<16xf32>
        %mul3A_456 = arith.constant 3.200000e+01 : f32
        %mul3A_457 = vector.broadcast %mul3A_456 : f32 to vector<16xf32>
        %mul3A_458 = arith.mulf %get3A_455, %mul3A_457 : vector<16xf32>
        %swap3A_459 = arith.index_cast %scan3A_321 : i32 to index
        %swap3A_460 = arith.constant 176 : index
        %swap3A_461 = tpu.vector_load %arg6[%swap3A_459, %swap3A_460] {strides = array<i32>} : memref<32x1024xf32, #tpu.memory_space<vmem>>, vector<1x16xf32>,
        %swap3A_462 = vector.shape_cast %swap3A_461 : vector<1x16xf32> to vector<16xf32>
        %swap3A_463 = vector.shape_cast %mul3A_458 : vector<16xf32> to vector<1x16xf32>
        tpu.vector_store %arg6[%swap3A_459, %swap3A_460], %swap3A_463 {strides = array<i32>} : memref<32x1024xf32, #tpu.memory_space<vmem>>, vector<1x16xf32>,
        %get3A_464 = arith.index_cast %scan3A_321 : i32 to index
        %get3A_465 = arith.constant 192 : index
        %get3A_466 = tpu.vector_load %arg6[%get3A_464, %get3A_465] {strides = array<i32>} : memref<32x1024xf32, #tpu.memory_space<vmem>>, vector<1x16xf32>,
        %get3A_467 = vector.shape_cast %get3A_466 : vector<1x16xf32> to vector<16xf32>
        %mul3A_468 = arith.constant 3.200000e+01 : f32
        %mul3A_469 = vector.broadcast %mul3A_468 : f32 to vector<16xf32>
        %mul3A_470 = arith.mulf %get3A_467, %mul3A_469 : vector<16xf32>
        %swap3A_471 = arith.index_cast %scan3A_321 : i32 to index
        %swap3A_472 = arith.constant 192 : index
        %swap3A_473 = tpu.vector_load %arg6[%swap3A_471, %swap3A_472] {strides = array<i32>} : memref<32x1024xf32, #tpu.memory_space<vmem>>, vector<1x16xf32>,
        %swap3A_474 = vector.shape_cast %swap3A_473 : vector<1x16xf32> to vector<16xf32>
        %swap3A_475 = vector.shape_cast %mul3A_470 : vector<16xf32> to vector<1x16xf32>
        tpu.vector_store %arg6[%swap3A_471, %swap3A_472], %swap3A_475 {strides = array<i32>} : memref<32x1024xf32, #tpu.memory_space<vmem>>, vector<1x16xf32>,
        %get3A_476 = arith.index_cast %scan3A_321 : i32 to index
        %get3A_477 = arith.constant 208 : index
        %get3A_478 = tpu.vector_load %arg6[%get3A_476, %get3A_477] {strides = array<i32>} : memref<32x1024xf32, #tpu.memory_space<vmem>>, vector<1x16xf32>,
        %get3A_479 = vector.shape_cast %get3A_478 : vector<1x16xf32> to vector<16xf32>
        %mul3A_480 = arith.constant 3.200000e+01 : f32
        %mul3A_481 = vector.broadcast %mul3A_480 : f32 to vector<16xf32>
        %mul3A_482 = arith.mulf %get3A_479, %mul3A_481 : vector<16xf32>
        %swap3A_483 = arith.index_cast %scan3A_321 : i32 to index
        %swap3A_484 = arith.constant 208 : index
        %swap3A_485 = tpu.vector_load %arg6[%swap3A_483, %swap3A_484] {strides = array<i32>} : memref<32x1024xf32, #tpu.memory_space<vmem>>, vector<1x16xf32>,
        %swap3A_486 = vector.shape_cast %swap3A_485 : vector<1x16xf32> to vector<16xf32>
        %swap3A_487 = vector.shape_cast %mul3A_482 : vector<16xf32> to vector<1x16xf32>
        tpu.vector_store %arg6[%swap3A_483, %swap3A_484], %swap3A_487 {strides = array<i32>} : memref<32x1024xf32, #tpu.memory_space<vmem>>, vector<1x16xf32>,
        %get3A_488 = arith.index_cast %scan3A_321 : i32 to index
        %get3A_489 = arith.constant 224 : index
        %get3A_490 = tpu.vector_load %arg6[%get3A_488, %get3A_489] {strides = array<i32>} : memref<32x1024xf32, #tpu.memory_space<vmem>>, vector<1x16xf32>,
        %get3A_491 = vector.shape_cast %get3A_490 : vector<1x16xf32> to vector<16xf32>
        %mul3A_492 = arith.constant 3.200000e+01 : f32
        %mul3A_493 = vector.broadcast %mul3A_492 : f32 to vector<16xf32>
        %mul3A_494 = arith.mulf %get3A_491, %mul3A_493 : vector<16xf32>
        %swap3A_495 = arith.index_cast %scan3A_321 : i32 to index
        %swap3A_496 = arith.constant 224 : index
        %swap3A_497 = tpu.vector_load %arg6[%swap3A_495, %swap3A_496] {strides = array<i32>} : memref<32x1024xf32, #tpu.memory_space<vmem>>, vector<1x16xf32>,
        %swap3A_498 = vector.shape_cast %swap3A_497 : vector<1x16xf32> to vector<16xf32>
        %swap3A_499 = vector.shape_cast %mul3A_494 : vector<16xf32> to vector<1x16xf32>
        tpu.vector_store %arg6[%swap3A_495, %swap3A_496], %swap3A_499 {strides = array<i32>} : memref<32x1024xf32, #tpu.memory_space<vmem>>, vector<1x16xf32>,
        %get3A_500 = arith.index_cast %scan3A_321 : i32 to index
        %get3A_501 = arith.constant 240 : index
        %get3A_502 = tpu.vector_load %arg6[%get3A_500, %get3A_501] {strides = array<i32>} : memref<32x1024xf32, #tpu.memory_space<vmem>>, vector<1x16xf32>,
        %get3A_503 = vector.shape_cast %get3A_502 : vector<1x16xf32> to vector<16xf32>
        %mul3A_504 = arith.constant 3.200000e+01 : f32
        %mul3A_505 = vector.broadcast %mul3A_504 : f32 to vector<16xf32>
        %mul3A_506 = arith.mulf %get3A_503, %mul3A_505 : vector<16xf32>
        %swap3A_507 = arith.index_cast %scan3A_321 : i32 to index
        %swap3A_508 = arith.constant 240 : index
        %swap3A_509 = tpu.vector_load %arg6[%swap3A_507, %swap3A_508] {strides = array<i32>} : memref<32x1024xf32, #tpu.memory_space<vmem>>, vector<1x16xf32>,
        %swap3A_510 = vector.shape_cast %swap3A_509 : vector<1x16xf32> to vector<16xf32>
        %swap3A_511 = vector.shape_cast %mul3A_506 : vector<16xf32> to vector<1x16xf32>
        tpu.vector_store %arg6[%swap3A_507, %swap3A_508], %swap3A_511 {strides = array<i32>} : memref<32x1024xf32, #tpu.memory_space<vmem>>, vector<1x16xf32>,
        %get3A_512 = arith.index_cast %scan3A_321 : i32 to index
        %get3A_513 = arith.constant 256 : index
        %get3A_514 = tpu.vector_load %arg6[%get3A_512, %get3A_513] {strides = array<i32>} : memref<32x1024xf32, #tpu.memory_space<vmem>>, vector<1x16xf32>,
        %get3A_515 = vector.shape_cast %get3A_514 : vector<1x16xf32> to vector<16xf32>
        %mul3A_516 = arith.constant 3.200000e+01 : f32
        %mul3A_517 = vector.broadcast %mul3A_516 : f32 to vector<16xf32>
        %mul3A_518 = arith.mulf %get3A_515, %mul3A_517 : vector<16xf32>
        %swap3A_519 = arith.index_cast %scan3A_321 : i32 to index
        %swap3A_520 = arith.constant 256 : index
        %swap3A_521 = tpu.vector_load %arg6[%swap3A_519, %swap3A_520] {strides = array<i32>} : memref<32x1024xf32, #tpu.memory_space<vmem>>, vector<1x16xf32>,
        %swap3A_522 = vector.shape_cast %swap3A_521 : vector<1x16xf32> to vector<16xf32>
        %swap3A_523 = vector.shape_cast %mul3A_518 : vector<16xf32> to vector<1x16xf32>
        tpu.vector_store %arg6[%swap3A_519, %swap3A_520], %swap3A_523 {strides = array<i32>} : memref<32x1024xf32, #tpu.memory_space<vmem>>, vector<1x16xf32>,
        %get3A_524 = arith.index_cast %scan3A_321 : i32 to index
        %get3A_525 = arith.constant 272 : index
        %get3A_526 = tpu.vector_load %arg6[%get3A_524, %get3A_525] {strides = array<i32>} : memref<32x1024xf32, #tpu.memory_space<vmem>>, vector<1x16xf32>,
        %get3A_527 = vector.shape_cast %get3A_526 : vector<1x16xf32> to vector<16xf32>
        %mul3A_528 = arith.constant 3.200000e+01 : f32
        %mul3A_529 = vector.broadcast %mul3A_528 : f32 to vector<16xf32>
        %mul3A_530 = arith.mulf %get3A_527, %mul3A_529 : vector<16xf32>
        %swap3A_531 = arith.index_cast %scan3A_321 : i32 to index
        %swap3A_532 = arith.constant 272 : index
        %swap3A_533 = tpu.vector_load %arg6[%swap3A_531, %swap3A_532] {strides = array<i32>} : memref<32x1024xf32, #tpu.memory_space<vmem>>, vector<1x16xf32>,
        %swap3A_534 = vector.shape_cast %swap3A_533 : vector<1x16xf32> to vector<16xf32>
        %swap3A_535 = vector.shape_cast %mul3A_530 : vector<16xf32> to vector<1x16xf32>
        tpu.vector_store %arg6[%swap3A_531, %swap3A_532], %swap3A_535 {strides = array<i32>} : memref<32x1024xf32, #tpu.memory_space<vmem>>, vector<1x16xf32>,
        %get3A_536 = arith.index_cast %scan3A_321 : i32 to index
        %get3A_537 = arith.constant 288 : index
        %get3A_538 = tpu.vector_load %arg6[%get3A_536, %get3A_537] {strides = array<i32>} : memref<32x1024xf32, #tpu.memory_space<vmem>>, vector<1x16xf32>,
        %get3A_539 = vector.shape_cast %get3A_538 : vector<1x16xf32> to vector<16xf32>
        %mul3A_540 = arith.constant 3.200000e+01 : f32
        %mul3A_541 = vector.broadcast %mul3A_540 : f32 to vector<16xf32>
        %mul3A_542 = arith.mulf %get3A_539, %mul3A_541 : vector<16xf32>
        %swap3A_543 = arith.index_cast %scan3A_321 : i32 to index
        %swap3A_544 = arith.constant 288 : index
        %swap3A_545 = tpu.vector_load %arg6[%swap3A_543, %swap3A_544] {strides = array<i32>} : memref<32x1024xf32, #tpu.memory_space<vmem>>, vector<1x16xf32>,
        %swap3A_546 = vector.shape_cast %swap3A_545 : vector<1x16xf32> to vector<16xf32>
        %swap3A_547 = vector.shape_cast %mul3A_542 : vector<16xf32> to vector<1x16xf32>
        tpu.vector_store %arg6[%swap3A_543, %swap3A_544], %swap3A_547 {strides = array<i32>} : memref<32x1024xf32, #tpu.memory_space<vmem>>, vector<1x16xf32>,
        %get3A_548 = arith.index_cast %scan3A_321 : i32 to index
        %get3A_549 = arith.constant 304 : index
        %get3A_550 = tpu.vector_load %arg6[%get3A_548, %get3A_549] {strides = array<i32>} : memref<32x1024xf32, #tpu.memory_space<vmem>>, vector<1x16xf32>,
        %get3A_551 = vector.shape_cast %get3A_550 : vector<1x16xf32> to vector<16xf32>
        %mul3A_552 = arith.constant 3.200000e+01 : f32
        %mul3A_553 = vector.broadcast %mul3A_552 : f32 to vector<16xf32>
        %mul3A_554 = arith.mulf %get3A_551, %mul3A_553 : vector<16xf32>
        %swap3A_555 = arith.index_cast %scan3A_321 : i32 to index
        %swap3A_556 = arith.constant 304 : index
        %swap3A_557 = tpu.vector_load %arg6[%swap3A_555, %swap3A_556] {strides = array<i32>} : memref<32x1024xf32, #tpu.memory_space<vmem>>, vector<1x16xf32>,
        %swap3A_558 = vector.shape_cast %swap3A_557 : vector<1x16xf32> to vector<16xf32>
        %swap3A_559 = vector.shape_cast %mul3A_554 : vector<16xf32> to vector<1x16xf32>
        tpu.vector_store %arg6[%swap3A_555, %swap3A_556], %swap3A_559 {strides = array<i32>} : memref<32x1024xf32, #tpu.memory_space<vmem>>, vector<1x16xf32>,
        %get3A_560 = arith.index_cast %scan3A_321 : i32 to index
        %get3A_561 = arith.constant 320 : index
        %get3A_562 = tpu.vector_load %arg6[%get3A_560, %get3A_561] {strides = array<i32>} : memref<32x1024xf32, #tpu.memory_space<vmem>>, vector<1x16xf32>,
        %get3A_563 = vector.shape_cast %get3A_562 : vector<1x16xf32> to vector<16xf32>
        %mul3A_564 = arith.constant 3.200000e+01 : f32
        %mul3A_565 = vector.broadcast %mul3A_564 : f32 to vector<16xf32>
        %mul3A_566 = arith.mulf %get3A_563, %mul3A_565 : vector<16xf32>
        %swap3A_567 = arith.index_cast %scan3A_321 : i32 to index
        %swap3A_568 = arith.constant 320 : index
        %swap3A_569 = tpu.vector_load %arg6[%swap3A_567, %swap3A_568] {strides = array<i32>} : memref<32x1024xf32, #tpu.memory_space<vmem>>, vector<1x16xf32>,
        %swap3A_570 = vector.shape_cast %swap3A_569 : vector<1x16xf32> to vector<16xf32>
        %swap3A_571 = vector.shape_cast %mul3A_566 : vector<16xf32> to vector<1x16xf32>
        tpu.vector_store %arg6[%swap3A_567, %swap3A_568], %swap3A_571 {strides = array<i32>} : memref<32x1024xf32, #tpu.memory_space<vmem>>, vector<1x16xf32>,
        %get3A_572 = arith.index_cast %scan3A_321 : i32 to index
        %get3A_573 = arith.constant 336 : index
        %get3A_574 = tpu.vector_load %arg6[%get3A_572, %get3A_573] {strides = array<i32>} : memref<32x1024xf32, #tpu.memory_space<vmem>>, vector<1x16xf32>,
        %get3A_575 = vector.shape_cast %get3A_574 : vector<1x16xf32> to vector<16xf32>
        %mul3A_576 = arith.constant 3.200000e+01 : f32
        %mul3A_577 = vector.broadcast %mul3A_576 : f32 to vector<16xf32>
        %mul3A_578 = arith.mulf %get3A_575, %mul3A_577 : vector<16xf32>
        %swap3A_579 = arith.index_cast %scan3A_321 : i32 to index
        %swap3A_580 = arith.constant 336 : index
        %swap3A_581 = tpu.vector_load %arg6[%swap3A_579, %swap3A_580] {strides = array<i32>} : memref<32x1024xf32, #tpu.memory_space<vmem>>, vector<1x16xf32>,
        %swap3A_582 = vector.shape_cast %swap3A_581 : vector<1x16xf32> to vector<16xf32>
        %swap3A_583 = vector.shape_cast %mul3A_578 : vector<16xf32> to vector<1x16xf32>
        tpu.vector_store %arg6[%swap3A_579, %swap3A_580], %swap3A_583 {strides = array<i32>} : memref<32x1024xf32, #tpu.memory_space<vmem>>, vector<1x16xf32>,
        %get3A_584 = arith.index_cast %scan3A_321 : i32 to index
        %get3A_585 = arith.constant 352 : index
        %get3A_586 = tpu.vector_load %arg6[%get3A_584, %get3A_585] {strides = array<i32>} : memref<32x1024xf32, #tpu.memory_space<vmem>>, vector<1x16xf32>,
        %get3A_587 = vector.shape_cast %get3A_586 : vector<1x16xf32> to vector<16xf32>
        %mul3A_588 = arith.constant 3.200000e+01 : f32
        %mul3A_589 = vector.broadcast %mul3A_588 : f32 to vector<16xf32>
        %mul3A_590 = arith.mulf %get3A_587, %mul3A_589 : vector<16xf32>
        %swap3A_591 = arith.index_cast %scan3A_321 : i32 to index
        %swap3A_592 = arith.constant 352 : index
        %swap3A_593 = tpu.vector_load %arg6[%swap3A_591, %swap3A_592] {strides = array<i32>} : memref<32x1024xf32, #tpu.memory_space<vmem>>, vector<1x16xf32>,
        %swap3A_594 = vector.shape_cast %swap3A_593 : vector<1x16xf32> to vector<16xf32>
        %swap3A_595 = vector.shape_cast %mul3A_590 : vector<16xf32> to vector<1x16xf32>
        tpu.vector_store %arg6[%swap3A_591, %swap3A_592], %swap3A_595 {strides = array<i32>} : memref<32x1024xf32, #tpu.memory_space<vmem>>, vector<1x16xf32>,
        %get3A_596 = arith.index_cast %scan3A_321 : i32 to index
        %get3A_597 = arith.constant 368 : index
        %get3A_598 = tpu.vector_load %arg6[%get3A_596, %get3A_597] {strides = array<i32>} : memref<32x1024xf32, #tpu.memory_space<vmem>>, vector<1x16xf32>,
        %get3A_599 = vector.shape_cast %get3A_598 : vector<1x16xf32> to vector<16xf32>
        %mul3A_600 = arith.constant 3.200000e+01 : f32
        %mul3A_601 = vector.broadcast %mul3A_600 : f32 to vector<16xf32>
        %mul3A_602 = arith.mulf %get3A_599, %mul3A_601 : vector<16xf32>
        %swap3A_603 = arith.index_cast %scan3A_321 : i32 to index
        %swap3A_604 = arith.constant 368 : index
        %swap3A_605 = tpu.vector_load %arg6[%swap3A_603, %swap3A_604] {strides = array<i32>} : memref<32x1024xf32, #tpu.memory_space<vmem>>, vector<1x16xf32>,
        %swap3A_606 = vector.shape_cast %swap3A_605 : vector<1x16xf32> to vector<16xf32>
        %swap3A_607 = vector.shape_cast %mul3A_602 : vector<16xf32> to vector<1x16xf32>
        tpu.vector_store %arg6[%swap3A_603, %swap3A_604], %swap3A_607 {strides = array<i32>} : memref<32x1024xf32, #tpu.memory_space<vmem>>, vector<1x16xf32>,
        %get3A_608 = arith.index_cast %scan3A_321 : i32 to index
        %get3A_609 = arith.constant 384 : index
        %get3A_610 = tpu.vector_load %arg6[%get3A_608, %get3A_609] {strides = array<i32>} : memref<32x1024xf32, #tpu.memory_space<vmem>>, vector<1x16xf32>,
        %get3A_611 = vector.shape_cast %get3A_610 : vector<1x16xf32> to vector<16xf32>
        %mul3A_612 = arith.constant 3.200000e+01 : f32
        %mul3A_613 = vector.broadcast %mul3A_612 : f32 to vector<16xf32>
        %mul3A_614 = arith.mulf %get3A_611, %mul3A_613 : vector<16xf32>
        %swap3A_615 = arith.index_cast %scan3A_321 : i32 to index
        %swap3A_616 = arith.constant 384 : index
        %swap3A_617 = tpu.vector_load %arg6[%swap3A_615, %swap3A_616] {strides = array<i32>} : memref<32x1024xf32, #tpu.memory_space<vmem>>, vector<1x16xf32>,
        %swap3A_618 = vector.shape_cast %swap3A_617 : vector<1x16xf32> to vector<16xf32>
        %swap3A_619 = vector.shape_cast %mul3A_614 : vector<16xf32> to vector<1x16xf32>
        tpu.vector_store %arg6[%swap3A_615, %swap3A_616], %swap3A_619 {strides = array<i32>} : memref<32x1024xf32, #tpu.memory_space<vmem>>, vector<1x16xf32>,
        %get3A_620 = arith.index_cast %scan3A_321 : i32 to index
        %get3A_621 = arith.constant 400 : index
        %get3A_622 = tpu.vector_load %arg6[%get3A_620, %get3A_621] {strides = array<i32>} : memref<32x1024xf32, #tpu.memory_space<vmem>>, vector<1x16xf32>,
        %get3A_623 = vector.shape_cast %get3A_622 : vector<1x16xf32> to vector<16xf32>
        %mul3A_624 = arith.constant 3.200000e+01 : f32
        %mul3A_625 = vector.broadcast %mul3A_624 : f32 to vector<16xf32>
        %mul3A_626 = arith.mulf %get3A_623, %mul3A_625 : vector<16xf32>
        %swap3A_627 = arith.index_cast %scan3A_321 : i32 to index
        %swap3A_628 = arith.constant 400 : index
        %swap3A_629 = tpu.vector_load %arg6[%swap3A_627, %swap3A_628] {strides = array<i32>} : memref<32x1024xf32, #tpu.memory_space<vmem>>, vector<1x16xf32>,
        %swap3A_630 = vector.shape_cast %swap3A_629 : vector<1x16xf32> to vector<16xf32>
        %swap3A_631 = vector.shape_cast %mul3A_626 : vector<16xf32> to vector<1x16xf32>
        tpu.vector_store %arg6[%swap3A_627, %swap3A_628], %swap3A_631 {strides = array<i32>} : memref<32x1024xf32, #tpu.memory_space<vmem>>, vector<1x16xf32>,
        %get3A_632 = arith.index_cast %scan3A_321 : i32 to index
        %get3A_633 = arith.constant 416 : index
        %get3A_634 = tpu.vector_load %arg6[%get3A_632, %get3A_633] {strides = array<i32>} : memref<32x1024xf32, #tpu.memory_space<vmem>>, vector<1x16xf32>,
        %get3A_635 = vector.shape_cast %get3A_634 : vector<1x16xf32> to vector<16xf32>
        %mul3A_636 = arith.constant 3.200000e+01 : f32
        %mul3A_637 = vector.broadcast %mul3A_636 : f32 to vector<16xf32>
        %mul3A_638 = arith.mulf %get3A_635, %mul3A_637 : vector<16xf32>
        %swap3A_639 = arith.index_cast %scan3A_321 : i32 to index
        %swap3A_640 = arith.constant 416 : index
        %swap3A_641 = tpu.vector_load %arg6[%swap3A_639, %swap3A_640] {strides = array<i32>} : memref<32x1024xf32, #tpu.memory_space<vmem>>, vector<1x16xf32>,
        %swap3A_642 = vector.shape_cast %swap3A_641 : vector<1x16xf32> to vector<16xf32>
        %swap3A_643 = vector.shape_cast %mul3A_638 : vector<16xf32> to vector<1x16xf32>
        tpu.vector_store %arg6[%swap3A_639, %swap3A_640], %swap3A_643 {strides = array<i32>} : memref<32x1024xf32, #tpu.memory_space<vmem>>, vector<1x16xf32>,
        %get3A_644 = arith.index_cast %scan3A_321 : i32 to index
        %get3A_645 = arith.constant 432 : index
        %get3A_646 = tpu.vector_load %arg6[%get3A_644, %get3A_645] {strides = array<i32>} : memref<32x1024xf32, #tpu.memory_space<vmem>>, vector<1x16xf32>,
        %get3A_647 = vector.shape_cast %get3A_646 : vector<1x16xf32> to vector<16xf32>
        %mul3A_648 = arith.constant 3.200000e+01 : f32
        %mul3A_649 = vector.broadcast %mul3A_648 : f32 to vector<16xf32>
        %mul3A_650 = arith.mulf %get3A_647, %mul3A_649 : vector<16xf32>
        %swap3A_651 = arith.index_cast %scan3A_321 : i32 to index
        %swap3A_652 = arith.constant 432 : index
        %swap3A_653 = tpu.vector_load %arg6[%swap3A_651, %swap3A_652] {strides = array<i32>} : memref<32x1024xf32, #tpu.memory_space<vmem>>, vector<1x16xf32>,
        %swap3A_654 = vector.shape_cast %swap3A_653 : vector<1x16xf32> to vector<16xf32>
        %swap3A_655 = vector.shape_cast %mul3A_650 : vector<16xf32> to vector<1x16xf32>
        tpu.vector_store %arg6[%swap3A_651, %swap3A_652], %swap3A_655 {strides = array<i32>} : memref<32x1024xf32, #tpu.memory_space<vmem>>, vector<1x16xf32>,
        %get3A_656 = arith.index_cast %scan3A_321 : i32 to index
        %get3A_657 = arith.constant 448 : index
        %get3A_658 = tpu.vector_load %arg6[%get3A_656, %get3A_657] {strides = array<i32>} : memref<32x1024xf32, #tpu.memory_space<vmem>>, vector<1x16xf32>,
        %get3A_659 = vector.shape_cast %get3A_658 : vector<1x16xf32> to vector<16xf32>
        %mul3A_660 = arith.constant 3.200000e+01 : f32
        %mul3A_661 = vector.broadcast %mul3A_660 : f32 to vector<16xf32>
        %mul3A_662 = arith.mulf %get3A_659, %mul3A_661 : vector<16xf32>
        %swap3A_663 = arith.index_cast %scan3A_321 : i32 to index
        %swap3A_664 = arith.constant 448 : index
        %swap3A_665 = tpu.vector_load %arg6[%swap3A_663, %swap3A_664] {strides = array<i32>} : memref<32x1024xf32, #tpu.memory_space<vmem>>, vector<1x16xf32>,
        %swap3A_666 = vector.shape_cast %swap3A_665 : vector<1x16xf32> to vector<16xf32>
        %swap3A_667 = vector.shape_cast %mul3A_662 : vector<16xf32> to vector<1x16xf32>
        tpu.vector_store %arg6[%swap3A_663, %swap3A_664], %swap3A_667 {strides = array<i32>} : memref<32x1024xf32, #tpu.memory_space<vmem>>, vector<1x16xf32>,
        %get3A_668 = arith.index_cast %scan3A_321 : i32 to index
        %get3A_669 = arith.constant 464 : index
        %get3A_670 = tpu.vector_load %arg6[%get3A_668, %get3A_669] {strides = array<i32>} : memref<32x1024xf32, #tpu.memory_space<vmem>>, vector<1x16xf32>,
        %get3A_671 = vector.shape_cast %get3A_670 : vector<1x16xf32> to vector<16xf32>
        %mul3A_672 = arith.constant 3.200000e+01 : f32
        %mul3A_673 = vector.broadcast %mul3A_672 : f32 to vector<16xf32>
        %mul3A_674 = arith.mulf %get3A_671, %mul3A_673 : vector<16xf32>
        %swap3A_675 = arith.index_cast %scan3A_321 : i32 to index
        %swap3A_676 = arith.constant 464 : index
        %swap3A_677 = tpu.vector_load %arg6[%swap3A_675, %swap3A_676] {strides = array<i32>} : memref<32x1024xf32, #tpu.memory_space<vmem>>, vector<1x16xf32>,
        %swap3A_678 = vector.shape_cast %swap3A_677 : vector<1x16xf32> to vector<16xf32>
        %swap3A_679 = vector.shape_cast %mul3A_674 : vector<16xf32> to vector<1x16xf32>
        tpu.vector_store %arg6[%swap3A_675, %swap3A_676], %swap3A_679 {strides = array<i32>} : memref<32x1024xf32, #tpu.memory_space<vmem>>, vector<1x16xf32>,
        %get3A_680 = arith.index_cast %scan3A_321 : i32 to index
        %get3A_681 = arith.constant 480 : index
        %get3A_682 = tpu.vector_load %arg6[%get3A_680, %get3A_681] {strides = array<i32>} : memref<32x1024xf32, #tpu.memory_space<vmem>>, vector<1x16xf32>,
        %get3A_683 = vector.shape_cast %get3A_682 : vector<1x16xf32> to vector<16xf32>
        %mul3A_684 = arith.constant 3.200000e+01 : f32
        %mul3A_685 = vector.broadcast %mul3A_684 : f32 to vector<16xf32>
        %mul3A_686 = arith.mulf %get3A_683, %mul3A_685 : vector<16xf32>
        %swap3A_687 = arith.index_cast %scan3A_321 : i32 to index
        %swap3A_688 = arith.constant 480 : index
        %swap3A_689 = tpu.vector_load %arg6[%swap3A_687, %swap3A_688] {strides = array<i32>} : memref<32x1024xf32, #tpu.memory_space<vmem>>, vector<1x16xf32>,
        %swap3A_690 = vector.shape_cast %swap3A_689 : vector<1x16xf32> to vector<16xf32>
        %swap3A_691 = vector.shape_cast %mul3A_686 : vector<16xf32> to vector<1x16xf32>
        tpu.vector_store %arg6[%swap3A_687, %swap3A_688], %swap3A_691 {strides = array<i32>} : memref<32x1024xf32, #tpu.memory_space<vmem>>, vector<1x16xf32>,
        %get3A_692 = arith.index_cast %scan3A_321 : i32 to index
        %get3A_693 = arith.constant 496 : index
        %get3A_694 = tpu.vector_load %arg6[%get3A_692, %get3A_693] {strides = array<i32>} : memref<32x1024xf32, #tpu.memory_space<vmem>>, vector<1x16xf32>,
        %get3A_695 = vector.shape_cast %get3A_694 : vector<1x16xf32> to vector<16xf32>
        %mul3A_696 = arith.constant 3.200000e+01 : f32
        %mul3A_697 = vector.broadcast %mul3A_696 : f32 to vector<16xf32>
        %mul3A_698 = arith.mulf %get3A_695, %mul3A_697 : vector<16xf32>
        %swap3A_699 = arith.index_cast %scan3A_321 : i32 to index
        %swap3A_700 = arith.constant 496 : index
        %swap3A_701 = tpu.vector_load %arg6[%swap3A_699, %swap3A_700] {strides = array<i32>} : memref<32x1024xf32, #tpu.memory_space<vmem>>, vector<1x16xf32>,
        %swap3A_702 = vector.shape_cast %swap3A_701 : vector<1x16xf32> to vector<16xf32>
        %swap3A_703 = vector.shape_cast %mul3A_698 : vector<16xf32> to vector<1x16xf32>
        tpu.vector_store %arg6[%swap3A_699, %swap3A_700], %swap3A_703 {strides = array<i32>} : memref<32x1024xf32, #tpu.memory_space<vmem>>, vector<1x16xf32>,
        %get3A_704 = arith.index_cast %scan3A_321 : i32 to index
        %get3A_705 = arith.constant 512 : index
        %get3A_706 = tpu.vector_load %arg6[%get3A_704, %get3A_705] {strides = array<i32>} : memref<32x1024xf32, #tpu.memory_space<vmem>>, vector<1x16xf32>,
        %get3A_707 = vector.shape_cast %get3A_706 : vector<1x16xf32> to vector<16xf32>
        %mul3A_708 = arith.constant 3.200000e+01 : f32
        %mul3A_709 = vector.broadcast %mul3A_708 : f32 to vector<16xf32>
        %mul3A_710 = arith.mulf %get3A_707, %mul3A_709 : vector<16xf32>
        %swap3A_711 = arith.index_cast %scan3A_321 : i32 to index
        %swap3A_712 = arith.constant 512 : index
        %swap3A_713 = tpu.vector_load %arg6[%swap3A_711, %swap3A_712] {strides = array<i32>} : memref<32x1024xf32, #tpu.memory_space<vmem>>, vector<1x16xf32>,
        %swap3A_714 = vector.shape_cast %swap3A_713 : vector<1x16xf32> to vector<16xf32>
        %swap3A_715 = vector.shape_cast %mul3A_710 : vector<16xf32> to vector<1x16xf32>
        tpu.vector_store %arg6[%swap3A_711, %swap3A_712], %swap3A_715 {strides = array<i32>} : memref<32x1024xf32, #tpu.memory_space<vmem>>, vector<1x16xf32>,
        %get3A_716 = arith.index_cast %scan3A_321 : i32 to index
        %get3A_717 = arith.constant 528 : index
        %get3A_718 = tpu.vector_load %arg6[%get3A_716, %get3A_717] {strides = array<i32>} : memref<32x1024xf32, #tpu.memory_space<vmem>>, vector<1x16xf32>,
        %get3A_719 = vector.shape_cast %get3A_718 : vector<1x16xf32> to vector<16xf32>
        %mul3A_720 = arith.constant 3.200000e+01 : f32
        %mul3A_721 = vector.broadcast %mul3A_720 : f32 to vector<16xf32>
        %mul3A_722 = arith.mulf %get3A_719, %mul3A_721 : vector<16xf32>
        %swap3A_723 = arith.index_cast %scan3A_321 : i32 to index
        %swap3A_724 = arith.constant 528 : index
        %swap3A_725 = tpu.vector_load %arg6[%swap3A_723, %swap3A_724] {strides = array<i32>} : memref<32x1024xf32, #tpu.memory_space<vmem>>, vector<1x16xf32>,
        %swap3A_726 = vector.shape_cast %swap3A_725 : vector<1x16xf32> to vector<16xf32>
        %swap3A_727 = vector.shape_cast %mul3A_722 : vector<16xf32> to vector<1x16xf32>
        tpu.vector_store %arg6[%swap3A_723, %swap3A_724], %swap3A_727 {strides = array<i32>} : memref<32x1024xf32, #tpu.memory_space<vmem>>, vector<1x16xf32>,
        %get3A_728 = arith.index_cast %scan3A_321 : i32 to index
        %get3A_729 = arith.constant 544 : index
        %get3A_730 = tpu.vector_load %arg6[%get3A_728, %get3A_729] {strides = array<i32>} : memref<32x1024xf32, #tpu.memory_space<vmem>>, vector<1x16xf32>,
        %get3A_731 = vector.shape_cast %get3A_730 : vector<1x16xf32> to vector<16xf32>
        %mul3A_732 = arith.constant 3.200000e+01 : f32
        %mul3A_733 = vector.broadcast %mul3A_732 : f32 to vector<16xf32>
        %mul3A_734 = arith.mulf %get3A_731, %mul3A_733 : vector<16xf32>
        %swap3A_735 = arith.index_cast %scan3A_321 : i32 to index
        %swap3A_736 = arith.constant 544 : index
        %swap3A_737 = tpu.vector_load %arg6[%swap3A_735, %swap3A_736] {strides = array<i32>} : memref<32x1024xf32, #tpu.memory_space<vmem>>, vector<1x16xf32>,
        %swap3A_738 = vector.shape_cast %swap3A_737 : vector<1x16xf32> to vector<16xf32>
        %swap3A_739 = vector.shape_cast %mul3A_734 : vector<16xf32> to vector<1x16xf32>
        tpu.vector_store %arg6[%swap3A_735, %swap3A_736], %swap3A_739 {strides = array<i32>} : memref<32x1024xf32, #tpu.memory_space<vmem>>, vector<1x16xf32>,
        %get3A_740 = arith.index_cast %scan3A_321 : i32 to index
        %get3A_741 = arith.constant 560 : index
        %get3A_742 = tpu.vector_load %arg6[%get3A_740, %get3A_741] {strides = array<i32>} : memref<32x1024xf32, #tpu.memory_space<vmem>>, vector<1x16xf32>,
        %get3A_743 = vector.shape_cast %get3A_742 : vector<1x16xf32> to vector<16xf32>
        %mul3A_744 = arith.constant 3.200000e+01 : f32
        %mul3A_745 = vector.broadcast %mul3A_744 : f32 to vector<16xf32>
        %mul3A_746 = arith.mulf %get3A_743, %mul3A_745 : vector<16xf32>
        %swap3A_747 = arith.index_cast %scan3A_321 : i32 to index
        %swap3A_748 = arith.constant 560 : index
        %swap3A_749 = tpu.vector_load %arg6[%swap3A_747, %swap3A_748] {strides = array<i32>} : memref<32x1024xf32, #tpu.memory_space<vmem>>, vector<1x16xf32>,
        %swap3A_750 = vector.shape_cast %swap3A_749 : vector<1x16xf32> to vector<16xf32>
        %swap3A_751 = vector.shape_cast %mul3A_746 : vector<16xf32> to vector<1x16xf32>
        tpu.vector_store %arg6[%swap3A_747, %swap3A_748], %swap3A_751 {strides = array<i32>} : memref<32x1024xf32, #tpu.memory_space<vmem>>, vector<1x16xf32>,
        %get3A_752 = arith.index_cast %scan3A_321 : i32 to index
        %get3A_753 = arith.constant 576 : index
        %get3A_754 = tpu.vector_load %arg6[%get3A_752, %get3A_753] {strides = array<i32>} : memref<32x1024xf32, #tpu.memory_space<vmem>>, vector<1x16xf32>,
        %get3A_755 = vector.shape_cast %get3A_754 : vector<1x16xf32> to vector<16xf32>
        %mul3A_756 = arith.constant 3.200000e+01 : f32
        %mul3A_757 = vector.broadcast %mul3A_756 : f32 to vector<16xf32>
        %mul3A_758 = arith.mulf %get3A_755, %mul3A_757 : vector<16xf32>
        %swap3A_759 = arith.index_cast %scan3A_321 : i32 to index
        %swap3A_760 = arith.constant 576 : index
        %swap3A_761 = tpu.vector_load %arg6[%swap3A_759, %swap3A_760] {strides = array<i32>} : memref<32x1024xf32, #tpu.memory_space<vmem>>, vector<1x16xf32>,
        %swap3A_762 = vector.shape_cast %swap3A_761 : vector<1x16xf32> to vector<16xf32>
        %swap3A_763 = vector.shape_cast %mul3A_758 : vector<16xf32> to vector<1x16xf32>
        tpu.vector_store %arg6[%swap3A_759, %swap3A_760], %swap3A_763 {strides = array<i32>} : memref<32x1024xf32, #tpu.memory_space<vmem>>, vector<1x16xf32>,
        %get3A_764 = arith.index_cast %scan3A_321 : i32 to index
        %get3A_765 = arith.constant 592 : index
        %get3A_766 = tpu.vector_load %arg6[%get3A_764, %get3A_765] {strides = array<i32>} : memref<32x1024xf32, #tpu.memory_space<vmem>>, vector<1x16xf32>,
        %get3A_767 = vector.shape_cast %get3A_766 : vector<1x16xf32> to vector<16xf32>
        %mul3A_768 = arith.constant 3.200000e+01 : f32
        %mul3A_769 = vector.broadcast %mul3A_768 : f32 to vector<16xf32>
        %mul3A_770 = arith.mulf %get3A_767, %mul3A_769 : vector<16xf32>
        %swap3A_771 = arith.index_cast %scan3A_321 : i32 to index
        %swap3A_772 = arith.constant 592 : index
        %swap3A_773 = tpu.vector_load %arg6[%swap3A_771, %swap3A_772] {strides = array<i32>} : memref<32x1024xf32, #tpu.memory_space<vmem>>, vector<1x16xf32>,
        %swap3A_774 = vector.shape_cast %swap3A_773 : vector<1x16xf32> to vector<16xf32>
        %swap3A_775 = vector.shape_cast %mul3A_770 : vector<16xf32> to vector<1x16xf32>
        tpu.vector_store %arg6[%swap3A_771, %swap3A_772], %swap3A_775 {strides = array<i32>} : memref<32x1024xf32, #tpu.memory_space<vmem>>, vector<1x16xf32>,
        %get3A_776 = arith.index_cast %scan3A_321 : i32 to index
        %get3A_777 = arith.constant 608 : index
        %get3A_778 = tpu.vector_load %arg6[%get3A_776, %get3A_777] {strides = array<i32>} : memref<32x1024xf32, #tpu.memory_space<vmem>>, vector<1x16xf32>,
        %get3A_779 = vector.shape_cast %get3A_778 : vector<1x16xf32> to vector<16xf32>
        %mul3A_780 = arith.constant 3.200000e+01 : f32
        %mul3A_781 = vector.broadcast %mul3A_780 : f32 to vector<16xf32>
        %mul3A_782 = arith.mulf %get3A_779, %mul3A_781 : vector<16xf32>
        %swap3A_783 = arith.index_cast %scan3A_321 : i32 to index
        %swap3A_784 = arith.constant 608 : index
        %swap3A_785 = tpu.vector_load %arg6[%swap3A_783, %swap3A_784] {strides = array<i32>} : memref<32x1024xf32, #tpu.memory_space<vmem>>, vector<1x16xf32>,
        %swap3A_786 = vector.shape_cast %swap3A_785 : vector<1x16xf32> to vector<16xf32>
        %swap3A_787 = vector.shape_cast %mul3A_782 : vector<16xf32> to vector<1x16xf32>
        tpu.vector_store %arg6[%swap3A_783, %swap3A_784], %swap3A_787 {strides = array<i32>} : memref<32x1024xf32, #tpu.memory_space<vmem>>, vector<1x16xf32>,
        %get3A_788 = arith.index_cast %scan3A_321 : i32 to index
        %get3A_789 = arith.constant 624 : index
        %get3A_790 = tpu.vector_load %arg6[%get3A_788, %get3A_789] {strides = array<i32>} : memref<32x1024xf32, #tpu.memory_space<vmem>>, vector<1x16xf32>,
        %get3A_791 = vector.shape_cast %get3A_790 : vector<1x16xf32> to vector<16xf32>
        %mul3A_792 = arith.constant 3.200000e+01 : f32
        %mul3A_793 = vector.broadcast %mul3A_792 : f32 to vector<16xf32>
        %mul3A_794 = arith.mulf %get3A_791, %mul3A_793 : vector<16xf32>
        %swap3A_795 = arith.index_cast %scan3A_321 : i32 to index
        %swap3A_796 = arith.constant 624 : index
        %swap3A_797 = tpu.vector_load %arg6[%swap3A_795, %swap3A_796] {strides = array<i32>} : memref<32x1024xf32, #tpu.memory_space<vmem>>, vector<1x16xf32>,
        %swap3A_798 = vector.shape_cast %swap3A_797 : vector<1x16xf32> to vector<16xf32>
        %swap3A_799 = vector.shape_cast %mul3A_794 : vector<16xf32> to vector<1x16xf32>
        tpu.vector_store %arg6[%swap3A_795, %swap3A_796], %swap3A_799 {strides = array<i32>} : memref<32x1024xf32, #tpu.memory_space<vmem>>, vector<1x16xf32>,
        %get3A_800 = arith.index_cast %scan3A_321 : i32 to index
        %get3A_801 = arith.constant 640 : index
        %get3A_802 = tpu.vector_load %arg6[%get3A_800, %get3A_801] {strides = array<i32>} : memref<32x1024xf32, #tpu.memory_space<vmem>>, vector<1x16xf32>,
        %get3A_803 = vector.shape_cast %get3A_802 : vector<1x16xf32> to vector<16xf32>
        %mul3A_804 = arith.constant 3.200000e+01 : f32
        %mul3A_805 = vector.broadcast %mul3A_804 : f32 to vector<16xf32>
        %mul3A_806 = arith.mulf %get3A_803, %mul3A_805 : vector<16xf32>
        %swap3A_807 = arith.index_cast %scan3A_321 : i32 to index
        %swap3A_808 = arith.constant 640 : index
        %swap3A_809 = tpu.vector_load %arg6[%swap3A_807, %swap3A_808] {strides = array<i32>} : memref<32x1024xf32, #tpu.memory_space<vmem>>, vector<1x16xf32>,
        %swap3A_810 = vector.shape_cast %swap3A_809 : vector<1x16xf32> to vector<16xf32>
        %swap3A_811 = vector.shape_cast %mul3A_806 : vector<16xf32> to vector<1x16xf32>
        tpu.vector_store %arg6[%swap3A_807, %swap3A_808], %swap3A_811 {strides = array<i32>} : memref<32x1024xf32, #tpu.memory_space<vmem>>, vector<1x16xf32>,
        %get3A_812 = arith.index_cast %scan3A_321 : i32 to index
        %get3A_813 = arith.constant 656 : index
        %get3A_814 = tpu.vector_load %arg6[%get3A_812, %get3A_813] {strides = array<i32>} : memref<32x1024xf32, #tpu.memory_space<vmem>>, vector<1x16xf32>,
        %get3A_815 = vector.shape_cast %get3A_814 : vector<1x16xf32> to vector<16xf32>
        %mul3A_816 = arith.constant 3.200000e+01 : f32
        %mul3A_817 = vector.broadcast %mul3A_816 : f32 to vector<16xf32>
        %mul3A_818 = arith.mulf %get3A_815, %mul3A_817 : vector<16xf32>
        %swap3A_819 = arith.index_cast %scan3A_321 : i32 to index
        %swap3A_820 = arith.constant 656 : index
        %swap3A_821 = tpu.vector_load %arg6[%swap3A_819, %swap3A_820] {strides = array<i32>} : memref<32x1024xf32, #tpu.memory_space<vmem>>, vector<1x16xf32>,
        %swap3A_822 = vector.shape_cast %swap3A_821 : vector<1x16xf32> to vector<16xf32>
        %swap3A_823 = vector.shape_cast %mul3A_818 : vector<16xf32> to vector<1x16xf32>
        tpu.vector_store %arg6[%swap3A_819, %swap3A_820], %swap3A_823 {strides = array<i32>} : memref<32x1024xf32, #tpu.memory_space<vmem>>, vector<1x16xf32>,
        %get3A_824 = arith.index_cast %scan3A_321 : i32 to index
        %get3A_825 = arith.constant 672 : index
        %get3A_826 = tpu.vector_load %arg6[%get3A_824, %get3A_825] {strides = array<i32>} : memref<32x1024xf32, #tpu.memory_space<vmem>>, vector<1x16xf32>,
        %get3A_827 = vector.shape_cast %get3A_826 : vector<1x16xf32> to vector<16xf32>
        %mul3A_828 = arith.constant 3.200000e+01 : f32
        %mul3A_829 = vector.broadcast %mul3A_828 : f32 to vector<16xf32>
        %mul3A_830 = arith.mulf %get3A_827, %mul3A_829 : vector<16xf32>
        %swap3A_831 = arith.index_cast %scan3A_321 : i32 to index
        %swap3A_832 = arith.constant 672 : index
        %swap3A_833 = tpu.vector_load %arg6[%swap3A_831, %swap3A_832] {strides = array<i32>} : memref<32x1024xf32, #tpu.memory_space<vmem>>, vector<1x16xf32>,
        %swap3A_834 = vector.shape_cast %swap3A_833 : vector<1x16xf32> to vector<16xf32>
        %swap3A_835 = vector.shape_cast %mul3A_830 : vector<16xf32> to vector<1x16xf32>
        tpu.vector_store %arg6[%swap3A_831, %swap3A_832], %swap3A_835 {strides = array<i32>} : memref<32x1024xf32, #tpu.memory_space<vmem>>, vector<1x16xf32>,
        %get3A_836 = arith.index_cast %scan3A_321 : i32 to index
        %get3A_837 = arith.constant 688 : index
        %get3A_838 = tpu.vector_load %arg6[%get3A_836, %get3A_837] {strides = array<i32>} : memref<32x1024xf32, #tpu.memory_space<vmem>>, vector<1x16xf32>,
        %get3A_839 = vector.shape_cast %get3A_838 : vector<1x16xf32> to vector<16xf32>
        %mul3A_840 = arith.constant 3.200000e+01 : f32
        %mul3A_841 = vector.broadcast %mul3A_840 : f32 to vector<16xf32>
        %mul3A_842 = arith.mulf %get3A_839, %mul3A_841 : vector<16xf32>
        %swap3A_843 = arith.index_cast %scan3A_321 : i32 to index
        %swap3A_844 = arith.constant 688 : index
        %swap3A_845 = tpu.vector_load %arg6[%swap3A_843, %swap3A_844] {strides = array<i32>} : memref<32x1024xf32, #tpu.memory_space<vmem>>, vector<1x16xf32>,
        %swap3A_846 = vector.shape_cast %swap3A_845 : vector<1x16xf32> to vector<16xf32>
        %swap3A_847 = vector.shape_cast %mul3A_842 : vector<16xf32> to vector<1x16xf32>
        tpu.vector_store %arg6[%swap3A_843, %swap3A_844], %swap3A_847 {strides = array<i32>} : memref<32x1024xf32, #tpu.memory_space<vmem>>, vector<1x16xf32>,
        %get3A_848 = arith.index_cast %scan3A_321 : i32 to index
        %get3A_849 = arith.constant 704 : index
        %get3A_850 = tpu.vector_load %arg6[%get3A_848, %get3A_849] {strides = array<i32>} : memref<32x1024xf32, #tpu.memory_space<vmem>>, vector<1x16xf32>,
        %get3A_851 = vector.shape_cast %get3A_850 : vector<1x16xf32> to vector<16xf32>
        %mul3A_852 = arith.constant 3.200000e+01 : f32
        %mul3A_853 = vector.broadcast %mul3A_852 : f32 to vector<16xf32>
        %mul3A_854 = arith.mulf %get3A_851, %mul3A_853 : vector<16xf32>
        %swap3A_855 = arith.index_cast %scan3A_321 : i32 to index
        %swap3A_856 = arith.constant 704 : index
        %swap3A_857 = tpu.vector_load %arg6[%swap3A_855, %swap3A_856] {strides = array<i32>} : memref<32x1024xf32, #tpu.memory_space<vmem>>, vector<1x16xf32>,
        %swap3A_858 = vector.shape_cast %swap3A_857 : vector<1x16xf32> to vector<16xf32>
        %swap3A_859 = vector.shape_cast %mul3A_854 : vector<16xf32> to vector<1x16xf32>
        tpu.vector_store %arg6[%swap3A_855, %swap3A_856], %swap3A_859 {strides = array<i32>} : memref<32x1024xf32, #tpu.memory_space<vmem>>, vector<1x16xf32>,
        %get3A_860 = arith.index_cast %scan3A_321 : i32 to index
        %get3A_861 = arith.constant 720 : index
        %get3A_862 = tpu.vector_load %arg6[%get3A_860, %get3A_861] {strides = array<i32>} : memref<32x1024xf32, #tpu.memory_space<vmem>>, vector<1x16xf32>,
        %get3A_863 = vector.shape_cast %get3A_862 : vector<1x16xf32> to vector<16xf32>
        %mul3A_864 = arith.constant 3.200000e+01 : f32
        %mul3A_865 = vector.broadcast %mul3A_864 : f32 to vector<16xf32>
        %mul3A_866 = arith.mulf %get3A_863, %mul3A_865 : vector<16xf32>
        %swap3A_867 = arith.index_cast %scan3A_321 : i32 to index
        %swap3A_868 = arith.constant 720 : index
        %swap3A_869 = tpu.vector_load %arg6[%swap3A_867, %swap3A_868] {strides = array<i32>} : memref<32x1024xf32, #tpu.memory_space<vmem>>, vector<1x16xf32>,
        %swap3A_870 = vector.shape_cast %swap3A_869 : vector<1x16xf32> to vector<16xf32>
        %swap3A_871 = vector.shape_cast %mul3A_866 : vector<16xf32> to vector<1x16xf32>
        tpu.vector_store %arg6[%swap3A_867, %swap3A_868], %swap3A_871 {strides = array<i32>} : memref<32x1024xf32, #tpu.memory_space<vmem>>, vector<1x16xf32>,
        %get3A_872 = arith.index_cast %scan3A_321 : i32 to index
        %get3A_873 = arith.constant 736 : index
        %get3A_874 = tpu.vector_load %arg6[%get3A_872, %get3A_873] {strides = array<i32>} : memref<32x1024xf32, #tpu.memory_space<vmem>>, vector<1x16xf32>,
        %get3A_875 = vector.shape_cast %get3A_874 : vector<1x16xf32> to vector<16xf32>
        %mul3A_876 = arith.constant 3.200000e+01 : f32
        %mul3A_877 = vector.broadcast %mul3A_876 : f32 to vector<16xf32>
        %mul3A_878 = arith.mulf %get3A_875, %mul3A_877 : vector<16xf32>
        %swap3A_879 = arith.index_cast %scan3A_321 : i32 to index
        %swap3A_880 = arith.constant 736 : index
        %swap3A_881 = tpu.vector_load %arg6[%swap3A_879, %swap3A_880] {strides = array<i32>} : memref<32x1024xf32, #tpu.memory_space<vmem>>, vector<1x16xf32>,
        %swap3A_882 = vector.shape_cast %swap3A_881 : vector<1x16xf32> to vector<16xf32>
        %swap3A_883 = vector.shape_cast %mul3A_878 : vector<16xf32> to vector<1x16xf32>
        tpu.vector_store %arg6[%swap3A_879, %swap3A_880], %swap3A_883 {strides = array<i32>} : memref<32x1024xf32, #tpu.memory_space<vmem>>, vector<1x16xf32>,
        %get3A_884 = arith.index_cast %scan3A_321 : i32 to index
        %get3A_885 = arith.constant 752 : index
        %get3A_886 = tpu.vector_load %arg6[%get3A_884, %get3A_885] {strides = array<i32>} : memref<32x1024xf32, #tpu.memory_space<vmem>>, vector<1x16xf32>,
        %get3A_887 = vector.shape_cast %get3A_886 : vector<1x16xf32> to vector<16xf32>
        %mul3A_888 = arith.constant 3.200000e+01 : f32
        %mul3A_889 = vector.broadcast %mul3A_888 : f32 to vector<16xf32>
        %mul3A_890 = arith.mulf %get3A_887, %mul3A_889 : vector<16xf32>
        %swap3A_891 = arith.index_cast %scan3A_321 : i32 to index
        %swap3A_892 = arith.constant 752 : index
        %swap3A_893 = tpu.vector_load %arg6[%swap3A_891, %swap3A_892] {strides = array<i32>} : memref<32x1024xf32, #tpu.memory_space<vmem>>, vector<1x16xf32>,
        %swap3A_894 = vector.shape_cast %swap3A_893 : vector<1x16xf32> to vector<16xf32>
        %swap3A_895 = vector.shape_cast %mul3A_890 : vector<16xf32> to vector<1x16xf32>
        tpu.vector_store %arg6[%swap3A_891, %swap3A_892], %swap3A_895 {strides = array<i32>} : memref<32x1024xf32, #tpu.memory_space<vmem>>, vector<1x16xf32>,
        %get3A_896 = arith.index_cast %scan3A_321 : i32 to index
        %get3A_897 = arith.constant 768 : index
        %get3A_898 = tpu.vector_load %arg6[%get3A_896, %get3A_897] {strides = array<i32>} : memref<32x1024xf32, #tpu.memory_space<vmem>>, vector<1x16xf32>,
        %get3A_899 = vector.shape_cast %get3A_898 : vector<1x16xf32> to vector<16xf32>
        %mul3A_900 = arith.constant 3.200000e+01 : f32
        %mul3A_901 = vector.broadcast %mul3A_900 : f32 to vector<16xf32>
        %mul3A_902 = arith.mulf %get3A_899, %mul3A_901 : vector<16xf32>
        %swap3A_903 = arith.index_cast %scan3A_321 : i32 to index
        %swap3A_904 = arith.constant 768 : index
        %swap3A_905 = tpu.vector_load %arg6[%swap3A_903, %swap3A_904] {strides = array<i32>} : memref<32x1024xf32, #tpu.memory_space<vmem>>, vector<1x16xf32>,
        %swap3A_906 = vector.shape_cast %swap3A_905 : vector<1x16xf32> to vector<16xf32>
        %swap3A_907 = vector.shape_cast %mul3A_902 : vector<16xf32> to vector<1x16xf32>
        tpu.vector_store %arg6[%swap3A_903, %swap3A_904], %swap3A_907 {strides = array<i32>} : memref<32x1024xf32, #tpu.memory_space<vmem>>, vector<1x16xf32>,
        %get3A_908 = arith.index_cast %scan3A_321 : i32 to index
        %get3A_909 = arith.constant 784 : index
        %get3A_910 = tpu.vector_load %arg6[%get3A_908, %get3A_909] {strides = array<i32>} : memref<32x1024xf32, #tpu.memory_space<vmem>>, vector<1x16xf32>,
        %get3A_911 = vector.shape_cast %get3A_910 : vector<1x16xf32> to vector<16xf32>
        %mul3A_912 = arith.constant 3.200000e+01 : f32
        %mul3A_913 = vector.broadcast %mul3A_912 : f32 to vector<16xf32>
        %mul3A_914 = arith.mulf %get3A_911, %mul3A_913 : vector<16xf32>
        %swap3A_915 = arith.index_cast %scan3A_321 : i32 to index
        %swap3A_916 = arith.constant 784 : index
        %swap3A_917 = tpu.vector_load %arg6[%swap3A_915, %swap3A_916] {strides = array<i32>} : memref<32x1024xf32, #tpu.memory_space<vmem>>, vector<1x16xf32>,
        %swap3A_918 = vector.shape_cast %swap3A_917 : vector<1x16xf32> to vector<16xf32>
        %swap3A_919 = vector.shape_cast %mul3A_914 : vector<16xf32> to vector<1x16xf32>
        tpu.vector_store %arg6[%swap3A_915, %swap3A_916], %swap3A_919 {strides = array<i32>} : memref<32x1024xf32, #tpu.memory_space<vmem>>, vector<1x16xf32>,
        %get3A_920 = arith.index_cast %scan3A_321 : i32 to index
        %get3A_921 = arith.constant 800 : index
        %get3A_922 = tpu.vector_load %arg6[%get3A_920, %get3A_921] {strides = array<i32>} : memref<32x1024xf32, #tpu.memory_space<vmem>>, vector<1x16xf32>,
        %get3A_923 = vector.shape_cast %get3A_922 : vector<1x16xf32> to vector<16xf32>
        %mul3A_924 = arith.constant 3.200000e+01 : f32
        %mul3A_925 = vector.broadcast %mul3A_924 : f32 to vector<16xf32>
        %mul3A_926 = arith.mulf %get3A_923, %mul3A_925 : vector<16xf32>
        %swap3A_927 = arith.index_cast %scan3A_321 : i32 to index
        %swap3A_928 = arith.constant 800 : index
        %swap3A_929 = tpu.vector_load %arg6[%swap3A_927, %swap3A_928] {strides = array<i32>} : memref<32x1024xf32, #tpu.memory_space<vmem>>, vector<1x16xf32>,
        %swap3A_930 = vector.shape_cast %swap3A_929 : vector<1x16xf32> to vector<16xf32>
        %swap3A_931 = vector.shape_cast %mul3A_926 : vector<16xf32> to vector<1x16xf32>
        tpu.vector_store %arg6[%swap3A_927, %swap3A_928], %swap3A_931 {strides = array<i32>} : memref<32x1024xf32, #tpu.memory_space<vmem>>, vector<1x16xf32>,
        %get3A_932 = arith.index_cast %scan3A_321 : i32 to index
        %get3A_933 = arith.constant 816 : index
        %get3A_934 = tpu.vector_load %arg6[%get3A_932, %get3A_933] {strides = array<i32>} : memref<32x1024xf32, #tpu.memory_space<vmem>>, vector<1x16xf32>,
        %get3A_935 = vector.shape_cast %get3A_934 : vector<1x16xf32> to vector<16xf32>
        %mul3A_936 = arith.constant 3.200000e+01 : f32
        %mul3A_937 = vector.broadcast %mul3A_936 : f32 to vector<16xf32>
        %mul3A_938 = arith.mulf %get3A_935, %mul3A_937 : vector<16xf32>
        %swap3A_939 = arith.index_cast %scan3A_321 : i32 to index
        %swap3A_940 = arith.constant 816 : index
        %swap3A_941 = tpu.vector_load %arg6[%swap3A_939, %swap3A_940] {strides = array<i32>} : memref<32x1024xf32, #tpu.memory_space<vmem>>, vector<1x16xf32>,
        %swap3A_942 = vector.shape_cast %swap3A_941 : vector<1x16xf32> to vector<16xf32>
        %swap3A_943 = vector.shape_cast %mul3A_938 : vector<16xf32> to vector<1x16xf32>
        tpu.vector_store %arg6[%swap3A_939, %swap3A_940], %swap3A_943 {strides = array<i32>} : memref<32x1024xf32, #tpu.memory_space<vmem>>, vector<1x16xf32>,
        %get3A_944 = arith.index_cast %scan3A_321 : i32 to index
        %get3A_945 = arith.constant 832 : index
        %get3A_946 = tpu.vector_load %arg6[%get3A_944, %get3A_945] {strides = array<i32>} : memref<32x1024xf32, #tpu.memory_space<vmem>>, vector<1x16xf32>,
        %get3A_947 = vector.shape_cast %get3A_946 : vector<1x16xf32> to vector<16xf32>
        %mul3A_948 = arith.constant 3.200000e+01 : f32
        %mul3A_949 = vector.broadcast %mul3A_948 : f32 to vector<16xf32>
        %mul3A_950 = arith.mulf %get3A_947, %mul3A_949 : vector<16xf32>
        %swap3A_951 = arith.index_cast %scan3A_321 : i32 to index
        %swap3A_952 = arith.constant 832 : index
        %swap3A_953 = tpu.vector_load %arg6[%swap3A_951, %swap3A_952] {strides = array<i32>} : memref<32x1024xf32, #tpu.memory_space<vmem>>, vector<1x16xf32>,
        %swap3A_954 = vector.shape_cast %swap3A_953 : vector<1x16xf32> to vector<16xf32>
        %swap3A_955 = vector.shape_cast %mul3A_950 : vector<16xf32> to vector<1x16xf32>
        tpu.vector_store %arg6[%swap3A_951, %swap3A_952], %swap3A_955 {strides = array<i32>} : memref<32x1024xf32, #tpu.memory_space<vmem>>, vector<1x16xf32>,
        %get3A_956 = arith.index_cast %scan3A_321 : i32 to index
        %get3A_957 = arith.constant 848 : index
        %get3A_958 = tpu.vector_load %arg6[%get3A_956, %get3A_957] {strides = array<i32>} : memref<32x1024xf32, #tpu.memory_space<vmem>>, vector<1x16xf32>,
        %get3A_959 = vector.shape_cast %get3A_958 : vector<1x16xf32> to vector<16xf32>
        %mul3A_960 = arith.constant 3.200000e+01 : f32
        %mul3A_961 = vector.broadcast %mul3A_960 : f32 to vector<16xf32>
        %mul3A_962 = arith.mulf %get3A_959, %mul3A_961 : vector<16xf32>
        %swap3A_963 = arith.index_cast %scan3A_321 : i32 to index
        %swap3A_964 = arith.constant 848 : index
        %swap3A_965 = tpu.vector_load %arg6[%swap3A_963, %swap3A_964] {strides = array<i32>} : memref<32x1024xf32, #tpu.memory_space<vmem>>, vector<1x16xf32>,
        %swap3A_966 = vector.shape_cast %swap3A_965 : vector<1x16xf32> to vector<16xf32>
        %swap3A_967 = vector.shape_cast %mul3A_962 : vector<16xf32> to vector<1x16xf32>
        tpu.vector_store %arg6[%swap3A_963, %swap3A_964], %swap3A_967 {strides = array<i32>} : memref<32x1024xf32, #tpu.memory_space<vmem>>, vector<1x16xf32>,
        %get3A_968 = arith.index_cast %scan3A_321 : i32 to index
        %get3A_969 = arith.constant 864 : index
        %get3A_970 = tpu.vector_load %arg6[%get3A_968, %get3A_969] {strides = array<i32>} : memref<32x1024xf32, #tpu.memory_space<vmem>>, vector<1x16xf32>,
        %get3A_971 = vector.shape_cast %get3A_970 : vector<1x16xf32> to vector<16xf32>
        %mul3A_972 = arith.constant 3.200000e+01 : f32
        %mul3A_973 = vector.broadcast %mul3A_972 : f32 to vector<16xf32>
        %mul3A_974 = arith.mulf %get3A_971, %mul3A_973 : vector<16xf32>
        %swap3A_975 = arith.index_cast %scan3A_321 : i32 to index
        %swap3A_976 = arith.constant 864 : index
        %swap3A_977 = tpu.vector_load %arg6[%swap3A_975, %swap3A_976] {strides = array<i32>} : memref<32x1024xf32, #tpu.memory_space<vmem>>, vector<1x16xf32>,
        %swap3A_978 = vector.shape_cast %swap3A_977 : vector<1x16xf32> to vector<16xf32>
        %swap3A_979 = vector.shape_cast %mul3A_974 : vector<16xf32> to vector<1x16xf32>
        tpu.vector_store %arg6[%swap3A_975, %swap3A_976], %swap3A_979 {strides = array<i32>} : memref<32x1024xf32, #tpu.memory_space<vmem>>, vector<1x16xf32>,
        %get3A_980 = arith.index_cast %scan3A_321 : i32 to index
        %get3A_981 = arith.constant 880 : index
        %get3A_982 = tpu.vector_load %arg6[%get3A_980, %get3A_981] {strides = array<i32>} : memref<32x1024xf32, #tpu.memory_space<vmem>>, vector<1x16xf32>,
        %get3A_983 = vector.shape_cast %get3A_982 : vector<1x16xf32> to vector<16xf32>
        %mul3A_984 = arith.constant 3.200000e+01 : f32
        %mul3A_985 = vector.broadcast %mul3A_984 : f32 to vector<16xf32>
        %mul3A_986 = arith.mulf %get3A_983, %mul3A_985 : vector<16xf32>
        %swap3A_987 = arith.index_cast %scan3A_321 : i32 to index
        %swap3A_988 = arith.constant 880 : index
        %swap3A_989 = tpu.vector_load %arg6[%swap3A_987, %swap3A_988] {strides = array<i32>} : memref<32x1024xf32, #tpu.memory_space<vmem>>, vector<1x16xf32>,
        %swap3A_990 = vector.shape_cast %swap3A_989 : vector<1x16xf32> to vector<16xf32>
        %swap3A_991 = vector.shape_cast %mul3A_986 : vector<16xf32> to vector<1x16xf32>
        tpu.vector_store %arg6[%swap3A_987, %swap3A_988], %swap3A_991 {strides = array<i32>} : memref<32x1024xf32, #tpu.memory_space<vmem>>, vector<1x16xf32>,
        %get3A_992 = arith.index_cast %scan3A_321 : i32 to index
        %get3A_993 = arith.constant 896 : index
        %get3A_994 = tpu.vector_load %arg6[%get3A_992, %get3A_993] {strides = array<i32>} : memref<32x1024xf32, #tpu.memory_space<vmem>>, vector<1x16xf32>,
        %get3A_995 = vector.shape_cast %get3A_994 : vector<1x16xf32> to vector<16xf32>
        %mul3A_996 = arith.constant 3.200000e+01 : f32
        %mul3A_997 = vector.broadcast %mul3A_996 : f32 to vector<16xf32>
        %mul3A_998 = arith.mulf %get3A_995, %mul3A_997 : vector<16xf32>
        %swap3A_999 = arith.index_cast %scan3A_321 : i32 to index
        %swap3A_1000 = arith.constant 896 : index
        %swap3A_1001 = tpu.vector_load %arg6[%swap3A_999, %swap3A_1000] {strides = array<i32>} : memref<32x1024xf32, #tpu.memory_space<vmem>>, vector<1x16xf32>,
        %swap3A_1002 = vector.shape_cast %swap3A_1001 : vector<1x16xf32> to vector<16xf32>
        %swap3A_1003 = vector.shape_cast %mul3A_998 : vector<16xf32> to vector<1x16xf32>
        tpu.vector_store %arg6[%swap3A_999, %swap3A_1000], %swap3A_1003 {strides = array<i32>} : memref<32x1024xf32, #tpu.memory_space<vmem>>, vector<1x16xf32>,
        %get3A_1004 = arith.index_cast %scan3A_321 : i32 to index
        %get3A_1005 = arith.constant 912 : index
        %get3A_1006 = tpu.vector_load %arg6[%get3A_1004, %get3A_1005] {strides = array<i32>} : memref<32x1024xf32, #tpu.memory_space<vmem>>, vector<1x16xf32>,
        %get3A_1007 = vector.shape_cast %get3A_1006 : vector<1x16xf32> to vector<16xf32>
        %mul3A_1008 = arith.constant 3.200000e+01 : f32
        %mul3A_1009 = vector.broadcast %mul3A_1008 : f32 to vector<16xf32>
        %mul3A_1010 = arith.mulf %get3A_1007, %mul3A_1009 : vector<16xf32>
        %swap3A_1011 = arith.index_cast %scan3A_321 : i32 to index
        %swap3A_1012 = arith.constant 912 : index
        %swap3A_1013 = tpu.vector_load %arg6[%swap3A_1011, %swap3A_1012] {strides = array<i32>} : memref<32x1024xf32, #tpu.memory_space<vmem>>, vector<1x16xf32>,
        %swap3A_1014 = vector.shape_cast %swap3A_1013 : vector<1x16xf32> to vector<16xf32>
        %swap3A_1015 = vector.shape_cast %mul3A_1010 : vector<16xf32> to vector<1x16xf32>
        tpu.vector_store %arg6[%swap3A_1011, %swap3A_1012], %swap3A_1015 {strides = array<i32>} : memref<32x1024xf32, #tpu.memory_space<vmem>>, vector<1x16xf32>,
        %get3A_1016 = arith.index_cast %scan3A_321 : i32 to index
        %get3A_1017 = arith.constant 928 : index
        %get3A_1018 = tpu.vector_load %arg6[%get3A_1016, %get3A_1017] {strides = array<i32>} : memref<32x1024xf32, #tpu.memory_space<vmem>>, vector<1x16xf32>,
        %get3A_1019 = vector.shape_cast %get3A_1018 : vector<1x16xf32> to vector<16xf32>
        %mul3A_1020 = arith.constant 3.200000e+01 : f32
        %mul3A_1021 = vector.broadcast %mul3A_1020 : f32 to vector<16xf32>
        %mul3A_1022 = arith.mulf %get3A_1019, %mul3A_1021 : vector<16xf32>
        %swap3A_1023 = arith.index_cast %scan3A_321 : i32 to index
        %swap3A_1024 = arith.constant 928 : index
        %swap3A_1025 = tpu.vector_load %arg6[%swap3A_1023, %swap3A_1024] {strides = array<i32>} : memref<32x1024xf32, #tpu.memory_space<vmem>>, vector<1x16xf32>,
        %swap3A_1026 = vector.shape_cast %swap3A_1025 : vector<1x16xf32> to vector<16xf32>
        %swap3A_1027 = vector.shape_cast %mul3A_1022 : vector<16xf32> to vector<1x16xf32>
        tpu.vector_store %arg6[%swap3A_1023, %swap3A_1024], %swap3A_1027 {strides = array<i32>} : memref<32x1024xf32, #tpu.memory_space<vmem>>, vector<1x16xf32>,
        %get3A_1028 = arith.index_cast %scan3A_321 : i32 to index
        %get3A_1029 = arith.constant 944 : index
        %get3A_1030 = tpu.vector_load %arg6[%get3A_1028, %get3A_1029] {strides = array<i32>} : memref<32x1024xf32, #tpu.memory_space<vmem>>, vector<1x16xf32>,
        %get3A_1031 = vector.shape_cast %get3A_1030 : vector<1x16xf32> to vector<16xf32>
        %mul3A_1032 = arith.constant 3.200000e+01 : f32
        %mul3A_1033 = vector.broadcast %mul3A_1032 : f32 to vector<16xf32>
        %mul3A_1034 = arith.mulf %get3A_1031, %mul3A_1033 : vector<16xf32>
        %swap3A_1035 = arith.index_cast %scan3A_321 : i32 to index
        %swap3A_1036 = arith.constant 944 : index
        %swap3A_1037 = tpu.vector_load %arg6[%swap3A_1035, %swap3A_1036] {strides = array<i32>} : memref<32x1024xf32, #tpu.memory_space<vmem>>, vector<1x16xf32>,
        %swap3A_1038 = vector.shape_cast %swap3A_1037 : vector<1x16xf32> to vector<16xf32>
        %swap3A_1039 = vector.shape_cast %mul3A_1034 : vector<16xf32> to vector<1x16xf32>
        tpu.vector_store %arg6[%swap3A_1035, %swap3A_1036], %swap3A_1039 {strides = array<i32>} : memref<32x1024xf32, #tpu.memory_space<vmem>>, vector<1x16xf32>,
        %get3A_1040 = arith.index_cast %scan3A_321 : i32 to index
        %get3A_1041 = arith.constant 960 : index
        %get3A_1042 = tpu.vector_load %arg6[%get3A_1040, %get3A_1041] {strides = array<i32>} : memref<32x1024xf32, #tpu.memory_space<vmem>>, vector<1x16xf32>,
        %get3A_1043 = vector.shape_cast %get3A_1042 : vector<1x16xf32> to vector<16xf32>
        %mul3A_1044 = arith.constant 3.200000e+01 : f32
        %mul3A_1045 = vector.broadcast %mul3A_1044 : f32 to vector<16xf32>
        %mul3A_1046 = arith.mulf %get3A_1043, %mul3A_1045 : vector<16xf32>
        %swap3A_1047 = arith.index_cast %scan3A_321 : i32 to index
        %swap3A_1048 = arith.constant 960 : index
        %swap3A_1049 = tpu.vector_load %arg6[%swap3A_1047, %swap3A_1048] {strides = array<i32>} : memref<32x1024xf32, #tpu.memory_space<vmem>>, vector<1x16xf32>,
        %swap3A_1050 = vector.shape_cast %swap3A_1049 : vector<1x16xf32> to vector<16xf32>
        %swap3A_1051 = vector.shape_cast %mul3A_1046 : vector<16xf32> to vector<1x16xf32>
        tpu.vector_store %arg6[%swap3A_1047, %swap3A_1048], %swap3A_1051 {strides = array<i32>} : memref<32x1024xf32, #tpu.memory_space<vmem>>, vector<1x16xf32>,
        %get3A_1052 = arith.index_cast %scan3A_321 : i32 to index
        %get3A_1053 = arith.constant 976 : index
        %get3A_1054 = tpu.vector_load %arg6[%get3A_1052, %get3A_1053] {strides = array<i32>} : memref<32x1024xf32, #tpu.memory_space<vmem>>, vector<1x16xf32>,
        %get3A_1055 = vector.shape_cast %get3A_1054 : vector<1x16xf32> to vector<16xf32>
        %mul3A_1056 = arith.constant 3.200000e+01 : f32
        %mul3A_1057 = vector.broadcast %mul3A_1056 : f32 to vector<16xf32>
        %mul3A_1058 = arith.mulf %get3A_1055, %mul3A_1057 : vector<16xf32>
        %swap3A_1059 = arith.index_cast %scan3A_321 : i32 to index
        %swap3A_1060 = arith.constant 976 : index
        %swap3A_1061 = tpu.vector_load %arg6[%swap3A_1059, %swap3A_1060] {strides = array<i32>} : memref<32x1024xf32, #tpu.memory_space<vmem>>, vector<1x16xf32>,
        %swap3A_1062 = vector.shape_cast %swap3A_1061 : vector<1x16xf32> to vector<16xf32>
        %swap3A_1063 = vector.shape_cast %mul3A_1058 : vector<16xf32> to vector<1x16xf32>
        tpu.vector_store %arg6[%swap3A_1059, %swap3A_1060], %swap3A_1063 {strides = array<i32>} : memref<32x1024xf32, #tpu.memory_space<vmem>>, vector<1x16xf32>,
        %get3A_1064 = arith.index_cast %scan3A_321 : i32 to index
        %get3A_1065 = arith.constant 992 : index
        %get3A_1066 = tpu.vector_load %arg6[%get3A_1064, %get3A_1065] {strides = array<i32>} : memref<32x1024xf32, #tpu.memory_space<vmem>>, vector<1x16xf32>,
        %get3A_1067 = vector.shape_cast %get3A_1066 : vector<1x16xf32> to vector<16xf32>
        %mul3A_1068 = arith.constant 3.200000e+01 : f32
        %mul3A_1069 = vector.broadcast %mul3A_1068 : f32 to vector<16xf32>
        %mul3A_1070 = arith.mulf %get3A_1067, %mul3A_1069 : vector<16xf32>
        %swap3A_1071 = arith.index_cast %scan3A_321 : i32 to index
        %swap3A_1072 = arith.constant 992 : index
        %swap3A_1073 = tpu.vector_load %arg6[%swap3A_1071, %swap3A_1072] {strides = array<i32>} : memref<32x1024xf32, #tpu.memory_space<vmem>>, vector<1x16xf32>,
        %swap3A_1074 = vector.shape_cast %swap3A_1073 : vector<1x16xf32> to vector<16xf32>
        %swap3A_1075 = vector.shape_cast %mul3A_1070 : vector<16xf32> to vector<1x16xf32>
        tpu.vector_store %arg6[%swap3A_1071, %swap3A_1072], %swap3A_1075 {strides = array<i32>} : memref<32x1024xf32, #tpu.memory_space<vmem>>, vector<1x16xf32>,
        %get3A_1076 = arith.index_cast %scan3A_321 : i32 to index
        %get3A_1077 = arith.constant 1008 : index
        %get3A_1078 = tpu.vector_load %arg6[%get3A_1076, %get3A_1077] {strides = array<i32>} : memref<32x1024xf32, #tpu.memory_space<vmem>>, vector<1x16xf32>,
        %get3A_1079 = vector.shape_cast %get3A_1078 : vector<1x16xf32> to vector<16xf32>
        %mul3A_1080 = arith.constant 3.200000e+01 : f32
        %mul3A_1081 = vector.broadcast %mul3A_1080 : f32 to vector<16xf32>
        %mul3A_1082 = arith.mulf %get3A_1079, %mul3A_1081 : vector<16xf32>
        %swap3A_1083 = arith.index_cast %scan3A_321 : i32 to index
        %swap3A_1084 = arith.constant 1008 : index
        %swap3A_1085 = tpu.vector_load %arg6[%swap3A_1083, %swap3A_1084] {strides = array<i32>} : memref<32x1024xf32, #tpu.memory_space<vmem>>, vector<1x16xf32>,
        %swap3A_1086 = vector.shape_cast %swap3A_1085 : vector<1x16xf32> to vector<16xf32>
        %swap3A_1087 = vector.shape_cast %mul3A_1082 : vector<16xf32> to vector<1x16xf32>
        tpu.vector_store %arg6[%swap3A_1083, %swap3A_1084], %swap3A_1087 {strides = array<i32>} : memref<32x1024xf32, #tpu.memory_space<vmem>>, vector<1x16xf32>,
      }
      %scan3A_291 = arith.constant 32 : i32
      %add3A_292 = arith.addi %mul3A_2, %sub3A_273 : i32
      %multiple_of3A_293 = tpu.assume_multiple %add3A_292, 8 : i32
      %dma_start3A_294 = arith.constant 0 : i32
      %dma_start3A_295 = arith.constant 0 : i32
      %dma_start3A_296 = tpu.memref_slice %arg6[%dma_start3A_294, %dma_start3A_295] : memref<32x1024xf32, #tpu.memory_space<vmem>> -> memref<32x1024xf32, #tpu.memory_space<vmem>>
      %dma_start3A_297 = arith.constant 0 : i32
      %dma_start3A_298 = tpu.memref_slice %arg4[%multiple_of3A_293, %dma_start3A_297] : memref<16384x1024xf32, #tpu.memory_space<hbm>> -> memref<32x1024xf32, #tpu.memory_space<hbm>>
      %dma_start3A_299 = arith.constant 0 : i32
      %dma_start3A_300 = tpu.memref_slice %arg4[%multiple_of3A_293, %dma_start3A_299] : memref<16384x1024xf32, #tpu.memory_space<hbm>> -> memref<32x1024xf32, #tpu.memory_space<hbm>>
      %dma_start3A_301 = arith.constant 0 : i32
      %dma_start3A_302 = arith.constant 0 : i32
      %dma_start3A_303 = tpu.memref_slice %arg6[%dma_start3A_301, %dma_start3A_302] : memref<32x1024xf32, #tpu.memory_space<vmem>> -> memref<32x1024xf32, #tpu.memory_space<vmem>>
      tpu.enqueue_dma source(%dma_start3A_303 : memref<32x1024xf32, #tpu.memory_space<vmem>>) target(%dma_start3A_300 : memref<32x1024xf32, #tpu.memory_space<hbm>>) target_semaphore(%arg12 : memref<!tpu.dma_semaphore, #tpu.memory_space<semaphore_mem>>)
      %dma_wait3A_304 = arith.constant 0 : i32
      %dma_wait3A_305 = arith.constant 0 : i32
      %dma_wait3A_306 = tpu.memref_slice %arg8[%dma_wait3A_304, %dma_wait3A_305] : memref<32x1024xf32, #tpu.memory_space<vmem>> -> memref<32x1024xf32, #tpu.memory_space<vmem>>
      %dma_wait3A_307 = arith.constant 0 : i32
      %dma_wait3A_308 = arith.constant 0 : i32
      %dma_wait3A_309 = tpu.memref_slice %arg4[%dma_wait3A_307, %dma_wait3A_308] : memref<16384x1024xf32, #tpu.memory_space<hbm>> -> memref<32x1024xf32, #tpu.memory_space<hbm>>
      %dma_wait3A_310 = arith.constant 0 : i32
      %dma_wait3A_311 = arith.constant 0 : i32
      %dma_wait3A_312 = tpu.memref_slice %arg4[%dma_wait3A_310, %dma_wait3A_311] : memref<16384x1024xf32, #tpu.memory_space<hbm>> -> memref<32x1024xf32, #tpu.memory_space<hbm>>
      %dma_wait3A_313 = arith.constant 0 : i32
      %dma_wait3A_314 = arith.constant 0 : i32
      %dma_wait3A_315 = tpu.memref_slice %arg8[%dma_wait3A_313, %dma_wait3A_314] : memref<32x1024xf32, #tpu.memory_space<vmem>> -> memref<32x1024xf32, #tpu.memory_space<vmem>>
      tpu.wait_dma2 semaphore(%arg14 : memref<!tpu.dma_semaphore, #tpu.memory_space<semaphore_mem>>) src(%dma_wait3A_315 : memref<32x1024xf32, #tpu.memory_space<vmem>>) dst(%dma_wait3A_312 : memref<32x1024xf32, #tpu.memory_space<hbm>>)
      %lt3A_316 = arith.constant 4 : i32
      %lt3A_317 = arith.cmpi slt, %scan3A_150, %lt3A_316 : i32
      %convert_element_type3A_318 = arith.extui %lt3A_317 : i1 to i32
      %cond3A_319 = arith.constant 0 : i32
      %cond3A_320 = arith.cmpi ne, %convert_element_type3A_318, %cond3A_319 : i32
      scf.if %cond3A_320 {
        %add3A_321 = arith.constant 64 : i32
        %add3A_322 = arith.addi %sub3A_273, %add3A_321 : i32
        %multiple_of3A_323 = tpu.assume_multiple %add3A_322, 8 : i32
        %dma_start3A_324 = arith.constant 0 : i32
        %dma_start3A_325 = arith.constant 0 : i32
        %dma_start3A_326 = tpu.memref_slice %arg8[%dma_start3A_324, %dma_start3A_325] : memref<32x1024xf32, #tpu.memory_space<vmem>> -> memref<32x1024xf32, #tpu.memory_space<vmem>>
        %dma_start3A_327 = tpu.memref_slice %arg5[%multiple_of3A_323] : memref<512xi32, #tpu.memory_space<vmem>> -> memref<32xi32, #tpu.memory_space<vmem>>
        %dma_start3A_328 = arith.constant 0 : i32
        %dma_start3A_329 = arith.constant 0 : i32
        %dma_start3A_330 = tpu.memref_slice %arg3[%dma_start3A_328, %dma_start3A_329] : memref<100000x1024xf32, #tpu.memory_space<hbm>> -> memref<100000x1024xf32, #tpu.memory_space<hbm>>
        tpu.enqueue_indirect_dma source(%dma_start3A_330 : memref<100000x1024xf32, #tpu.memory_space<hbm>>) target(%dma_start3A_326 : memref<32x1024xf32, #tpu.memory_space<vmem>>) offsets(%dma_start3A_327 : memref<32xi32, #tpu.memory_space<vmem>>) semaphore(%arg11 : memref<!tpu.dma_semaphore, #tpu.memory_space<semaphore_mem>>)
      } else {
      }
    }
    %scan3A_94 = arith.constant 5 : i32
    %dma_wait3A_95 = arith.constant 0 : i32
    %dma_wait3A_96 = arith.constant 0 : i32
    %dma_wait3A_97 = tpu.memref_slice %arg7[%dma_wait3A_95, %dma_wait3A_96] : memref<32x1024xf32, #tpu.memory_space<vmem>> -> memref<24x1024xf32, #tpu.memory_space<vmem>>
    %dma_wait3A_98 = arith.constant 0 : i32
    %dma_wait3A_99 = arith.constant 0 : i32
    %dma_wait3A_100 = tpu.memref_slice %arg4[%dma_wait3A_98, %dma_wait3A_99] : memref<16384x1024xf32, #tpu.memory_space<hbm>> -> memref<24x1024xf32, #tpu.memory_space<hbm>>
    %dma_wait3A_101 = arith.constant 0 : i32
    %dma_wait3A_102 = arith.constant 0 : i32
    %dma_wait3A_103 = tpu.memref_slice %arg7[%dma_wait3A_101, %dma_wait3A_102] : memref<32x1024xf32, #tpu.memory_space<vmem>> -> memref<24x1024xf32, #tpu.memory_space<vmem>>
    %dma_wait3A_104 = arith.constant 0 : i32
    %dma_wait3A_105 = arith.constant 0 : i32
    %dma_wait3A_106 = tpu.memref_slice %arg4[%dma_wait3A_104, %dma_wait3A_105] : memref<16384x1024xf32, #tpu.memory_space<hbm>> -> memref<24x1024xf32, #tpu.memory_space<hbm>>
    tpu.wait_dma2 semaphore(%arg10 : memref<!tpu.dma_semaphore, #tpu.memory_space<semaphore_mem>>) src(%dma_wait3A_106 : memref<24x1024xf32, #tpu.memory_space<hbm>>) dst(%dma_wait3A_103 : memref<24x1024xf32, #tpu.memory_space<vmem>>)
    %scan3A_107 = arith.constant 0 : i32
    %scan3A_108 = arith.constant 0 : i32
    %scan3A_109 = arith.constant 24 : i32
    %scan3A_110 = arith.addi %scan3A_108, %scan3A_109 : i32
    %scan3A_111 = arith.constant 1 : i32
    scf.for %scan3A_150 = %scan3A_108 to %scan3A_110 step %scan3A_111  : i32 {
      %get3A = arith.index_cast %scan3A_150 : i32 to index
      %get3A_151 = arith.constant 0 : index
      %get3A_152 = tpu.vector_load %arg7[%get3A, %get3A_151] {strides = array<i32>} : memref<32x1024xf32, #tpu.memory_space<vmem>>, vector<1x16xf32>,
      %get3A_153 = vector.shape_cast %get3A_152 : vector<1x16xf32> to vector<16xf32>
      %mul3A_154 = arith.constant 3.200000e+01 : f32
      %mul3A_155 = vector.broadcast %mul3A_154 : f32 to vector<16xf32>
      %mul3A_156 = arith.mulf %get3A_153, %mul3A_155 : vector<16xf32>
      %swap3A = arith.index_cast %scan3A_150 : i32 to index
      %swap3A_157 = arith.constant 0 : index
      %swap3A_158 = tpu.vector_load %arg7[%swap3A, %swap3A_157] {strides = array<i32>} : memref<32x1024xf32, #tpu.memory_space<vmem>>, vector<1x16xf32>,
      %swap3A_159 = vector.shape_cast %swap3A_158 : vector<1x16xf32> to vector<16xf32>
      %swap3A_160 = vector.shape_cast %mul3A_156 : vector<16xf32> to vector<1x16xf32>
      tpu.vector_store %arg7[%swap3A, %swap3A_157], %swap3A_160 {strides = array<i32>} : memref<32x1024xf32, #tpu.memory_space<vmem>>, vector<1x16xf32>,
      %get3A_161 = arith.index_cast %scan3A_150 : i32 to index
      %get3A_162 = arith.constant 16 : index
      %get3A_163 = tpu.vector_load %arg7[%get3A_161, %get3A_162] {strides = array<i32>} : memref<32x1024xf32, #tpu.memory_space<vmem>>, vector<1x16xf32>,
      %get3A_164 = vector.shape_cast %get3A_163 : vector<1x16xf32> to vector<16xf32>
      %mul3A_165 = arith.constant 3.200000e+01 : f32
      %mul3A_166 = vector.broadcast %mul3A_165 : f32 to vector<16xf32>
      %mul3A_167 = arith.mulf %get3A_164, %mul3A_166 : vector<16xf32>
      %swap3A_168 = arith.index_cast %scan3A_150 : i32 to index
      %swap3A_169 = arith.constant 16 : index
      %swap3A_170 = tpu.vector_load %arg7[%swap3A_168, %swap3A_169] {strides = array<i32>} : memref<32x1024xf32, #tpu.memory_space<vmem>>, vector<1x16xf32>,
      %swap3A_171 = vector.shape_cast %swap3A_170 : vector<1x16xf32> to vector<16xf32>
      %swap3A_172 = vector.shape_cast %mul3A_167 : vector<16xf32> to vector<1x16xf32>
      tpu.vector_store %arg7[%swap3A_168, %swap3A_169], %swap3A_172 {strides = array<i32>} : memref<32x1024xf32, #tpu.memory_space<vmem>>, vector<1x16xf32>,
      %get3A_173 = arith.index_cast %scan3A_150 : i32 to index
      %get3A_174 = arith.constant 32 : index
      %get3A_175 = tpu.vector_load %arg7[%get3A_173, %get3A_174] {strides = array<i32>} : memref<32x1024xf32, #tpu.memory_space<vmem>>, vector<1x16xf32>,
      %get3A_176 = vector.shape_cast %get3A_175 : vector<1x16xf32> to vector<16xf32>
      %mul3A_177 = arith.constant 3.200000e+01 : f32
      %mul3A_178 = vector.broadcast %mul3A_177 : f32 to vector<16xf32>
      %mul3A_179 = arith.mulf %get3A_176, %mul3A_178 : vector<16xf32>
      %swap3A_180 = arith.index_cast %scan3A_150 : i32 to index
      %swap3A_181 = arith.constant 32 : index
      %swap3A_182 = tpu.vector_load %arg7[%swap3A_180, %swap3A_181] {strides = array<i32>} : memref<32x1024xf32, #tpu.memory_space<vmem>>, vector<1x16xf32>,
      %swap3A_183 = vector.shape_cast %swap3A_182 : vector<1x16xf32> to vector<16xf32>
      %swap3A_184 = vector.shape_cast %mul3A_179 : vector<16xf32> to vector<1x16xf32>
      tpu.vector_store %arg7[%swap3A_180, %swap3A_181], %swap3A_184 {strides = array<i32>} : memref<32x1024xf32, #tpu.memory_space<vmem>>, vector<1x16xf32>,
      %get3A_185 = arith.index_cast %scan3A_150 : i32 to index
      %get3A_186 = arith.constant 48 : index
      %get3A_187 = tpu.vector_load %arg7[%get3A_185, %get3A_186] {strides = array<i32>} : memref<32x1024xf32, #tpu.memory_space<vmem>>, vector<1x16xf32>,
      %get3A_188 = vector.shape_cast %get3A_187 : vector<1x16xf32> to vector<16xf32>
      %mul3A_189 = arith.constant 3.200000e+01 : f32
      %mul3A_190 = vector.broadcast %mul3A_189 : f32 to vector<16xf32>
      %mul3A_191 = arith.mulf %get3A_188, %mul3A_190 : vector<16xf32>
      %swap3A_192 = arith.index_cast %scan3A_150 : i32 to index
      %swap3A_193 = arith.constant 48 : index
      %swap3A_194 = tpu.vector_load %arg7[%swap3A_192, %swap3A_193] {strides = array<i32>} : memref<32x1024xf32, #tpu.memory_space<vmem>>, vector<1x16xf32>,
      %swap3A_195 = vector.shape_cast %swap3A_194 : vector<1x16xf32> to vector<16xf32>
      %swap3A_196 = vector.shape_cast %mul3A_191 : vector<16xf32> to vector<1x16xf32>
      tpu.vector_store %arg7[%swap3A_192, %swap3A_193], %swap3A_196 {strides = array<i32>} : memref<32x1024xf32, #tpu.memory_space<vmem>>, vector<1x16xf32>,
      %get3A_197 = arith.index_cast %scan3A_150 : i32 to index
      %get3A_198 = arith.constant 64 : index
      %get3A_199 = tpu.vector_load %arg7[%get3A_197, %get3A_198] {strides = array<i32>} : memref<32x1024xf32, #tpu.memory_space<vmem>>, vector<1x16xf32>,
      %get3A_200 = vector.shape_cast %get3A_199 : vector<1x16xf32> to vector<16xf32>
      %mul3A_201 = arith.constant 3.200000e+01 : f32
      %mul3A_202 = vector.broadcast %mul3A_201 : f32 to vector<16xf32>
      %mul3A_203 = arith.mulf %get3A_200, %mul3A_202 : vector<16xf32>
      %swap3A_204 = arith.index_cast %scan3A_150 : i32 to index
      %swap3A_205 = arith.constant 64 : index
      %swap3A_206 = tpu.vector_load %arg7[%swap3A_204, %swap3A_205] {strides = array<i32>} : memref<32x1024xf32, #tpu.memory_space<vmem>>, vector<1x16xf32>,
      %swap3A_207 = vector.shape_cast %swap3A_206 : vector<1x16xf32> to vector<16xf32>
      %swap3A_208 = vector.shape_cast %mul3A_203 : vector<16xf32> to vector<1x16xf32>
      tpu.vector_store %arg7[%swap3A_204, %swap3A_205], %swap3A_208 {strides = array<i32>} : memref<32x1024xf32, #tpu.memory_space<vmem>>, vector<1x16xf32>,
      %get3A_209 = arith.index_cast %scan3A_150 : i32 to index
      %get3A_210 = arith.constant 80 : index
      %get3A_211 = tpu.vector_load %arg7[%get3A_209, %get3A_210] {strides = array<i32>} : memref<32x1024xf32, #tpu.memory_space<vmem>>, vector<1x16xf32>,
      %get3A_212 = vector.shape_cast %get3A_211 : vector<1x16xf32> to vector<16xf32>
      %mul3A_213 = arith.constant 3.200000e+01 : f32
      %mul3A_214 = vector.broadcast %mul3A_213 : f32 to vector<16xf32>
      %mul3A_215 = arith.mulf %get3A_212, %mul3A_214 : vector<16xf32>
      %swap3A_216 = arith.index_cast %scan3A_150 : i32 to index
      %swap3A_217 = arith.constant 80 : index
      %swap3A_218 = tpu.vector_load %arg7[%swap3A_216, %swap3A_217] {strides = array<i32>} : memref<32x1024xf32, #tpu.memory_space<vmem>>, vector<1x16xf32>,
      %swap3A_219 = vector.shape_cast %swap3A_218 : vector<1x16xf32> to vector<16xf32>
      %swap3A_220 = vector.shape_cast %mul3A_215 : vector<16xf32> to vector<1x16xf32>
      tpu.vector_store %arg7[%swap3A_216, %swap3A_217], %swap3A_220 {strides = array<i32>} : memref<32x1024xf32, #tpu.memory_space<vmem>>, vector<1x16xf32>,
      %get3A_221 = arith.index_cast %scan3A_150 : i32 to index
      %get3A_222 = arith.constant 96 : index
      %get3A_223 = tpu.vector_load %arg7[%get3A_221, %get3A_222] {strides = array<i32>} : memref<32x1024xf32, #tpu.memory_space<vmem>>, vector<1x16xf32>,
      %get3A_224 = vector.shape_cast %get3A_223 : vector<1x16xf32> to vector<16xf32>
      %mul3A_225 = arith.constant 3.200000e+01 : f32
      %mul3A_226 = vector.broadcast %mul3A_225 : f32 to vector<16xf32>
      %mul3A_227 = arith.mulf %get3A_224, %mul3A_226 : vector<16xf32>
      %swap3A_228 = arith.index_cast %scan3A_150 : i32 to index
      %swap3A_229 = arith.constant 96 : index
      %swap3A_230 = tpu.vector_load %arg7[%swap3A_228, %swap3A_229] {strides = array<i32>} : memref<32x1024xf32, #tpu.memory_space<vmem>>, vector<1x16xf32>,
      %swap3A_231 = vector.shape_cast %swap3A_230 : vector<1x16xf32> to vector<16xf32>
      %swap3A_232 = vector.shape_cast %mul3A_227 : vector<16xf32> to vector<1x16xf32>
      tpu.vector_store %arg7[%swap3A_228, %swap3A_229], %swap3A_232 {strides = array<i32>} : memref<32x1024xf32, #tpu.memory_space<vmem>>, vector<1x16xf32>,
      %get3A_233 = arith.index_cast %scan3A_150 : i32 to index
      %get3A_234 = arith.constant 112 : index
      %get3A_235 = tpu.vector_load %arg7[%get3A_233, %get3A_234] {strides = array<i32>} : memref<32x1024xf32, #tpu.memory_space<vmem>>, vector<1x16xf32>,
      %get3A_236 = vector.shape_cast %get3A_235 : vector<1x16xf32> to vector<16xf32>
      %mul3A_237 = arith.constant 3.200000e+01 : f32
      %mul3A_238 = vector.broadcast %mul3A_237 : f32 to vector<16xf32>
      %mul3A_239 = arith.mulf %get3A_236, %mul3A_238 : vector<16xf32>
      %swap3A_240 = arith.index_cast %scan3A_150 : i32 to index
      %swap3A_241 = arith.constant 112 : index
      %swap3A_242 = tpu.vector_load %arg7[%swap3A_240, %swap3A_241] {strides = array<i32>} : memref<32x1024xf32, #tpu.memory_space<vmem>>, vector<1x16xf32>,
      %swap3A_243 = vector.shape_cast %swap3A_242 : vector<1x16xf32> to vector<16xf32>
      %swap3A_244 = vector.shape_cast %mul3A_239 : vector<16xf32> to vector<1x16xf32>
      tpu.vector_store %arg7[%swap3A_240, %swap3A_241], %swap3A_244 {strides = array<i32>} : memref<32x1024xf32, #tpu.memory_space<vmem>>, vector<1x16xf32>,
      %get3A_245 = arith.index_cast %scan3A_150 : i32 to index
      %get3A_246 = arith.constant 128 : index
      %get3A_247 = tpu.vector_load %arg7[%get3A_245, %get3A_246] {strides = array<i32>} : memref<32x1024xf32, #tpu.memory_space<vmem>>, vector<1x16xf32>,
      %get3A_248 = vector.shape_cast %get3A_247 : vector<1x16xf32> to vector<16xf32>
      %mul3A_249 = arith.constant 3.200000e+01 : f32
      %mul3A_250 = vector.broadcast %mul3A_249 : f32 to vector<16xf32>
      %mul3A_251 = arith.mulf %get3A_248, %mul3A_250 : vector<16xf32>
      %swap3A_252 = arith.index_cast %scan3A_150 : i32 to index
      %swap3A_253 = arith.constant 128 : index
      %swap3A_254 = tpu.vector_load %arg7[%swap3A_252, %swap3A_253] {strides = array<i32>} : memref<32x1024xf32, #tpu.memory_space<vmem>>, vector<1x16xf32>,
      %swap3A_255 = vector.shape_cast %swap3A_254 : vector<1x16xf32> to vector<16xf32>
      %swap3A_256 = vector.shape_cast %mul3A_251 : vector<16xf32> to vector<1x16xf32>
      tpu.vector_store %arg7[%swap3A_252, %swap3A_253], %swap3A_256 {strides = array<i32>} : memref<32x1024xf32, #tpu.memory_space<vmem>>, vector<1x16xf32>,
      %get3A_257 = arith.index_cast %scan3A_150 : i32 to index
      %get3A_258 = arith.constant 144 : index
      %get3A_259 = tpu.vector_load %arg7[%get3A_257, %get3A_258] {strides = array<i32>} : memref<32x1024xf32, #tpu.memory_space<vmem>>, vector<1x16xf32>,
      %get3A_260 = vector.shape_cast %get3A_259 : vector<1x16xf32> to vector<16xf32>
      %mul3A_261 = arith.constant 3.200000e+01 : f32
      %mul3A_262 = vector.broadcast %mul3A_261 : f32 to vector<16xf32>
      %mul3A_263 = arith.mulf %get3A_260, %mul3A_262 : vector<16xf32>
      %swap3A_264 = arith.index_cast %scan3A_150 : i32 to index
      %swap3A_265 = arith.constant 144 : index
      %swap3A_266 = tpu.vector_load %arg7[%swap3A_264, %swap3A_265] {strides = array<i32>} : memref<32x1024xf32, #tpu.memory_space<vmem>>, vector<1x16xf32>,
      %swap3A_267 = vector.shape_cast %swap3A_266 : vector<1x16xf32> to vector<16xf32>
      %swap3A_268 = vector.shape_cast %mul3A_263 : vector<16xf32> to vector<1x16xf32>
      tpu.vector_store %arg7[%swap3A_264, %swap3A_265], %swap3A_268 {strides = array<i32>} : memref<32x1024xf32, #tpu.memory_space<vmem>>, vector<1x16xf32>,
      %get3A_269 = arith.index_cast %scan3A_150 : i32 to index
      %get3A_270 = arith.constant 160 : index
      %get3A_271 = tpu.vector_load %arg7[%get3A_269, %get3A_270] {strides = array<i32>} : memref<32x1024xf32, #tpu.memory_space<vmem>>, vector<1x16xf32>,
      %get3A_272 = vector.shape_cast %get3A_271 : vector<1x16xf32> to vector<16xf32>
      %mul3A_273 = arith.constant 3.200000e+01 : f32
      %mul3A_274 = vector.broadcast %mul3A_273 : f32 to vector<16xf32>
      %mul3A_275 = arith.mulf %get3A_272, %mul3A_274 : vector<16xf32>
      %swap3A_276 = arith.index_cast %scan3A_150 : i32 to index
      %swap3A_277 = arith.constant 160 : index
      %swap3A_278 = tpu.vector_load %arg7[%swap3A_276, %swap3A_277] {strides = array<i32>} : memref<32x1024xf32, #tpu.memory_space<vmem>>, vector<1x16xf32>,
      %swap3A_279 = vector.shape_cast %swap3A_278 : vector<1x16xf32> to vector<16xf32>
      %swap3A_280 = vector.shape_cast %mul3A_275 : vector<16xf32> to vector<1x16xf32>
      tpu.vector_store %arg7[%swap3A_276, %swap3A_277], %swap3A_280 {strides = array<i32>} : memref<32x1024xf32, #tpu.memory_space<vmem>>, vector<1x16xf32>,
      %get3A_281 = arith.index_cast %scan3A_150 : i32 to index
      %get3A_282 = arith.constant 176 : index
      %get3A_283 = tpu.vector_load %arg7[%get3A_281, %get3A_282] {strides = array<i32>} : memref<32x1024xf32, #tpu.memory_space<vmem>>, vector<1x16xf32>,
      %get3A_284 = vector.shape_cast %get3A_283 : vector<1x16xf32> to vector<16xf32>
      %mul3A_285 = arith.constant 3.200000e+01 : f32
      %mul3A_286 = vector.broadcast %mul3A_285 : f32 to vector<16xf32>
      %mul3A_287 = arith.mulf %get3A_284, %mul3A_286 : vector<16xf32>
      %swap3A_288 = arith.index_cast %scan3A_150 : i32 to index
      %swap3A_289 = arith.constant 176 : index
      %swap3A_290 = tpu.vector_load %arg7[%swap3A_288, %swap3A_289] {strides = array<i32>} : memref<32x1024xf32, #tpu.memory_space<vmem>>, vector<1x16xf32>,
      %swap3A_291 = vector.shape_cast %swap3A_290 : vector<1x16xf32> to vector<16xf32>
      %swap3A_292 = vector.shape_cast %mul3A_287 : vector<16xf32> to vector<1x16xf32>
      tpu.vector_store %arg7[%swap3A_288, %swap3A_289], %swap3A_292 {strides = array<i32>} : memref<32x1024xf32, #tpu.memory_space<vmem>>, vector<1x16xf32>,
      %get3A_293 = arith.index_cast %scan3A_150 : i32 to index
      %get3A_294 = arith.constant 192 : index
      %get3A_295 = tpu.vector_load %arg7[%get3A_293, %get3A_294] {strides = array<i32>} : memref<32x1024xf32, #tpu.memory_space<vmem>>, vector<1x16xf32>,
      %get3A_296 = vector.shape_cast %get3A_295 : vector<1x16xf32> to vector<16xf32>
      %mul3A_297 = arith.constant 3.200000e+01 : f32
      %mul3A_298 = vector.broadcast %mul3A_297 : f32 to vector<16xf32>
      %mul3A_299 = arith.mulf %get3A_296, %mul3A_298 : vector<16xf32>
      %swap3A_300 = arith.index_cast %scan3A_150 : i32 to index
      %swap3A_301 = arith.constant 192 : index
      %swap3A_302 = tpu.vector_load %arg7[%swap3A_300, %swap3A_301] {strides = array<i32>} : memref<32x1024xf32, #tpu.memory_space<vmem>>, vector<1x16xf32>,
      %swap3A_303 = vector.shape_cast %swap3A_302 : vector<1x16xf32> to vector<16xf32>
      %swap3A_304 = vector.shape_cast %mul3A_299 : vector<16xf32> to vector<1x16xf32>
      tpu.vector_store %arg7[%swap3A_300, %swap3A_301], %swap3A_304 {strides = array<i32>} : memref<32x1024xf32, #tpu.memory_space<vmem>>, vector<1x16xf32>,
      %get3A_305 = arith.index_cast %scan3A_150 : i32 to index
      %get3A_306 = arith.constant 208 : index
      %get3A_307 = tpu.vector_load %arg7[%get3A_305, %get3A_306] {strides = array<i32>} : memref<32x1024xf32, #tpu.memory_space<vmem>>, vector<1x16xf32>,
      %get3A_308 = vector.shape_cast %get3A_307 : vector<1x16xf32> to vector<16xf32>
      %mul3A_309 = arith.constant 3.200000e+01 : f32
      %mul3A_310 = vector.broadcast %mul3A_309 : f32 to vector<16xf32>
      %mul3A_311 = arith.mulf %get3A_308, %mul3A_310 : vector<16xf32>
      %swap3A_312 = arith.index_cast %scan3A_150 : i32 to index
      %swap3A_313 = arith.constant 208 : index
      %swap3A_314 = tpu.vector_load %arg7[%swap3A_312, %swap3A_313] {strides = array<i32>} : memref<32x1024xf32, #tpu.memory_space<vmem>>, vector<1x16xf32>,
      %swap3A_315 = vector.shape_cast %swap3A_314 : vector<1x16xf32> to vector<16xf32>
      %swap3A_316 = vector.shape_cast %mul3A_311 : vector<16xf32> to vector<1x16xf32>
      tpu.vector_store %arg7[%swap3A_312, %swap3A_313], %swap3A_316 {strides = array<i32>} : memref<32x1024xf32, #tpu.memory_space<vmem>>, vector<1x16xf32>,
      %get3A_317 = arith.index_cast %scan3A_150 : i32 to index
      %get3A_318 = arith.constant 224 : index
      %get3A_319 = tpu.vector_load %arg7[%get3A_317, %get3A_318] {strides = array<i32>} : memref<32x1024xf32, #tpu.memory_space<vmem>>, vector<1x16xf32>,
      %get3A_320 = vector.shape_cast %get3A_319 : vector<1x16xf32> to vector<16xf32>
      %mul3A_321 = arith.constant 3.200000e+01 : f32
      %mul3A_322 = vector.broadcast %mul3A_321 : f32 to vector<16xf32>
      %mul3A_323 = arith.mulf %get3A_320, %mul3A_322 : vector<16xf32>
      %swap3A_324 = arith.index_cast %scan3A_150 : i32 to index
      %swap3A_325 = arith.constant 224 : index
      %swap3A_326 = tpu.vector_load %arg7[%swap3A_324, %swap3A_325] {strides = array<i32>} : memref<32x1024xf32, #tpu.memory_space<vmem>>, vector<1x16xf32>,
      %swap3A_327 = vector.shape_cast %swap3A_326 : vector<1x16xf32> to vector<16xf32>
      %swap3A_328 = vector.shape_cast %mul3A_323 : vector<16xf32> to vector<1x16xf32>
      tpu.vector_store %arg7[%swap3A_324, %swap3A_325], %swap3A_328 {strides = array<i32>} : memref<32x1024xf32, #tpu.memory_space<vmem>>, vector<1x16xf32>,
      %get3A_329 = arith.index_cast %scan3A_150 : i32 to index
      %get3A_330 = arith.constant 240 : index
      %get3A_331 = tpu.vector_load %arg7[%get3A_329, %get3A_330] {strides = array<i32>} : memref<32x1024xf32, #tpu.memory_space<vmem>>, vector<1x16xf32>,
      %get3A_332 = vector.shape_cast %get3A_331 : vector<1x16xf32> to vector<16xf32>
      %mul3A_333 = arith.constant 3.200000e+01 : f32
      %mul3A_334 = vector.broadcast %mul3A_333 : f32 to vector<16xf32>
      %mul3A_335 = arith.mulf %get3A_332, %mul3A_334 : vector<16xf32>
      %swap3A_336 = arith.index_cast %scan3A_150 : i32 to index
      %swap3A_337 = arith.constant 240 : index
      %swap3A_338 = tpu.vector_load %arg7[%swap3A_336, %swap3A_337] {strides = array<i32>} : memref<32x1024xf32, #tpu.memory_space<vmem>>, vector<1x16xf32>,
      %swap3A_339 = vector.shape_cast %swap3A_338 : vector<1x16xf32> to vector<16xf32>
      %swap3A_340 = vector.shape_cast %mul3A_335 : vector<16xf32> to vector<1x16xf32>
      tpu.vector_store %arg7[%swap3A_336, %swap3A_337], %swap3A_340 {strides = array<i32>} : memref<32x1024xf32, #tpu.memory_space<vmem>>, vector<1x16xf32>,
      %get3A_341 = arith.index_cast %scan3A_150 : i32 to index
      %get3A_342 = arith.constant 256 : index
      %get3A_343 = tpu.vector_load %arg7[%get3A_341, %get3A_342] {strides = array<i32>} : memref<32x1024xf32, #tpu.memory_space<vmem>>, vector<1x16xf32>,
      %get3A_344 = vector.shape_cast %get3A_343 : vector<1x16xf32> to vector<16xf32>
      %mul3A_345 = arith.constant 3.200000e+01 : f32
      %mul3A_346 = vector.broadcast %mul3A_345 : f32 to vector<16xf32>
      %mul3A_347 = arith.mulf %get3A_344, %mul3A_346 : vector<16xf32>
      %swap3A_348 = arith.index_cast %scan3A_150 : i32 to index
      %swap3A_349 = arith.constant 256 : index
      %swap3A_350 = tpu.vector_load %arg7[%swap3A_348, %swap3A_349] {strides = array<i32>} : memref<32x1024xf32, #tpu.memory_space<vmem>>, vector<1x16xf32>,
      %swap3A_351 = vector.shape_cast %swap3A_350 : vector<1x16xf32> to vector<16xf32>
      %swap3A_352 = vector.shape_cast %mul3A_347 : vector<16xf32> to vector<1x16xf32>
      tpu.vector_store %arg7[%swap3A_348, %swap3A_349], %swap3A_352 {strides = array<i32>} : memref<32x1024xf32, #tpu.memory_space<vmem>>, vector<1x16xf32>,
      %get3A_353 = arith.index_cast %scan3A_150 : i32 to index
      %get3A_354 = arith.constant 272 : index
      %get3A_355 = tpu.vector_load %arg7[%get3A_353, %get3A_354] {strides = array<i32>} : memref<32x1024xf32, #tpu.memory_space<vmem>>, vector<1x16xf32>,
      %get3A_356 = vector.shape_cast %get3A_355 : vector<1x16xf32> to vector<16xf32>
      %mul3A_357 = arith.constant 3.200000e+01 : f32
      %mul3A_358 = vector.broadcast %mul3A_357 : f32 to vector<16xf32>
      %mul3A_359 = arith.mulf %get3A_356, %mul3A_358 : vector<16xf32>
      %swap3A_360 = arith.index_cast %scan3A_150 : i32 to index
      %swap3A_361 = arith.constant 272 : index
      %swap3A_362 = tpu.vector_load %arg7[%swap3A_360, %swap3A_361] {strides = array<i32>} : memref<32x1024xf32, #tpu.memory_space<vmem>>, vector<1x16xf32>,
      %swap3A_363 = vector.shape_cast %swap3A_362 : vector<1x16xf32> to vector<16xf32>
      %swap3A_364 = vector.shape_cast %mul3A_359 : vector<16xf32> to vector<1x16xf32>
      tpu.vector_store %arg7[%swap3A_360, %swap3A_361], %swap3A_364 {strides = array<i32>} : memref<32x1024xf32, #tpu.memory_space<vmem>>, vector<1x16xf32>,
      %get3A_365 = arith.index_cast %scan3A_150 : i32 to index
      %get3A_366 = arith.constant 288 : index
      %get3A_367 = tpu.vector_load %arg7[%get3A_365, %get3A_366] {strides = array<i32>} : memref<32x1024xf32, #tpu.memory_space<vmem>>, vector<1x16xf32>,
      %get3A_368 = vector.shape_cast %get3A_367 : vector<1x16xf32> to vector<16xf32>
      %mul3A_369 = arith.constant 3.200000e+01 : f32
      %mul3A_370 = vector.broadcast %mul3A_369 : f32 to vector<16xf32>
      %mul3A_371 = arith.mulf %get3A_368, %mul3A_370 : vector<16xf32>
      %swap3A_372 = arith.index_cast %scan3A_150 : i32 to index
      %swap3A_373 = arith.constant 288 : index
      %swap3A_374 = tpu.vector_load %arg7[%swap3A_372, %swap3A_373] {strides = array<i32>} : memref<32x1024xf32, #tpu.memory_space<vmem>>, vector<1x16xf32>,
      %swap3A_375 = vector.shape_cast %swap3A_374 : vector<1x16xf32> to vector<16xf32>
      %swap3A_376 = vector.shape_cast %mul3A_371 : vector<16xf32> to vector<1x16xf32>
      tpu.vector_store %arg7[%swap3A_372, %swap3A_373], %swap3A_376 {strides = array<i32>} : memref<32x1024xf32, #tpu.memory_space<vmem>>, vector<1x16xf32>,
      %get3A_377 = arith.index_cast %scan3A_150 : i32 to index
      %get3A_378 = arith.constant 304 : index
      %get3A_379 = tpu.vector_load %arg7[%get3A_377, %get3A_378] {strides = array<i32>} : memref<32x1024xf32, #tpu.memory_space<vmem>>, vector<1x16xf32>,
      %get3A_380 = vector.shape_cast %get3A_379 : vector<1x16xf32> to vector<16xf32>
      %mul3A_381 = arith.constant 3.200000e+01 : f32
      %mul3A_382 = vector.broadcast %mul3A_381 : f32 to vector<16xf32>
      %mul3A_383 = arith.mulf %get3A_380, %mul3A_382 : vector<16xf32>
      %swap3A_384 = arith.index_cast %scan3A_150 : i32 to index
      %swap3A_385 = arith.constant 304 : index
      %swap3A_386 = tpu.vector_load %arg7[%swap3A_384, %swap3A_385] {strides = array<i32>} : memref<32x1024xf32, #tpu.memory_space<vmem>>, vector<1x16xf32>,
      %swap3A_387 = vector.shape_cast %swap3A_386 : vector<1x16xf32> to vector<16xf32>
      %swap3A_388 = vector.shape_cast %mul3A_383 : vector<16xf32> to vector<1x16xf32>
      tpu.vector_store %arg7[%swap3A_384, %swap3A_385], %swap3A_388 {strides = array<i32>} : memref<32x1024xf32, #tpu.memory_space<vmem>>, vector<1x16xf32>,
      %get3A_389 = arith.index_cast %scan3A_150 : i32 to index
      %get3A_390 = arith.constant 320 : index
      %get3A_391 = tpu.vector_load %arg7[%get3A_389, %get3A_390] {strides = array<i32>} : memref<32x1024xf32, #tpu.memory_space<vmem>>, vector<1x16xf32>,
      %get3A_392 = vector.shape_cast %get3A_391 : vector<1x16xf32> to vector<16xf32>
      %mul3A_393 = arith.constant 3.200000e+01 : f32
      %mul3A_394 = vector.broadcast %mul3A_393 : f32 to vector<16xf32>
      %mul3A_395 = arith.mulf %get3A_392, %mul3A_394 : vector<16xf32>
      %swap3A_396 = arith.index_cast %scan3A_150 : i32 to index
      %swap3A_397 = arith.constant 320 : index
      %swap3A_398 = tpu.vector_load %arg7[%swap3A_396, %swap3A_397] {strides = array<i32>} : memref<32x1024xf32, #tpu.memory_space<vmem>>, vector<1x16xf32>,
      %swap3A_399 = vector.shape_cast %swap3A_398 : vector<1x16xf32> to vector<16xf32>
      %swap3A_400 = vector.shape_cast %mul3A_395 : vector<16xf32> to vector<1x16xf32>
      tpu.vector_store %arg7[%swap3A_396, %swap3A_397], %swap3A_400 {strides = array<i32>} : memref<32x1024xf32, #tpu.memory_space<vmem>>, vector<1x16xf32>,
      %get3A_401 = arith.index_cast %scan3A_150 : i32 to index
      %get3A_402 = arith.constant 336 : index
      %get3A_403 = tpu.vector_load %arg7[%get3A_401, %get3A_402] {strides = array<i32>} : memref<32x1024xf32, #tpu.memory_space<vmem>>, vector<1x16xf32>,
      %get3A_404 = vector.shape_cast %get3A_403 : vector<1x16xf32> to vector<16xf32>
      %mul3A_405 = arith.constant 3.200000e+01 : f32
      %mul3A_406 = vector.broadcast %mul3A_405 : f32 to vector<16xf32>
      %mul3A_407 = arith.mulf %get3A_404, %mul3A_406 : vector<16xf32>
      %swap3A_408 = arith.index_cast %scan3A_150 : i32 to index
      %swap3A_409 = arith.constant 336 : index
      %swap3A_410 = tpu.vector_load %arg7[%swap3A_408, %swap3A_409] {strides = array<i32>} : memref<32x1024xf32, #tpu.memory_space<vmem>>, vector<1x16xf32>,
      %swap3A_411 = vector.shape_cast %swap3A_410 : vector<1x16xf32> to vector<16xf32>
      %swap3A_412 = vector.shape_cast %mul3A_407 : vector<16xf32> to vector<1x16xf32>
      tpu.vector_store %arg7[%swap3A_408, %swap3A_409], %swap3A_412 {strides = array<i32>} : memref<32x1024xf32, #tpu.memory_space<vmem>>, vector<1x16xf32>,
      %get3A_413 = arith.index_cast %scan3A_150 : i32 to index
      %get3A_414 = arith.constant 352 : index
      %get3A_415 = tpu.vector_load %arg7[%get3A_413, %get3A_414] {strides = array<i32>} : memref<32x1024xf32, #tpu.memory_space<vmem>>, vector<1x16xf32>,
      %get3A_416 = vector.shape_cast %get3A_415 : vector<1x16xf32> to vector<16xf32>
      %mul3A_417 = arith.constant 3.200000e+01 : f32
      %mul3A_418 = vector.broadcast %mul3A_417 : f32 to vector<16xf32>
      %mul3A_419 = arith.mulf %get3A_416, %mul3A_418 : vector<16xf32>
      %swap3A_420 = arith.index_cast %scan3A_150 : i32 to index
      %swap3A_421 = arith.constant 352 : index
      %swap3A_422 = tpu.vector_load %arg7[%swap3A_420, %swap3A_421] {strides = array<i32>} : memref<32x1024xf32, #tpu.memory_space<vmem>>, vector<1x16xf32>,
      %swap3A_423 = vector.shape_cast %swap3A_422 : vector<1x16xf32> to vector<16xf32>
      %swap3A_424 = vector.shape_cast %mul3A_419 : vector<16xf32> to vector<1x16xf32>
      tpu.vector_store %arg7[%swap3A_420, %swap3A_421], %swap3A_424 {strides = array<i32>} : memref<32x1024xf32, #tpu.memory_space<vmem>>, vector<1x16xf32>,
      %get3A_425 = arith.index_cast %scan3A_150 : i32 to index
      %get3A_426 = arith.constant 368 : index
      %get3A_427 = tpu.vector_load %arg7[%get3A_425, %get3A_426] {strides = array<i32>} : memref<32x1024xf32, #tpu.memory_space<vmem>>, vector<1x16xf32>,
      %get3A_428 = vector.shape_cast %get3A_427 : vector<1x16xf32> to vector<16xf32>
      %mul3A_429 = arith.constant 3.200000e+01 : f32
      %mul3A_430 = vector.broadcast %mul3A_429 : f32 to vector<16xf32>
      %mul3A_431 = arith.mulf %get3A_428, %mul3A_430 : vector<16xf32>
      %swap3A_432 = arith.index_cast %scan3A_150 : i32 to index
      %swap3A_433 = arith.constant 368 : index
      %swap3A_434 = tpu.vector_load %arg7[%swap3A_432, %swap3A_433] {strides = array<i32>} : memref<32x1024xf32, #tpu.memory_space<vmem>>, vector<1x16xf32>,
      %swap3A_435 = vector.shape_cast %swap3A_434 : vector<1x16xf32> to vector<16xf32>
      %swap3A_436 = vector.shape_cast %mul3A_431 : vector<16xf32> to vector<1x16xf32>
      tpu.vector_store %arg7[%swap3A_432, %swap3A_433], %swap3A_436 {strides = array<i32>} : memref<32x1024xf32, #tpu.memory_space<vmem>>, vector<1x16xf32>,
      %get3A_437 = arith.index_cast %scan3A_150 : i32 to index
      %get3A_438 = arith.constant 384 : index
      %get3A_439 = tpu.vector_load %arg7[%get3A_437, %get3A_438] {strides = array<i32>} : memref<32x1024xf32, #tpu.memory_space<vmem>>, vector<1x16xf32>,
      %get3A_440 = vector.shape_cast %get3A_439 : vector<1x16xf32> to vector<16xf32>
      %mul3A_441 = arith.constant 3.200000e+01 : f32
      %mul3A_442 = vector.broadcast %mul3A_441 : f32 to vector<16xf32>
      %mul3A_443 = arith.mulf %get3A_440, %mul3A_442 : vector<16xf32>
      %swap3A_444 = arith.index_cast %scan3A_150 : i32 to index
      %swap3A_445 = arith.constant 384 : index
      %swap3A_446 = tpu.vector_load %arg7[%swap3A_444, %swap3A_445] {strides = array<i32>} : memref<32x1024xf32, #tpu.memory_space<vmem>>, vector<1x16xf32>,
      %swap3A_447 = vector.shape_cast %swap3A_446 : vector<1x16xf32> to vector<16xf32>
      %swap3A_448 = vector.shape_cast %mul3A_443 : vector<16xf32> to vector<1x16xf32>
      tpu.vector_store %arg7[%swap3A_444, %swap3A_445], %swap3A_448 {strides = array<i32>} : memref<32x1024xf32, #tpu.memory_space<vmem>>, vector<1x16xf32>,
      %get3A_449 = arith.index_cast %scan3A_150 : i32 to index
      %get3A_450 = arith.constant 400 : index
      %get3A_451 = tpu.vector_load %arg7[%get3A_449, %get3A_450] {strides = array<i32>} : memref<32x1024xf32, #tpu.memory_space<vmem>>, vector<1x16xf32>,
      %get3A_452 = vector.shape_cast %get3A_451 : vector<1x16xf32> to vector<16xf32>
      %mul3A_453 = arith.constant 3.200000e+01 : f32
      %mul3A_454 = vector.broadcast %mul3A_453 : f32 to vector<16xf32>
      %mul3A_455 = arith.mulf %get3A_452, %mul3A_454 : vector<16xf32>
      %swap3A_456 = arith.index_cast %scan3A_150 : i32 to index
      %swap3A_457 = arith.constant 400 : index
      %swap3A_458 = tpu.vector_load %arg7[%swap3A_456, %swap3A_457] {strides = array<i32>} : memref<32x1024xf32, #tpu.memory_space<vmem>>, vector<1x16xf32>,
      %swap3A_459 = vector.shape_cast %swap3A_458 : vector<1x16xf32> to vector<16xf32>
      %swap3A_460 = vector.shape_cast %mul3A_455 : vector<16xf32> to vector<1x16xf32>
      tpu.vector_store %arg7[%swap3A_456, %swap3A_457], %swap3A_460 {strides = array<i32>} : memref<32x1024xf32, #tpu.memory_space<vmem>>, vector<1x16xf32>,
      %get3A_461 = arith.index_cast %scan3A_150 : i32 to index
      %get3A_462 = arith.constant 416 : index
      %get3A_463 = tpu.vector_load %arg7[%get3A_461, %get3A_462] {strides = array<i32>} : memref<32x1024xf32, #tpu.memory_space<vmem>>, vector<1x16xf32>,
      %get3A_464 = vector.shape_cast %get3A_463 : vector<1x16xf32> to vector<16xf32>
      %mul3A_465 = arith.constant 3.200000e+01 : f32
      %mul3A_466 = vector.broadcast %mul3A_465 : f32 to vector<16xf32>
      %mul3A_467 = arith.mulf %get3A_464, %mul3A_466 : vector<16xf32>
      %swap3A_468 = arith.index_cast %scan3A_150 : i32 to index
      %swap3A_469 = arith.constant 416 : index
      %swap3A_470 = tpu.vector_load %arg7[%swap3A_468, %swap3A_469] {strides = array<i32>} : memref<32x1024xf32, #tpu.memory_space<vmem>>, vector<1x16xf32>,
      %swap3A_471 = vector.shape_cast %swap3A_470 : vector<1x16xf32> to vector<16xf32>
      %swap3A_472 = vector.shape_cast %mul3A_467 : vector<16xf32> to vector<1x16xf32>
      tpu.vector_store %arg7[%swap3A_468, %swap3A_469], %swap3A_472 {strides = array<i32>} : memref<32x1024xf32, #tpu.memory_space<vmem>>, vector<1x16xf32>,
      %get3A_473 = arith.index_cast %scan3A_150 : i32 to index
      %get3A_474 = arith.constant 432 : index
      %get3A_475 = tpu.vector_load %arg7[%get3A_473, %get3A_474] {strides = array<i32>} : memref<32x1024xf32, #tpu.memory_space<vmem>>, vector<1x16xf32>,
      %get3A_476 = vector.shape_cast %get3A_475 : vector<1x16xf32> to vector<16xf32>
      %mul3A_477 = arith.constant 3.200000e+01 : f32
      %mul3A_478 = vector.broadcast %mul3A_477 : f32 to vector<16xf32>
      %mul3A_479 = arith.mulf %get3A_476, %mul3A_478 : vector<16xf32>
      %swap3A_480 = arith.index_cast %scan3A_150 : i32 to index
      %swap3A_481 = arith.constant 432 : index
      %swap3A_482 = tpu.vector_load %arg7[%swap3A_480, %swap3A_481] {strides = array<i32>} : memref<32x1024xf32, #tpu.memory_space<vmem>>, vector<1x16xf32>,
      %swap3A_483 = vector.shape_cast %swap3A_482 : vector<1x16xf32> to vector<16xf32>
      %swap3A_484 = vector.shape_cast %mul3A_479 : vector<16xf32> to vector<1x16xf32>
      tpu.vector_store %arg7[%swap3A_480, %swap3A_481], %swap3A_484 {strides = array<i32>} : memref<32x1024xf32, #tpu.memory_space<vmem>>, vector<1x16xf32>,
      %get3A_485 = arith.index_cast %scan3A_150 : i32 to index
      %get3A_486 = arith.constant 448 : index
      %get3A_487 = tpu.vector_load %arg7[%get3A_485, %get3A_486] {strides = array<i32>} : memref<32x1024xf32, #tpu.memory_space<vmem>>, vector<1x16xf32>,
      %get3A_488 = vector.shape_cast %get3A_487 : vector<1x16xf32> to vector<16xf32>
      %mul3A_489 = arith.constant 3.200000e+01 : f32
      %mul3A_490 = vector.broadcast %mul3A_489 : f32 to vector<16xf32>
      %mul3A_491 = arith.mulf %get3A_488, %mul3A_490 : vector<16xf32>
      %swap3A_492 = arith.index_cast %scan3A_150 : i32 to index
      %swap3A_493 = arith.constant 448 : index
      %swap3A_494 = tpu.vector_load %arg7[%swap3A_492, %swap3A_493] {strides = array<i32>} : memref<32x1024xf32, #tpu.memory_space<vmem>>, vector<1x16xf32>,
      %swap3A_495 = vector.shape_cast %swap3A_494 : vector<1x16xf32> to vector<16xf32>
      %swap3A_496 = vector.shape_cast %mul3A_491 : vector<16xf32> to vector<1x16xf32>
      tpu.vector_store %arg7[%swap3A_492, %swap3A_493], %swap3A_496 {strides = array<i32>} : memref<32x1024xf32, #tpu.memory_space<vmem>>, vector<1x16xf32>,
      %get3A_497 = arith.index_cast %scan3A_150 : i32 to index
      %get3A_498 = arith.constant 464 : index
      %get3A_499 = tpu.vector_load %arg7[%get3A_497, %get3A_498] {strides = array<i32>} : memref<32x1024xf32, #tpu.memory_space<vmem>>, vector<1x16xf32>,
      %get3A_500 = vector.shape_cast %get3A_499 : vector<1x16xf32> to vector<16xf32>
      %mul3A_501 = arith.constant 3.200000e+01 : f32
      %mul3A_502 = vector.broadcast %mul3A_501 : f32 to vector<16xf32>
      %mul3A_503 = arith.mulf %get3A_500, %mul3A_502 : vector<16xf32>
      %swap3A_504 = arith.index_cast %scan3A_150 : i32 to index
      %swap3A_505 = arith.constant 464 : index
      %swap3A_506 = tpu.vector_load %arg7[%swap3A_504, %swap3A_505] {strides = array<i32>} : memref<32x1024xf32, #tpu.memory_space<vmem>>, vector<1x16xf32>,
      %swap3A_507 = vector.shape_cast %swap3A_506 : vector<1x16xf32> to vector<16xf32>
      %swap3A_508 = vector.shape_cast %mul3A_503 : vector<16xf32> to vector<1x16xf32>
      tpu.vector_store %arg7[%swap3A_504, %swap3A_505], %swap3A_508 {strides = array<i32>} : memref<32x1024xf32, #tpu.memory_space<vmem>>, vector<1x16xf32>,
      %get3A_509 = arith.index_cast %scan3A_150 : i32 to index
      %get3A_510 = arith.constant 480 : index
      %get3A_511 = tpu.vector_load %arg7[%get3A_509, %get3A_510] {strides = array<i32>} : memref<32x1024xf32, #tpu.memory_space<vmem>>, vector<1x16xf32>,
      %get3A_512 = vector.shape_cast %get3A_511 : vector<1x16xf32> to vector<16xf32>
      %mul3A_513 = arith.constant 3.200000e+01 : f32
      %mul3A_514 = vector.broadcast %mul3A_513 : f32 to vector<16xf32>
      %mul3A_515 = arith.mulf %get3A_512, %mul3A_514 : vector<16xf32>
      %swap3A_516 = arith.index_cast %scan3A_150 : i32 to index
      %swap3A_517 = arith.constant 480 : index
      %swap3A_518 = tpu.vector_load %arg7[%swap3A_516, %swap3A_517] {strides = array<i32>} : memref<32x1024xf32, #tpu.memory_space<vmem>>, vector<1x16xf32>,
      %swap3A_519 = vector.shape_cast %swap3A_518 : vector<1x16xf32> to vector<16xf32>
      %swap3A_520 = vector.shape_cast %mul3A_515 : vector<16xf32> to vector<1x16xf32>
      tpu.vector_store %arg7[%swap3A_516, %swap3A_517], %swap3A_520 {strides = array<i32>} : memref<32x1024xf32, #tpu.memory_space<vmem>>, vector<1x16xf32>,
      %get3A_521 = arith.index_cast %scan3A_150 : i32 to index
      %get3A_522 = arith.constant 496 : index
      %get3A_523 = tpu.vector_load %arg7[%get3A_521, %get3A_522] {strides = array<i32>} : memref<32x1024xf32, #tpu.memory_space<vmem>>, vector<1x16xf32>,
      %get3A_524 = vector.shape_cast %get3A_523 : vector<1x16xf32> to vector<16xf32>
      %mul3A_525 = arith.constant 3.200000e+01 : f32
      %mul3A_526 = vector.broadcast %mul3A_525 : f32 to vector<16xf32>
      %mul3A_527 = arith.mulf %get3A_524, %mul3A_526 : vector<16xf32>
      %swap3A_528 = arith.index_cast %scan3A_150 : i32 to index
      %swap3A_529 = arith.constant 496 : index
      %swap3A_530 = tpu.vector_load %arg7[%swap3A_528, %swap3A_529] {strides = array<i32>} : memref<32x1024xf32, #tpu.memory_space<vmem>>, vector<1x16xf32>,
      %swap3A_531 = vector.shape_cast %swap3A_530 : vector<1x16xf32> to vector<16xf32>
      %swap3A_532 = vector.shape_cast %mul3A_527 : vector<16xf32> to vector<1x16xf32>
      tpu.vector_store %arg7[%swap3A_528, %swap3A_529], %swap3A_532 {strides = array<i32>} : memref<32x1024xf32, #tpu.memory_space<vmem>>, vector<1x16xf32>,
      %get3A_533 = arith.index_cast %scan3A_150 : i32 to index
      %get3A_534 = arith.constant 512 : index
      %get3A_535 = tpu.vector_load %arg7[%get3A_533, %get3A_534] {strides = array<i32>} : memref<32x1024xf32, #tpu.memory_space<vmem>>, vector<1x16xf32>,
      %get3A_536 = vector.shape_cast %get3A_535 : vector<1x16xf32> to vector<16xf32>
      %mul3A_537 = arith.constant 3.200000e+01 : f32
      %mul3A_538 = vector.broadcast %mul3A_537 : f32 to vector<16xf32>
      %mul3A_539 = arith.mulf %get3A_536, %mul3A_538 : vector<16xf32>
      %swap3A_540 = arith.index_cast %scan3A_150 : i32 to index
      %swap3A_541 = arith.constant 512 : index
      %swap3A_542 = tpu.vector_load %arg7[%swap3A_540, %swap3A_541] {strides = array<i32>} : memref<32x1024xf32, #tpu.memory_space<vmem>>, vector<1x16xf32>,
      %swap3A_543 = vector.shape_cast %swap3A_542 : vector<1x16xf32> to vector<16xf32>
      %swap3A_544 = vector.shape_cast %mul3A_539 : vector<16xf32> to vector<1x16xf32>
      tpu.vector_store %arg7[%swap3A_540, %swap3A_541], %swap3A_544 {strides = array<i32>} : memref<32x1024xf32, #tpu.memory_space<vmem>>, vector<1x16xf32>,
      %get3A_545 = arith.index_cast %scan3A_150 : i32 to index
      %get3A_546 = arith.constant 528 : index
      %get3A_547 = tpu.vector_load %arg7[%get3A_545, %get3A_546] {strides = array<i32>} : memref<32x1024xf32, #tpu.memory_space<vmem>>, vector<1x16xf32>,
      %get3A_548 = vector.shape_cast %get3A_547 : vector<1x16xf32> to vector<16xf32>
      %mul3A_549 = arith.constant 3.200000e+01 : f32
      %mul3A_550 = vector.broadcast %mul3A_549 : f32 to vector<16xf32>
      %mul3A_551 = arith.mulf %get3A_548, %mul3A_550 : vector<16xf32>
      %swap3A_552 = arith.index_cast %scan3A_150 : i32 to index
      %swap3A_553 = arith.constant 528 : index
      %swap3A_554 = tpu.vector_load %arg7[%swap3A_552, %swap3A_553] {strides = array<i32>} : memref<32x1024xf32, #tpu.memory_space<vmem>>, vector<1x16xf32>,
      %swap3A_555 = vector.shape_cast %swap3A_554 : vector<1x16xf32> to vector<16xf32>
      %swap3A_556 = vector.shape_cast %mul3A_551 : vector<16xf32> to vector<1x16xf32>
      tpu.vector_store %arg7[%swap3A_552, %swap3A_553], %swap3A_556 {strides = array<i32>} : memref<32x1024xf32, #tpu.memory_space<vmem>>, vector<1x16xf32>,
      %get3A_557 = arith.index_cast %scan3A_150 : i32 to index
      %get3A_558 = arith.constant 544 : index
      %get3A_559 = tpu.vector_load %arg7[%get3A_557, %get3A_558] {strides = array<i32>} : memref<32x1024xf32, #tpu.memory_space<vmem>>, vector<1x16xf32>,
      %get3A_560 = vector.shape_cast %get3A_559 : vector<1x16xf32> to vector<16xf32>
      %mul3A_561 = arith.constant 3.200000e+01 : f32
      %mul3A_562 = vector.broadcast %mul3A_561 : f32 to vector<16xf32>
      %mul3A_563 = arith.mulf %get3A_560, %mul3A_562 : vector<16xf32>
      %swap3A_564 = arith.index_cast %scan3A_150 : i32 to index
      %swap3A_565 = arith.constant 544 : index
      %swap3A_566 = tpu.vector_load %arg7[%swap3A_564, %swap3A_565] {strides = array<i32>} : memref<32x1024xf32, #tpu.memory_space<vmem>>, vector<1x16xf32>,
      %swap3A_567 = vector.shape_cast %swap3A_566 : vector<1x16xf32> to vector<16xf32>
      %swap3A_568 = vector.shape_cast %mul3A_563 : vector<16xf32> to vector<1x16xf32>
      tpu.vector_store %arg7[%swap3A_564, %swap3A_565], %swap3A_568 {strides = array<i32>} : memref<32x1024xf32, #tpu.memory_space<vmem>>, vector<1x16xf32>,
      %get3A_569 = arith.index_cast %scan3A_150 : i32 to index
      %get3A_570 = arith.constant 560 : index
      %get3A_571 = tpu.vector_load %arg7[%get3A_569, %get3A_570] {strides = array<i32>} : memref<32x1024xf32, #tpu.memory_space<vmem>>, vector<1x16xf32>,
      %get3A_572 = vector.shape_cast %get3A_571 : vector<1x16xf32> to vector<16xf32>
      %mul3A_573 = arith.constant 3.200000e+01 : f32
      %mul3A_574 = vector.broadcast %mul3A_573 : f32 to vector<16xf32>
      %mul3A_575 = arith.mulf %get3A_572, %mul3A_574 : vector<16xf32>
      %swap3A_576 = arith.index_cast %scan3A_150 : i32 to index
      %swap3A_577 = arith.constant 560 : index
      %swap3A_578 = tpu.vector_load %arg7[%swap3A_576, %swap3A_577] {strides = array<i32>} : memref<32x1024xf32, #tpu.memory_space<vmem>>, vector<1x16xf32>,
      %swap3A_579 = vector.shape_cast %swap3A_578 : vector<1x16xf32> to vector<16xf32>
      %swap3A_580 = vector.shape_cast %mul3A_575 : vector<16xf32> to vector<1x16xf32>
      tpu.vector_store %arg7[%swap3A_576, %swap3A_577], %swap3A_580 {strides = array<i32>} : memref<32x1024xf32, #tpu.memory_space<vmem>>, vector<1x16xf32>,
      %get3A_581 = arith.index_cast %scan3A_150 : i32 to index
      %get3A_582 = arith.constant 576 : index
      %get3A_583 = tpu.vector_load %arg7[%get3A_581, %get3A_582] {strides = array<i32>} : memref<32x1024xf32, #tpu.memory_space<vmem>>, vector<1x16xf32>,
      %get3A_584 = vector.shape_cast %get3A_583 : vector<1x16xf32> to vector<16xf32>
      %mul3A_585 = arith.constant 3.200000e+01 : f32
      %mul3A_586 = vector.broadcast %mul3A_585 : f32 to vector<16xf32>
      %mul3A_587 = arith.mulf %get3A_584, %mul3A_586 : vector<16xf32>
      %swap3A_588 = arith.index_cast %scan3A_150 : i32 to index
      %swap3A_589 = arith.constant 576 : index
      %swap3A_590 = tpu.vector_load %arg7[%swap3A_588, %swap3A_589] {strides = array<i32>} : memref<32x1024xf32, #tpu.memory_space<vmem>>, vector<1x16xf32>,
      %swap3A_591 = vector.shape_cast %swap3A_590 : vector<1x16xf32> to vector<16xf32>
      %swap3A_592 = vector.shape_cast %mul3A_587 : vector<16xf32> to vector<1x16xf32>
      tpu.vector_store %arg7[%swap3A_588, %swap3A_589], %swap3A_592 {strides = array<i32>} : memref<32x1024xf32, #tpu.memory_space<vmem>>, vector<1x16xf32>,
      %get3A_593 = arith.index_cast %scan3A_150 : i32 to index
      %get3A_594 = arith.constant 592 : index
      %get3A_595 = tpu.vector_load %arg7[%get3A_593, %get3A_594] {strides = array<i32>} : memref<32x1024xf32, #tpu.memory_space<vmem>>, vector<1x16xf32>,
      %get3A_596 = vector.shape_cast %get3A_595 : vector<1x16xf32> to vector<16xf32>
      %mul3A_597 = arith.constant 3.200000e+01 : f32
      %mul3A_598 = vector.broadcast %mul3A_597 : f32 to vector<16xf32>
      %mul3A_599 = arith.mulf %get3A_596, %mul3A_598 : vector<16xf32>
      %swap3A_600 = arith.index_cast %scan3A_150 : i32 to index
      %swap3A_601 = arith.constant 592 : index
      %swap3A_602 = tpu.vector_load %arg7[%swap3A_600, %swap3A_601] {strides = array<i32>} : memref<32x1024xf32, #tpu.memory_space<vmem>>, vector<1x16xf32>,
      %swap3A_603 = vector.shape_cast %swap3A_602 : vector<1x16xf32> to vector<16xf32>
      %swap3A_604 = vector.shape_cast %mul3A_599 : vector<16xf32> to vector<1x16xf32>
      tpu.vector_store %arg7[%swap3A_600, %swap3A_601], %swap3A_604 {strides = array<i32>} : memref<32x1024xf32, #tpu.memory_space<vmem>>, vector<1x16xf32>,
      %get3A_605 = arith.index_cast %scan3A_150 : i32 to index
      %get3A_606 = arith.constant 608 : index
      %get3A_607 = tpu.vector_load %arg7[%get3A_605, %get3A_606] {strides = array<i32>} : memref<32x1024xf32, #tpu.memory_space<vmem>>, vector<1x16xf32>,
      %get3A_608 = vector.shape_cast %get3A_607 : vector<1x16xf32> to vector<16xf32>
      %mul3A_609 = arith.constant 3.200000e+01 : f32
      %mul3A_610 = vector.broadcast %mul3A_609 : f32 to vector<16xf32>
      %mul3A_611 = arith.mulf %get3A_608, %mul3A_610 : vector<16xf32>
      %swap3A_612 = arith.index_cast %scan3A_150 : i32 to index
      %swap3A_613 = arith.constant 608 : index
      %swap3A_614 = tpu.vector_load %arg7[%swap3A_612, %swap3A_613] {strides = array<i32>} : memref<32x1024xf32, #tpu.memory_space<vmem>>, vector<1x16xf32>,
      %swap3A_615 = vector.shape_cast %swap3A_614 : vector<1x16xf32> to vector<16xf32>
      %swap3A_616 = vector.shape_cast %mul3A_611 : vector<16xf32> to vector<1x16xf32>
      tpu.vector_store %arg7[%swap3A_612, %swap3A_613], %swap3A_616 {strides = array<i32>} : memref<32x1024xf32, #tpu.memory_space<vmem>>, vector<1x16xf32>,
      %get3A_617 = arith.index_cast %scan3A_150 : i32 to index
      %get3A_618 = arith.constant 624 : index
      %get3A_619 = tpu.vector_load %arg7[%get3A_617, %get3A_618] {strides = array<i32>} : memref<32x1024xf32, #tpu.memory_space<vmem>>, vector<1x16xf32>,
      %get3A_620 = vector.shape_cast %get3A_619 : vector<1x16xf32> to vector<16xf32>
      %mul3A_621 = arith.constant 3.200000e+01 : f32
      %mul3A_622 = vector.broadcast %mul3A_621 : f32 to vector<16xf32>
      %mul3A_623 = arith.mulf %get3A_620, %mul3A_622 : vector<16xf32>
      %swap3A_624 = arith.index_cast %scan3A_150 : i32 to index
      %swap3A_625 = arith.constant 624 : index
      %swap3A_626 = tpu.vector_load %arg7[%swap3A_624, %swap3A_625] {strides = array<i32>} : memref<32x1024xf32, #tpu.memory_space<vmem>>, vector<1x16xf32>,
      %swap3A_627 = vector.shape_cast %swap3A_626 : vector<1x16xf32> to vector<16xf32>
      %swap3A_628 = vector.shape_cast %mul3A_623 : vector<16xf32> to vector<1x16xf32>
      tpu.vector_store %arg7[%swap3A_624, %swap3A_625], %swap3A_628 {strides = array<i32>} : memref<32x1024xf32, #tpu.memory_space<vmem>>, vector<1x16xf32>,
      %get3A_629 = arith.index_cast %scan3A_150 : i32 to index
      %get3A_630 = arith.constant 640 : index
      %get3A_631 = tpu.vector_load %arg7[%get3A_629, %get3A_630] {strides = array<i32>} : memref<32x1024xf32, #tpu.memory_space<vmem>>, vector<1x16xf32>,
      %get3A_632 = vector.shape_cast %get3A_631 : vector<1x16xf32> to vector<16xf32>
      %mul3A_633 = arith.constant 3.200000e+01 : f32
      %mul3A_634 = vector.broadcast %mul3A_633 : f32 to vector<16xf32>
      %mul3A_635 = arith.mulf %get3A_632, %mul3A_634 : vector<16xf32>
      %swap3A_636 = arith.index_cast %scan3A_150 : i32 to index
      %swap3A_637 = arith.constant 640 : index
      %swap3A_638 = tpu.vector_load %arg7[%swap3A_636, %swap3A_637] {strides = array<i32>} : memref<32x1024xf32, #tpu.memory_space<vmem>>, vector<1x16xf32>,
      %swap3A_639 = vector.shape_cast %swap3A_638 : vector<1x16xf32> to vector<16xf32>
      %swap3A_640 = vector.shape_cast %mul3A_635 : vector<16xf32> to vector<1x16xf32>
      tpu.vector_store %arg7[%swap3A_636, %swap3A_637], %swap3A_640 {strides = array<i32>} : memref<32x1024xf32, #tpu.memory_space<vmem>>, vector<1x16xf32>,
      %get3A_641 = arith.index_cast %scan3A_150 : i32 to index
      %get3A_642 = arith.constant 656 : index
      %get3A_643 = tpu.vector_load %arg7[%get3A_641, %get3A_642] {strides = array<i32>} : memref<32x1024xf32, #tpu.memory_space<vmem>>, vector<1x16xf32>,
      %get3A_644 = vector.shape_cast %get3A_643 : vector<1x16xf32> to vector<16xf32>
      %mul3A_645 = arith.constant 3.200000e+01 : f32
      %mul3A_646 = vector.broadcast %mul3A_645 : f32 to vector<16xf32>
      %mul3A_647 = arith.mulf %get3A_644, %mul3A_646 : vector<16xf32>
      %swap3A_648 = arith.index_cast %scan3A_150 : i32 to index
      %swap3A_649 = arith.constant 656 : index
      %swap3A_650 = tpu.vector_load %arg7[%swap3A_648, %swap3A_649] {strides = array<i32>} : memref<32x1024xf32, #tpu.memory_space<vmem>>, vector<1x16xf32>,
      %swap3A_651 = vector.shape_cast %swap3A_650 : vector<1x16xf32> to vector<16xf32>
      %swap3A_652 = vector.shape_cast %mul3A_647 : vector<16xf32> to vector<1x16xf32>
      tpu.vector_store %arg7[%swap3A_648, %swap3A_649], %swap3A_652 {strides = array<i32>} : memref<32x1024xf32, #tpu.memory_space<vmem>>, vector<1x16xf32>,
      %get3A_653 = arith.index_cast %scan3A_150 : i32 to index
      %get3A_654 = arith.constant 672 : index
      %get3A_655 = tpu.vector_load %arg7[%get3A_653, %get3A_654] {strides = array<i32>} : memref<32x1024xf32, #tpu.memory_space<vmem>>, vector<1x16xf32>,
      %get3A_656 = vector.shape_cast %get3A_655 : vector<1x16xf32> to vector<16xf32>
      %mul3A_657 = arith.constant 3.200000e+01 : f32
      %mul3A_658 = vector.broadcast %mul3A_657 : f32 to vector<16xf32>
      %mul3A_659 = arith.mulf %get3A_656, %mul3A_658 : vector<16xf32>
      %swap3A_660 = arith.index_cast %scan3A_150 : i32 to index
      %swap3A_661 = arith.constant 672 : index
      %swap3A_662 = tpu.vector_load %arg7[%swap3A_660, %swap3A_661] {strides = array<i32>} : memref<32x1024xf32, #tpu.memory_space<vmem>>, vector<1x16xf32>,
      %swap3A_663 = vector.shape_cast %swap3A_662 : vector<1x16xf32> to vector<16xf32>
      %swap3A_664 = vector.shape_cast %mul3A_659 : vector<16xf32> to vector<1x16xf32>
      tpu.vector_store %arg7[%swap3A_660, %swap3A_661], %swap3A_664 {strides = array<i32>} : memref<32x1024xf32, #tpu.memory_space<vmem>>, vector<1x16xf32>,
      %get3A_665 = arith.index_cast %scan3A_150 : i32 to index
      %get3A_666 = arith.constant 688 : index
      %get3A_667 = tpu.vector_load %arg7[%get3A_665, %get3A_666] {strides = array<i32>} : memref<32x1024xf32, #tpu.memory_space<vmem>>, vector<1x16xf32>,
      %get3A_668 = vector.shape_cast %get3A_667 : vector<1x16xf32> to vector<16xf32>
      %mul3A_669 = arith.constant 3.200000e+01 : f32
      %mul3A_670 = vector.broadcast %mul3A_669 : f32 to vector<16xf32>
      %mul3A_671 = arith.mulf %get3A_668, %mul3A_670 : vector<16xf32>
      %swap3A_672 = arith.index_cast %scan3A_150 : i32 to index
      %swap3A_673 = arith.constant 688 : index
      %swap3A_674 = tpu.vector_load %arg7[%swap3A_672, %swap3A_673] {strides = array<i32>} : memref<32x1024xf32, #tpu.memory_space<vmem>>, vector<1x16xf32>,
      %swap3A_675 = vector.shape_cast %swap3A_674 : vector<1x16xf32> to vector<16xf32>
      %swap3A_676 = vector.shape_cast %mul3A_671 : vector<16xf32> to vector<1x16xf32>
      tpu.vector_store %arg7[%swap3A_672, %swap3A_673], %swap3A_676 {strides = array<i32>} : memref<32x1024xf32, #tpu.memory_space<vmem>>, vector<1x16xf32>,
      %get3A_677 = arith.index_cast %scan3A_150 : i32 to index
      %get3A_678 = arith.constant 704 : index
      %get3A_679 = tpu.vector_load %arg7[%get3A_677, %get3A_678] {strides = array<i32>} : memref<32x1024xf32, #tpu.memory_space<vmem>>, vector<1x16xf32>,
      %get3A_680 = vector.shape_cast %get3A_679 : vector<1x16xf32> to vector<16xf32>
      %mul3A_681 = arith.constant 3.200000e+01 : f32
      %mul3A_682 = vector.broadcast %mul3A_681 : f32 to vector<16xf32>
      %mul3A_683 = arith.mulf %get3A_680, %mul3A_682 : vector<16xf32>
      %swap3A_684 = arith.index_cast %scan3A_150 : i32 to index
      %swap3A_685 = arith.constant 704 : index
      %swap3A_686 = tpu.vector_load %arg7[%swap3A_684, %swap3A_685] {strides = array<i32>} : memref<32x1024xf32, #tpu.memory_space<vmem>>, vector<1x16xf32>,
      %swap3A_687 = vector.shape_cast %swap3A_686 : vector<1x16xf32> to vector<16xf32>
      %swap3A_688 = vector.shape_cast %mul3A_683 : vector<16xf32> to vector<1x16xf32>
      tpu.vector_store %arg7[%swap3A_684, %swap3A_685], %swap3A_688 {strides = array<i32>} : memref<32x1024xf32, #tpu.memory_space<vmem>>, vector<1x16xf32>,
      %get3A_689 = arith.index_cast %scan3A_150 : i32 to index
      %get3A_690 = arith.constant 720 : index
      %get3A_691 = tpu.vector_load %arg7[%get3A_689, %get3A_690] {strides = array<i32>} : memref<32x1024xf32, #tpu.memory_space<vmem>>, vector<1x16xf32>,
      %get3A_692 = vector.shape_cast %get3A_691 : vector<1x16xf32> to vector<16xf32>
      %mul3A_693 = arith.constant 3.200000e+01 : f32
      %mul3A_694 = vector.broadcast %mul3A_693 : f32 to vector<16xf32>
      %mul3A_695 = arith.mulf %get3A_692, %mul3A_694 : vector<16xf32>
      %swap3A_696 = arith.index_cast %scan3A_150 : i32 to index
      %swap3A_697 = arith.constant 720 : index
      %swap3A_698 = tpu.vector_load %arg7[%swap3A_696, %swap3A_697] {strides = array<i32>} : memref<32x1024xf32, #tpu.memory_space<vmem>>, vector<1x16xf32>,
      %swap3A_699 = vector.shape_cast %swap3A_698 : vector<1x16xf32> to vector<16xf32>
      %swap3A_700 = vector.shape_cast %mul3A_695 : vector<16xf32> to vector<1x16xf32>
      tpu.vector_store %arg7[%swap3A_696, %swap3A_697], %swap3A_700 {strides = array<i32>} : memref<32x1024xf32, #tpu.memory_space<vmem>>, vector<1x16xf32>,
      %get3A_701 = arith.index_cast %scan3A_150 : i32 to index
      %get3A_702 = arith.constant 736 : index
      %get3A_703 = tpu.vector_load %arg7[%get3A_701, %get3A_702] {strides = array<i32>} : memref<32x1024xf32, #tpu.memory_space<vmem>>, vector<1x16xf32>,
      %get3A_704 = vector.shape_cast %get3A_703 : vector<1x16xf32> to vector<16xf32>
      %mul3A_705 = arith.constant 3.200000e+01 : f32
      %mul3A_706 = vector.broadcast %mul3A_705 : f32 to vector<16xf32>
      %mul3A_707 = arith.mulf %get3A_704, %mul3A_706 : vector<16xf32>
      %swap3A_708 = arith.index_cast %scan3A_150 : i32 to index
      %swap3A_709 = arith.constant 736 : index
      %swap3A_710 = tpu.vector_load %arg7[%swap3A_708, %swap3A_709] {strides = array<i32>} : memref<32x1024xf32, #tpu.memory_space<vmem>>, vector<1x16xf32>,
      %swap3A_711 = vector.shape_cast %swap3A_710 : vector<1x16xf32> to vector<16xf32>
      %swap3A_712 = vector.shape_cast %mul3A_707 : vector<16xf32> to vector<1x16xf32>
      tpu.vector_store %arg7[%swap3A_708, %swap3A_709], %swap3A_712 {strides = array<i32>} : memref<32x1024xf32, #tpu.memory_space<vmem>>, vector<1x16xf32>,
      %get3A_713 = arith.index_cast %scan3A_150 : i32 to index
      %get3A_714 = arith.constant 752 : index
      %get3A_715 = tpu.vector_load %arg7[%get3A_713, %get3A_714] {strides = array<i32>} : memref<32x1024xf32, #tpu.memory_space<vmem>>, vector<1x16xf32>,
      %get3A_716 = vector.shape_cast %get3A_715 : vector<1x16xf32> to vector<16xf32>
      %mul3A_717 = arith.constant 3.200000e+01 : f32
      %mul3A_718 = vector.broadcast %mul3A_717 : f32 to vector<16xf32>
      %mul3A_719 = arith.mulf %get3A_716, %mul3A_718 : vector<16xf32>
      %swap3A_720 = arith.index_cast %scan3A_150 : i32 to index
      %swap3A_721 = arith.constant 752 : index
      %swap3A_722 = tpu.vector_load %arg7[%swap3A_720, %swap3A_721] {strides = array<i32>} : memref<32x1024xf32, #tpu.memory_space<vmem>>, vector<1x16xf32>,
      %swap3A_723 = vector.shape_cast %swap3A_722 : vector<1x16xf32> to vector<16xf32>
      %swap3A_724 = vector.shape_cast %mul3A_719 : vector<16xf32> to vector<1x16xf32>
      tpu.vector_store %arg7[%swap3A_720, %swap3A_721], %swap3A_724 {strides = array<i32>} : memref<32x1024xf32, #tpu.memory_space<vmem>>, vector<1x16xf32>,
      %get3A_725 = arith.index_cast %scan3A_150 : i32 to index
      %get3A_726 = arith.constant 768 : index
      %get3A_727 = tpu.vector_load %arg7[%get3A_725, %get3A_726] {strides = array<i32>} : memref<32x1024xf32, #tpu.memory_space<vmem>>, vector<1x16xf32>,
      %get3A_728 = vector.shape_cast %get3A_727 : vector<1x16xf32> to vector<16xf32>
      %mul3A_729 = arith.constant 3.200000e+01 : f32
      %mul3A_730 = vector.broadcast %mul3A_729 : f32 to vector<16xf32>
      %mul3A_731 = arith.mulf %get3A_728, %mul3A_730 : vector<16xf32>
      %swap3A_732 = arith.index_cast %scan3A_150 : i32 to index
      %swap3A_733 = arith.constant 768 : index
      %swap3A_734 = tpu.vector_load %arg7[%swap3A_732, %swap3A_733] {strides = array<i32>} : memref<32x1024xf32, #tpu.memory_space<vmem>>, vector<1x16xf32>,
      %swap3A_735 = vector.shape_cast %swap3A_734 : vector<1x16xf32> to vector<16xf32>
      %swap3A_736 = vector.shape_cast %mul3A_731 : vector<16xf32> to vector<1x16xf32>
      tpu.vector_store %arg7[%swap3A_732, %swap3A_733], %swap3A_736 {strides = array<i32>} : memref<32x1024xf32, #tpu.memory_space<vmem>>, vector<1x16xf32>,
      %get3A_737 = arith.index_cast %scan3A_150 : i32 to index
      %get3A_738 = arith.constant 784 : index
      %get3A_739 = tpu.vector_load %arg7[%get3A_737, %get3A_738] {strides = array<i32>} : memref<32x1024xf32, #tpu.memory_space<vmem>>, vector<1x16xf32>,
      %get3A_740 = vector.shape_cast %get3A_739 : vector<1x16xf32> to vector<16xf32>
      %mul3A_741 = arith.constant 3.200000e+01 : f32
      %mul3A_742 = vector.broadcast %mul3A_741 : f32 to vector<16xf32>
      %mul3A_743 = arith.mulf %get3A_740, %mul3A_742 : vector<16xf32>
      %swap3A_744 = arith.index_cast %scan3A_150 : i32 to index
      %swap3A_745 = arith.constant 784 : index
      %swap3A_746 = tpu.vector_load %arg7[%swap3A_744, %swap3A_745] {strides = array<i32>} : memref<32x1024xf32, #tpu.memory_space<vmem>>, vector<1x16xf32>,
      %swap3A_747 = vector.shape_cast %swap3A_746 : vector<1x16xf32> to vector<16xf32>
      %swap3A_748 = vector.shape_cast %mul3A_743 : vector<16xf32> to vector<1x16xf32>
      tpu.vector_store %arg7[%swap3A_744, %swap3A_745], %swap3A_748 {strides = array<i32>} : memref<32x1024xf32, #tpu.memory_space<vmem>>, vector<1x16xf32>,
      %get3A_749 = arith.index_cast %scan3A_150 : i32 to index
      %get3A_750 = arith.constant 800 : index
      %get3A_751 = tpu.vector_load %arg7[%get3A_749, %get3A_750] {strides = array<i32>} : memref<32x1024xf32, #tpu.memory_space<vmem>>, vector<1x16xf32>,
      %get3A_752 = vector.shape_cast %get3A_751 : vector<1x16xf32> to vector<16xf32>
      %mul3A_753 = arith.constant 3.200000e+01 : f32
      %mul3A_754 = vector.broadcast %mul3A_753 : f32 to vector<16xf32>
      %mul3A_755 = arith.mulf %get3A_752, %mul3A_754 : vector<16xf32>
      %swap3A_756 = arith.index_cast %scan3A_150 : i32 to index
      %swap3A_757 = arith.constant 800 : index
      %swap3A_758 = tpu.vector_load %arg7[%swap3A_756, %swap3A_757] {strides = array<i32>} : memref<32x1024xf32, #tpu.memory_space<vmem>>, vector<1x16xf32>,
      %swap3A_759 = vector.shape_cast %swap3A_758 : vector<1x16xf32> to vector<16xf32>
      %swap3A_760 = vector.shape_cast %mul3A_755 : vector<16xf32> to vector<1x16xf32>
      tpu.vector_store %arg7[%swap3A_756, %swap3A_757], %swap3A_760 {strides = array<i32>} : memref<32x1024xf32, #tpu.memory_space<vmem>>, vector<1x16xf32>,
      %get3A_761 = arith.index_cast %scan3A_150 : i32 to index
      %get3A_762 = arith.constant 816 : index
      %get3A_763 = tpu.vector_load %arg7[%get3A_761, %get3A_762] {strides = array<i32>} : memref<32x1024xf32, #tpu.memory_space<vmem>>, vector<1x16xf32>,
      %get3A_764 = vector.shape_cast %get3A_763 : vector<1x16xf32> to vector<16xf32>
      %mul3A_765 = arith.constant 3.200000e+01 : f32
      %mul3A_766 = vector.broadcast %mul3A_765 : f32 to vector<16xf32>
      %mul3A_767 = arith.mulf %get3A_764, %mul3A_766 : vector<16xf32>
      %swap3A_768 = arith.index_cast %scan3A_150 : i32 to index
      %swap3A_769 = arith.constant 816 : index
      %swap3A_770 = tpu.vector_load %arg7[%swap3A_768, %swap3A_769] {strides = array<i32>} : memref<32x1024xf32, #tpu.memory_space<vmem>>, vector<1x16xf32>,
      %swap3A_771 = vector.shape_cast %swap3A_770 : vector<1x16xf32> to vector<16xf32>
      %swap3A_772 = vector.shape_cast %mul3A_767 : vector<16xf32> to vector<1x16xf32>
      tpu.vector_store %arg7[%swap3A_768, %swap3A_769], %swap3A_772 {strides = array<i32>} : memref<32x1024xf32, #tpu.memory_space<vmem>>, vector<1x16xf32>,
      %get3A_773 = arith.index_cast %scan3A_150 : i32 to index
      %get3A_774 = arith.constant 832 : index
      %get3A_775 = tpu.vector_load %arg7[%get3A_773, %get3A_774] {strides = array<i32>} : memref<32x1024xf32, #tpu.memory_space<vmem>>, vector<1x16xf32>,
      %get3A_776 = vector.shape_cast %get3A_775 : vector<1x16xf32> to vector<16xf32>
      %mul3A_777 = arith.constant 3.200000e+01 : f32
      %mul3A_778 = vector.broadcast %mul3A_777 : f32 to vector<16xf32>
      %mul3A_779 = arith.mulf %get3A_776, %mul3A_778 : vector<16xf32>
      %swap3A_780 = arith.index_cast %scan3A_150 : i32 to index
      %swap3A_781 = arith.constant 832 : index
      %swap3A_782 = tpu.vector_load %arg7[%swap3A_780, %swap3A_781] {strides = array<i32>} : memref<32x1024xf32, #tpu.memory_space<vmem>>, vector<1x16xf32>,
      %swap3A_783 = vector.shape_cast %swap3A_782 : vector<1x16xf32> to vector<16xf32>
      %swap3A_784 = vector.shape_cast %mul3A_779 : vector<16xf32> to vector<1x16xf32>
      tpu.vector_store %arg7[%swap3A_780, %swap3A_781], %swap3A_784 {strides = array<i32>} : memref<32x1024xf32, #tpu.memory_space<vmem>>, vector<1x16xf32>,
      %get3A_785 = arith.index_cast %scan3A_150 : i32 to index
      %get3A_786 = arith.constant 848 : index
      %get3A_787 = tpu.vector_load %arg7[%get3A_785, %get3A_786] {strides = array<i32>} : memref<32x1024xf32, #tpu.memory_space<vmem>>, vector<1x16xf32>,
      %get3A_788 = vector.shape_cast %get3A_787 : vector<1x16xf32> to vector<16xf32>
      %mul3A_789 = arith.constant 3.200000e+01 : f32
      %mul3A_790 = vector.broadcast %mul3A_789 : f32 to vector<16xf32>
      %mul3A_791 = arith.mulf %get3A_788, %mul3A_790 : vector<16xf32>
      %swap3A_792 = arith.index_cast %scan3A_150 : i32 to index
      %swap3A_793 = arith.constant 848 : index
      %swap3A_794 = tpu.vector_load %arg7[%swap3A_792, %swap3A_793] {strides = array<i32>} : memref<32x1024xf32, #tpu.memory_space<vmem>>, vector<1x16xf32>,
      %swap3A_795 = vector.shape_cast %swap3A_794 : vector<1x16xf32> to vector<16xf32>
      %swap3A_796 = vector.shape_cast %mul3A_791 : vector<16xf32> to vector<1x16xf32>
      tpu.vector_store %arg7[%swap3A_792, %swap3A_793], %swap3A_796 {strides = array<i32>} : memref<32x1024xf32, #tpu.memory_space<vmem>>, vector<1x16xf32>,
      %get3A_797 = arith.index_cast %scan3A_150 : i32 to index
      %get3A_798 = arith.constant 864 : index
      %get3A_799 = tpu.vector_load %arg7[%get3A_797, %get3A_798] {strides = array<i32>} : memref<32x1024xf32, #tpu.memory_space<vmem>>, vector<1x16xf32>,
      %get3A_800 = vector.shape_cast %get3A_799 : vector<1x16xf32> to vector<16xf32>
      %mul3A_801 = arith.constant 3.200000e+01 : f32
      %mul3A_802 = vector.broadcast %mul3A_801 : f32 to vector<16xf32>
      %mul3A_803 = arith.mulf %get3A_800, %mul3A_802 : vector<16xf32>
      %swap3A_804 = arith.index_cast %scan3A_150 : i32 to index
      %swap3A_805 = arith.constant 864 : index
      %swap3A_806 = tpu.vector_load %arg7[%swap3A_804, %swap3A_805] {strides = array<i32>} : memref<32x1024xf32, #tpu.memory_space<vmem>>, vector<1x16xf32>,
      %swap3A_807 = vector.shape_cast %swap3A_806 : vector<1x16xf32> to vector<16xf32>
      %swap3A_808 = vector.shape_cast %mul3A_803 : vector<16xf32> to vector<1x16xf32>
      tpu.vector_store %arg7[%swap3A_804, %swap3A_805], %swap3A_808 {strides = array<i32>} : memref<32x1024xf32, #tpu.memory_space<vmem>>, vector<1x16xf32>,
      %get3A_809 = arith.index_cast %scan3A_150 : i32 to index
      %get3A_810 = arith.constant 880 : index
      %get3A_811 = tpu.vector_load %arg7[%get3A_809, %get3A_810] {strides = array<i32>} : memref<32x1024xf32, #tpu.memory_space<vmem>>, vector<1x16xf32>,
      %get3A_812 = vector.shape_cast %get3A_811 : vector<1x16xf32> to vector<16xf32>
      %mul3A_813 = arith.constant 3.200000e+01 : f32
      %mul3A_814 = vector.broadcast %mul3A_813 : f32 to vector<16xf32>
      %mul3A_815 = arith.mulf %get3A_812, %mul3A_814 : vector<16xf32>
      %swap3A_816 = arith.index_cast %scan3A_150 : i32 to index
      %swap3A_817 = arith.constant 880 : index
      %swap3A_818 = tpu.vector_load %arg7[%swap3A_816, %swap3A_817] {strides = array<i32>} : memref<32x1024xf32, #tpu.memory_space<vmem>>, vector<1x16xf32>,
      %swap3A_819 = vector.shape_cast %swap3A_818 : vector<1x16xf32> to vector<16xf32>
      %swap3A_820 = vector.shape_cast %mul3A_815 : vector<16xf32> to vector<1x16xf32>
      tpu.vector_store %arg7[%swap3A_816, %swap3A_817], %swap3A_820 {strides = array<i32>} : memref<32x1024xf32, #tpu.memory_space<vmem>>, vector<1x16xf32>,
      %get3A_821 = arith.index_cast %scan3A_150 : i32 to index
      %get3A_822 = arith.constant 896 : index
      %get3A_823 = tpu.vector_load %arg7[%get3A_821, %get3A_822] {strides = array<i32>} : memref<32x1024xf32, #tpu.memory_space<vmem>>, vector<1x16xf32>,
      %get3A_824 = vector.shape_cast %get3A_823 : vector<1x16xf32> to vector<16xf32>
      %mul3A_825 = arith.constant 3.200000e+01 : f32
      %mul3A_826 = vector.broadcast %mul3A_825 : f32 to vector<16xf32>
      %mul3A_827 = arith.mulf %get3A_824, %mul3A_826 : vector<16xf32>
      %swap3A_828 = arith.index_cast %scan3A_150 : i32 to index
      %swap3A_829 = arith.constant 896 : index
      %swap3A_830 = tpu.vector_load %arg7[%swap3A_828, %swap3A_829] {strides = array<i32>} : memref<32x1024xf32, #tpu.memory_space<vmem>>, vector<1x16xf32>,
      %swap3A_831 = vector.shape_cast %swap3A_830 : vector<1x16xf32> to vector<16xf32>
      %swap3A_832 = vector.shape_cast %mul3A_827 : vector<16xf32> to vector<1x16xf32>
      tpu.vector_store %arg7[%swap3A_828, %swap3A_829], %swap3A_832 {strides = array<i32>} : memref<32x1024xf32, #tpu.memory_space<vmem>>, vector<1x16xf32>,
      %get3A_833 = arith.index_cast %scan3A_150 : i32 to index
      %get3A_834 = arith.constant 912 : index
      %get3A_835 = tpu.vector_load %arg7[%get3A_833, %get3A_834] {strides = array<i32>} : memref<32x1024xf32, #tpu.memory_space<vmem>>, vector<1x16xf32>,
      %get3A_836 = vector.shape_cast %get3A_835 : vector<1x16xf32> to vector<16xf32>
      %mul3A_837 = arith.constant 3.200000e+01 : f32
      %mul3A_838 = vector.broadcast %mul3A_837 : f32 to vector<16xf32>
      %mul3A_839 = arith.mulf %get3A_836, %mul3A_838 : vector<16xf32>
      %swap3A_840 = arith.index_cast %scan3A_150 : i32 to index
      %swap3A_841 = arith.constant 912 : index
      %swap3A_842 = tpu.vector_load %arg7[%swap3A_840, %swap3A_841] {strides = array<i32>} : memref<32x1024xf32, #tpu.memory_space<vmem>>, vector<1x16xf32>,
      %swap3A_843 = vector.shape_cast %swap3A_842 : vector<1x16xf32> to vector<16xf32>
      %swap3A_844 = vector.shape_cast %mul3A_839 : vector<16xf32> to vector<1x16xf32>
      tpu.vector_store %arg7[%swap3A_840, %swap3A_841], %swap3A_844 {strides = array<i32>} : memref<32x1024xf32, #tpu.memory_space<vmem>>, vector<1x16xf32>,
      %get3A_845 = arith.index_cast %scan3A_150 : i32 to index
      %get3A_846 = arith.constant 928 : index
      %get3A_847 = tpu.vector_load %arg7[%get3A_845, %get3A_846] {strides = array<i32>} : memref<32x1024xf32, #tpu.memory_space<vmem>>, vector<1x16xf32>,
      %get3A_848 = vector.shape_cast %get3A_847 : vector<1x16xf32> to vector<16xf32>
      %mul3A_849 = arith.constant 3.200000e+01 : f32
      %mul3A_850 = vector.broadcast %mul3A_849 : f32 to vector<16xf32>
      %mul3A_851 = arith.mulf %get3A_848, %mul3A_850 : vector<16xf32>
      %swap3A_852 = arith.index_cast %scan3A_150 : i32 to index
      %swap3A_853 = arith.constant 928 : index
      %swap3A_854 = tpu.vector_load %arg7[%swap3A_852, %swap3A_853] {strides = array<i32>} : memref<32x1024xf32, #tpu.memory_space<vmem>>, vector<1x16xf32>,
      %swap3A_855 = vector.shape_cast %swap3A_854 : vector<1x16xf32> to vector<16xf32>
      %swap3A_856 = vector.shape_cast %mul3A_851 : vector<16xf32> to vector<1x16xf32>
      tpu.vector_store %arg7[%swap3A_852, %swap3A_853], %swap3A_856 {strides = array<i32>} : memref<32x1024xf32, #tpu.memory_space<vmem>>, vector<1x16xf32>,
      %get3A_857 = arith.index_cast %scan3A_150 : i32 to index
      %get3A_858 = arith.constant 944 : index
      %get3A_859 = tpu.vector_load %arg7[%get3A_857, %get3A_858] {strides = array<i32>} : memref<32x1024xf32, #tpu.memory_space<vmem>>, vector<1x16xf32>,
      %get3A_860 = vector.shape_cast %get3A_859 : vector<1x16xf32> to vector<16xf32>
      %mul3A_861 = arith.constant 3.200000e+01 : f32
      %mul3A_862 = vector.broadcast %mul3A_861 : f32 to vector<16xf32>
      %mul3A_863 = arith.mulf %get3A_860, %mul3A_862 : vector<16xf32>
      %swap3A_864 = arith.index_cast %scan3A_150 : i32 to index
      %swap3A_865 = arith.constant 944 : index
      %swap3A_866 = tpu.vector_load %arg7[%swap3A_864, %swap3A_865] {strides = array<i32>} : memref<32x1024xf32, #tpu.memory_space<vmem>>, vector<1x16xf32>,
      %swap3A_867 = vector.shape_cast %swap3A_866 : vector<1x16xf32> to vector<16xf32>
      %swap3A_868 = vector.shape_cast %mul3A_863 : vector<16xf32> to vector<1x16xf32>
      tpu.vector_store %arg7[%swap3A_864, %swap3A_865], %swap3A_868 {strides = array<i32>} : memref<32x1024xf32, #tpu.memory_space<vmem>>, vector<1x16xf32>,
      %get3A_869 = arith.index_cast %scan3A_150 : i32 to index
      %get3A_870 = arith.constant 960 : index
      %get3A_871 = tpu.vector_load %arg7[%get3A_869, %get3A_870] {strides = array<i32>} : memref<32x1024xf32, #tpu.memory_space<vmem>>, vector<1x16xf32>,
      %get3A_872 = vector.shape_cast %get3A_871 : vector<1x16xf32> to vector<16xf32>
      %mul3A_873 = arith.constant 3.200000e+01 : f32
      %mul3A_874 = vector.broadcast %mul3A_873 : f32 to vector<16xf32>
      %mul3A_875 = arith.mulf %get3A_872, %mul3A_874 : vector<16xf32>
      %swap3A_876 = arith.index_cast %scan3A_150 : i32 to index
      %swap3A_877 = arith.constant 960 : index
      %swap3A_878 = tpu.vector_load %arg7[%swap3A_876, %swap3A_877] {strides = array<i32>} : memref<32x1024xf32, #tpu.memory_space<vmem>>, vector<1x16xf32>,
      %swap3A_879 = vector.shape_cast %swap3A_878 : vector<1x16xf32> to vector<16xf32>
      %swap3A_880 = vector.shape_cast %mul3A_875 : vector<16xf32> to vector<1x16xf32>
      tpu.vector_store %arg7[%swap3A_876, %swap3A_877], %swap3A_880 {strides = array<i32>} : memref<32x1024xf32, #tpu.memory_space<vmem>>, vector<1x16xf32>,
      %get3A_881 = arith.index_cast %scan3A_150 : i32 to index
      %get3A_882 = arith.constant 976 : index
      %get3A_883 = tpu.vector_load %arg7[%get3A_881, %get3A_882] {strides = array<i32>} : memref<32x1024xf32, #tpu.memory_space<vmem>>, vector<1x16xf32>,
      %get3A_884 = vector.shape_cast %get3A_883 : vector<1x16xf32> to vector<16xf32>
      %mul3A_885 = arith.constant 3.200000e+01 : f32
      %mul3A_886 = vector.broadcast %mul3A_885 : f32 to vector<16xf32>
      %mul3A_887 = arith.mulf %get3A_884, %mul3A_886 : vector<16xf32>
      %swap3A_888 = arith.index_cast %scan3A_150 : i32 to index
      %swap3A_889 = arith.constant 976 : index
      %swap3A_890 = tpu.vector_load %arg7[%swap3A_888, %swap3A_889] {strides = array<i32>} : memref<32x1024xf32, #tpu.memory_space<vmem>>, vector<1x16xf32>,
      %swap3A_891 = vector.shape_cast %swap3A_890 : vector<1x16xf32> to vector<16xf32>
      %swap3A_892 = vector.shape_cast %mul3A_887 : vector<16xf32> to vector<1x16xf32>
      tpu.vector_store %arg7[%swap3A_888, %swap3A_889], %swap3A_892 {strides = array<i32>} : memref<32x1024xf32, #tpu.memory_space<vmem>>, vector<1x16xf32>,
      %get3A_893 = arith.index_cast %scan3A_150 : i32 to index
      %get3A_894 = arith.constant 992 : index
      %get3A_895 = tpu.vector_load %arg7[%get3A_893, %get3A_894] {strides = array<i32>} : memref<32x1024xf32, #tpu.memory_space<vmem>>, vector<1x16xf32>,
      %get3A_896 = vector.shape_cast %get3A_895 : vector<1x16xf32> to vector<16xf32>
      %mul3A_897 = arith.constant 3.200000e+01 : f32
      %mul3A_898 = vector.broadcast %mul3A_897 : f32 to vector<16xf32>
      %mul3A_899 = arith.mulf %get3A_896, %mul3A_898 : vector<16xf32>
      %swap3A_900 = arith.index_cast %scan3A_150 : i32 to index
      %swap3A_901 = arith.constant 992 : index
      %swap3A_902 = tpu.vector_load %arg7[%swap3A_900, %swap3A_901] {strides = array<i32>} : memref<32x1024xf32, #tpu.memory_space<vmem>>, vector<1x16xf32>,
      %swap3A_903 = vector.shape_cast %swap3A_902 : vector<1x16xf32> to vector<16xf32>
      %swap3A_904 = vector.shape_cast %mul3A_899 : vector<16xf32> to vector<1x16xf32>
      tpu.vector_store %arg7[%swap3A_900, %swap3A_901], %swap3A_904 {strides = array<i32>} : memref<32x1024xf32, #tpu.memory_space<vmem>>, vector<1x16xf32>,
      %get3A_905 = arith.index_cast %scan3A_150 : i32 to index
      %get3A_906 = arith.constant 1008 : index
      %get3A_907 = tpu.vector_load %arg7[%get3A_905, %get3A_906] {strides = array<i32>} : memref<32x1024xf32, #tpu.memory_space<vmem>>, vector<1x16xf32>,
      %get3A_908 = vector.shape_cast %get3A_907 : vector<1x16xf32> to vector<16xf32>
      %mul3A_909 = arith.constant 3.200000e+01 : f32
      %mul3A_910 = vector.broadcast %mul3A_909 : f32 to vector<16xf32>
      %mul3A_911 = arith.mulf %get3A_908, %mul3A_910 : vector<16xf32>
      %swap3A_912 = arith.index_cast %scan3A_150 : i32 to index
      %swap3A_913 = arith.constant 1008 : index
      %swap3A_914 = tpu.vector_load %arg7[%swap3A_912, %swap3A_913] {strides = array<i32>} : memref<32x1024xf32, #tpu.memory_space<vmem>>, vector<1x16xf32>,
      %swap3A_915 = vector.shape_cast %swap3A_914 : vector<1x16xf32> to vector<16xf32>
      %swap3A_916 = vector.shape_cast %mul3A_911 : vector<16xf32> to vector<1x16xf32>
      tpu.vector_store %arg7[%swap3A_912, %swap3A_913], %swap3A_916 {strides = array<i32>} : memref<32x1024xf32, #tpu.memory_space<vmem>>, vector<1x16xf32>,
    }
    %scan3A_112 = arith.constant 24 : i32
    %add3A_113 = arith.constant 488 : i32
    %add3A_114 = arith.addi %mul3A_2, %add3A_113 : i32
    %multiple_of3A_115 = tpu.assume_multiple %add3A_114, 8 : i32
    %dma_start3A_116 = arith.constant 0 : i32
    %dma_start3A_117 = arith.constant 0 : i32
    %dma_start3A_118 = tpu.memref_slice %arg7[%dma_start3A_116, %dma_start3A_117] : memref<32x1024xf32, #tpu.memory_space<vmem>> -> memref<24x1024xf32, #tpu.memory_space<vmem>>
    %dma_start3A_119 = arith.constant 0 : i32
    %dma_start3A_120 = tpu.memref_slice %arg4[%multiple_of3A_115, %dma_start3A_119] : memref<16384x1024xf32, #tpu.memory_space<hbm>> -> memref<24x1024xf32, #tpu.memory_space<hbm>>
    %dma_start3A_121 = arith.constant 0 : i32
    %dma_start3A_122 = tpu.memref_slice %arg4[%multiple_of3A_115, %dma_start3A_121] : memref<16384x1024xf32, #tpu.memory_space<hbm>> -> memref<24x1024xf32, #tpu.memory_space<hbm>>
    %dma_start3A_123 = arith.constant 0 : i32
    %dma_start3A_124 = arith.constant 0 : i32
    %dma_start3A_125 = tpu.memref_slice %arg7[%dma_start3A_123, %dma_start3A_124] : memref<32x1024xf32, #tpu.memory_space<vmem>> -> memref<24x1024xf32, #tpu.memory_space<vmem>>
    tpu.enqueue_dma source(%dma_start3A_125 : memref<24x1024xf32, #tpu.memory_space<vmem>>) target(%dma_start3A_122 : memref<24x1024xf32, #tpu.memory_space<hbm>>) target_semaphore(%arg13 : memref<!tpu.dma_semaphore, #tpu.memory_space<semaphore_mem>>)
    %dma_wait3A_126 = arith.constant 0 : i32
    %dma_wait3A_127 = arith.constant 0 : i32
    %dma_wait3A_128 = tpu.memref_slice %arg6[%dma_wait3A_126, %dma_wait3A_127] : memref<32x1024xf32, #tpu.memory_space<vmem>> -> memref<32x1024xf32, #tpu.memory_space<vmem>>
    %dma_wait3A_129 = arith.constant 0 : i32
    %dma_wait3A_130 = arith.constant 0 : i32
    %dma_wait3A_131 = tpu.memref_slice %arg4[%dma_wait3A_129, %dma_wait3A_130] : memref<16384x1024xf32, #tpu.memory_space<hbm>> -> memref<32x1024xf32, #tpu.memory_space<hbm>>
    %dma_wait3A_132 = arith.constant 0 : i32
    %dma_wait3A_133 = arith.constant 0 : i32
    %dma_wait3A_134 = tpu.memref_slice %arg4[%dma_wait3A_132, %dma_wait3A_133] : memref<16384x1024xf32, #tpu.memory_space<hbm>> -> memref<32x1024xf32, #tpu.memory_space<hbm>>
    %dma_wait3A_135 = arith.constant 0 : i32
    %dma_wait3A_136 = arith.constant 0 : i32
    %dma_wait3A_137 = tpu.memref_slice %arg6[%dma_wait3A_135, %dma_wait3A_136] : memref<32x1024xf32, #tpu.memory_space<vmem>> -> memref<32x1024xf32, #tpu.memory_space<vmem>>
    tpu.wait_dma2 semaphore(%arg12 : memref<!tpu.dma_semaphore, #tpu.memory_space<semaphore_mem>>) src(%dma_wait3A_137 : memref<32x1024xf32, #tpu.memory_space<vmem>>) dst(%dma_wait3A_134 : memref<32x1024xf32, #tpu.memory_space<hbm>>)
    %dma_wait3A_138 = arith.constant 0 : i32
    %dma_wait3A_139 = arith.constant 0 : i32
    %dma_wait3A_140 = tpu.memref_slice %arg7[%dma_wait3A_138, %dma_wait3A_139] : memref<32x1024xf32, #tpu.memory_space<vmem>> -> memref<24x1024xf32, #tpu.memory_space<vmem>>
    %dma_wait3A_141 = arith.constant 0 : i32
    %dma_wait3A_142 = arith.constant 0 : i32
    %dma_wait3A_143 = tpu.memref_slice %arg4[%dma_wait3A_141, %dma_wait3A_142] : memref<16384x1024xf32, #tpu.memory_space<hbm>> -> memref<24x1024xf32, #tpu.memory_space<hbm>>
    %dma_wait3A_144 = arith.constant 0 : i32
    %dma_wait3A_145 = arith.constant 0 : i32
    %dma_wait3A_146 = tpu.memref_slice %arg4[%dma_wait3A_144, %dma_wait3A_145] : memref<16384x1024xf32, #tpu.memory_space<hbm>> -> memref<24x1024xf32, #tpu.memory_space<hbm>>
    %dma_wait3A_147 = arith.constant 0 : i32
    %dma_wait3A_148 = arith.constant 0 : i32
    %dma_wait3A_149 = tpu.memref_slice %arg7[%dma_wait3A_147, %dma_wait3A_148] : memref<32x1024xf32, #tpu.memory_space<vmem>> -> memref<24x1024xf32, #tpu.memory_space<vmem>>
    tpu.wait_dma2 semaphore(%arg13 : memref<!tpu.dma_semaphore, #tpu.memory_space<semaphore_mem>>) src(%dma_wait3A_149 : memref<24x1024xf32, #tpu.memory_space<vmem>>) dst(%dma_wait3A_146 : memref<24x1024xf32, #tpu.memory_space<hbm>>)
    return
  }
}

</mosaic_0001>

<sc_bundles>
// kernel: kernel.3.cloned.1.call-start
scs
__scs_entry_jumppad:
0x0: {  	(pc) =	sbr.rel $0x88, $3  }
0x1: {  	(tag) =	ssettag $0x0;
	lr =	simm.s32 $0x1  }
0x2: {  	[smem:$0x3F9F] =	sst lr;
	_ =	strace $0xD0000000  }
0x3: {  	_ = 	snop  }
0x4: {  	_ = 	snop  }
0x5: {  	_ = 	snop  }
0x6: {  	_ = 	snop  }
0x7: {  	_ = 	snop  }
__scs_overlays_trampoline_lowered:
0x8: {  	[smem:$0x3FAE] =	sst s0  }
0x9: {  	[smem:$0x3FAF] =	sst s1  }
0xa: {  	[smem:$0x3FB0] =	sst s2  }
0xb: {  	[smem:$0x3FB1] =	sst s3  }
0xc: {  	[smem:$0x3FB2] =	sst s4  }
0xd: {  	[smem:$0x3FB3] =	sst s5  }
0xe: {  	[smem:$0x3FB4] =	sst s6  }
0xf: {  	[smem:$0x3FB5] =	sst s7  }
0x10: {  	[smem:$0x3FB6] =	sst s8  }
0x11: {  	[smem:$0x3FB7] =	sst s9;
	s0 =	simm.s32 @!p0 $0x0  }
0x12: {  	s1 =	sld [smem:$0x3F9D];
	s0 =	simm.s32 @p0 $0x1  }
0x13: {  	[smem:$0x3FB8] =	sst s0;
	s0 =	simm.s32 @!p1 $0x0  }
0x14: {  	s2 =	sld [smem:$0x3F9C];
	s0 =	simm.s32 @p1 $0x1  }
0x15: {  	[smem:$0x3FB9] =	sst s0;
	s0 =	simm.s32 @!p2 $0x0  }
0x16: {  	s3 =	sld [smem:$0x3FDB];
	s0 =	simm.s32 @p2 $0x1  }
0x17: {  	s4 =	simm.s32 $0x1BF5;
	[smem:$0x3FBB] =	sst s0  }
0x18: {  	s0 =	sld [smem:$0x3F9E];
	_ =	swait.ge [sflag:s4], $0x0  }
0x19: {  	s7 =	sld [smem:$0x3F9F]  }
0x1a: {  	s8 =	sadd.s32 $0xFFFFE003, lr  }
0x1b: {  	s9 =	sadd.s32 $0xFFFFFEF7, lr;
	s5 =	simm.s32 $0xFFFFFFFF;
	p2 =	slt.u32 s8, $0xFFFFF086  }
0x1c: {  	p1 =	slt.u32 s9, $0xF7A;
	s5 =	simm.s32 @!p2 $0x0  }
0x1d: {  	s5 =	simm.s32 @p1 $0x1;
	p0 =	seq.s32 s7, s2  }
0x1e: {  	s7 =	smul.u32 @!p0 $0xF7A, s2;
	p2 =	seq.s32 @!p0 s5, $0x0  }
0x1f: {  	s9 =	smul.u32 $0xF7A, s1;
	s8 =	simm.s32 @!p0 $0x1BF5;
	p2 =	por !p2, p0  }
0x20: {  	[sflag:s8] =	ssyncset.s32 @!p0 $0xFFFFF086;
	s6 =	sadd.s32 @!p0 s3, s7;
	s7 =	simm.s32 @!p0 $0x108  }
0x21: {  	s3 =	sadd.s32 s3, s9;
	s6 =	sadd.s32 @!p0 $0x88, s6;
	s7 =	simm.s32 @p2 $0x1082  }
0x22: {  	[simem:s7], [sflag:s8] =	dma.local @!p0 [hbm:s6], $0xF7A  }
0x23: {  	s9 =	sor.u32 $0xD0000000, s2;
	s6 =	simm.s32 $0x108;
	_ =	swait.ge @!p0 [sflag:s8], $0x0  }
0x24: {  	s3 =	sadd.s32 $0x88, s3;
	s6 =	simm.s32 @!p1 $0x1082;
	[sflag:s4] =	ssyncset.s32 $0xFFFFF086  }
0x25: {  	[simem:s6], [sflag:s4] =	dma.local [hbm:s3], $0xF7A  }
0x26: {  	[smem:$0x3F9F] =	sst s1;
	(tag) =	ssettag s2;
	_ =	strace s9  }
0x27: {  	s1 =	sld [smem:$0x3FAF]  }
0x28: {  	s2 =	sld [smem:$0x3FB0]  }
0x29: {  	s4 =	sld [smem:$0x3FB2]  }
0x2a: {  	p0 =	seq.s32 s5, $0x0;
	s5 =	sld [smem:$0x3FB3]  }
0x2b: {  	s6 =	sld [smem:$0x3FB4]  }
0x2c: {  	s7 =	sld [smem:$0x3FB5]  }
0x2d: {  	s3 =	simm.s32 $0x108;
	s8 =	sld [smem:$0x3FB6]  }
0x2e: {  	s3 =	simm.s32 @!p0 $0x1082;
	s9 =	sld [smem:$0x3FB7]  }
0x2f: {  	lr =	sadd.s32 s0, s3;
	s0 =	sld [smem:$0x3FAE]  }
0x30: {  	s3 =	sld [smem:$0x3FB1]  }
0x31: {  	[smem:$0x3FBA] =	sst s10  }
0x32: {  	s10 =	sld [smem:$0x3FB8];
	_ =	sdelay $0x3  }
0x33: {  	p0 =	seq.s32 s10, $0x1;
	s10 =	sld [smem:$0x3FBA];
	_ =	sdelay $0x3  }
0x34: {  	[smem:$0x3FBA] =	sst s10  }
0x35: {  	s10 =	sld [smem:$0x3FB9];
	_ =	sdelay $0x3  }
0x36: {  	p1 =	seq.s32 s10, $0x1;
	s10 =	sld [smem:$0x3FBA];
	_ =	sdelay $0x3  }
0x37: {  	[smem:$0x3FBA] =	sst s10  }
0x38: {  	s10 =	sld [smem:$0x3FBB]  }
0x39: {  	_ = 	snop;
	(pc) =	sbr.ind lr, $3  }
0x3a: {  	_ = 	snop  }
0x3b: {  	_ = 	snop  }
0x3c: {  	p2 =	seq.s32 s10, $0x1;
	s10 =	sld [smem:$0x3FBA]  }
0x3d: {  	_ =	shalt  }
0x3e: {  	_ =	shalt  }
0x3f: {  	_ =	shalt  }
0x40: {  	_ =	shalt  }
0x41: {  	_ =	shalt  }
0x42: {  	_ =	shalt  }
0x43: {  	_ =	shalt  }
0x44: {  	_ =	shalt  }
0x45: {  	_ =	shalt  }
0x46: {  	_ =	shalt  }
0x47: {  	_ =	shalt  }
0x48: {  	_ =	shalt  }
0x49: {  	_ =	shalt  }
0x4a: {  	_ =	shalt  }
0x4b: {  	_ =	shalt  }
0x4c: {  	_ =	shalt  }
0x4d: {  	_ =	shalt  }
0x4e: {  	_ =	shalt  }
0x4f: {  	_ =	shalt  }
0x50: {  	_ =	shalt  }
0x51: {  	_ =	shalt  }
0x52: {  	_ =	shalt  }
0x53: {  	_ =	shalt  }
0x54: {  	_ =	shalt  }
0x55: {  	_ =	shalt  }
0x56: {  	_ =	shalt  }
0x57: {  	_ =	shalt  }
0x58: {  	_ =	shalt  }
0x59: {  	_ =	shalt  }
0x5a: {  	_ =	shalt  }
0x5b: {  	_ =	shalt  }
0x5c: {  	_ =	shalt  }
0x5d: {  	_ =	shalt  }
0x5e: {  	_ =	shalt  }
0x5f: {  	_ =	shalt  }
0x60: {  	_ =	shalt  }
0x61: {  	_ =	shalt  }
0x62: {  	_ =	shalt  }
0x63: {  	_ =	shalt  }
0x64: {  	_ =	shalt  }
0x65: {  	_ =	shalt  }
0x66: {  	_ =	shalt  }
0x67: {  	_ =	shalt  }
0x68: {  	_ =	shalt  }
0x69: {  	_ =	shalt  }
0x6a: {  	_ =	shalt  }
0x6b: {  	_ =	shalt  }
0x6c: {  	_ =	shalt  }
0x6d: {  	_ =	shalt  }
0x6e: {  	_ =	shalt  }
0x6f: {  	_ =	shalt  }
0x70: {  	_ =	shalt  }
0x71: {  	_ =	shalt  }
0x72: {  	_ =	shalt  }
0x73: {  	_ =	shalt  }
0x74: {  	_ =	shalt  }
0x75: {  	_ =	shalt  }
0x76: {  	_ =	shalt  }
0x77: {  	_ =	shalt  }
0x78: {  	_ =	shalt  }
0x79: {  	_ =	shalt  }
0x7a: {  	_ =	shalt  }
0x7b: {  	_ =	shalt  }
0x7c: {  	_ =	shalt  }
0x7d: {  	_ =	shalt  }
0x7e: {  	_ =	shalt  }
0x7f: {  	_ =	shalt  }
0x80: {  	_ =	shalt  }
0x81: {  	_ =	shalt  }
0x82: {  	_ =	shalt  }
0x83: {  	_ =	shalt  }
0x84: {  	_ =	shalt  }
0x85: {  	_ =	shalt  }
0x86: {  	_ =	shalt  }
0x87: {  	_ =	shalt  }
.Lfunc_end0:
.L_simem_size_0:
called_computation_lowered:
.L_overlay_start_0:
0x88: {  	s2 =	sld [smem:$0x3FD9]  }
0x89: {  	s3 =	sld [smem:$0x3FFE];
	_ =	sdelay $0x1  }
0x8a: {  	s1 =	srdreg.scid  }
0x8b: {  	s0 =	sand.u32 $0x1, s1  }
0x8c: {  	s18 =	sshll.u32 s0, $0xA;
	s2 =	sadd.s32 s3, s2  }
0x8d: {  	s2 =	sadd.s32 s2, s18  }
0x8e: {  	[smem:$0x3FC6] =	sst s2  }
0x8f: {  	_ = 	snop  }
0x90: {  	s2 =	sld [smem:$0x3FC9]  }
0x91: {  	s19 =	sld [smem:$0x3FC8]  }
0x92: {  	s4 =	sld [smem:$0x3FD0];
	(tm) =	ssettm $0x1  }
0x93: {  	s5 =	sld [smem:$0x3FFB];
	_ =	sdelay $0x3  }
0x94: {  	_ =	strace s5  }
0x95: {  	s5 =	sld [smem:$0x3FFC];
	_ =	sdelay $0x3  }
0x96: {  	_ =	strace s5  }
0x97: {  	s5 =	sld [smem:$0x3FFD];
	_ =	sdelay $0x3  }
0x98: {  	_ =	strace s5  }
0x99: {  	_ =	strace $0x8FFFFFFF  }
0x9a: {  	s20 =	sld [smem:$0x3FDB];
	_ =	sdelay $0x1  }
0x9b: {  	s6 =	simm.s32 $_scs_section_size  }
0x9c: {  	s7 =	simm.s32 $_size__tile_overlayer_lowered;
	s8 =	simm.s32 $_tile_overlayer_lowered  }
0x9d: {  	s23 =	simm.s32 $0x1BFF;
	s22 =	sshll.u32 s8, $0x1;
	s5 =	sadd.s32 s6, s20  }
0x9e: {  	s9 =	simm.s32 $0x0;
	s21 =	sshll.u32 s7, $0x1;
	s7 =	sadd.s32 s22, s5  }
0x9f: {  	[timem:s9], [sflag:s23] =	dma.local [hbm:s7], s21  }
0xa0: {  	_ =	swait.ge [sflag:s23], s21  }
0xa1: {  	s6 =	ssub.s32 $0x0, s21;
	[sflag:s23] =	ssyncset.done $0x0  }
0xa2: {  	[sflag:s23] =	ssyncadd.s32 s6;
	_ =	sdelay $0x1  }
0xa3: {  	s24 =	simm.s32 $0x1B8B  }
0xa4: {  	_ =	swait.ge [sflag:s24], $0x1  }
0xa5: {  	[sflag:s24] =	ssyncset.done $0x0  }
0xa6: {  	s25 =	simm.s32 $0x1B8E;
	[sflag:s24] =	ssyncadd.s32 $0xFFFFFFFF  }
0xa7: {  	s26 =	simm.s32 $execute0_lowered;
	[smem:$0x3FD2] =	sst s25  }
0xa8: {  	s6 =	sshll.u32 s26, $0x1;
	_ =	strace $0x80000046;
	[dreg:$0x1] =	wrdreg $0xFFFFFFFF  }
0xa9: {  	s28 =	simm.s32 $_size_execute0_lowered;
	s5 =	sadd.s32 s5, s6;
	[dreg:$0x0] =	wrdreg $0x0  }
0xaa: {  	s6 =	sshll.u32 s28, $0x1;
	[dreg:$0x2] =	wrdreg s5  }
0xab: {  	[dreg:$0x3] =	wrdreg s6  }
0xac: {  	[dreg:$0x4] =	wrdreg $0xC0  }
0xad: {  	_ =	task [dreg:s9], $0x5FFFF  }
0xae: {  	[dreg:$0x1] =	wrdreg $0xFFFFFFFF  }
0xaf: {  	[dreg:$0x0] =	wrdreg $0x60  }
0xb0: {  	[dreg:$0x2] =	wrdreg s2  }
0xb1: {  	[dreg:$0x3] =	wrdreg s19  }
0xb2: {  	[dreg:$0x4] =	wrdreg s4  }
0xb3: {  	[dreg:$0x5] =	wrdreg $0x9  }
0xb4: {  	_ =	task.clear_ibuf [dreg:s9], $0x6FFFF;
	_ =	strace $0x90000046  }
0xb5: {  	s29 =	simm.s32 $0x9;
	_ =	strace $0x80000048  }
0xb6: {  	_ =	swait.ge [sflag:s29], $0x1  }
0xb7: {  	[sflag:s29] =	ssyncadd.s32 $0xFFFFFFFF  }
0xb8: {  	_ =	strace $0x90000048  }
0xb9: {  	_ =	sfence  }
0xba: {  	s30 =	sld [smem:$0x0];
	_ =	sdelay $0x2  }
0xbb: {  	s31 =	sshll.u32 s1, $0xD;
	s1 =	sshrl.u32 s1, $0x2  }
0xbc: {  	s3 =	sand.u32 $0x4000, s31;
	s1 =	sadd.s32 s1, s30  }
0xbd: {  	s0 =	sor.u32 s3, s0;
	s1 =	sshll.u32 s1, $0x11  }
0xbe: {  	s0 =	sor.u32 s1, s0  }
0xbf: {  	s0 =	sadd.s32 $0x8F2B, s0  }
0xc0: {  	[sflag:s0] =	ssyncadd.remote.s32 $0x1  }
0xc1: {  	_ =	sfence.sel $0xFFFF  }
0xc2: {  	[dreg:$0x0] =	wrdreg $0xFFFFFFFF;
	(pc) =	sbr.abs _section_cstart, $3  }
0xc3: {  	[dreg:$0x1] =	wrdreg $0xFFFFFFFF  }
0xc4: {  	_ =	task.clear_ibuf [dreg:s9], $0x2FFFF;
	_ =	strace $0x9FFFFFFF  }
0xc5: {  	(tm) =	ssettm $0x7FFFFFFF  }
tec
execute0_lowered:
.L_overlay_start_1:
0x0: {  	(tag) =	ssettag $0x1  }
0x1: {  	s0 =	rddreg [dreg:$0x0]  }
0x2: {  	s1 =	rddreg [dreg:$0x1]  }
0x3: {  	s2 =	rddreg [dreg:$0x2];
	s4 =	simm.s32 $0x0  }
0x4: {  	s3 =	srdreg.scid;
	s7 =	stileid.u32;
	s16 =	simm.s32 $0x200  }
0x5: {  	s18 =	simm.s32 $0xA00;
	s19 =	simm.s32 $0x1200;
	s20 =	simm.s32 $0x1A00  }
0x6: {  	s21 =	simm.s32 $0x8200;
	s28 =	simm.s32 $0x2;
	s13 =	simm.s32 $0x7200  }
0x7: {  	s14 =	simm.s32 $0x7A00;
	s17 =	simm.s32 $0x5;
	s29 =	simm.s32 $0x6  }
0x8: {  	[smem:$0x7FF] =	sst s4;
	s3 =	sand.u32 $0x1, s3;
	s5 =	sshll.u32 s7, $0x1  }
0x9: {  	s23 =	sshll.u32 s7, $0x2;
	s7 =	sadd.s32 $0x200, s1;
	_ =	strace $0x80000047  }
0xa: {  	s6 =	ssub.s32 $0x2, s3;
	s3 =	sor.u32 s3, s5;
	s5 =	sand.u32 $0x30, s23  }
0xb: {  	s24 =	sshrl.u32 s6, $0x1;
	s8 =	sshll.u32 s3, $0x8;
	s0 =	sadd.s32 s0, s5  }
0xc: {  	s26 =	sshll.u32 s3, $0x9;
	s30 =	sshll.u32 s3, $0x10;
	s3 =	simm.s32 $0x0  }
0xd: {  	s9 =	ssub.s32 s6, s24;
	s25 =	sand.u32 $0x700, s8;
	s6 =	sadd.s32 $0x100, s1  }
0xe: {  	s8 =	sadd.s32 $0x300, s1;
	s10 =	sor.u32 $0x8, s26;
	s0 =	sadd.s32 s25, s0  }
0xf: {  	s11 =	sor.u32 $0x28, s26;
	s31 =	smax.u32 s9, $0x1;
	[dreg:$0x4] =	wrdreg s0  }
0x10: {  	v2 =	vlaneseq.u32;
	s12 =	sor.u32 $0x48, s26;
	s0 =	sadd.s32 s2, s30;
	[dreg:$0x7] =	wrdreg s31  }
0x11: {  	vm0 =	vmmov $0xffff;
	v1 =	vshrl.u32 v2, $0x3;
	s26 =	simm.s32 $0x10200;
	[dreg:$0x5] =	wrdreg s0;
	s0 =	sadd.s32 $0xF400, s0  }
0x12: {  	v0 =	vand.u32 $0x7, v2;
	v2 =	vor.u32 $0x8, v2;
	v1 =	vmul.u32 $0x8, v1;
	s25 =	simm.s32 $0x1;
	s9 =	simm.s32 $0x3;
	[dreg:$0x6] =	wrdreg s0  }
.LBB2_1:
0x13: {  	[dreg:$0x8] =	wrdreg s3  }
0x14: {  	s0 =	rddreg [dreg:$0x4];
	s5 =	simm.s32 $0x80;
	s15 =	simm.s32 $0x7  }
0x15: {  	[tilespmem:s4], [sflag:$0x7] =	stream.strided.gather [hbm4b:s0+s5], $0x200, s16, s5, $0x38;
	[tilespmem:$0x18200] =	vst v63  }
0x16: {  	_ =	swait.ge [sflag:s15], $0x200  }
0x17: {  	[sflag:s15] =	ssyncset.done $0x0  }
0x18: {  	[sflag:s15] =	ssyncadd.s32 $0xFFFFFE00  }
0x19: {  	v3 =	vld.msk [tilespmem:$0x0], $0xff;
	_ =	sdelay $0x4  }
0x1a: {  	v4 =	vshll.u32 v3, $0x3  }
0x1b: {  	v3 =	vand.u32 $0x7, v3;
	v4 =	vand.u32 $0xFFFFFFC0, v4  }
0x1c: {  	v3 =	vor.u32 v3, v4  }
0x1d: {  	v3 =	vperm.xlane v3, v0;
	_ =	sdelay $0x1  }
0x1e: {  	v3 =	vadd.s32 v1, v3;
	_ =	sdelay $0x4  }
0x1f: {  	[tilespmem:s16], [sflag:$0x1] =	stream.indirect_vreg.gather [hbm4b:s1+s4], $0x80, v3, vm0, $0xb8;
	[tilespmem:$0x18200] =	vst v63  }
0x20: {  	_ = 	snop  }
0x21: {  	[tilespmem:s18], [sflag:$0x1] =	stream.indirect_vreg.gather [hbm4b:s6+s4], $0x80, v3, vm0, $0xb8;
	[tilespmem:$0x18200] =	vst v63  }
0x22: {  	_ = 	snop  }
0x23: {  	[tilespmem:s19], [sflag:$0x1] =	stream.indirect_vreg.gather [hbm4b:s7+s4], $0x80, v3, vm0, $0xb8;
	[tilespmem:$0x18200] =	vst v63  }
0x24: {  	_ = 	snop  }
0x25: {  	[tilespmem:s20], [sflag:$0x1] =	stream.indirect_vreg.gather [hbm4b:s8+s4], $0x80, v3, vm0, $0xb8;
	[tilespmem:$0x18200] =	vst v63  }
0x26: {  	v3 =	vld [tilespmem:$0x8];
	_ =	sdelay $0x4  }
0x27: {  	v4 =	vshll.u32 v3, $0x3  }
0x28: {  	v3 =	vand.u32 $0x7, v3;
	v4 =	vand.u32 $0xFFFFFFC0, v4  }
0x29: {  	v3 =	vor.u32 v3, v4  }
0x2a: {  	v4 =	vperm.xlane v3, v0;
	_ =	sdelay $0x1  }
0x2b: {  	v4 =	vadd.s32 v1, v4;
	_ =	sdelay $0x4  }
0x2c: {  	[tilespmem:s21], [sflag:$0x2] =	stream.indirect_vreg.gather [hbm4b:s1+s4], $0x80, v4, vm0, $0xb8;
	[tilespmem:$0x18200] =	vst v63  }
0x2d: {  	s22 =	simm.s32 $0x8A00;
	v3 =	vperm.xlane v3, v2  }
0x2e: {  	[tilespmem:s22], [sflag:$0x2] =	stream.indirect_vreg.gather [hbm4b:s6+s4], $0x80, v4, vm0, $0xb8;
	[tilespmem:$0x18200] =	vst v63  }
0x2f: {  	s23 =	simm.s32 $0x9200;
	v3 =	vadd.s32 v1, v3  }
0x30: {  	[tilespmem:s23], [sflag:$0x2] =	stream.indirect_vreg.gather [hbm4b:s7+s4], $0x80, v4, vm0, $0xb8;
	[tilespmem:$0x18200] =	vst v63  }
0x31: {  	s24 =	simm.s32 $0x9A00  }
0x32: {  	[tilespmem:s24], [sflag:$0x2] =	stream.indirect_vreg.gather [hbm4b:s8+s4], $0x80, v4, vm0, $0xb8;
	[tilespmem:$0x18200] =	vst v63  }
0x33: {  	s3 =	simm.s32 $0xA200  }
0x34: {  	[tilespmem:s3], [sflag:$0x2] =	stream.indirect_vreg.gather [hbm4b:s1+s4], $0x80, v3, vm0, $0xb8;
	[tilespmem:$0x18200] =	vst v63  }
0x35: {  	s5 =	simm.s32 $0xAA00  }
0x36: {  	[tilespmem:s5], [sflag:$0x2] =	stream.indirect_vreg.gather [hbm4b:s6+s4], $0x80, v3, vm0, $0xb8;
	[tilespmem:$0x18200] =	vst v63  }
0x37: {  	s15 =	simm.s32 $0xB200  }
0x38: {  	[tilespmem:s15], [sflag:$0x2] =	stream.indirect_vreg.gather [hbm4b:s7+s4], $0x80, v3, vm0, $0xb8;
	[tilespmem:$0x18200] =	vst v63  }
0x39: {  	s22 =	simm.s32 $0xBA00  }
0x3a: {  	[tilespmem:s22], [sflag:$0x2] =	stream.indirect_vreg.gather [hbm4b:s8+s4], $0x80, v3, vm0, $0xb8;
	[tilespmem:$0x18200] =	vst v63  }
0x3b: {  	v3 =	vld [tilespmem:$0x18];
	_ =	sdelay $0x4  }
0x3c: {  	v4 =	vshll.u32 v3, $0x3  }
0x3d: {  	v3 =	vand.u32 $0x7, v3;
	v4 =	vand.u32 $0xFFFFFFC0, v4  }
0x3e: {  	v3 =	vor.u32 v3, v4  }
0x3f: {  	v4 =	vperm.xlane v3, v0;
	_ =	sdelay $0x1  }
0x40: {  	v4 =	vadd.s32 v1, v4;
	_ =	sdelay $0x3  }
0x41: {  	s23 =	simm.s32 $0xC200  }
0x42: {  	[tilespmem:s23], [sflag:$0x2] =	stream.indirect_vreg.gather [hbm4b:s1+s4], $0x80, v4, vm0, $0xb8;
	[tilespmem:$0x18200] =	vst v63  }
0x43: {  	s24 =	simm.s32 $0xCA00;
	v3 =	vperm.xlane v3, v2  }
0x44: {  	[tilespmem:s24], [sflag:$0x2] =	stream.indirect_vreg.gather [hbm4b:s6+s4], $0x80, v4, vm0, $0xb8;
	[tilespmem:$0x18200] =	vst v63  }
0x45: {  	s3 =	simm.s32 $0xD200;
	v3 =	vadd.s32 v1, v3  }
0x46: {  	[tilespmem:s3], [sflag:$0x2] =	stream.indirect_vreg.gather [hbm4b:s7+s4], $0x80, v4, vm0, $0xb8;
	[tilespmem:$0x18200] =	vst v63  }
0x47: {  	s5 =	simm.s32 $0xDA00  }
0x48: {  	[tilespmem:s5], [sflag:$0x2] =	stream.indirect_vreg.gather [hbm4b:s8+s4], $0x80, v4, vm0, $0xb8;
	[tilespmem:$0x18200] =	vst v63  }
0x49: {  	s15 =	simm.s32 $0xE200  }
0x4a: {  	[tilespmem:s15], [sflag:$0x2] =	stream.indirect_vreg.gather [hbm4b:s1+s4], $0x80, v3, vm0, $0xb8;
	[tilespmem:$0x18200] =	vst v63  }
0x4b: {  	s22 =	simm.s32 $0xEA00  }
0x4c: {  	[tilespmem:s22], [sflag:$0x2] =	stream.indirect_vreg.gather [hbm4b:s6+s4], $0x80, v3, vm0, $0xb8;
	[tilespmem:$0x18200] =	vst v63  }
0x4d: {  	s23 =	simm.s32 $0xF200  }
0x4e: {  	[tilespmem:s23], [sflag:$0x2] =	stream.indirect_vreg.gather [hbm4b:s7+s4], $0x80, v3, vm0, $0xb8;
	[tilespmem:$0x18200] =	vst v63  }
0x4f: {  	s24 =	simm.s32 $0xFA00  }
0x50: {  	[tilespmem:s24], [sflag:$0x2] =	stream.indirect_vreg.gather [hbm4b:s8+s4], $0x80, v3, vm0, $0xb8;
	[tilespmem:$0x18200] =	vst v63  }
0x51: {  	_ =	swait.ge [sflag:s25], $0x2000  }
0x52: {  	[sflag:s25] =	ssyncset.done $0x0  }
0x53: {  	s30 =	simm.s32 $0x0;
	[sflag:s25] =	ssyncadd.s32 $0xFFFFE000  }
0x54: {  	v3 =	vld [tilespmem:s30+$0x200]  }
0x55: {  	v4 =	vld [tilespmem:s30+$0x210]  }
0x56: {  	v5 =	vld [tilespmem:s30+$0x220]  }
0x57: {  	v6 =	vld [tilespmem:s30+$0x230]  }
0x58: {  	v7 =	vld [tilespmem:s30+$0x240]  }
0x59: {  	v8 =	vld [tilespmem:s30+$0x250];
	v3 =	vmul.f32 $3.200000000e+01, v3  }
0x5a: {  	v9 =	vld [tilespmem:s30+$0x260];
	v4 =	vmul.f32 $3.200000000e+01, v4  }
0x5b: {  	v5 =	vmul.f32 $3.200000000e+01, v5;
	[tilespmem:s30+$0x200] =	vst v3;
	v3 =	vld [tilespmem:s30+$0x270]  }
0x5c: {  	v6 =	vmul.f32 $3.200000000e+01, v6;
	[tilespmem:s30+$0x210] =	vst v4;
	v4 =	vld [tilespmem:s30+$0x600]  }
0x5d: {  	v7 =	vmul.f32 $3.200000000e+01, v7;
	[tilespmem:s30+$0x220] =	vst v5;
	v5 =	vld [tilespmem:s30+$0x610]  }
0x5e: {  	v8 =	vmul.f32 $3.200000000e+01, v8;
	[tilespmem:s30+$0x230] =	vst v6;
	v6 =	vld [tilespmem:s30+$0x620]  }
0x5f: {  	v9 =	vmul.f32 $3.200000000e+01, v9;
	[tilespmem:s30+$0x240] =	vst v7;
	v7 =	vld [tilespmem:s30+$0x630]  }
0x60: {  	[tilespmem:s30+$0x250] =	vst v8;
	v8 =	vld [tilespmem:s30+$0x640];
	v3 =	vmul.f32 $3.200000000e+01, v3  }
0x61: {  	[tilespmem:s30+$0x260] =	vst v9;
	v9 =	vld [tilespmem:s30+$0x650];
	v4 =	vmul.f32 $3.200000000e+01, v4  }
0x62: {  	v5 =	vmul.f32 $3.200000000e+01, v5;
	[tilespmem:s30+$0x270] =	vst v3;
	v3 =	vld [tilespmem:s30+$0x660]  }
0x63: {  	v6 =	vmul.f32 $3.200000000e+01, v6;
	[tilespmem:s30+$0x600] =	vst v4;
	v4 =	vld [tilespmem:s30+$0x670]  }
0x64: {  	v7 =	vmul.f32 $3.200000000e+01, v7;
	[tilespmem:s30+$0x610] =	vst v5;
	v5 =	vld [tilespmem:s30+$0xA00]  }
0x65: {  	v8 =	vmul.f32 $3.200000000e+01, v8;
	[tilespmem:s30+$0x620] =	vst v6;
	v6 =	vld [tilespmem:s30+$0xA10]  }
0x66: {  	v9 =	vmul.f32 $3.200000000e+01, v9;
	[tilespmem:s30+$0x630] =	vst v7;
	v7 =	vld [tilespmem:s30+$0xA20]  }
0x67: {  	[tilespmem:s30+$0x640] =	vst v8;
	v8 =	vld [tilespmem:s30+$0xA30];
	v3 =	vmul.f32 $3.200000000e+01, v3  }
0x68: {  	[tilespmem:s30+$0x650] =	vst v9;
	v9 =	vld [tilespmem:s30+$0xA40];
	v4 =	vmul.f32 $3.200000000e+01, v4  }
0x69: {  	v5 =	vmul.f32 $3.200000000e+01, v5;
	[tilespmem:s30+$0x660] =	vst v3;
	v3 =	vld [tilespmem:s30+$0xA50]  }
0x6a: {  	v6 =	vmul.f32 $3.200000000e+01, v6;
	[tilespmem:s30+$0x670] =	vst v4;
	v4 =	vld [tilespmem:s30+$0xA60]  }
0x6b: {  	v7 =	vmul.f32 $3.200000000e+01, v7;
	[tilespmem:s30+$0xA00] =	vst v5;
	v5 =	vld [tilespmem:s30+$0xA70]  }
0x6c: {  	v8 =	vmul.f32 $3.200000000e+01, v8;
	[tilespmem:s30+$0xA10] =	vst v6;
	v6 =	vld [tilespmem:s30+$0xE00]  }
0x6d: {  	v9 =	vmul.f32 $3.200000000e+01, v9;
	[tilespmem:s30+$0xA20] =	vst v7;
	v7 =	vld [tilespmem:s30+$0xE10]  }
0x6e: {  	[tilespmem:s30+$0xA30] =	vst v8;
	v8 =	vld [tilespmem:s30+$0xE20];
	v3 =	vmul.f32 $3.200000000e+01, v3  }
0x6f: {  	[tilespmem:s30+$0xA40] =	vst v9;
	v9 =	vld [tilespmem:s30+$0xE30];
	v4 =	vmul.f32 $3.200000000e+01, v4  }
0x70: {  	v5 =	vmul.f32 $3.200000000e+01, v5;
	[tilespmem:s30+$0xA50] =	vst v3;
	v3 =	vld [tilespmem:s30+$0xE40]  }
0x71: {  	v6 =	vmul.f32 $3.200000000e+01, v6;
	[tilespmem:s30+$0xA60] =	vst v4;
	v4 =	vld [tilespmem:s30+$0xE50]  }
0x72: {  	v7 =	vmul.f32 $3.200000000e+01, v7;
	[tilespmem:s30+$0xA70] =	vst v5;
	v5 =	vld [tilespmem:s30+$0xE60]  }
0x73: {  	v8 =	vmul.f32 $3.200000000e+01, v8;
	[tilespmem:s30+$0xE00] =	vst v6;
	v6 =	vld [tilespmem:s30+$0xE70]  }
0x74: {  	v9 =	vmul.f32 $3.200000000e+01, v9;
	[tilespmem:s30+$0xE10] =	vst v7;
	v7 =	vld [tilespmem:s30+$0x1200]  }
0x75: {  	[tilespmem:s30+$0xE20] =	vst v8;
	v8 =	vld [tilespmem:s30+$0x1210];
	v3 =	vmul.f32 $3.200000000e+01, v3  }
0x76: {  	[tilespmem:s30+$0xE30] =	vst v9;
	v9 =	vld [tilespmem:s30+$0x1220];
	v4 =	vmul.f32 $3.200000000e+01, v4  }
0x77: {  	v5 =	vmul.f32 $3.200000000e+01, v5;
	[tilespmem:s30+$0xE40] =	vst v3;
	v3 =	vld [tilespmem:s30+$0x1230]  }
0x78: {  	v6 =	vmul.f32 $3.200000000e+01, v6;
	[tilespmem:s30+$0xE50] =	vst v4;
	v4 =	vld [tilespmem:s30+$0x1240]  }
0x79: {  	v7 =	vmul.f32 $3.200000000e+01, v7;
	[tilespmem:s30+$0xE60] =	vst v5;
	v5 =	vld [tilespmem:s30+$0x1250]  }
0x7a: {  	v8 =	vmul.f32 $3.200000000e+01, v8;
	[tilespmem:s30+$0xE70] =	vst v6;
	v6 =	vld [tilespmem:s30+$0x1260]  }
0x7b: {  	v9 =	vmul.f32 $3.200000000e+01, v9;
	[tilespmem:s30+$0x1200] =	vst v7;
	v7 =	vld [tilespmem:s30+$0x1270]  }
0x7c: {  	[tilespmem:s30+$0x1210] =	vst v8;
	v8 =	vld [tilespmem:s30+$0x1600];
	v3 =	vmul.f32 $3.200000000e+01, v3  }
0x7d: {  	[tilespmem:s30+$0x1220] =	vst v9;
	v9 =	vld [tilespmem:s30+$0x1610];
	v4 =	vmul.f32 $3.200000000e+01, v4  }
0x7e: {  	v5 =	vmul.f32 $3.200000000e+01, v5;
	[tilespmem:s30+$0x1230] =	vst v3;
	v3 =	vld [tilespmem:s30+$0x1620]  }
0x7f: {  	v6 =	vmul.f32 $3.200000000e+01, v6;
	[tilespmem:s30+$0x1240] =	vst v4;
	v4 =	vld [tilespmem:s30+$0x1630]  }
0x80: {  	v7 =	vmul.f32 $3.200000000e+01, v7;
	[tilespmem:s30+$0x1250] =	vst v5;
	v5 =	vld [tilespmem:s30+$0x1640]  }
0x81: {  	v8 =	vmul.f32 $3.200000000e+01, v8;
	[tilespmem:s30+$0x1260] =	vst v6;
	v6 =	vld [tilespmem:s30+$0x1650]  }
0x82: {  	v9 =	vmul.f32 $3.200000000e+01, v9;
	[tilespmem:s30+$0x1270] =	vst v7;
	v7 =	vld [tilespmem:s30+$0x1660]  }
0x83: {  	[tilespmem:s30+$0x1600] =	vst v8;
	v8 =	vld [tilespmem:s30+$0x1670];
	v3 =	vmul.f32 $3.200000000e+01, v3  }
0x84: {  	[tilespmem:s30+$0x1610] =	vst v9;
	v9 =	vld [tilespmem:s30+$0x1A00];
	v4 =	vmul.f32 $3.200000000e+01, v4  }
0x85: {  	v5 =	vmul.f32 $3.200000000e+01, v5;
	[tilespmem:s30+$0x1620] =	vst v3;
	v3 =	vld [tilespmem:s30+$0x1A10]  }
0x86: {  	v6 =	vmul.f32 $3.200000000e+01, v6;
	[tilespmem:s30+$0x1630] =	vst v4;
	v4 =	vld [tilespmem:s30+$0x1A20]  }
0x87: {  	v7 =	vmul.f32 $3.200000000e+01, v7;
	[tilespmem:s30+$0x1640] =	vst v5;
	v5 =	vld [tilespmem:s30+$0x1A30]  }
0x88: {  	v8 =	vmul.f32 $3.200000000e+01, v8;
	[tilespmem:s30+$0x1650] =	vst v6;
	v6 =	vld [tilespmem:s30+$0x1A40]  }
0x89: {  	v9 =	vmul.f32 $3.200000000e+01, v9;
	[tilespmem:s30+$0x1660] =	vst v7;
	v7 =	vld [tilespmem:s30+$0x1A50]  }
0x8a: {  	[tilespmem:s30+$0x1670] =	vst v8;
	v8 =	vld [tilespmem:s30+$0x1A60];
	v3 =	vmul.f32 $3.200000000e+01, v3  }
0x8b: {  	[tilespmem:s30+$0x1A00] =	vst v9;
	v9 =	vld [tilespmem:s30+$0x1A70];
	v4 =	vmul.f32 $3.200000000e+01, v4  }
0x8c: {  	v10 =	vld [tilespmem:s30+$0x1E00];
	[tilespmem:s30+$0x1A10] =	vst v3;
	v3 =	vmul.f32 $3.200000000e+01, v5  }
0x8d: {  	v11 =	vld [tilespmem:s30+$0x1E10];
	[tilespmem:s30+$0x1A20] =	vst v4;
	v5 =	vmul.f32 $3.200000000e+01, v6  }
0x8e: {  	v4 =	vld [tilespmem:s30+$0x1E20];
	v6 =	vmul.f32 $3.200000000e+01, v7;
	[tilespmem:s30+$0x1A30] =	vst v3  }
0x8f: {  	v7 =	vmul.f32 $3.200000000e+01, v8;
	[tilespmem:s30+$0x1A40] =	vst v5;
	v3 =	vld [tilespmem:s30+$0x1E30]  }
0x90: {  	v8 =	vmul.f32 $3.200000000e+01, v9;
	[tilespmem:s30+$0x1A50] =	vst v6;
	v5 =	vld [tilespmem:s30+$0x1E40]  }
0x91: {  	v9 =	vmul.f32 $3.200000000e+01, v10;
	[tilespmem:s30+$0x1A60] =	vst v7;
	v6 =	vld [tilespmem:s30+$0x1E50]  }
0x92: {  	s31 =	simm.s32 $0x200;
	[tilespmem:s30+$0x1A70] =	vst v8;
	v8 =	vmul.f32 $3.200000000e+01, v11;
	v7 =	vld [tilespmem:s30+$0x1E60]  }
.LBB2_2:
0x93: {  	s0 =	sshra.s32 s31, $0x2;
	p0 =	sne.s32 s31, $0xE00;
	[tilespmem:s30+$0x1E00] =	vst v9;
	v4 =	vmul.f32 $3.200000000e+01, v4;
	v9 =	vld [tilespmem:s30+$0x1E70]  }
0x94: {  	v10 =	vld [tilespmem:s0+$0x200];
	[tilespmem:s30+$0x1E10] =	vst v8;
	v3 =	vmul.f32 $3.200000000e+01, v3  }
0x95: {  	v8 =	vld [tilespmem:s0+$0x210];
	[tilespmem:s30+$0x1E20] =	vst v4;
	v4 =	vmul.f32 $3.200000000e+01, v5  }
0x96: {  	v5 =	vld [tilespmem:s0+$0x220];
	[tilespmem:s30+$0x1E30] =	vst v3;
	v3 =	vmul.f32 $3.200000000e+01, v6  }
0x97: {  	v6 =	vld [tilespmem:s0+$0x230];
	[tilespmem:s30+$0x1E40] =	vst v4;
	v4 =	vmul.f32 $3.200000000e+01, v7  }
0x98: {  	v7 =	vld [tilespmem:s0+$0x240];
	[tilespmem:s30+$0x1E50] =	vst v3;
	v3 =	vmul.f32 $3.200000000e+01, v9  }
0x99: {  	v9 =	vmul.f32 $3.200000000e+01, v10;
	v10 =	vld [tilespmem:s0+$0x250];
	[tilespmem:s30+$0x1E60] =	vst v4  }
0x9a: {  	v4 =	vmul.f32 $3.200000000e+01, v8;
	v8 =	vld [tilespmem:s0+$0x260];
	[tilespmem:s30+$0x1E70] =	vst v3;
	s30 =	smov.u32 s0  }
0x9b: {  	[tilespmem:s30+$0x200] =	vst v9;
	v3 =	vmul.f32 $3.200000000e+01, v5;
	v5 =	vld [tilespmem:s30+$0x270]  }
0x9c: {  	[tilespmem:s30+$0x210] =	vst v4;
	v4 =	vmul.f32 $3.200000000e+01, v6;
	v6 =	vld [tilespmem:s30+$0x600]  }
0x9d: {  	[tilespmem:s30+$0x220] =	vst v3;
	v3 =	vmul.f32 $3.200000000e+01, v7;
	v7 =	vld [tilespmem:s30+$0x610]  }
0x9e: {  	[tilespmem:s30+$0x230] =	vst v4;
	v4 =	vmul.f32 $3.200000000e+01, v10;
	v9 =	vld [tilespmem:s30+$0x620]  }
0x9f: {  	[tilespmem:s30+$0x240] =	vst v3;
	v3 =	vmul.f32 $3.200000000e+01, v8;
	v8 =	vld [tilespmem:s30+$0x630]  }
0xa0: {  	[tilespmem:s30+$0x250] =	vst v4;
	v4 =	vmul.f32 $3.200000000e+01, v5;
	v5 =	vld [tilespmem:s30+$0x640]  }
0xa1: {  	[tilespmem:s30+$0x260] =	vst v3;
	v3 =	vmul.f32 $3.200000000e+01, v6;
	v6 =	vld [tilespmem:s30+$0x650]  }
0xa2: {  	[tilespmem:s30+$0x270] =	vst v4;
	v4 =	vmul.f32 $3.200000000e+01, v7;
	v7 =	vld [tilespmem:s30+$0x660]  }
0xa3: {  	[tilespmem:s30+$0x600] =	vst v3;
	v3 =	vmul.f32 $3.200000000e+01, v9;
	v9 =	vld [tilespmem:s30+$0x670]  }
0xa4: {  	[tilespmem:s30+$0x610] =	vst v4;
	v4 =	vmul.f32 $3.200000000e+01, v8;
	v8 =	vld [tilespmem:s30+$0xA00]  }
0xa5: {  	[tilespmem:s30+$0x620] =	vst v3;
	v3 =	vmul.f32 $3.200000000e+01, v5;
	v5 =	vld [tilespmem:s30+$0xA10]  }
0xa6: {  	[tilespmem:s30+$0x630] =	vst v4;
	v4 =	vmul.f32 $3.200000000e+01, v6;
	v6 =	vld [tilespmem:s30+$0xA20]  }
0xa7: {  	[tilespmem:s30+$0x640] =	vst v3;
	v3 =	vmul.f32 $3.200000000e+01, v7;
	v7 =	vld [tilespmem:s30+$0xA30]  }
0xa8: {  	[tilespmem:s30+$0x650] =	vst v4;
	v4 =	vmul.f32 $3.200000000e+01, v9;
	v9 =	vld [tilespmem:s30+$0xA40]  }
0xa9: {  	[tilespmem:s30+$0x660] =	vst v3;
	v3 =	vmul.f32 $3.200000000e+01, v8;
	v8 =	vld [tilespmem:s30+$0xA50]  }
0xaa: {  	[tilespmem:s30+$0x670] =	vst v4;
	v4 =	vmul.f32 $3.200000000e+01, v5;
	v5 =	vld [tilespmem:s30+$0xA60]  }
0xab: {  	[tilespmem:s30+$0xA00] =	vst v3;
	v3 =	vmul.f32 $3.200000000e+01, v6;
	v6 =	vld [tilespmem:s30+$0xA70]  }
0xac: {  	[tilespmem:s30+$0xA10] =	vst v4;
	v4 =	vmul.f32 $3.200000000e+01, v7;
	v7 =	vld [tilespmem:s30+$0xE00]  }
0xad: {  	[tilespmem:s30+$0xA20] =	vst v3;
	v3 =	vmul.f32 $3.200000000e+01, v9;
	v9 =	vld [tilespmem:s30+$0xE10]  }
0xae: {  	[tilespmem:s30+$0xA30] =	vst v4;
	v4 =	vmul.f32 $3.200000000e+01, v8;
	v8 =	vld [tilespmem:s30+$0xE20]  }
0xaf: {  	[tilespmem:s30+$0xA40] =	vst v3;
	v3 =	vmul.f32 $3.200000000e+01, v5;
	v5 =	vld [tilespmem:s30+$0xE30]  }
0xb0: {  	[tilespmem:s30+$0xA50] =	vst v4;
	v4 =	vmul.f32 $3.200000000e+01, v6;
	v6 =	vld [tilespmem:s30+$0xE40]  }
0xb1: {  	[tilespmem:s30+$0xA60] =	vst v3;
	v3 =	vmul.f32 $3.200000000e+01, v7;
	v7 =	vld [tilespmem:s30+$0xE50]  }
0xb2: {  	[tilespmem:s30+$0xA70] =	vst v4;
	v4 =	vmul.f32 $3.200000000e+01, v9;
	v9 =	vld [tilespmem:s30+$0xE60]  }
0xb3: {  	[tilespmem:s30+$0xE00] =	vst v3;
	v3 =	vmul.f32 $3.200000000e+01, v8;
	v8 =	vld [tilespmem:s30+$0xE70]  }
0xb4: {  	[tilespmem:s30+$0xE10] =	vst v4;
	v4 =	vmul.f32 $3.200000000e+01, v5;
	v5 =	vld [tilespmem:s30+$0x1200]  }
0xb5: {  	[tilespmem:s30+$0xE20] =	vst v3;
	v3 =	vmul.f32 $3.200000000e+01, v6;
	v6 =	vld [tilespmem:s30+$0x1210]  }
0xb6: {  	[tilespmem:s30+$0xE30] =	vst v4;
	v4 =	vmul.f32 $3.200000000e+01, v7;
	v7 =	vld [tilespmem:s30+$0x1220]  }
0xb7: {  	[tilespmem:s30+$0xE40] =	vst v3;
	v3 =	vmul.f32 $3.200000000e+01, v9;
	v9 =	vld [tilespmem:s30+$0x1230]  }
0xb8: {  	[tilespmem:s30+$0xE50] =	vst v4;
	v4 =	vmul.f32 $3.200000000e+01, v8;
	v8 =	vld [tilespmem:s30+$0x1240]  }
0xb9: {  	[tilespmem:s30+$0xE60] =	vst v3;
	v3 =	vmul.f32 $3.200000000e+01, v5;
	v5 =	vld [tilespmem:s30+$0x1250]  }
0xba: {  	[tilespmem:s30+$0xE70] =	vst v4;
	v4 =	vmul.f32 $3.200000000e+01, v6;
	v6 =	vld [tilespmem:s30+$0x1260]  }
0xbb: {  	[tilespmem:s30+$0x1200] =	vst v3;
	v3 =	vmul.f32 $3.200000000e+01, v7;
	v7 =	vld [tilespmem:s30+$0x1270]  }
0xbc: {  	[tilespmem:s30+$0x1210] =	vst v4;
	v4 =	vmul.f32 $3.200000000e+01, v9;
	v9 =	vld [tilespmem:s30+$0x1600]  }
0xbd: {  	[tilespmem:s30+$0x1220] =	vst v3;
	v3 =	vmul.f32 $3.200000000e+01, v8;
	v8 =	vld [tilespmem:s30+$0x1610]  }
0xbe: {  	[tilespmem:s30+$0x1230] =	vst v4;
	v4 =	vmul.f32 $3.200000000e+01, v5;
	v5 =	vld [tilespmem:s30+$0x1620]  }
0xbf: {  	[tilespmem:s30+$0x1240] =	vst v3;
	v3 =	vmul.f32 $3.200000000e+01, v6;
	v6 =	vld [tilespmem:s30+$0x1630]  }
0xc0: {  	[tilespmem:s30+$0x1250] =	vst v4;
	v4 =	vmul.f32 $3.200000000e+01, v7;
	v7 =	vld [tilespmem:s30+$0x1640]  }
0xc1: {  	[tilespmem:s30+$0x1260] =	vst v3;
	v3 =	vmul.f32 $3.200000000e+01, v9;
	v9 =	vld [tilespmem:s30+$0x1650]  }
0xc2: {  	[tilespmem:s30+$0x1270] =	vst v4;
	v4 =	vmul.f32 $3.200000000e+01, v8;
	v8 =	vld [tilespmem:s30+$0x1660]  }
0xc3: {  	[tilespmem:s30+$0x1600] =	vst v3;
	v3 =	vmul.f32 $3.200000000e+01, v5;
	v5 =	vld [tilespmem:s30+$0x1670]  }
0xc4: {  	[tilespmem:s30+$0x1610] =	vst v4;
	v4 =	vmul.f32 $3.200000000e+01, v6;
	v6 =	vld [tilespmem:s30+$0x1A00]  }
0xc5: {  	[tilespmem:s30+$0x1620] =	vst v3;
	v3 =	vmul.f32 $3.200000000e+01, v7;
	v7 =	vld [tilespmem:s30+$0x1A10]  }
0xc6: {  	[tilespmem:s30+$0x1630] =	vst v4;
	v4 =	vmul.f32 $3.200000000e+01, v9;
	v9 =	vld [tilespmem:s30+$0x1A20]  }
0xc7: {  	[tilespmem:s30+$0x1640] =	vst v3;
	v3 =	vmul.f32 $3.200000000e+01, v8;
	v8 =	vld [tilespmem:s30+$0x1A30]  }
0xc8: {  	[tilespmem:s30+$0x1650] =	vst v4;
	v4 =	vmul.f32 $3.200000000e+01, v5;
	v5 =	vld [tilespmem:s30+$0x1A40]  }
0xc9: {  	[tilespmem:s30+$0x1660] =	vst v3;
	v3 =	vmul.f32 $3.200000000e+01, v6;
	v6 =	vld [tilespmem:s30+$0x1A50]  }
0xca: {  	[tilespmem:s30+$0x1670] =	vst v4;
	v4 =	vmul.f32 $3.200000000e+01, v7;
	v7 =	vld [tilespmem:s30+$0x1A60]  }
0xcb: {  	[tilespmem:s30+$0x1A00] =	vst v3;
	v3 =	vmul.f32 $3.200000000e+01, v9;
	v9 =	vld [tilespmem:s30+$0x1A70]  }
0xcc: {  	[tilespmem:s30+$0x1A10] =	vst v4;
	v4 =	vmul.f32 $3.200000000e+01, v8;
	v8 =	vld [tilespmem:s30+$0x1E00]  }
0xcd: {  	[tilespmem:s30+$0x1A20] =	vst v3;
	v3 =	vmul.f32 $3.200000000e+01, v5;
	v10 =	vld [tilespmem:s30+$0x1E10]  }
.Ltmp0:
0xce: {  	[tilespmem:s30+$0x1A30] =	vst v4;
	v5 =	vmul.f32 $3.200000000e+01, v6;
	v4 =	vld [tilespmem:s30+$0x1E20];
	(pc) =	sbr.rel @p0 .LBB2_2-.Ltmp0, $4  }
0xcf: {  	[tilespmem:s30+$0x1A40] =	vst v3;
	v6 =	vmul.f32 $3.200000000e+01, v7;
	v3 =	vld [tilespmem:s30+$0x1E30]  }
0xd0: {  	[tilespmem:s30+$0x1A50] =	vst v5;
	v7 =	vmul.f32 $3.200000000e+01, v9;
	v5 =	vld [tilespmem:s30+$0x1E40]  }
0xd1: {  	[tilespmem:s30+$0x1A60] =	vst v6;
	v9 =	vmul.f32 $3.200000000e+01, v8;
	v6 =	vld [tilespmem:s30+$0x1E50]  }
0xd2: {  	s31 =	sadd.s32 $0x200, s31;
	[tilespmem:s30+$0x1A70] =	vst v7;
	v8 =	vmul.f32 $3.200000000e+01, v10;
	v7 =	vld [tilespmem:s30+$0x1E60]  }
0xd3: {  	[tilespmem:s30+$0x1E00] =	vst v9;
	v4 =	vmul.f32 $3.200000000e+01, v4;
	v59 =	vld [tilespmem:s30+$0x1E70]  }
0xd4: {  	[tilespmem:s30+$0x1E10] =	vst v8;
	v3 =	vmul.f32 $3.200000000e+01, v3  }
0xd5: {  	[tilespmem:s30+$0x1E20] =	vst v4;
	v60 =	vmul.f32 $3.200000000e+01, v5  }
0xd6: {  	[tilespmem:s30+$0x1E30] =	vst v3;
	v3 =	vmul.f32 $3.200000000e+01, v6  }
0xd7: {  	[tilespmem:s30+$0x1E40] =	vst v60;
	v61 =	vmul.f32 $3.200000000e+01, v7  }
0xd8: {  	[tilespmem:s30+$0x1E50] =	vst v3;
	v3 =	vmul.f32 $3.200000000e+01, v59  }
0xd9: {  	[tilespmem:s30+$0x1E60] =	vst v61  }
0xda: {  	s0 =	rddreg [dreg:$0x5];
	[tilespmem:s30+$0x1E70] =	vst v3;
	s30 =	simm.s32 $0x0  }
0xdb: {  	[hbm4b:s0+s30] =	stream.linear.scatter [tilespmem:s16], [sflag:$0x4], $0x2000, $0x38;
	[tilespmem:$0x18200] =	vst v63  }
0xdc: {  	v3 =	vld [tilespmem:$0x28];
	_ =	sdelay $0x4  }
0xdd: {  	v62 =	vshll.u32 v3, $0x3  }
0xde: {  	v3 =	vand.u32 $0x7, v3;
	v4 =	vand.u32 $0xFFFFFFC0, v62  }
0xdf: {  	v3 =	vor.u32 v3, v4  }
0xe0: {  	v4 =	vperm.xlane v3, v0;
	_ =	sdelay $0x1  }
0xe1: {  	v4 =	vadd.s32 v1, v4;
	_ =	sdelay $0x4  }
0xe2: {  	[tilespmem:s26], [sflag:$0x3] =	stream.indirect_vreg.gather [hbm4b:s1+s30], $0x80, v4, vm0, $0xb8;
	[tilespmem:$0x18200] =	vst v63  }
0xe3: {  	s31 =	simm.s32 $0x10A00;
	v3 =	vperm.xlane v3, v2  }
0xe4: {  	[tilespmem:s31], [sflag:$0x3] =	stream.indirect_vreg.gather [hbm4b:s6+s30], $0x80, v4, vm0, $0xb8;
	[tilespmem:$0x18200] =	vst v63  }
0xe5: {  	s3 =	simm.s32 $0x11200;
	v3 =	vadd.s32 v1, v3  }
0xe6: {  	[tilespmem:s3], [sflag:$0x3] =	stream.indirect_vreg.gather [hbm4b:s7+s30], $0x80, v4, vm0, $0xb8;
	[tilespmem:$0x18200] =	vst v63  }
0xe7: {  	s5 =	simm.s32 $0x11A00  }
0xe8: {  	[tilespmem:s5], [sflag:$0x3] =	stream.indirect_vreg.gather [hbm4b:s8+s30], $0x80, v4, vm0, $0xb8;
	[tilespmem:$0x18200] =	vst v63  }
0xe9: {  	s15 =	simm.s32 $0x12200  }
0xea: {  	[tilespmem:s15], [sflag:$0x3] =	stream.indirect_vreg.gather [hbm4b:s1+s30], $0x80, v3, vm0, $0xb8;
	[tilespmem:$0x18200] =	vst v63  }
0xeb: {  	s22 =	simm.s32 $0x12A00  }
0xec: {  	[tilespmem:s22], [sflag:$0x3] =	stream.indirect_vreg.gather [hbm4b:s6+s30], $0x80, v3, vm0, $0xb8;
	[tilespmem:$0x18200] =	vst v63  }
0xed: {  	s23 =	simm.s32 $0x13200  }
0xee: {  	[tilespmem:s23], [sflag:$0x3] =	stream.indirect_vreg.gather [hbm4b:s7+s30], $0x80, v3, vm0, $0xb8;
	[tilespmem:$0x18200] =	vst v63  }
0xef: {  	s24 =	simm.s32 $0x13A00  }
0xf0: {  	[tilespmem:s24], [sflag:$0x3] =	stream.indirect_vreg.gather [hbm4b:s8+s30], $0x80, v3, vm0, $0xb8;
	[tilespmem:$0x18200] =	vst v63  }
0xf1: {  	v3 =	vld [tilespmem:$0x38];
	_ =	sdelay $0x4  }
0xf2: {  	v63 =	vshll.u32 v3, $0x3  }
0xf3: {  	v3 =	vand.u32 $0x7, v3;
	v4 =	vand.u32 $0xFFFFFFC0, v63  }
0xf4: {  	v3 =	vor.u32 v3, v4  }
0xf5: {  	v4 =	vperm.xlane v3, v0;
	_ =	sdelay $0x1  }
0xf6: {  	v4 =	vadd.s32 v1, v4;
	_ =	sdelay $0x3  }
0xf7: {  	s31 =	simm.s32 $0x14200  }
0xf8: {  	[tilespmem:s31], [sflag:$0x3] =	stream.indirect_vreg.gather [hbm4b:s1+s30], $0x80, v4, vm0, $0xb8;
	[tilespmem:$0x18200] =	vst v63  }
0xf9: {  	s3 =	simm.s32 $0x14A00;
	v3 =	vperm.xlane v3, v2  }
0xfa: {  	[tilespmem:s3], [sflag:$0x3] =	stream.indirect_vreg.gather [hbm4b:s6+s30], $0x80, v4, vm0, $0xb8;
	[tilespmem:$0x18200] =	vst v63  }
0xfb: {  	s5 =	simm.s32 $0x15200;
	v3 =	vadd.s32 v1, v3  }
0xfc: {  	[tilespmem:s5], [sflag:$0x3] =	stream.indirect_vreg.gather [hbm4b:s7+s30], $0x80, v4, vm0, $0xb8;
	[tilespmem:$0x18200] =	vst v63  }
0xfd: {  	s15 =	simm.s32 $0x15A00  }
0xfe: {  	[tilespmem:s15], [sflag:$0x3] =	stream.indirect_vreg.gather [hbm4b:s8+s30], $0x80, v4, vm0, $0xb8;
	[tilespmem:$0x18200] =	vst v63  }
0xff: {  	s22 =	simm.s32 $0x16200  }
0x100: {  	[tilespmem:s22], [sflag:$0x3] =	stream.indirect_vreg.gather [hbm4b:s1+s30], $0x80, v3, vm0, $0xb8;
	[tilespmem:$0x18200] =	vst v63  }
0x101: {  	s23 =	simm.s32 $0x16A00  }
0x102: {  	[tilespmem:s23], [sflag:$0x3] =	stream.indirect_vreg.gather [hbm4b:s6+s30], $0x80, v3, vm0, $0xb8;
	[tilespmem:$0x18200] =	vst v63  }
0x103: {  	s24 =	simm.s32 $0x17200  }
0x104: {  	[tilespmem:s24], [sflag:$0x3] =	stream.indirect_vreg.gather [hbm4b:s7+s30], $0x80, v3, vm0, $0xb8;
	[tilespmem:$0x18200] =	vst v63  }
0x105: {  	s31 =	simm.s32 $0x17A00  }
0x106: {  	[tilespmem:s31], [sflag:$0x3] =	stream.indirect_vreg.gather [hbm4b:s8+s30], $0x80, v3, vm0, $0xb8;
	[tilespmem:$0x18200] =	vst v63  }
.LBB2_4:
0x107: {  	_ =	swait.ge [sflag:s28], $0x8000  }
0x108: {  	s0 =	simm.s32 $0xFFFF8000;
	s3 =	simm.s32 $0x0;
	[sflag:s28] =	ssyncset.done $0x0  }
0x109: {  	s15 =	simm.s32 $0x0;
	s22 =	simm.s32 $0x0;
	[sflag:s28] =	ssyncadd.s32 $0xFFFF8000  }
.LBB2_5:
0x10a: {  	s23 =	sadd.s32 $0x8000, s0  }
0x10b: {  	s31 =	sand.u32 $0x380, s22;
	s23 =	sand.u32 $0x6000, s23  }
0x10c: {  	s31 =	sor.u32 s31, s23  }
0x10d: {  	v3 =	vld [tilespmem:s31+$0x8200]  }
0x10e: {  	v4 =	vld [tilespmem:s31+$0x8210]  }
0x10f: {  	v6 =	vld [tilespmem:s31+$0x8230]  }
0x110: {  	v8 =	vld [tilespmem:s31+$0x8260]  }
0x111: {  	v5 =	vld [tilespmem:s31+$0x8220]  }
0x112: {  	v43 =	vld [tilespmem:s31+$0x8600];
	v3 =	vmul.f32 $3.200000000e+01, v3  }
0x113: {  	v7 =	vld [tilespmem:s31+$0x8250];
	v4 =	vmul.f32 $3.200000000e+01, v4  }
0x114: {  	v46 =	vld [tilespmem:s31+$0x8620];
	v44 =	vmul.f32 $3.200000000e+01, v6;
	[tilespmem:s31+$0x8200] =	vst v3  }
0x115: {  	v9 =	vld [tilespmem:s31+$0x8270];
	v47 =	vmul.f32 $3.200000000e+01, v8;
	[tilespmem:s31+$0x8210] =	vst v4  }
0x116: {  	v49 =	vld [tilespmem:s31+$0x8650];
	v3 =	vmul.f32 $3.200000000e+01, v5;
	[tilespmem:s31+$0x8230] =	vst v44  }
0x117: {  	v45 =	vld [tilespmem:s31+$0x8610];
	v50 =	vmul.f32 $3.200000000e+01, v43;
	[tilespmem:s31+$0x8260] =	vst v47  }
0x118: {  	v52 =	vld [tilespmem:s31+$0x8670];
	[tilespmem:s31+$0x8220] =	vst v3;
	v3 =	vmul.f32 $3.200000000e+01, v7  }
0x119: {  	v48 =	vld [tilespmem:s31+$0x8630];
	v53 =	vmul.f32 $3.200000000e+01, v46;
	[tilespmem:s31+$0x8600] =	vst v50  }
0x11a: {  	v55 =	vld [tilespmem:s31+$0x8A10];
	[tilespmem:s31+$0x8250] =	vst v3;
	v3 =	vmul.f32 $3.200000000e+01, v9  }
0x11b: {  	v51 =	vld [tilespmem:s31+$0x8660];
	v56 =	vmul.f32 $3.200000000e+01, v49;
	[tilespmem:s31+$0x8620] =	vst v53  }
0x11c: {  	v58 =	vld [tilespmem:s31+$0x8A30];
	[tilespmem:s31+$0x8270] =	vst v3;
	v3 =	vmul.f32 $3.200000000e+01, v45  }
0x11d: {  	v54 =	vld [tilespmem:s31+$0x8A00];
	v59 =	vmul.f32 $3.200000000e+01, v52;
	[tilespmem:s31+$0x8650] =	vst v56  }
0x11e: {  	v61 =	vld [tilespmem:s31+$0x8A60];
	[tilespmem:s31+$0x8610] =	vst v3;
	v3 =	vmul.f32 $3.200000000e+01, v48  }
0x11f: {  	v57 =	vld [tilespmem:s31+$0x8A20];
	v62 =	vmul.f32 $3.200000000e+01, v55;
	[tilespmem:s31+$0x8670] =	vst v59  }
0x120: {  	v12 =	vld [tilespmem:s31+$0x8E00];
	[tilespmem:s31+$0x8630] =	vst v3;
	v3 =	vmul.f32 $3.200000000e+01, v51  }
0x121: {  	v60 =	vld [tilespmem:s31+$0x8A50];
	v13 =	vmul.f32 $3.200000000e+01, v58;
	[tilespmem:s31+$0x8A10] =	vst v62  }
0x122: {  	v15 =	vld [tilespmem:s31+$0x8E20];
	[tilespmem:s31+$0x8660] =	vst v3;
	v3 =	vmul.f32 $3.200000000e+01, v54  }
0x123: {  	v63 =	vld [tilespmem:s31+$0x8A70];
	v16 =	vmul.f32 $3.200000000e+01, v61;
	[tilespmem:s31+$0x8A30] =	vst v13  }
0x124: {  	v18 =	vld [tilespmem:s31+$0x8E50];
	[tilespmem:s31+$0x8A00] =	vst v3;
	v3 =	vmul.f32 $3.200000000e+01, v57  }
0x125: {  	v14 =	vld [tilespmem:s31+$0x8E10];
	v19 =	vmul.f32 $3.200000000e+01, v12;
	[tilespmem:s31+$0x8A60] =	vst v16  }
0x126: {  	v21 =	vld [tilespmem:s31+$0x8E70];
	[tilespmem:s31+$0x8A20] =	vst v3;
	v3 =	vmul.f32 $3.200000000e+01, v60  }
0x127: {  	v17 =	vld [tilespmem:s31+$0x8E30];
	v22 =	vmul.f32 $3.200000000e+01, v15;
	[tilespmem:s31+$0x8E00] =	vst v19  }
0x128: {  	v24 =	vld [tilespmem:s31+$0x9210];
	[tilespmem:s31+$0x8A50] =	vst v3;
	v3 =	vmul.f32 $3.200000000e+01, v63  }
0x129: {  	v20 =	vld [tilespmem:s31+$0x8E60];
	v25 =	vmul.f32 $3.200000000e+01, v18;
	[tilespmem:s31+$0x8E20] =	vst v22  }
0x12a: {  	v27 =	vld [tilespmem:s31+$0x9230];
	[tilespmem:s31+$0x8A70] =	vst v3;
	v3 =	vmul.f32 $3.200000000e+01, v14  }
0x12b: {  	v23 =	vld [tilespmem:s31+$0x9200];
	v28 =	vmul.f32 $3.200000000e+01, v21;
	[tilespmem:s31+$0x8E50] =	vst v25  }
0x12c: {  	v30 =	vld [tilespmem:s31+$0x9260];
	[tilespmem:s31+$0x8E10] =	vst v3;
	v3 =	vmul.f32 $3.200000000e+01, v17  }
0x12d: {  	v26 =	vld [tilespmem:s31+$0x9220];
	v31 =	vmul.f32 $3.200000000e+01, v24;
	[tilespmem:s31+$0x8E70] =	vst v28  }
0x12e: {  	v33 =	vld [tilespmem:s31+$0x9600];
	[tilespmem:s31+$0x8E30] =	vst v3;
	v3 =	vmul.f32 $3.200000000e+01, v20  }
0x12f: {  	v29 =	vld [tilespmem:s31+$0x9250];
	v34 =	vmul.f32 $3.200000000e+01, v27;
	[tilespmem:s31+$0x9210] =	vst v31  }
0x130: {  	v36 =	vld [tilespmem:s31+$0x9620];
	[tilespmem:s31+$0x8E60] =	vst v3;
	v3 =	vmul.f32 $3.200000000e+01, v23  }
0x131: {  	v32 =	vld [tilespmem:s31+$0x9270];
	v37 =	vmul.f32 $3.200000000e+01, v30;
	[tilespmem:s31+$0x9230] =	vst v34  }
0x132: {  	v39 =	vld [tilespmem:s31+$0x9650];
	[tilespmem:s31+$0x9200] =	vst v3;
	v3 =	vmul.f32 $3.200000000e+01, v26  }
0x133: {  	v35 =	vld [tilespmem:s31+$0x9610];
	v40 =	vmul.f32 $3.200000000e+01, v33;
	[tilespmem:s31+$0x9260] =	vst v37  }
0x134: {  	v42 =	vld [tilespmem:s31+$0x9670];
	[tilespmem:s31+$0x9220] =	vst v3;
	v3 =	vmul.f32 $3.200000000e+01, v29  }
0x135: {  	v38 =	vld [tilespmem:s31+$0x9630];
	v43 =	vmul.f32 $3.200000000e+01, v36;
	[tilespmem:s31+$0x9600] =	vst v40  }
0x136: {  	v47 =	vld [tilespmem:s31+$0x9A20];
	[tilespmem:s31+$0x9250] =	vst v3;
	v3 =	vmul.f32 $3.200000000e+01, v32  }
0x137: {  	v41 =	vld [tilespmem:s31+$0x9660];
	v46 =	vmul.f32 $3.200000000e+01, v39;
	[tilespmem:s31+$0x9620] =	vst v43  }
0x138: {  	v50 =	vld [tilespmem:s31+$0x9A50];
	[tilespmem:s31+$0x9270] =	vst v3;
	v3 =	vmul.f32 $3.200000000e+01, v35  }
0x139: {  	v49 =	vmul.f32 $3.200000000e+01, v42;
	v44 =	vld [tilespmem:s31+$0x9A00];
	[tilespmem:s31+$0x9650] =	vst v46  }
0x13a: {  	v53 =	vld [tilespmem:s31+$0x9A70];
	[tilespmem:s31+$0x9610] =	vst v3;
	v3 =	vmul.f32 $3.200000000e+01, v38  }
0x13b: {  	[tilespmem:s31+$0x9670] =	vst v49;
	v7 =	vmul.f32 $3.200000000e+01, v47;
	v45 =	vld [tilespmem:s31+$0x9A10]  }
0x13c: {  	v48 =	vld [tilespmem:s31+$0x9A30];
	[tilespmem:s31+$0x9630] =	vst v3;
	v3 =	vmul.f32 $3.200000000e+01, v41  }
0x13d: {  	v9 =	vmul.f32 $3.200000000e+01, v50;
	[tilespmem:s31+$0x9A20] =	vst v7;
	v51 =	vld [tilespmem:s31+$0x9A60]  }
0x13e: {  	[tilespmem:s31+$0x9660] =	vst v3;
	v3 =	vmul.f32 $3.200000000e+01, v44  }
0x13f: {  	v58 =	vld [tilespmem:s31+$0x9640];
	v6 =	vmul.f32 $3.200000000e+01, v53;
	[tilespmem:s31+$0x9A50] =	vst v9  }
0x140: {  	v52 =	vmul.f32 $3.200000000e+01, v45;
	[tilespmem:s31+$0x9A00] =	vst v3;
	v3 =	vld [tilespmem:s31+$0x8240]  }
0x141: {  	s24 =	sand.u32 $0x7, s3;
	v56 =	vld [tilespmem:s31+$0x8E40];
	[tilespmem:s31+$0x9A70] =	vst v6;
	v8 =	vmul.f32 $3.200000000e+01, v48  }
0x142: {  	s23 =	sshll.u32 s24, $0x7;
	v55 =	vld [tilespmem:s31+$0x8A40];
	[tilespmem:s31+$0x9A10] =	vst v52;
	v5 =	vmul.f32 $3.200000000e+01, v51  }
0x143: {  	s23 =	sadd.s32 s23, s15;
	v54 =	vld [tilespmem:s31+$0x8640];
	[tilespmem:s31+$0x9A30] =	vst v8  }
0x144: {  	s24 =	sor.u32 $0x1C00, s23;
	v62 =	vmul.f32 $3.200000000e+01, v58;
	v57 =	vld [tilespmem:s31+$0x9240];
	[tilespmem:s31+$0x9A60] =	vst v5  }
0x145: {  	v60 =	vld [tilespmem:s24+$0x8200];
	v3 =	vmul.f32 $3.200000000e+01, v3  }
0x146: {  	v59 =	vld [tilespmem:s31+$0x9A40];
	v61 =	vmul.f32 $3.200000000e+01, v56;
	[tilespmem:s31+$0x9640] =	vst v62  }
0x147: {  	[tilespmem:s31+$0x8240] =	vst v3;
	v3 =	vmul.f32 $3.200000000e+01, v55  }
0x148: {  	[tilespmem:s31+$0x8E40] =	vst v61;
	v4 =	vmul.f32 $3.200000000e+01, v54  }
0x149: {  	[tilespmem:s31+$0x8A40] =	vst v3;
	v3 =	vmul.f32 $3.200000000e+01, v57  }
0x14a: {  	[tilespmem:s31+$0x8640] =	vst v4;
	v63 =	vmul.f32 $3.200000000e+01, v60  }
0x14b: {  	[tilespmem:s31+$0x9240] =	vst v3;
	v3 =	vmul.f32 $3.200000000e+01, v59  }
0x14c: {  	[tilespmem:s24+$0x8200] =	vst v63  }
0x14d: {  	s5 =	sor.u32 $0x1C10, s23;
	[tilespmem:s31+$0x9A40] =	vst v3  }
0x14e: {  	v3 =	vld [tilespmem:s5+$0x8200];
	_ =	sdelay $0x4  }
0x14f: {  	v3 =	vmul.f32 $3.200000000e+01, v3;
	_ =	sdelay $0x1  }
0x150: {  	s31 =	sor.u32 $0x1C20, s23;
	[tilespmem:s5+$0x8200] =	vst v3  }
0x151: {  	v3 =	vld [tilespmem:s31+$0x8200];
	_ =	sdelay $0x4  }
0x152: {  	v3 =	vmul.f32 $3.200000000e+01, v3;
	_ =	sdelay $0x1  }
0x153: {  	s5 =	sor.u32 $0x1C30, s23;
	[tilespmem:s31+$0x8200] =	vst v3  }
0x154: {  	v3 =	vld [tilespmem:s5+$0x8200];
	_ =	sdelay $0x4  }
0x155: {  	v3 =	vmul.f32 $3.200000000e+01, v3;
	_ =	sdelay $0x1  }
0x156: {  	s31 =	sor.u32 $0x1C40, s23;
	[tilespmem:s5+$0x8200] =	vst v3  }
0x157: {  	v3 =	vld [tilespmem:s31+$0x8200];
	_ =	sdelay $0x4  }
0x158: {  	v3 =	vmul.f32 $3.200000000e+01, v3;
	_ =	sdelay $0x1  }
0x159: {  	s5 =	sor.u32 $0x1C50, s23;
	[tilespmem:s31+$0x8200] =	vst v3  }
0x15a: {  	v3 =	vld [tilespmem:s5+$0x8200];
	_ =	sdelay $0x4  }
0x15b: {  	v3 =	vmul.f32 $3.200000000e+01, v3;
	_ =	sdelay $0x1  }
0x15c: {  	s31 =	sor.u32 $0x1C60, s23;
	[tilespmem:s5+$0x8200] =	vst v3  }
0x15d: {  	v3 =	vld [tilespmem:s31+$0x8200];
	_ =	sdelay $0x4  }
0x15e: {  	v3 =	vmul.f32 $3.200000000e+01, v3;
	_ =	sdelay $0x1  }
0x15f: {  	s23 =	sor.u32 $0x1C70, s23;
	[tilespmem:s31+$0x8200] =	vst v3  }
0x160: {  	v3 =	vld [tilespmem:s23+$0x8200];
	_ =	sdelay $0x1  }
0x161: {  	p0 =	sne.s32 s22, $0xF80  }
.Ltmp1:
0x162: {  	_ = 	snop;
	(pc) =	sbr.rel @p0 .LBB2_5-.Ltmp1, $4  }
0x163: {  	_ = 	snop  }
0x164: {  	v3 =	vmul.f32 $3.200000000e+01, v3  }
0x165: {  	s3 =	sadd.s32 $0x1, s3  }
0x166: {  	s0 =	sadd.s32 $0x400, s0;
	s22 =	sadd.s32 $0x80, s22;
	s15 =	sadd.s32 $0x400, s15;
	[tilespmem:s23+$0x8200] =	vst v3  }
0x167: {  	s31 =	smul.u32 $0x60, s30;
	_ =	sdelay $0x1  }
0x168: {  	s0 =	sadd.s32 s31, s10  }
0x169: {  	s0 =	sshll.u32 s0, $0x7  }
0x16a: {  	p0 =	sne.s32 s30, $0x0;
	s0 =	sadd.s32 s2, s0  }
0x16b: {  	[hbm4b:s0+s4] =	stream.linear.scatter [tilespmem:s21], [sflag:$0x5], $0x8000, $0x38;
	[tilespmem:$0x18200] =	vst v63  }
0x16c: {  	s0 =	simm.s32 @p0 $0x4  }
0x16d: {  	_ =	swait.ge @p0 [sflag:s0], $0x8000  }
0x16e: {  	[sflag:s0] =	ssyncset.done @p0 $0x0  }
0x16f: {  	[sflag:s0] =	ssyncadd.s32 @p0 $0xFFFF8000;
	s0 =	simm.s32 @!p0 $0x4  }
0x170: {  	_ =	swait.ge @!p0 [sflag:s0], $0x2000  }
0x171: {  	[sflag:s0] =	ssyncset.done @!p0 $0x0  }
0x172: {  	[sflag:s0] =	ssyncadd.s32 @!p0 $0xFFFFE000  }
0x173: {  	v3 =	vld [tilespmem:s31+$0x48];
	_ =	sdelay $0x4  }
0x174: {  	v4 =	vshll.u32 v3, $0x3  }
0x175: {  	v3 =	vand.u32 $0x7, v3;
	v4 =	vand.u32 $0xFFFFFFC0, v4  }
0x176: {  	v3 =	vor.u32 v3, v4  }
0x177: {  	v4 =	vperm.xlane v3, v0;
	_ =	sdelay $0x1  }
0x178: {  	v4 =	vadd.s32 v1, v4;
	_ =	sdelay $0x3  }
0x179: {  	s0 =	simm.s32 $0x0  }
0x17a: {  	[tilespmem:s16], [sflag:$0x1] =	stream.indirect_vreg.gather [hbm4b:s1+s0], $0x80, v4, vm0, $0xb8;
	[tilespmem:$0x18200] =	vst v63  }
0x17b: {  	v3 =	vperm.xlane v3, v2  }
0x17c: {  	[tilespmem:s18], [sflag:$0x1] =	stream.indirect_vreg.gather [hbm4b:s6+s0], $0x80, v4, vm0, $0xb8;
	[tilespmem:$0x18200] =	vst v63  }
0x17d: {  	v3 =	vadd.s32 v1, v3  }
0x17e: {  	[tilespmem:s19], [sflag:$0x1] =	stream.indirect_vreg.gather [hbm4b:s7+s0], $0x80, v4, vm0, $0xb8;
	[tilespmem:$0x18200] =	vst v63  }
0x17f: {  	_ = 	snop  }
0x180: {  	[tilespmem:s20], [sflag:$0x1] =	stream.indirect_vreg.gather [hbm4b:s8+s0], $0x80, v4, vm0, $0xb8;
	[tilespmem:$0x18200] =	vst v63  }
0x181: {  	s3 =	simm.s32 $0x2200  }
0x182: {  	[tilespmem:s3], [sflag:$0x1] =	stream.indirect_vreg.gather [hbm4b:s1+s0], $0x80, v3, vm0, $0xb8;
	[tilespmem:$0x18200] =	vst v63  }
0x183: {  	s15 =	simm.s32 $0x2A00  }
0x184: {  	[tilespmem:s15], [sflag:$0x1] =	stream.indirect_vreg.gather [hbm4b:s6+s0], $0x80, v3, vm0, $0xb8;
	[tilespmem:$0x18200] =	vst v63  }
0x185: {  	s22 =	simm.s32 $0x3200  }
0x186: {  	[tilespmem:s22], [sflag:$0x1] =	stream.indirect_vreg.gather [hbm4b:s7+s0], $0x80, v3, vm0, $0xb8;
	[tilespmem:$0x18200] =	vst v63  }
0x187: {  	s23 =	simm.s32 $0x3A00  }
0x188: {  	[tilespmem:s23], [sflag:$0x1] =	stream.indirect_vreg.gather [hbm4b:s8+s0], $0x80, v3, vm0, $0xb8;
	[tilespmem:$0x18200] =	vst v63  }
0x189: {  	v3 =	vld [tilespmem:s31+$0x58];
	_ =	sdelay $0x4  }
0x18a: {  	v63 =	vshll.u32 v3, $0x3  }
0x18b: {  	v3 =	vand.u32 $0x7, v3;
	v4 =	vand.u32 $0xFFFFFFC0, v63  }
0x18c: {  	v3 =	vor.u32 v3, v4  }
0x18d: {  	v4 =	vperm.xlane v3, v0;
	_ =	sdelay $0x1  }
0x18e: {  	v4 =	vadd.s32 v1, v4;
	_ =	sdelay $0x3  }
0x18f: {  	s24 =	simm.s32 $0x4200  }
0x190: {  	[tilespmem:s24], [sflag:$0x1] =	stream.indirect_vreg.gather [hbm4b:s1+s0], $0x80, v4, vm0, $0xb8;
	[tilespmem:$0x18200] =	vst v63  }
0x191: {  	s5 =	simm.s32 $0x4A00;
	v3 =	vperm.xlane v3, v2  }
0x192: {  	[tilespmem:s5], [sflag:$0x1] =	stream.indirect_vreg.gather [hbm4b:s6+s0], $0x80, v4, vm0, $0xb8;
	[tilespmem:$0x18200] =	vst v63  }
0x193: {  	s15 =	simm.s32 $0x5200;
	v3 =	vadd.s32 v1, v3  }
0x194: {  	[tilespmem:s15], [sflag:$0x1] =	stream.indirect_vreg.gather [hbm4b:s7+s0], $0x80, v4, vm0, $0xb8;
	[tilespmem:$0x18200] =	vst v63  }
0x195: {  	s22 =	simm.s32 $0x5A00  }
0x196: {  	[tilespmem:s22], [sflag:$0x1] =	stream.indirect_vreg.gather [hbm4b:s8+s0], $0x80, v4, vm0, $0xb8;
	[tilespmem:$0x18200] =	vst v63  }
0x197: {  	s23 =	simm.s32 $0x6200  }
0x198: {  	[tilespmem:s23], [sflag:$0x1] =	stream.indirect_vreg.gather [hbm4b:s1+s0], $0x80, v3, vm0, $0xb8;
	[tilespmem:$0x18200] =	vst v63  }
0x199: {  	s24 =	simm.s32 $0x6A00  }
0x19a: {  	[tilespmem:s24], [sflag:$0x1] =	stream.indirect_vreg.gather [hbm4b:s6+s0], $0x80, v3, vm0, $0xb8;
	[tilespmem:$0x18200] =	vst v63  }
0x19b: {  	_ = 	snop  }
0x19c: {  	[tilespmem:s13], [sflag:$0x1] =	stream.indirect_vreg.gather [hbm4b:s7+s0], $0x80, v3, vm0, $0xb8;
	[tilespmem:$0x18200] =	vst v63  }
0x19d: {  	_ = 	snop  }
0x19e: {  	[tilespmem:s14], [sflag:$0x1] =	stream.indirect_vreg.gather [hbm4b:s8+s0], $0x80, v3, vm0, $0xb8;
	[tilespmem:$0x18200] =	vst v63  }
0x19f: {  	_ =	swait.ge [sflag:s9], $0x8000  }
0x1a0: {  	s3 =	simm.s32 $0xFFFF8000;
	[sflag:s9] =	ssyncset.done $0x0  }
0x1a1: {  	s15 =	simm.s32 $0x0;
	s22 =	simm.s32 $0x0;
	[sflag:s9] =	ssyncadd.s32 $0xFFFF8000  }
.LBB2_7:
0x1a2: {  	s23 =	sadd.s32 $0x8000, s3  }
0x1a3: {  	s24 =	sand.u32 $0x380, s22;
	s23 =	sand.u32 $0x6000, s23  }
0x1a4: {  	s24 =	sor.u32 s24, s23  }
0x1a5: {  	v3 =	vld [tilespmem:s24+$0x10200];
	_ =	sdelay $0x4  }
0x1a6: {  	v3 =	vmul.f32 $3.200000000e+01, v3;
	_ =	sdelay $0x1  }
0x1a7: {  	s23 =	sadd.s32 $0x10200, s24;
	[tilespmem:s24+$0x10200] =	vst v3  }
0x1a8: {  	v3 =	vld [tilespmem:s23+$0x10]  }
0x1a9: {  	v6 =	vld [tilespmem:s23+$0x50]  }
0x1aa: {  	v5 =	vld [tilespmem:s23+$0x30]  }
0x1ab: {  	v8 =	vld [tilespmem:s23+$0x70]  }
0x1ac: {  	v7 =	vld [tilespmem:s23+$0x60]  }
0x1ad: {  	v45 =	vld [tilespmem:s23+$0x410];
	v3 =	vmul.f32 $3.200000000e+01, v3  }
0x1ae: {  	v9 =	vld [tilespmem:s23+$0x400];
	v46 =	vmul.f32 $3.200000000e+01, v6  }
0x1af: {  	v48 =	vld [tilespmem:s23+$0x430];
	[tilespmem:s23+$0x10] =	vst v3;
	v3 =	vmul.f32 $3.200000000e+01, v5  }
0x1b0: {  	v47 =	vld [tilespmem:s23+$0x420];
	v49 =	vmul.f32 $3.200000000e+01, v8;
	[tilespmem:s23+$0x50] =	vst v46  }
0x1b1: {  	v51 =	vld [tilespmem:s23+$0x460];
	[tilespmem:s23+$0x30] =	vst v3;
	v3 =	vmul.f32 $3.200000000e+01, v7  }
0x1b2: {  	v50 =	vld [tilespmem:s23+$0x450];
	v52 =	vmul.f32 $3.200000000e+01, v45;
	[tilespmem:s23+$0x70] =	vst v49  }
0x1b3: {  	v54 =	vld [tilespmem:s23+$0x800];
	[tilespmem:s23+$0x60] =	vst v3;
	v3 =	vmul.f32 $3.200000000e+01, v9  }
0x1b4: {  	v53 =	vld [tilespmem:s23+$0x470];
	v55 =	vmul.f32 $3.200000000e+01, v48;
	[tilespmem:s23+$0x410] =	vst v52  }
0x1b5: {  	v57 =	vld [tilespmem:s23+$0x820];
	[tilespmem:s23+$0x400] =	vst v3;
	v3 =	vmul.f32 $3.200000000e+01, v47  }
0x1b6: {  	v56 =	vld [tilespmem:s23+$0x810];
	v58 =	vmul.f32 $3.200000000e+01, v51;
	[tilespmem:s23+$0x430] =	vst v55  }
0x1b7: {  	v60 =	vld [tilespmem:s23+$0x850];
	[tilespmem:s23+$0x420] =	vst v3;
	v3 =	vmul.f32 $3.200000000e+01, v50  }
0x1b8: {  	v59 =	vld [tilespmem:s23+$0x830];
	v61 =	vmul.f32 $3.200000000e+01, v54;
	[tilespmem:s23+$0x460] =	vst v58  }
0x1b9: {  	v63 =	vld [tilespmem:s23+$0x870];
	[tilespmem:s23+$0x450] =	vst v3;
	v3 =	vmul.f32 $3.200000000e+01, v53  }
0x1ba: {  	v62 =	vld [tilespmem:s23+$0x860];
	v12 =	vmul.f32 $3.200000000e+01, v57;
	[tilespmem:s23+$0x800] =	vst v61  }
0x1bb: {  	v14 =	vld [tilespmem:s23+$0xC10];
	[tilespmem:s23+$0x470] =	vst v3;
	v3 =	vmul.f32 $3.200000000e+01, v56  }
0x1bc: {  	v13 =	vld [tilespmem:s23+$0xC00];
	v15 =	vmul.f32 $3.200000000e+01, v60;
	[tilespmem:s23+$0x820] =	vst v12  }
0x1bd: {  	v17 =	vld [tilespmem:s23+$0xC30];
	[tilespmem:s23+$0x810] =	vst v3;
	v3 =	vmul.f32 $3.200000000e+01, v59  }
0x1be: {  	v16 =	vld [tilespmem:s23+$0xC20];
	v18 =	vmul.f32 $3.200000000e+01, v63;
	[tilespmem:s23+$0x850] =	vst v15  }
0x1bf: {  	v20 =	vld [tilespmem:s23+$0xC60];
	[tilespmem:s23+$0x830] =	vst v3;
	v3 =	vmul.f32 $3.200000000e+01, v62  }
0x1c0: {  	v19 =	vld [tilespmem:s23+$0xC50];
	v21 =	vmul.f32 $3.200000000e+01, v14;
	[tilespmem:s23+$0x870] =	vst v18  }
0x1c1: {  	v23 =	vld [tilespmem:s23+$0x1000];
	[tilespmem:s23+$0x860] =	vst v3;
	v3 =	vmul.f32 $3.200000000e+01, v13  }
0x1c2: {  	v22 =	vld [tilespmem:s23+$0xC70];
	v24 =	vmul.f32 $3.200000000e+01, v17;
	[tilespmem:s23+$0xC10] =	vst v21  }
0x1c3: {  	v26 =	vld [tilespmem:s23+$0x1020];
	[tilespmem:s23+$0xC00] =	vst v3;
	v3 =	vmul.f32 $3.200000000e+01, v16  }
0x1c4: {  	v25 =	vld [tilespmem:s23+$0x1010];
	v27 =	vmul.f32 $3.200000000e+01, v20;
	[tilespmem:s23+$0xC30] =	vst v24  }
0x1c5: {  	v29 =	vld [tilespmem:s23+$0x1050];
	[tilespmem:s23+$0xC20] =	vst v3;
	v3 =	vmul.f32 $3.200000000e+01, v19  }
0x1c6: {  	v28 =	vld [tilespmem:s23+$0x1030];
	v30 =	vmul.f32 $3.200000000e+01, v23;
	[tilespmem:s23+$0xC60] =	vst v27  }
0x1c7: {  	v32 =	vld [tilespmem:s23+$0x1070];
	[tilespmem:s23+$0xC50] =	vst v3;
	v3 =	vmul.f32 $3.200000000e+01, v22  }
0x1c8: {  	v31 =	vld [tilespmem:s23+$0x1060];
	v33 =	vmul.f32 $3.200000000e+01, v26;
	[tilespmem:s23+$0x1000] =	vst v30  }
0x1c9: {  	v35 =	vld [tilespmem:s23+$0x1410];
	[tilespmem:s23+$0xC70] =	vst v3;
	v3 =	vmul.f32 $3.200000000e+01, v25  }
0x1ca: {  	v34 =	vld [tilespmem:s23+$0x1400];
	v36 =	vmul.f32 $3.200000000e+01, v29;
	[tilespmem:s23+$0x1020] =	vst v33  }
0x1cb: {  	v38 =	vld [tilespmem:s23+$0x1430];
	[tilespmem:s23+$0x1010] =	vst v3;
	v3 =	vmul.f32 $3.200000000e+01, v28  }
0x1cc: {  	v37 =	vld [tilespmem:s23+$0x1420];
	v39 =	vmul.f32 $3.200000000e+01, v32;
	[tilespmem:s23+$0x1050] =	vst v36  }
0x1cd: {  	v41 =	vld [tilespmem:s23+$0x1460];
	[tilespmem:s23+$0x1030] =	vst v3;
	v3 =	vmul.f32 $3.200000000e+01, v31  }
0x1ce: {  	v40 =	vld [tilespmem:s23+$0x1450];
	v42 =	vmul.f32 $3.200000000e+01, v35;
	[tilespmem:s23+$0x1070] =	vst v39  }
0x1cf: {  	v44 =	vld [tilespmem:s23+$0x1800];
	[tilespmem:s23+$0x1060] =	vst v3;
	v3 =	vmul.f32 $3.200000000e+01, v34  }
0x1d0: {  	v43 =	vld [tilespmem:s23+$0x1470];
	v45 =	vmul.f32 $3.200000000e+01, v38;
	[tilespmem:s23+$0x1410] =	vst v42  }
0x1d1: {  	v4 =	vld [tilespmem:s23+$0x20];
	[tilespmem:s23+$0x1400] =	vst v3;
	v3 =	vmul.f32 $3.200000000e+01, v37  }
0x1d2: {  	v48 =	vmul.f32 $3.200000000e+01, v41;
	v46 =	vld [tilespmem:s23+$0x1810];
	[tilespmem:s23+$0x1430] =	vst v45  }
0x1d3: {  	v49 =	vld [tilespmem:s23+$0x1830];
	[tilespmem:s23+$0x1420] =	vst v3;
	v3 =	vmul.f32 $3.200000000e+01, v40  }
0x1d4: {  	v51 =	vmul.f32 $3.200000000e+01, v44;
	[tilespmem:s23+$0x1460] =	vst v48;
	v52 =	vld [tilespmem:s23+$0x1860]  }
0x1d5: {  	v47 =	vld [tilespmem:s23+$0x1820];
	[tilespmem:s23+$0x1450] =	vst v3;
	v3 =	vmul.f32 $3.200000000e+01, v43  }
0x1d6: {  	[tilespmem:s23+$0x1800] =	vst v51;
	v4 =	vmul.f32 $3.200000000e+01, v4;
	v50 =	vld [tilespmem:s23+$0x1850]  }
0x1d7: {  	v53 =	vld [tilespmem:s23+$0x1870];
	[tilespmem:s23+$0x1470] =	vst v3;
	v3 =	vmul.f32 $3.200000000e+01, v46  }
0x1d8: {  	v55 =	vld [tilespmem:s23+$0x840];
	[tilespmem:s23+$0x20] =	vst v4;
	v7 =	vmul.f32 $3.200000000e+01, v49  }
0x1d9: {  	v9 =	vmul.f32 $3.200000000e+01, v52;
	[tilespmem:s23+$0x1810] =	vst v3;
	v3 =	vld [tilespmem:s23+$0x440]  }
0x1da: {  	v54 =	vld [tilespmem:s23+$0x40];
	[tilespmem:s23+$0x1830] =	vst v7;
	v6 =	vmul.f32 $3.200000000e+01, v47  }
0x1db: {  	s5 =	sand.u32 $0x7, s0;
	[tilespmem:s23+$0x1860] =	vst v9;
	v56 =	vld [tilespmem:s23+$0xC40];
	v8 =	vmul.f32 $3.200000000e+01, v50  }
0x1dc: {  	v57 =	vld [tilespmem:s23+$0x1040];
	s24 =	sshll.u32 s5, $0x7;
	[tilespmem:s23+$0x1820] =	vst v6;
	v5 =	vmul.f32 $3.200000000e+01, v53  }
0x1dd: {  	s24 =	sadd.s32 s24, s15;
	v58 =	vld [tilespmem:s23+$0x1440];
	v60 =	vmul.f32 $3.200000000e+01, v55;
	[tilespmem:s23+$0x1850] =	vst v8  }
0x1de: {  	s5 =	sor.u32 $0x1C00, s24;
	v59 =	vld [tilespmem:s23+$0x1840];
	[tilespmem:s23+$0x1870] =	vst v5;
	v3 =	vmul.f32 $3.200000000e+01, v3  }
0x1df: {  	v4 =	vmul.f32 $3.200000000e+01, v54;
	[tilespmem:s23+$0x840] =	vst v60;
	v61 =	vld [tilespmem:s5+$0x10200]  }
0x1e0: {  	[tilespmem:s23+$0x440] =	vst v3;
	v3 =	vmul.f32 $3.200000000e+01, v56  }
0x1e1: {  	[tilespmem:s23+$0x40] =	vst v4;
	v62 =	vmul.f32 $3.200000000e+01, v57  }
0x1e2: {  	[tilespmem:s23+$0xC40] =	vst v3;
	v3 =	vmul.f32 $3.200000000e+01, v58  }
0x1e3: {  	[tilespmem:s23+$0x1040] =	vst v62;
	v63 =	vmul.f32 $3.200000000e+01, v59  }
0x1e4: {  	[tilespmem:s23+$0x1440] =	vst v3;
	v3 =	vmul.f32 $3.200000000e+01, v61  }
0x1e5: {  	[tilespmem:s23+$0x1840] =	vst v63  }
0x1e6: {  	s23 =	sor.u32 $0x1C10, s24;
	[tilespmem:s5+$0x10200] =	vst v3  }
0x1e7: {  	v3 =	vld [tilespmem:s23+$0x10200];
	_ =	sdelay $0x4  }
0x1e8: {  	v3 =	vmul.f32 $3.200000000e+01, v3;
	_ =	sdelay $0x1  }
0x1e9: {  	[tilespmem:s23+$0x10200] =	vst v3;
	s23 =	sor.u32 $0x1C20, s24  }
0x1ea: {  	v3 =	vld [tilespmem:s23+$0x10200];
	_ =	sdelay $0x4  }
0x1eb: {  	v3 =	vmul.f32 $3.200000000e+01, v3;
	_ =	sdelay $0x1  }
0x1ec: {  	[tilespmem:s23+$0x10200] =	vst v3;
	s23 =	sor.u32 $0x1C30, s24  }
0x1ed: {  	v3 =	vld [tilespmem:s23+$0x10200];
	_ =	sdelay $0x4  }
0x1ee: {  	v3 =	vmul.f32 $3.200000000e+01, v3;
	_ =	sdelay $0x1  }
0x1ef: {  	[tilespmem:s23+$0x10200] =	vst v3;
	s23 =	sor.u32 $0x1C40, s24  }
0x1f0: {  	v3 =	vld [tilespmem:s23+$0x10200];
	_ =	sdelay $0x4  }
0x1f1: {  	v3 =	vmul.f32 $3.200000000e+01, v3;
	_ =	sdelay $0x1  }
0x1f2: {  	[tilespmem:s23+$0x10200] =	vst v3;
	s23 =	sor.u32 $0x1C50, s24  }
0x1f3: {  	v3 =	vld [tilespmem:s23+$0x10200];
	_ =	sdelay $0x4  }
0x1f4: {  	v3 =	vmul.f32 $3.200000000e+01, v3;
	_ =	sdelay $0x1  }
0x1f5: {  	[tilespmem:s23+$0x10200] =	vst v3;
	s23 =	sor.u32 $0x1C60, s24  }
0x1f6: {  	v3 =	vld [tilespmem:s23+$0x10200];
	_ =	sdelay $0x4  }
0x1f7: {  	v3 =	vmul.f32 $3.200000000e+01, v3;
	_ =	sdelay $0x1  }
0x1f8: {  	s24 =	sor.u32 $0x1C70, s24;
	[tilespmem:s23+$0x10200] =	vst v3  }
0x1f9: {  	v3 =	vld [tilespmem:s24+$0x10200];
	_ =	sdelay $0x1  }
0x1fa: {  	p0 =	sne.s32 s22, $0xF80  }
.Ltmp2:
0x1fb: {  	_ = 	snop;
	(pc) =	sbr.rel @p0 .LBB2_7-.Ltmp2, $4  }
0x1fc: {  	_ = 	snop  }
0x1fd: {  	v3 =	vmul.f32 $3.200000000e+01, v3  }
0x1fe: {  	s0 =	sadd.s32 $0x1, s0  }
0x1ff: {  	s3 =	sadd.s32 $0x400, s3;
	s22 =	sadd.s32 $0x80, s22;
	s15 =	sadd.s32 $0x400, s15;
	[tilespmem:s24+$0x10200] =	vst v3  }
0x200: {  	s0 =	sadd.s32 s31, s11  }
0x201: {  	s0 =	sshll.u32 s0, $0x7  }
0x202: {  	s0 =	sadd.s32 s2, s0  }
0x203: {  	[hbm4b:s0+s4] =	stream.linear.scatter [tilespmem:s26], [sflag:$0x6], $0x8000, $0x38;
	[tilespmem:$0x18200] =	vst v63  }
0x204: {  	_ =	swait.ge [sflag:s17], $0x8000  }
0x205: {  	[sflag:s17] =	ssyncset.done $0x0  }
0x206: {  	p0 =	seq.s32 s30, $0x4;
	[sflag:s17] =	ssyncadd.s32 $0xFFFF8000  }
0x207: {  	v3 =	vld @p0 [tilespmem:$0x1E8];
	_ =	sdelay $0x4  }
0x208: {  	v4 =	vshll.u32 @p0 v3, $0x3  }
0x209: {  	v5 =	vlaneseq.u32 @p0;
	v3 =	vand.u32 @p0 $0x7, v3;
	v4 =	vand.u32 @p0 $0xFFFFFFC0, v4  }
0x20a: {  	v6 =	vshrl.u32 @p0 v5, $0x3;
	v3 =	vor.u32 @p0 v3, v4;
	v4 =	vand.u32 @p0 $0x7, v5  }
0x20b: {  	v6 =	vmul.u32 @p0 $0x8, v6;
	v7 =	vperm.xlane @p0 v3, v4;
	_ =	sdelay $0x1  }
0x20c: {  	v7 =	vadd.s32 @p0 v6, v7;
	_ =	sdelay $0x3  }
0x20d: {  	vm1 =	vmmov @p0 $0xffff;
	s3 =	simm.s32 @p0 $0x8200;
	s0 =	simm.s32 @p0 $0x0  }
0x20e: {  	v5 =	vor.u32 @p0 $0x8, v5;
	[tilespmem:s3], [sflag:$0x2] =	stream.indirect_vreg.gather @p0 [hbm4b:s1+s0], $0x80, v7, vm1, $0xb8;
	[tilespmem:$0x18200] =	vst v63  }
0x20f: {  	v3 =	vperm.xlane @p0 v3, v5;
	s3 =	simm.s32 @p0 $0x8A00  }
0x210: {  	[tilespmem:s3], [sflag:$0x2] =	stream.indirect_vreg.gather @p0 [hbm4b:s6+s0], $0x80, v7, vm1, $0xb8;
	[tilespmem:$0x18200] =	vst v63  }
0x211: {  	v3 =	vadd.s32 @p0 v6, v3;
	s3 =	simm.s32 @p0 $0x9200  }
0x212: {  	[tilespmem:s3], [sflag:$0x2] =	stream.indirect_vreg.gather @p0 [hbm4b:s7+s0], $0x80, v7, vm1, $0xb8;
	[tilespmem:$0x18200] =	vst v63  }
0x213: {  	s3 =	simm.s32 @p0 $0x9A00  }
0x214: {  	[tilespmem:s3], [sflag:$0x2] =	stream.indirect_vreg.gather @p0 [hbm4b:s8+s0], $0x80, v7, vm1, $0xb8;
	[tilespmem:$0x18200] =	vst v63  }
0x215: {  	s3 =	simm.s32 @p0 $0xA200  }
0x216: {  	[tilespmem:s3], [sflag:$0x2] =	stream.indirect_vreg.gather @p0 [hbm4b:s1+s0], $0x80, v3, vm1, $0xb8;
	[tilespmem:$0x18200] =	vst v63  }
0x217: {  	s3 =	simm.s32 @p0 $0xAA00  }
0x218: {  	[tilespmem:s3], [sflag:$0x2] =	stream.indirect_vreg.gather @p0 [hbm4b:s6+s0], $0x80, v3, vm1, $0xb8;
	[tilespmem:$0x18200] =	vst v63  }
0x219: {  	s3 =	simm.s32 @p0 $0xB200  }
0x21a: {  	[tilespmem:s3], [sflag:$0x2] =	stream.indirect_vreg.gather @p0 [hbm4b:s7+s0], $0x80, v3, vm1, $0xb8;
	[tilespmem:$0x18200] =	vst v63  }
0x21b: {  	s3 =	simm.s32 @p0 $0xBA00  }
0x21c: {  	[tilespmem:s3], [sflag:$0x2] =	stream.indirect_vreg.gather @p0 [hbm4b:s8+s0], $0x80, v3, vm1, $0xb8;
	[tilespmem:$0x18200] =	vst v63  }
0x21d: {  	v3 =	vld @!p0 [tilespmem:s31+$0x68];
	_ =	sdelay $0x4  }
0x21e: {  	v5 =	vshll.u32 @!p0 v3, $0x3  }
0x21f: {  	v6 =	vlaneseq.u32 @!p0;
	v3 =	vand.u32 @!p0 $0x7, v3;
	v5 =	vand.u32 @!p0 $0xFFFFFFC0, v5  }
0x220: {  	v7 =	vshrl.u32 @!p0 v6, $0x3;
	v3 =	vor.u32 @!p0 v3, v5;
	v5 =	vand.u32 @!p0 $0x7, v6  }
0x221: {  	v7 =	vmul.u32 @!p0 $0x8, v7;
	v8 =	vperm.xlane @!p0 v3, v5;
	_ =	sdelay $0x1  }
0x222: {  	v8 =	vadd.s32 @!p0 v7, v8;
	_ =	sdelay $0x3  }
0x223: {  	vm1 =	vmmov @!p0 $0xffff;
	s0 =	simm.s32 @!p0 $0x0;
	s3 =	simm.s32 @!p0 $0x8200  }
0x224: {  	v9 =	vld.msk @p0 [tilespmem:$0x1F8], $0xff;
	v6 =	vor.u32 @!p0 $0x8, v6;
	[tilespmem:s3], [sflag:$0x2] =	stream.indirect_vreg.gather @!p0 [hbm4b:s1+s0], $0x80, v8, vm1, $0xb8;
	[tilespmem:$0x18200] =	vst v63  }
0x225: {  	v3 =	vperm.xlane @!p0 v3, v6;
	s3 =	simm.s32 @!p0 $0x8A00  }
0x226: {  	[tilespmem:s3], [sflag:$0x2] =	stream.indirect_vreg.gather @!p0 [hbm4b:s6+s0], $0x80, v8, vm1, $0xb8;
	[tilespmem:$0x18200] =	vst v63  }
0x227: {  	v3 =	vadd.s32 @!p0 v7, v3;
	s3 =	simm.s32 @!p0 $0x9200  }
0x228: {  	[tilespmem:s3], [sflag:$0x2] =	stream.indirect_vreg.gather @!p0 [hbm4b:s7+s0], $0x80, v8, vm1, $0xb8;
	[tilespmem:$0x18200] =	vst v63  }
0x229: {  	s3 =	simm.s32 @!p0 $0x9A00  }
0x22a: {  	[tilespmem:s3], [sflag:$0x2] =	stream.indirect_vreg.gather @!p0 [hbm4b:s8+s0], $0x80, v8, vm1, $0xb8;
	[tilespmem:$0x18200] =	vst v63  }
0x22b: {  	s3 =	simm.s32 @!p0 $0xA200  }
0x22c: {  	[tilespmem:s3], [sflag:$0x2] =	stream.indirect_vreg.gather @!p0 [hbm4b:s1+s0], $0x80, v3, vm1, $0xb8;
	[tilespmem:$0x18200] =	vst v63  }
0x22d: {  	s3 =	simm.s32 @!p0 $0xAA00  }
0x22e: {  	[tilespmem:s3], [sflag:$0x2] =	stream.indirect_vreg.gather @!p0 [hbm4b:s6+s0], $0x80, v3, vm1, $0xb8;
	[tilespmem:$0x18200] =	vst v63  }
0x22f: {  	s3 =	simm.s32 @!p0 $0xB200  }
0x230: {  	[tilespmem:s3], [sflag:$0x2] =	stream.indirect_vreg.gather @!p0 [hbm4b:s7+s0], $0x80, v3, vm1, $0xb8;
	[tilespmem:$0x18200] =	vst v63  }
0x231: {  	s3 =	simm.s32 @!p0 $0xBA00  }
0x232: {  	[tilespmem:s3], [sflag:$0x2] =	stream.indirect_vreg.gather @!p0 [hbm4b:s8+s0], $0x80, v3, vm1, $0xb8;
	[tilespmem:$0x18200] =	vst v63  }
0x233: {  	v3 =	vld @!p0 [tilespmem:s31+$0x78];
	_ =	sdelay $0x4  }
0x234: {  	v8 =	vshll.u32 @!p0 v3, $0x3  }
0x235: {  	v3 =	vand.u32 @!p0 $0x7, v3;
	v8 =	vand.u32 @!p0 $0xFFFFFFC0, v8  }
0x236: {  	v3 =	vor.u32 @!p0 v3, v8  }
0x237: {  	v5 =	vperm.xlane @!p0 v3, v5;
	_ =	sdelay $0x1  }
0x238: {  	v5 =	vadd.s32 @!p0 v7, v5;
	_ =	sdelay $0x2  }
0x239: {  	v7 =	vshll.u32 @p0 v9, $0x3  }
0x23a: {  	s3 =	simm.s32 @!p0 $0xC200;
	v8 =	vand.u32 @p0 $0x7, v9;
	v7 =	vand.u32 @p0 $0xFFFFFFC0, v7  }
0x23b: {  	v7 =	vor.u32 @p0 v8, v7;
	[tilespmem:s3], [sflag:$0x2] =	stream.indirect_vreg.gather @!p0 [hbm4b:s1+s0], $0x80, v5, vm1, $0xb8;
	[tilespmem:$0x18200] =	vst v63  }
0x23c: {  	v3 =	vperm.xlane @!p0 v3, v6;
	v4 =	vperm.xlane @p0 v7, v4;
	s3 =	simm.s32 @!p0 $0xCA00  }
0x23d: {  	[tilespmem:s3], [sflag:$0x2] =	stream.indirect_vreg.gather @!p0 [hbm4b:s6+s0], $0x80, v5, vm1, $0xb8;
	[tilespmem:$0x18200] =	vst v63  }
0x23e: {  	v3 =	vpsel p0, v4, v3;
	s3 =	simm.s32 @!p0 $0xD200  }
0x23f: {  	v3 =	vadd.s32 v1, v3;
	[tilespmem:s3], [sflag:$0x2] =	stream.indirect_vreg.gather @!p0 [hbm4b:s7+s0], $0x80, v5, vm1, $0xb8;
	[tilespmem:$0x18200] =	vst v63  }
0x240: {  	s3 =	simm.s32 @!p0 $0xDA00  }
0x241: {  	[tilespmem:s3], [sflag:$0x2] =	stream.indirect_vreg.gather @!p0 [hbm4b:s8+s0], $0x80, v5, vm1, $0xb8;
	[tilespmem:$0x18200] =	vst v63  }
0x242: {  	s3 =	simm.s32 @!p0 $0xE200  }
0x243: {  	s5 =	simm.s32 @!p0 $0xEA00;
	s0 =	simm.s32 $0x0;
	s3 =	simm.s32 @p0 $0xC200  }
0x244: {  	[tilespmem:s3], [sflag:$0x2] =	stream.indirect_vreg.gather [hbm4b:s1+s0], $0x80, v3, vm0, $0xb8;
	[tilespmem:$0x18200] =	vst v63  }
0x245: {  	s5 =	simm.s32 @p0 $0xCA00;
	s3 =	simm.s32 @!p0 $0xF200  }
0x246: {  	[tilespmem:s5], [sflag:$0x2] =	stream.indirect_vreg.gather [hbm4b:s6+s0], $0x80, v3, vm0, $0xb8;
	[tilespmem:$0x18200] =	vst v63  }
0x247: {  	s3 =	simm.s32 @p0 $0xD200;
	s5 =	simm.s32 @!p0 $0xFA00  }
0x248: {  	[tilespmem:s3], [sflag:$0x2] =	stream.indirect_vreg.gather [hbm4b:s7+s0], $0x80, v3, vm0, $0xb8;
	[tilespmem:$0x18200] =	vst v63  }
0x249: {  	s5 =	simm.s32 @p0 $0xDA00  }
0x24a: {  	[tilespmem:s5], [sflag:$0x2] =	stream.indirect_vreg.gather [hbm4b:s8+s0], $0x80, v3, vm0, $0xb8;
	[tilespmem:$0x18200] =	vst v63  }
0x24b: {  	_ =	swait.ge [sflag:s25], $0x8000  }
0x24c: {  	s15 =	simm.s32 $0x0;
	[sflag:s25] =	ssyncset.done $0x0  }
0x24d: {  	s22 =	simm.s32 $0x0;
	s3 =	simm.s32 $0xFFFF8000;
	[sflag:s25] =	ssyncadd.s32 $0xFFFF8000  }
.LBB2_9:
0x24e: {  	s5 =	sadd.s32 $0x8000, s3  }
0x24f: {  	s23 =	sand.u32 $0x380, s22;
	s5 =	sand.u32 $0x6000, s5  }
0x250: {  	s23 =	sor.u32 s23, s5  }
0x251: {  	v3 =	vld [tilespmem:s23+$0x200]  }
0x252: {  	v4 =	vld [tilespmem:s23+$0x210]  }
0x253: {  	v6 =	vld [tilespmem:s23+$0x230]  }
0x254: {  	v8 =	vld [tilespmem:s23+$0x260]  }
0x255: {  	v5 =	vld [tilespmem:s23+$0x220]  }
0x256: {  	v43 =	vld [tilespmem:s23+$0x600];
	v3 =	vmul.f32 $3.200000000e+01, v3  }
0x257: {  	v7 =	vld [tilespmem:s23+$0x250];
	v4 =	vmul.f32 $3.200000000e+01, v4  }
0x258: {  	v46 =	vld [tilespmem:s23+$0x620];
	v44 =	vmul.f32 $3.200000000e+01, v6;
	[tilespmem:s23+$0x200] =	vst v3  }
0x259: {  	v9 =	vld [tilespmem:s23+$0x270];
	v47 =	vmul.f32 $3.200000000e+01, v8;
	[tilespmem:s23+$0x210] =	vst v4  }
0x25a: {  	v49 =	vld [tilespmem:s23+$0x650];
	v3 =	vmul.f32 $3.200000000e+01, v5;
	[tilespmem:s23+$0x230] =	vst v44  }
0x25b: {  	v45 =	vld [tilespmem:s23+$0x610];
	v50 =	vmul.f32 $3.200000000e+01, v43;
	[tilespmem:s23+$0x260] =	vst v47  }
0x25c: {  	v52 =	vld [tilespmem:s23+$0x670];
	[tilespmem:s23+$0x220] =	vst v3;
	v3 =	vmul.f32 $3.200000000e+01, v7  }
0x25d: {  	v48 =	vld [tilespmem:s23+$0x630];
	v53 =	vmul.f32 $3.200000000e+01, v46;
	[tilespmem:s23+$0x600] =	vst v50  }
0x25e: {  	v55 =	vld [tilespmem:s23+$0xA10];
	[tilespmem:s23+$0x250] =	vst v3;
	v3 =	vmul.f32 $3.200000000e+01, v9  }
0x25f: {  	v51 =	vld [tilespmem:s23+$0x660];
	v56 =	vmul.f32 $3.200000000e+01, v49;
	[tilespmem:s23+$0x620] =	vst v53  }
0x260: {  	v58 =	vld [tilespmem:s23+$0xA30];
	[tilespmem:s23+$0x270] =	vst v3;
	v3 =	vmul.f32 $3.200000000e+01, v45  }
0x261: {  	v54 =	vld [tilespmem:s23+$0xA00];
	v59 =	vmul.f32 $3.200000000e+01, v52;
	[tilespmem:s23+$0x650] =	vst v56  }
0x262: {  	v61 =	vld [tilespmem:s23+$0xA60];
	[tilespmem:s23+$0x610] =	vst v3;
	v3 =	vmul.f32 $3.200000000e+01, v48  }
0x263: {  	v57 =	vld [tilespmem:s23+$0xA20];
	v62 =	vmul.f32 $3.200000000e+01, v55;
	[tilespmem:s23+$0x670] =	vst v59  }
0x264: {  	v12 =	vld [tilespmem:s23+$0xE00];
	[tilespmem:s23+$0x630] =	vst v3;
	v3 =	vmul.f32 $3.200000000e+01, v51  }
0x265: {  	v60 =	vld [tilespmem:s23+$0xA50];
	v13 =	vmul.f32 $3.200000000e+01, v58;
	[tilespmem:s23+$0xA10] =	vst v62  }
0x266: {  	v15 =	vld [tilespmem:s23+$0xE20];
	[tilespmem:s23+$0x660] =	vst v3;
	v3 =	vmul.f32 $3.200000000e+01, v54  }
0x267: {  	v63 =	vld [tilespmem:s23+$0xA70];
	v16 =	vmul.f32 $3.200000000e+01, v61;
	[tilespmem:s23+$0xA30] =	vst v13  }
0x268: {  	v18 =	vld [tilespmem:s23+$0xE50];
	[tilespmem:s23+$0xA00] =	vst v3;
	v3 =	vmul.f32 $3.200000000e+01, v57  }
0x269: {  	v14 =	vld [tilespmem:s23+$0xE10];
	v19 =	vmul.f32 $3.200000000e+01, v12;
	[tilespmem:s23+$0xA60] =	vst v16  }
0x26a: {  	v21 =	vld [tilespmem:s23+$0xE70];
	[tilespmem:s23+$0xA20] =	vst v3;
	v3 =	vmul.f32 $3.200000000e+01, v60  }
0x26b: {  	v17 =	vld [tilespmem:s23+$0xE30];
	v22 =	vmul.f32 $3.200000000e+01, v15;
	[tilespmem:s23+$0xE00] =	vst v19  }
0x26c: {  	v24 =	vld [tilespmem:s23+$0x1210];
	[tilespmem:s23+$0xA50] =	vst v3;
	v3 =	vmul.f32 $3.200000000e+01, v63  }
0x26d: {  	v20 =	vld [tilespmem:s23+$0xE60];
	v25 =	vmul.f32 $3.200000000e+01, v18;
	[tilespmem:s23+$0xE20] =	vst v22  }
0x26e: {  	v27 =	vld [tilespmem:s23+$0x1230];
	[tilespmem:s23+$0xA70] =	vst v3;
	v3 =	vmul.f32 $3.200000000e+01, v14  }
0x26f: {  	v23 =	vld [tilespmem:s23+$0x1200];
	v28 =	vmul.f32 $3.200000000e+01, v21;
	[tilespmem:s23+$0xE50] =	vst v25  }
0x270: {  	v30 =	vld [tilespmem:s23+$0x1260];
	[tilespmem:s23+$0xE10] =	vst v3;
	v3 =	vmul.f32 $3.200000000e+01, v17  }
0x271: {  	v26 =	vld [tilespmem:s23+$0x1220];
	v31 =	vmul.f32 $3.200000000e+01, v24;
	[tilespmem:s23+$0xE70] =	vst v28  }
0x272: {  	v33 =	vld [tilespmem:s23+$0x1600];
	[tilespmem:s23+$0xE30] =	vst v3;
	v3 =	vmul.f32 $3.200000000e+01, v20  }
0x273: {  	v29 =	vld [tilespmem:s23+$0x1250];
	v34 =	vmul.f32 $3.200000000e+01, v27;
	[tilespmem:s23+$0x1210] =	vst v31  }
0x274: {  	v36 =	vld [tilespmem:s23+$0x1620];
	[tilespmem:s23+$0xE60] =	vst v3;
	v3 =	vmul.f32 $3.200000000e+01, v23  }
0x275: {  	v32 =	vld [tilespmem:s23+$0x1270];
	v37 =	vmul.f32 $3.200000000e+01, v30;
	[tilespmem:s23+$0x1230] =	vst v34  }
0x276: {  	v39 =	vld [tilespmem:s23+$0x1650];
	[tilespmem:s23+$0x1200] =	vst v3;
	v3 =	vmul.f32 $3.200000000e+01, v26  }
0x277: {  	v35 =	vld [tilespmem:s23+$0x1610];
	v40 =	vmul.f32 $3.200000000e+01, v33;
	[tilespmem:s23+$0x1260] =	vst v37  }
0x278: {  	v42 =	vld [tilespmem:s23+$0x1670];
	[tilespmem:s23+$0x1220] =	vst v3;
	v3 =	vmul.f32 $3.200000000e+01, v29  }
0x279: {  	v38 =	vld [tilespmem:s23+$0x1630];
	v43 =	vmul.f32 $3.200000000e+01, v36;
	[tilespmem:s23+$0x1600] =	vst v40  }
0x27a: {  	v47 =	vld [tilespmem:s23+$0x1A20];
	[tilespmem:s23+$0x1250] =	vst v3;
	v3 =	vmul.f32 $3.200000000e+01, v32  }
0x27b: {  	v41 =	vld [tilespmem:s23+$0x1660];
	v46 =	vmul.f32 $3.200000000e+01, v39;
	[tilespmem:s23+$0x1620] =	vst v43  }
0x27c: {  	v50 =	vld [tilespmem:s23+$0x1A50];
	[tilespmem:s23+$0x1270] =	vst v3;
	v3 =	vmul.f32 $3.200000000e+01, v35  }
0x27d: {  	v49 =	vmul.f32 $3.200000000e+01, v42;
	v44 =	vld [tilespmem:s23+$0x1A00];
	[tilespmem:s23+$0x1650] =	vst v46  }
0x27e: {  	v53 =	vld [tilespmem:s23+$0x1A70];
	[tilespmem:s23+$0x1610] =	vst v3;
	v3 =	vmul.f32 $3.200000000e+01, v38  }
0x27f: {  	[tilespmem:s23+$0x1670] =	vst v49;
	v7 =	vmul.f32 $3.200000000e+01, v47;
	v45 =	vld [tilespmem:s23+$0x1A10]  }
0x280: {  	v48 =	vld [tilespmem:s23+$0x1A30];
	[tilespmem:s23+$0x1630] =	vst v3;
	v3 =	vmul.f32 $3.200000000e+01, v41  }
0x281: {  	v9 =	vmul.f32 $3.200000000e+01, v50;
	[tilespmem:s23+$0x1A20] =	vst v7;
	v51 =	vld [tilespmem:s23+$0x1A60]  }
0x282: {  	[tilespmem:s23+$0x1660] =	vst v3;
	v3 =	vmul.f32 $3.200000000e+01, v44  }
0x283: {  	v58 =	vld [tilespmem:s23+$0x1640];
	v6 =	vmul.f32 $3.200000000e+01, v53;
	[tilespmem:s23+$0x1A50] =	vst v9  }
0x284: {  	v52 =	vmul.f32 $3.200000000e+01, v45;
	[tilespmem:s23+$0x1A00] =	vst v3;
	v3 =	vld [tilespmem:s23+$0x240]  }
0x285: {  	s24 =	sand.u32 $0x7, s0;
	v56 =	vld [tilespmem:s23+$0xE40];
	[tilespmem:s23+$0x1A70] =	vst v6;
	v8 =	vmul.f32 $3.200000000e+01, v48  }
0x286: {  	s5 =	sshll.u32 s24, $0x7;
	v55 =	vld [tilespmem:s23+$0xA40];
	[tilespmem:s23+$0x1A10] =	vst v52;
	v5 =	vmul.f32 $3.200000000e+01, v51  }
0x287: {  	s5 =	sadd.s32 s5, s15;
	v54 =	vld [tilespmem:s23+$0x640];
	[tilespmem:s23+$0x1A30] =	vst v8  }
0x288: {  	s24 =	sor.u32 $0x1C00, s5;
	v62 =	vmul.f32 $3.200000000e+01, v58;
	v57 =	vld [tilespmem:s23+$0x1240];
	[tilespmem:s23+$0x1A60] =	vst v5  }
0x289: {  	v60 =	vld [tilespmem:s24+$0x200];
	v3 =	vmul.f32 $3.200000000e+01, v3  }
0x28a: {  	v59 =	vld [tilespmem:s23+$0x1A40];
	v61 =	vmul.f32 $3.200000000e+01, v56;
	[tilespmem:s23+$0x1640] =	vst v62  }
0x28b: {  	[tilespmem:s23+$0x240] =	vst v3;
	v3 =	vmul.f32 $3.200000000e+01, v55  }
0x28c: {  	[tilespmem:s23+$0xE40] =	vst v61;
	v4 =	vmul.f32 $3.200000000e+01, v54  }
0x28d: {  	[tilespmem:s23+$0xA40] =	vst v3;
	v3 =	vmul.f32 $3.200000000e+01, v57  }
0x28e: {  	[tilespmem:s23+$0x640] =	vst v4;
	v63 =	vmul.f32 $3.200000000e+01, v60  }
0x28f: {  	[tilespmem:s23+$0x1240] =	vst v3;
	v3 =	vmul.f32 $3.200000000e+01, v59  }
0x290: {  	[tilespmem:s24+$0x200] =	vst v63  }
0x291: {  	s24 =	sor.u32 $0x1C10, s5;
	[tilespmem:s23+$0x1A40] =	vst v3  }
0x292: {  	v3 =	vld [tilespmem:s24+$0x200];
	_ =	sdelay $0x4  }
0x293: {  	v3 =	vmul.f32 $3.200000000e+01, v3;
	_ =	sdelay $0x1  }
0x294: {  	[tilespmem:s24+$0x200] =	vst v3;
	s24 =	sor.u32 $0x1C20, s5  }
0x295: {  	v3 =	vld [tilespmem:s24+$0x200];
	_ =	sdelay $0x4  }
0x296: {  	v3 =	vmul.f32 $3.200000000e+01, v3;
	_ =	sdelay $0x1  }
0x297: {  	[tilespmem:s24+$0x200] =	vst v3;
	s24 =	sor.u32 $0x1C30, s5  }
0x298: {  	v3 =	vld [tilespmem:s24+$0x200];
	_ =	sdelay $0x4  }
0x299: {  	v3 =	vmul.f32 $3.200000000e+01, v3;
	_ =	sdelay $0x1  }
0x29a: {  	[tilespmem:s24+$0x200] =	vst v3;
	s24 =	sor.u32 $0x1C40, s5  }
0x29b: {  	v3 =	vld [tilespmem:s24+$0x200];
	_ =	sdelay $0x4  }
0x29c: {  	v3 =	vmul.f32 $3.200000000e+01, v3;
	_ =	sdelay $0x1  }
0x29d: {  	[tilespmem:s24+$0x200] =	vst v3;
	s24 =	sor.u32 $0x1C50, s5  }
0x29e: {  	v3 =	vld [tilespmem:s24+$0x200];
	_ =	sdelay $0x4  }
0x29f: {  	v3 =	vmul.f32 $3.200000000e+01, v3;
	_ =	sdelay $0x1  }
0x2a0: {  	[tilespmem:s24+$0x200] =	vst v3;
	s24 =	sor.u32 $0x1C60, s5  }
0x2a1: {  	v3 =	vld [tilespmem:s24+$0x200];
	_ =	sdelay $0x4  }
0x2a2: {  	v3 =	vmul.f32 $3.200000000e+01, v3;
	_ =	sdelay $0x1  }
0x2a3: {  	s5 =	sor.u32 $0x1C70, s5;
	[tilespmem:s24+$0x200] =	vst v3  }
0x2a4: {  	v3 =	vld [tilespmem:s5+$0x200];
	_ =	sdelay $0x1  }
0x2a5: {  	p1 =	sne.s32 s22, $0xF80  }
.Ltmp3:
0x2a6: {  	_ = 	snop;
	(pc) =	sbr.rel @p1 .LBB2_9-.Ltmp3, $4  }
0x2a7: {  	_ = 	snop  }
0x2a8: {  	v3 =	vmul.f32 $3.200000000e+01, v3  }
0x2a9: {  	s0 =	sadd.s32 $0x1, s0  }
0x2aa: {  	s3 =	sadd.s32 $0x400, s3;
	s22 =	sadd.s32 $0x80, s22;
	s15 =	sadd.s32 $0x400, s15;
	[tilespmem:s5+$0x200] =	vst v3  }
0x2ab: {  	s0 =	sadd.s32 s31, s12  }
0x2ac: {  	s0 =	sshll.u32 s0, $0x7  }
.Ltmp4:
0x2ad: {  	s0 =	sadd.s32 s2, s0;
	(pc) =	sbr.rel @p0 .LBB2_12-.Ltmp4, $4  }
0x2ae: {  	[hbm4b:s0+s4] =	stream.linear.scatter [tilespmem:s16], [sflag:$0x4], $0x8000, $0x38;
	[tilespmem:$0x18200] =	vst v63  }
0x2af: {  	_ =	swait.ge [sflag:s29], $0x8000  }
0x2b0: {  	[sflag:s29] =	ssyncset.done $0x0  }
0x2b1: {  	[sflag:s29] =	ssyncadd.s32 $0xFFFF8000  }
0x2b2: {  	v3 =	vld [tilespmem:s31+$0x88];
	_ =	sdelay $0x4  }
0x2b3: {  	v4 =	vshll.u32 v3, $0x3  }
0x2b4: {  	v3 =	vand.u32 $0x7, v3;
	v4 =	vand.u32 $0xFFFFFFC0, v4  }
0x2b5: {  	v3 =	vor.u32 v3, v4  }
0x2b6: {  	v4 =	vperm.xlane v3, v0;
	_ =	sdelay $0x1  }
0x2b7: {  	v4 =	vadd.s32 v1, v4;
	_ =	sdelay $0x4  }
0x2b8: {  	[tilespmem:s26], [sflag:$0x3] =	stream.indirect_vreg.gather [hbm4b:s1+s4], $0x80, v4, vm0, $0xb8;
	[tilespmem:$0x18200] =	vst v63  }
0x2b9: {  	s0 =	simm.s32 $0x10A00;
	v3 =	vperm.xlane v3, v2  }
0x2ba: {  	[tilespmem:s0], [sflag:$0x3] =	stream.indirect_vreg.gather [hbm4b:s6+s4], $0x80, v4, vm0, $0xb8;
	[tilespmem:$0x18200] =	vst v63  }
0x2bb: {  	s3 =	simm.s32 $0x11200;
	v3 =	vadd.s32 v1, v3  }
0x2bc: {  	[tilespmem:s3], [sflag:$0x3] =	stream.indirect_vreg.gather [hbm4b:s7+s4], $0x80, v4, vm0, $0xb8;
	[tilespmem:$0x18200] =	vst v63  }
0x2bd: {  	s5 =	simm.s32 $0x11A00  }
0x2be: {  	[tilespmem:s5], [sflag:$0x3] =	stream.indirect_vreg.gather [hbm4b:s8+s4], $0x80, v4, vm0, $0xb8;
	[tilespmem:$0x18200] =	vst v63  }
0x2bf: {  	s15 =	simm.s32 $0x12200  }
0x2c0: {  	[tilespmem:s15], [sflag:$0x3] =	stream.indirect_vreg.gather [hbm4b:s1+s4], $0x80, v3, vm0, $0xb8;
	[tilespmem:$0x18200] =	vst v63  }
0x2c1: {  	s22 =	simm.s32 $0x12A00  }
0x2c2: {  	[tilespmem:s22], [sflag:$0x3] =	stream.indirect_vreg.gather [hbm4b:s6+s4], $0x80, v3, vm0, $0xb8;
	[tilespmem:$0x18200] =	vst v63  }
0x2c3: {  	s23 =	simm.s32 $0x13200  }
0x2c4: {  	[tilespmem:s23], [sflag:$0x3] =	stream.indirect_vreg.gather [hbm4b:s7+s4], $0x80, v3, vm0, $0xb8;
	[tilespmem:$0x18200] =	vst v63  }
0x2c5: {  	s24 =	simm.s32 $0x13A00  }
0x2c6: {  	[tilespmem:s24], [sflag:$0x3] =	stream.indirect_vreg.gather [hbm4b:s8+s4], $0x80, v3, vm0, $0xb8;
	[tilespmem:$0x18200] =	vst v63  }
0x2c7: {  	v3 =	vld [tilespmem:s31+$0x98];
	_ =	sdelay $0x4  }
0x2c8: {  	v63 =	vshll.u32 v3, $0x3  }
0x2c9: {  	v3 =	vand.u32 $0x7, v3;
	v4 =	vand.u32 $0xFFFFFFC0, v63  }
0x2ca: {  	v3 =	vor.u32 v3, v4  }
0x2cb: {  	v4 =	vperm.xlane v3, v0;
	_ =	sdelay $0x1  }
0x2cc: {  	v4 =	vadd.s32 v1, v4;
	_ =	sdelay $0x3  }
0x2cd: {  	s31 =	simm.s32 $0x14200  }
0x2ce: {  	[tilespmem:s31], [sflag:$0x3] =	stream.indirect_vreg.gather [hbm4b:s1+s4], $0x80, v4, vm0, $0xb8;
	[tilespmem:$0x18200] =	vst v63  }
0x2cf: {  	s3 =	simm.s32 $0x14A00;
	v3 =	vperm.xlane v3, v2  }
0x2d0: {  	[tilespmem:s3], [sflag:$0x3] =	stream.indirect_vreg.gather [hbm4b:s6+s4], $0x80, v4, vm0, $0xb8;
	[tilespmem:$0x18200] =	vst v63  }
0x2d1: {  	s5 =	simm.s32 $0x15200;
	v3 =	vadd.s32 v1, v3  }
0x2d2: {  	[tilespmem:s5], [sflag:$0x3] =	stream.indirect_vreg.gather [hbm4b:s7+s4], $0x80, v4, vm0, $0xb8;
	[tilespmem:$0x18200] =	vst v63  }
0x2d3: {  	s15 =	simm.s32 $0x15A00  }
0x2d4: {  	[tilespmem:s15], [sflag:$0x3] =	stream.indirect_vreg.gather [hbm4b:s8+s4], $0x80, v4, vm0, $0xb8;
	[tilespmem:$0x18200] =	vst v63  }
0x2d5: {  	s22 =	simm.s32 $0x16200  }
0x2d6: {  	[tilespmem:s22], [sflag:$0x3] =	stream.indirect_vreg.gather [hbm4b:s1+s4], $0x80, v3, vm0, $0xb8;
	[tilespmem:$0x18200] =	vst v63  }
0x2d7: {  	s23 =	simm.s32 $0x16A00  }
0x2d8: {  	[tilespmem:s23], [sflag:$0x3] =	stream.indirect_vreg.gather [hbm4b:s6+s4], $0x80, v3, vm0, $0xb8;
	[tilespmem:$0x18200] =	vst v63  }
.Ltmp5:
0x2d9: {  	_ = 	snop;
	(pc) =	sbr.rel .LBB2_4-.Ltmp5, $4  }
0x2da: {  	s24 =	simm.s32 $0x17200  }
0x2db: {  	[tilespmem:s24], [sflag:$0x3] =	stream.indirect_vreg.gather [hbm4b:s7+s4], $0x80, v3, vm0, $0xb8;
	[tilespmem:$0x18200] =	vst v63  }
0x2dc: {  	s30 =	sadd.s32 $0x1, s30;
	s31 =	simm.s32 $0x17A00  }
0x2dd: {  	[tilespmem:s31], [sflag:$0x3] =	stream.indirect_vreg.gather [hbm4b:s8+s4], $0x80, v3, vm0, $0xb8;
	[tilespmem:$0x18200] =	vst v63  }
.LBB2_12:
0x2de: {  	_ =	swait.ge [sflag:s28], $0x6000  }
0x2df: {  	s0 =	simm.s32 $0x0;
	s3 =	simm.s32 $0xFFFFA000;
	[sflag:s28] =	ssyncset.done $0x0  }
0x2e0: {  	s15 =	simm.s32 $0x0;
	s22 =	simm.s32 $0x0;
	[sflag:s28] =	ssyncadd.s32 $0xFFFFA000  }
.LBB2_13:
0x2e1: {  	s5 =	sadd.s32 $0x6000, s3  }
0x2e2: {  	s23 =	sand.u32 $0x380, s22;
	s5 =	sand.u32 $0x6000, s5  }
0x2e3: {  	s23 =	sor.u32 s23, s5  }
0x2e4: {  	v3 =	vld [tilespmem:s23+$0x8200]  }
0x2e5: {  	v4 =	vld [tilespmem:s23+$0x8210]  }
0x2e6: {  	v6 =	vld [tilespmem:s23+$0x8230]  }
0x2e7: {  	v8 =	vld [tilespmem:s23+$0x8260]  }
0x2e8: {  	v5 =	vld [tilespmem:s23+$0x8220]  }
0x2e9: {  	v43 =	vld [tilespmem:s23+$0x8600];
	v3 =	vmul.f32 $3.200000000e+01, v3  }
0x2ea: {  	v7 =	vld [tilespmem:s23+$0x8250];
	v4 =	vmul.f32 $3.200000000e+01, v4  }
0x2eb: {  	v46 =	vld [tilespmem:s23+$0x8620];
	v44 =	vmul.f32 $3.200000000e+01, v6;
	[tilespmem:s23+$0x8200] =	vst v3  }
0x2ec: {  	v9 =	vld [tilespmem:s23+$0x8270];
	v47 =	vmul.f32 $3.200000000e+01, v8;
	[tilespmem:s23+$0x8210] =	vst v4  }
0x2ed: {  	v49 =	vld [tilespmem:s23+$0x8650];
	v3 =	vmul.f32 $3.200000000e+01, v5;
	[tilespmem:s23+$0x8230] =	vst v44  }
0x2ee: {  	v45 =	vld [tilespmem:s23+$0x8610];
	v50 =	vmul.f32 $3.200000000e+01, v43;
	[tilespmem:s23+$0x8260] =	vst v47  }
0x2ef: {  	v52 =	vld [tilespmem:s23+$0x8670];
	[tilespmem:s23+$0x8220] =	vst v3;
	v3 =	vmul.f32 $3.200000000e+01, v7  }
0x2f0: {  	v48 =	vld [tilespmem:s23+$0x8630];
	v53 =	vmul.f32 $3.200000000e+01, v46;
	[tilespmem:s23+$0x8600] =	vst v50  }
0x2f1: {  	v55 =	vld [tilespmem:s23+$0x8A10];
	[tilespmem:s23+$0x8250] =	vst v3;
	v3 =	vmul.f32 $3.200000000e+01, v9  }
0x2f2: {  	v51 =	vld [tilespmem:s23+$0x8660];
	v56 =	vmul.f32 $3.200000000e+01, v49;
	[tilespmem:s23+$0x8620] =	vst v53  }
0x2f3: {  	v58 =	vld [tilespmem:s23+$0x8A30];
	[tilespmem:s23+$0x8270] =	vst v3;
	v3 =	vmul.f32 $3.200000000e+01, v45  }
0x2f4: {  	v54 =	vld [tilespmem:s23+$0x8A00];
	v59 =	vmul.f32 $3.200000000e+01, v52;
	[tilespmem:s23+$0x8650] =	vst v56  }
0x2f5: {  	v61 =	vld [tilespmem:s23+$0x8A60];
	[tilespmem:s23+$0x8610] =	vst v3;
	v3 =	vmul.f32 $3.200000000e+01, v48  }
0x2f6: {  	v57 =	vld [tilespmem:s23+$0x8A20];
	v62 =	vmul.f32 $3.200000000e+01, v55;
	[tilespmem:s23+$0x8670] =	vst v59  }
0x2f7: {  	v12 =	vld [tilespmem:s23+$0x8E00];
	[tilespmem:s23+$0x8630] =	vst v3;
	v3 =	vmul.f32 $3.200000000e+01, v51  }
0x2f8: {  	v60 =	vld [tilespmem:s23+$0x8A50];
	v13 =	vmul.f32 $3.200000000e+01, v58;
	[tilespmem:s23+$0x8A10] =	vst v62  }
0x2f9: {  	v15 =	vld [tilespmem:s23+$0x8E20];
	[tilespmem:s23+$0x8660] =	vst v3;
	v3 =	vmul.f32 $3.200000000e+01, v54  }
0x2fa: {  	v63 =	vld [tilespmem:s23+$0x8A70];
	v16 =	vmul.f32 $3.200000000e+01, v61;
	[tilespmem:s23+$0x8A30] =	vst v13  }
0x2fb: {  	v18 =	vld [tilespmem:s23+$0x8E50];
	[tilespmem:s23+$0x8A00] =	vst v3;
	v3 =	vmul.f32 $3.200000000e+01, v57  }
0x2fc: {  	v14 =	vld [tilespmem:s23+$0x8E10];
	v19 =	vmul.f32 $3.200000000e+01, v12;
	[tilespmem:s23+$0x8A60] =	vst v16  }
0x2fd: {  	v21 =	vld [tilespmem:s23+$0x8E70];
	[tilespmem:s23+$0x8A20] =	vst v3;
	v3 =	vmul.f32 $3.200000000e+01, v60  }
0x2fe: {  	v17 =	vld [tilespmem:s23+$0x8E30];
	v22 =	vmul.f32 $3.200000000e+01, v15;
	[tilespmem:s23+$0x8E00] =	vst v19  }
0x2ff: {  	v24 =	vld [tilespmem:s23+$0x9210];
	[tilespmem:s23+$0x8A50] =	vst v3;
	v3 =	vmul.f32 $3.200000000e+01, v63  }
0x300: {  	v20 =	vld [tilespmem:s23+$0x8E60];
	v25 =	vmul.f32 $3.200000000e+01, v18;
	[tilespmem:s23+$0x8E20] =	vst v22  }
0x301: {  	v27 =	vld [tilespmem:s23+$0x9230];
	[tilespmem:s23+$0x8A70] =	vst v3;
	v3 =	vmul.f32 $3.200000000e+01, v14  }
0x302: {  	v23 =	vld [tilespmem:s23+$0x9200];
	v28 =	vmul.f32 $3.200000000e+01, v21;
	[tilespmem:s23+$0x8E50] =	vst v25  }
0x303: {  	v30 =	vld [tilespmem:s23+$0x9260];
	[tilespmem:s23+$0x8E10] =	vst v3;
	v3 =	vmul.f32 $3.200000000e+01, v17  }
0x304: {  	v26 =	vld [tilespmem:s23+$0x9220];
	v31 =	vmul.f32 $3.200000000e+01, v24;
	[tilespmem:s23+$0x8E70] =	vst v28  }
0x305: {  	v33 =	vld [tilespmem:s23+$0x9600];
	[tilespmem:s23+$0x8E30] =	vst v3;
	v3 =	vmul.f32 $3.200000000e+01, v20  }
0x306: {  	v29 =	vld [tilespmem:s23+$0x9250];
	v34 =	vmul.f32 $3.200000000e+01, v27;
	[tilespmem:s23+$0x9210] =	vst v31  }
0x307: {  	v36 =	vld [tilespmem:s23+$0x9620];
	[tilespmem:s23+$0x8E60] =	vst v3;
	v3 =	vmul.f32 $3.200000000e+01, v23  }
0x308: {  	v32 =	vld [tilespmem:s23+$0x9270];
	v37 =	vmul.f32 $3.200000000e+01, v30;
	[tilespmem:s23+$0x9230] =	vst v34  }
0x309: {  	v39 =	vld [tilespmem:s23+$0x9650];
	[tilespmem:s23+$0x9200] =	vst v3;
	v3 =	vmul.f32 $3.200000000e+01, v26  }
0x30a: {  	v35 =	vld [tilespmem:s23+$0x9610];
	v40 =	vmul.f32 $3.200000000e+01, v33;
	[tilespmem:s23+$0x9260] =	vst v37  }
0x30b: {  	v42 =	vld [tilespmem:s23+$0x9670];
	[tilespmem:s23+$0x9220] =	vst v3;
	v3 =	vmul.f32 $3.200000000e+01, v29  }
0x30c: {  	v38 =	vld [tilespmem:s23+$0x9630];
	v43 =	vmul.f32 $3.200000000e+01, v36;
	[tilespmem:s23+$0x9600] =	vst v40  }
0x30d: {  	v47 =	vld [tilespmem:s23+$0x9A20];
	[tilespmem:s23+$0x9250] =	vst v3;
	v3 =	vmul.f32 $3.200000000e+01, v32  }
0x30e: {  	v41 =	vld [tilespmem:s23+$0x9660];
	v46 =	vmul.f32 $3.200000000e+01, v39;
	[tilespmem:s23+$0x9620] =	vst v43  }
0x30f: {  	v50 =	vld [tilespmem:s23+$0x9A50];
	[tilespmem:s23+$0x9270] =	vst v3;
	v3 =	vmul.f32 $3.200000000e+01, v35  }
0x310: {  	v49 =	vmul.f32 $3.200000000e+01, v42;
	v44 =	vld [tilespmem:s23+$0x9A00];
	[tilespmem:s23+$0x9650] =	vst v46  }
0x311: {  	v53 =	vld [tilespmem:s23+$0x9A70];
	[tilespmem:s23+$0x9610] =	vst v3;
	v3 =	vmul.f32 $3.200000000e+01, v38  }
0x312: {  	[tilespmem:s23+$0x9670] =	vst v49;
	v7 =	vmul.f32 $3.200000000e+01, v47;
	v45 =	vld [tilespmem:s23+$0x9A10]  }
0x313: {  	v48 =	vld [tilespmem:s23+$0x9A30];
	[tilespmem:s23+$0x9630] =	vst v3;
	v3 =	vmul.f32 $3.200000000e+01, v41  }
0x314: {  	v9 =	vmul.f32 $3.200000000e+01, v50;
	[tilespmem:s23+$0x9A20] =	vst v7;
	v51 =	vld [tilespmem:s23+$0x9A60]  }
0x315: {  	[tilespmem:s23+$0x9660] =	vst v3;
	v3 =	vmul.f32 $3.200000000e+01, v44  }
0x316: {  	v58 =	vld [tilespmem:s23+$0x9640];
	v6 =	vmul.f32 $3.200000000e+01, v53;
	[tilespmem:s23+$0x9A50] =	vst v9  }
0x317: {  	v52 =	vmul.f32 $3.200000000e+01, v45;
	[tilespmem:s23+$0x9A00] =	vst v3;
	v3 =	vld [tilespmem:s23+$0x8240]  }
0x318: {  	s31 =	sand.u32 $0x7, s0;
	v56 =	vld [tilespmem:s23+$0x8E40];
	[tilespmem:s23+$0x9A70] =	vst v6;
	v8 =	vmul.f32 $3.200000000e+01, v48  }
0x319: {  	s5 =	sshll.u32 s31, $0x7;
	v55 =	vld [tilespmem:s23+$0x8A40];
	[tilespmem:s23+$0x9A10] =	vst v52;
	v5 =	vmul.f32 $3.200000000e+01, v51  }
0x31a: {  	s5 =	sadd.s32 s5, s15;
	v54 =	vld [tilespmem:s23+$0x8640];
	[tilespmem:s23+$0x9A30] =	vst v8  }
0x31b: {  	s24 =	sor.u32 $0x1C00, s5;
	v62 =	vmul.f32 $3.200000000e+01, v58;
	v57 =	vld [tilespmem:s23+$0x9240];
	[tilespmem:s23+$0x9A60] =	vst v5  }
0x31c: {  	v60 =	vld [tilespmem:s24+$0x8200];
	v3 =	vmul.f32 $3.200000000e+01, v3  }
0x31d: {  	v59 =	vld [tilespmem:s23+$0x9A40];
	v61 =	vmul.f32 $3.200000000e+01, v56;
	[tilespmem:s23+$0x9640] =	vst v62  }
0x31e: {  	[tilespmem:s23+$0x8240] =	vst v3;
	v3 =	vmul.f32 $3.200000000e+01, v55  }
0x31f: {  	[tilespmem:s23+$0x8E40] =	vst v61;
	v4 =	vmul.f32 $3.200000000e+01, v54  }
0x320: {  	[tilespmem:s23+$0x8A40] =	vst v3;
	v3 =	vmul.f32 $3.200000000e+01, v57  }
0x321: {  	[tilespmem:s23+$0x8640] =	vst v4;
	v63 =	vmul.f32 $3.200000000e+01, v60  }
0x322: {  	[tilespmem:s23+$0x9240] =	vst v3;
	v3 =	vmul.f32 $3.200000000e+01, v59  }
0x323: {  	[tilespmem:s24+$0x8200] =	vst v63  }
0x324: {  	s24 =	sor.u32 $0x1C10, s5;
	[tilespmem:s23+$0x9A40] =	vst v3  }
0x325: {  	v3 =	vld [tilespmem:s24+$0x8200];
	_ =	sdelay $0x4  }
0x326: {  	v3 =	vmul.f32 $3.200000000e+01, v3;
	_ =	sdelay $0x1  }
0x327: {  	s30 =	sor.u32 $0x1C20, s5;
	[tilespmem:s24+$0x8200] =	vst v3  }
0x328: {  	v3 =	vld [tilespmem:s30+$0x8200];
	_ =	sdelay $0x4  }
0x329: {  	v3 =	vmul.f32 $3.200000000e+01, v3;
	_ =	sdelay $0x1  }
0x32a: {  	s31 =	sor.u32 $0x1C30, s5;
	[tilespmem:s30+$0x8200] =	vst v3  }
0x32b: {  	v3 =	vld [tilespmem:s31+$0x8200];
	_ =	sdelay $0x4  }
0x32c: {  	v3 =	vmul.f32 $3.200000000e+01, v3;
	_ =	sdelay $0x1  }
0x32d: {  	s24 =	sor.u32 $0x1C40, s5;
	[tilespmem:s31+$0x8200] =	vst v3  }
0x32e: {  	v3 =	vld [tilespmem:s24+$0x8200];
	_ =	sdelay $0x4  }
0x32f: {  	v3 =	vmul.f32 $3.200000000e+01, v3;
	_ =	sdelay $0x1  }
0x330: {  	s30 =	sor.u32 $0x1C50, s5;
	[tilespmem:s24+$0x8200] =	vst v3  }
0x331: {  	v3 =	vld [tilespmem:s30+$0x8200];
	_ =	sdelay $0x4  }
0x332: {  	v3 =	vmul.f32 $3.200000000e+01, v3;
	_ =	sdelay $0x1  }
0x333: {  	s31 =	sor.u32 $0x1C60, s5;
	[tilespmem:s30+$0x8200] =	vst v3  }
0x334: {  	v3 =	vld [tilespmem:s31+$0x8200];
	_ =	sdelay $0x4  }
0x335: {  	v3 =	vmul.f32 $3.200000000e+01, v3;
	_ =	sdelay $0x1  }
0x336: {  	s5 =	sor.u32 $0x1C70, s5;
	[tilespmem:s31+$0x8200] =	vst v3  }
0x337: {  	v3 =	vld [tilespmem:s5+$0x8200];
	_ =	sdelay $0x1  }
0x338: {  	p0 =	sne.s32 s22, $0xB80  }
.Ltmp6:
0x339: {  	_ = 	snop;
	(pc) =	sbr.rel @p0 .LBB2_13-.Ltmp6, $4  }
0x33a: {  	_ = 	snop  }
0x33b: {  	v3 =	vmul.f32 $3.200000000e+01, v3  }
0x33c: {  	s0 =	sadd.s32 $0x1, s0  }
0x33d: {  	s3 =	sadd.s32 $0x400, s3;
	s22 =	sadd.s32 $0x80, s22;
	s15 =	sadd.s32 $0x400, s15;
	[tilespmem:s5+$0x8200] =	vst v3  }
0x33e: {  	s0 =	rddreg [dreg:$0x6];
	s30 =	simm.s32 $0x4  }
0x33f: {  	[hbm4b:s0+s4] =	stream.linear.scatter [tilespmem:s21], [sflag:$0x5], $0x6000, $0x38;
	[tilespmem:$0x18200] =	vst v63  }
0x340: {  	_ =	swait.ge [sflag:s30], $0x8000  }
0x341: {  	[sflag:s30] =	ssyncset.done $0x0  }
0x342: {  	[sflag:s30] =	ssyncadd.s32 $0xFFFF8000  }
0x343: {  	_ =	swait.ge [sflag:s17], $0x6000  }
0x344: {  	s3 =	rddreg [dreg:$0x8]  }
0x345: {  	s31 =	rddreg [dreg:$0x7];
	s3 =	sadd.s32 $0x1, s3  }
0x346: {  	p0 =	sne.s32 s3, s31  }
.Ltmp7:
0x347: {  	_ = 	snop;
	(pc) =	sbr.rel @p0 .LBB2_1-.Ltmp7, $3  }
0x348: {  	_ =	sdelay $0x1  }
0x349: {  	[sflag:s17] =	ssyncset.done $0x0  }
0x34a: {  	[sflag:s17] =	ssyncadd.s32 $0xFFFFA000  }
0x34b: {  	_ =	sfence.sel $0x180000  }
0x34c: {  	[bflag:$0x0] =	sbarrier.arrive $0xFFFF  }
0x34d: {  	_ =	strace $0x90000047  }
0x34e: {  	s0 =	stileid.u32;
	[bflag:$0x2] =	sbarrier.arrive $0xFFFF  }
0x34f: {  	p0 =	sne.s32 s0, $0x0;
	s0 =	rddreg [dreg:$0x3]  }
0x350: {  	s0 =	sadd.s32 @!p0 $0x100000, s0  }
0x351: {  	[sflag:s0] =	ssyncadd.tile.s32 @!p0 $0x1;
	_ =	shalt  }
.Lfunc_end2:
_tile_overlayer_lowered:
.L_overlay_start_2:
0x352: {  	(tag) =	ssettag $0x2  }
0x353: {  	s0 =	rddreg [dreg:$0x0];
	s2 =	stileid.u32  }
0x354: {  	s1 =	rddreg [dreg:$0x1];
	p0 =	sne.s32 s2, $0x0  }
0x355: {  	s3 =	rddreg [dreg:$0x2];
	[bflag:$0x3] =	sbarrier.arrive $0xFFFF;
	s2 =	simm.s32 @!p0 $0x1C07  }
0x356: {  	[timem:s3], [sflag:s2] =	dma.local @!p0 [hbm:s0], s1  }
0x357: {  	s0 =	simm.s32 @!p0 $0x7  }
0x358: {  	_ =	swait.ge @!p0 [sflag:s0], s1  }
0x359: {  	s1 =	ssub.s32 @!p0 $0x0, s1;
	[sflag:s0] =	ssyncset.done @!p0 $0x0  }
0x35a: {  	[sflag:s0] =	ssyncadd.s32 @!p0 s1  }
0x35b: {  	[bflag:$0x3] =	sbarrier.arrive $0xFFFF  }
0x35c: {  	_ =	shalt  }

</sc_bundles>
